<compile_context>
chip_gen: v7x
topology: tpu7x:2x2x1
jax: 0.10.2.dev20260603
libtpu: 0.0.44.dev20260713+nightly
codegen_flags: <defaults>
</compile_context>

<pallas_src>
import functools

import jax
import jax.numpy as jnp
from jax import lax
from jax.experimental import pallas as pl
from jax.experimental.pallas import tpu as pltpu
from jax.experimental.pallas import tpu_sc as plsc

N = 400
BSZ = 8
UT = N * (N - 1) // 2
CONV = 128
DNN = 64
XROWS = 624
UNPACK_CHUNKS = (
    ((0, 56), (56, 48)),
    ((104, 56), (160, 48)),
    ((208, 48), (256, 48)),
    ((304, 48), (352, 48)),
)
UNPACK_BUF_ROWS = 56
PACK_W = 20480
PACK_ROWS = ((0, 56), (48, 128), (120, 208), (200, 400))
PACK_MAX_ROWS = 200


def _iota16():
    return lax.broadcasted_iota(jnp.int32, (16,), 0)


@functools.cache
def _sc_mesh():
    return plsc.VectorSubcoreMesh(
        core_axis_name="c", subcore_axis_name="s", num_cores=2, num_subcores=16
    )


@functools.cache
def _sc_unpack_call():
    @functools.partial(
        pl.kernel,
        out_type=jax.ShapeDtypeStruct((BSZ, N, N), jnp.float32),
        mesh=_sc_mesh(),
        scratch_types=[
            pltpu.VMEM((XROWS * 128,), jnp.float32),
            pltpu.VMEM((UNPACK_BUF_ROWS, N), jnp.float32),
        ],
        compiler_params=pltpu.CompilerParams(needs_layout_passes=False),
    )
    def _sc_unpack(x_hbm, a_hbm, xbuf, obuf):
        wid = lax.axis_index("s") * 2 + lax.axis_index("c")
        b = wid // 4
        q = wid % 4
        pltpu.sync_copy(x_hbm.at[pl.ds(b * (XROWS * 128), XROWS * 128)], xbuf)
        iot = _iota16()

        def variant(qq):
            def _go():
                for r0, cnt in UNPACK_CHUNKS[qq]:
                    def row_body(r, _, r0=r0):
                        i = r0 + r

                        def col_body(c, _):
                            j = c * 16 + iot
                            iv = jnp.broadcast_to(i, (16,))
                            lo = jnp.minimum(iv, j)
                            hi = jnp.maximum(iv, j)
                            idx = (399 * lo - jnp.right_shift(lo * (lo - 1), 1)
                                   + hi - lo - 1)
                            idx = jnp.where(iv == j, UT, idx)
                            vals = plsc.load_gather(xbuf, [idx])
                            obuf[r, pl.ds(c * 16, 16)] = vals
                            return 0

                        lax.fori_loop(0, 25, col_body, 0)
                        return 0

                    lax.fori_loop(0, cnt, row_body, 0)
                    pltpu.sync_copy(
                        obuf.at[pl.ds(0, cnt)], a_hbm.at[b, pl.ds(r0, cnt)]
                    )

            return _go

        for qq in range(4):
            pl.when(q == qq)(variant(qq))

    return _sc_unpack


def _tc_body(a_ref, w1t_ref, w2t_ref, wma_ref, wmb_ref, wm2_ref,
             b1_ref, b2_ref, bm1_ref, scal_ref, y_ref):
    a1 = scal_ref[0, 0]
    a2 = scal_ref[0, 1]
    am = scal_ref[0, 2]
    bm2 = scal_ref[0, 3]

    A = a_ref[0]
    deg = jnp.sum(A, axis=1, keepdims=True)
    degr = jnp.sum(A, axis=0, keepdims=True)
    dc = jnp.where(deg > 0, lax.rsqrt(deg), 0.0)
    dr = jnp.where(degr > 0, lax.rsqrt(degr), 0.0)
    An = A * dc * dr

    t1 = jnp.dot(An, w1t_ref[...], preferred_element_type=jnp.float32) + b1_ref[...]
    h1 = jnp.where(t1 >= 0, t1, a1 * t1)
    t2a = jnp.dot(h1, w2t_ref[...], preferred_element_type=jnp.float32)
    t2 = jnp.dot(An, t2a, preferred_element_type=jnp.float32) + b2_ref[...]
    h2 = jnp.where(t2 >= 0, t2, a2 * t2)

    P = jnp.dot(h2, wma_ref[...], preferred_element_type=jnp.float32) + bm1_ref[...]
    Q = jnp.dot(h2, wmb_ref[...], preferred_element_type=jnp.float32)
    QT = Q.T

    c1 = (1.0 + am) * 0.5
    c2 = (1.0 - am) * 0.5
    wm2row = wm2_ref[...]
    Pw = lax.dot_general(P, wm2row, (((1,), (1,)), ((), ())),
                         preferred_element_type=jnp.float32)
    QwT = lax.dot_general(wm2row, QT, (((1,), (0,)), ((), ())),
                          preferred_element_type=jnp.float32)
    base = bm2 + c1 * (Pw + QwT)

    col_w = (128, 128, 128, N - 384)
    row_r = (128, 256, 384, N)
    accs = [jnp.zeros((row_r[jb], col_w[jb]), jnp.float32) for jb in range(4)]
    for k in range(DNN):
        wk = wm2_ref[0, k]
        pcol = P[:, k:k + 1]
        qrow = QT[k:k + 1, :]
        for jb in range(4):
            t = pcol[:row_r[jb]] + qrow[:, jb * 128:jb * 128 + col_w[jb]]
            accs[jb] = accs[jb] + wk * jnp.abs(t)
    for jb in range(4):
        sl = (slice(0, row_r[jb]), slice(jb * 128, jb * 128 + col_w[jb]))
        y_ref[0, sl[0], sl[1]] = base[sl[0], sl[1]] + c2 * accs[jb]


def _tc_dense(A, w1t, w2t, wma, wmb, wm2, b1r, b2r, bm1r, scal):
    full = lambda shape: pl.BlockSpec(shape, lambda b: (0,) * len(shape))
    return pl.pallas_call(
        _tc_body,
        grid=(BSZ,),
        in_specs=[
            pl.BlockSpec((1, N, N), lambda b: (b, 0, 0)),
            full((N, CONV)), full((CONV, CONV)), full((CONV, DNN)),
            full((CONV, DNN)), full((1, DNN)), full((1, CONV)),
            full((1, CONV)), full((1, DNN)), full((1, 4)),
        ],
        out_specs=pl.BlockSpec((1, N, N), lambda b: (b, 0, 0)),
        out_shape=jax.ShapeDtypeStruct((BSZ, N, N), jnp.float32),
    )(A, w1t, w2t, wma, wmb, wm2, b1r, b2r, bm1r, scal)


@functools.cache
def _sc_pack_call():
    @functools.partial(
        pl.kernel,
        out_type=jax.ShapeDtypeStruct((BSZ * 4 * PACK_W,), jnp.float32),
        mesh=_sc_mesh(),
        scratch_types=[
            pltpu.VMEM((PACK_MAX_ROWS, N), jnp.float32),
            pltpu.VMEM((PACK_W,), jnp.float32),
        ],
        compiler_params=pltpu.CompilerParams(needs_layout_passes=False),
    )
    def _sc_pack(yf_hbm, out_hbm, ybuf, obuf):
        wid = lax.axis_index("s") * 2 + lax.axis_index("c")
        b = wid // 4
        q = wid % 4
        iot = _iota16()

        def variant(qq):
            rlo, rhi = PACK_ROWS[qq]
            nr = rhi - rlo
            w0 = qq * PACK_W

            def _go():
                pltpu.sync_copy(yf_hbm.at[b, pl.ds(rlo, nr)], ybuf.at[pl.ds(0, nr)])

                def row_body(r, _):
                    i = rlo + r
                    base = 399 * i - jnp.right_shift(i * (i - 1), 1) - i - 1 - w0
                    v0 = jnp.right_shift(i + 1, 4)

                    def col_body(c, _):
                        j = c * 16 + iot
                        e = base + j
                        m = (j > jnp.broadcast_to(i, (16,))) & (e >= 0) & (e < PACK_W)
                        ec = jnp.clip(e, 0, PACK_W - 1)
                        vals = ybuf[r, pl.ds(c * 16, 16)]
                        plsc.store_scatter(obuf, [ec], vals, mask=m)
                        return 0

                    lax.fori_loop(v0, 25, col_body, 0)
                    return 0

                lax.fori_loop(0, nr, row_body, 0)
                pltpu.sync_copy(obuf, out_hbm.at[pl.ds(b * (4 * PACK_W) + w0, PACK_W)])

            return _go

        for qq in range(4):
            pl.when(q == qq)(variant(qq))

    return _sc_pack


def kernel(x, W1, b1, a1, W2, b2, a2, Wm1, bm1, am, Wm2, bm2, label_edge, mp_edge):
    del label_edge, mp_edge
    xaug = jnp.concatenate(
        [x, jnp.ones((BSZ, 1), jnp.float32),
         jnp.zeros((BSZ, XROWS * 128 - UT - 1), jnp.float32)],
        axis=1,
    ).reshape(BSZ * XROWS * 128)
    A = _sc_unpack_call()(xaug)
    scal = jnp.stack([a1, a2, am, bm2[0]]).reshape(1, 4)
    yfull = _tc_dense(
        A, W1.T, W2.T, Wm1[:, :CONV].T, Wm1[:, CONV:].T, Wm2,
        b1.reshape(1, CONV), b2.reshape(1, CONV), bm1.reshape(1, DNN), scal,
    )
    ypad = _sc_pack_call()(yfull)
    return ypad.reshape(BSZ, 4 * PACK_W)[:, :UT]

# --- scband reference (transcript-rebuilt; emitter-appended) ---
"""Pipeline reference for scband-chen2024-gcn-24696061952381 (READ-ONLY COPY).

The authoritative reference and input builder live on the scoring server;
editing this copy changes nothing except your own understanding.
"""

import jax, jax.numpy as jnp
import numpy as np

NUM_NODES = 400
BSZ = 8
UT = NUM_NODES * (NUM_NODES - 1) // 2
CONV_DIM = 128
DNN_DIM = 64


def _prelu(x, a):
    return jnp.where(x >= 0, x, a * x)


def _gcn_conv(x, edge_index, edge_weight, W, b, num_nodes):
    # PyG-style GCNConv with add_self_loops=True, normalize=True, edge weights
    row = edge_index[0]
    col = edge_index[1]
    loop = jnp.arange(num_nodes, dtype=edge_index.dtype)
    row = jnp.concatenate([row, loop])
    col = jnp.concatenate([col, loop])
    ew = jnp.concatenate([edge_weight, jnp.ones((num_nodes,), dtype=edge_weight.dtype)])
    deg = jnp.zeros((num_nodes,), dtype=ew.dtype).at[col].add(ew)
    dinv = jnp.where(deg > 0, jax.lax.rsqrt(deg), jnp.zeros_like(deg))
    norm = dinv[row] * ew * dinv[col]
    xw = x @ W.T
    msg = norm[:, None] * jnp.take(xw, row, axis=0)
    out = jnp.zeros((num_nodes, xw.shape[1]), dtype=xw.dtype).at[col].add(msg)
    return out + b


def setup_inputs(seed: int = 0):
    key = jax.random.key(seed)
    ks = jax.random.split(key, 8)
    x = jax.random.uniform(ks[0], (BSZ, UT), dtype=jnp.float32)
    iu0, iu1 = np.triu_indices(NUM_NODES, k=1)
    label_edge = jnp.asarray(np.stack([iu0, iu1]).astype(np.int32))
    mp_edge = jnp.concatenate([label_edge, label_edge[::-1]], axis=1)
    W1 = jax.random.normal(ks[1], (CONV_DIM, NUM_NODES), dtype=jnp.float32) * 0.05
    b1 = jnp.zeros((CONV_DIM,), jnp.float32)
    a1 = jnp.float32(0.25)
    W2 = jax.random.normal(ks[2], (CONV_DIM, CONV_DIM), dtype=jnp.float32) * 0.05
    b2 = jnp.zeros((CONV_DIM,), jnp.float32)
    a2 = jnp.float32(0.25)
    Wm1 = jax.random.normal(ks[3], (DNN_DIM, 2 * CONV_DIM), dtype=jnp.float32) * 0.05
    bm1 = jnp.zeros((DNN_DIM,), jnp.float32)
    am = jnp.float32(0.25)
    Wm2 = jax.random.normal(ks[4], (1, DNN_DIM), dtype=jnp.float32) * 0.05
    bm2 = jnp.zeros((1,), jnp.float32)
    return {"x": x, "W1": W1, "b1": b1, "a1": a1, "W2": W2, "b2": b2, "a2": a2,
            "Wm1": Wm1, "bm1": bm1, "am": am, "Wm2": Wm2, "bm2": bm2,
            "label_edge": label_edge, "mp_edge": mp_edge}


def reference(x, W1, b1, a1, W2, b2, a2, Wm1, bm1, am, Wm2, bm2, label_edge, mp_edge):
    bsz = x.shape[0]
    n = NUM_NODES
    N = bsz * n
    # identity node features, expanded per sample
    h = jnp.tile(jnp.eye(n, dtype=jnp.float32), (bsz, 1, 1)).reshape(N, n)
    offsets = (jnp.arange(bsz, dtype=jnp.int32) * n).reshape(bsz, 1, 1)
    mp_ei = (mp_edge[None, :, :] + offsets).transpose(1, 0, 2).reshape(2, -1)
    mp_ew = jnp.concatenate([x, x], axis=1).reshape(-1)
    h = _prelu(_gcn_conv(h, mp_ei, mp_ew, W1, b1, N), a1)
    h = _prelu(_gcn_conv(h, mp_ei, mp_ew, W2, b2, N), a2)
    lbl = (label_edge[None, :, :] + offsets).transpose(1, 0, 2).reshape(2, -1)
    h_i = jnp.take(h, lbl[0], axis=0)
    h_j = jnp.take(h, lbl[1], axis=0)
    edge_feat = jnp.concatenate([h_i, h_j], axis=-1)
    z = _prelu(edge_feat @ Wm1.T + bm1, am)
    y_hat = (z @ Wm2.T + bm2).squeeze(-1).reshape(bsz, UT)
    return y_hat

if __name__ == "__main__":
    import jax
    _d = setup_inputs()
    print(jax.jit(kernel)(*tuple(_d.values())))

</pallas_src>

<mosaic_0001>
#map = affine_map<(d0, d1) -> (0, 0, 0)>
#map1 = affine_map<(d0, d1) -> (0)>
module attributes {stable_mosaic.version = 14 : i64} {
  func.func @_sc_pack(%arg0: i32, %arg1: i32, %arg2: memref<8x400x400xf32, #tpu.memory_space<hbm>>, %arg3: memref<655360xf32, #tpu.memory_space<hbm>>, %arg4: memref<200x400xf32, #tpu.memory_space<vmem>>, %arg5: memref<20480xf32, #tpu.memory_space<vmem>>) attributes {dimension_semantics = [#tpu.dimension_semantics<core_parallel>, #tpu.dimension_semantics<subcore_parallel>], iteration_bounds = array<i64: 2, 16>, scalar_prefetch = 0 : i64, scratch_operands = 2 : i64, tpu.core_type = #tpu.core_type<sc_vector_subcore>, window_params = [{transform_indices = #map}, {transform_indices = #map1}]} {
    %mul3A = arith.constant 2 : i32
    %mul3A_0 = arith.muli %arg1, %mul3A : i32
    %add3A = arith.addi %mul3A_0, %arg0 : i32
    %jit3A = arith.constant 4 : i32
    %div3A = arith.divsi %add3A, %jit3A : i32
    %sign3A = arith.constant 0 : i32
    %sign3A_1 = arith.cmpi sgt, %add3A, %sign3A : i32
    %sign3A_2 = arith.extui %sign3A_1 : i1 to i32
    %sign3A_3 = arith.constant 0 : i32
    %sign3A_4 = arith.cmpi slt, %add3A, %sign3A_3 : i32
    %sign3A_5 = arith.extui %sign3A_4 : i1 to i32
    %sign3A_6 = arith.subi %sign3A_2, %sign3A_5 : i32
    %sign3A_7 = arith.constant 0 : i32
    %sign3A_8 = arith.cmpi sgt, %jit3A, %sign3A_7 : i32
    %sign3A_9 = arith.extui %sign3A_8 : i1 to i32
    %sign3A_10 = arith.constant 0 : i32
    %sign3A_11 = arith.cmpi slt, %jit3A, %sign3A_10 : i32
    %sign3A_12 = arith.extui %sign3A_11 : i1 to i32
    %sign3A_13 = arith.subi %sign3A_9, %sign3A_12 : i32
    %ne3A = arith.cmpi ne, %sign3A_6, %sign3A_13 : i32
    %rem3A = arith.remsi %add3A, %jit3A : i32
    %ne3A_14 = arith.constant 0 : i32
    %ne3A_15 = arith.cmpi ne, %rem3A, %ne3A_14 : i32
    %and3A = arith.andi %ne3A, %ne3A_15 : i1
    %sub3A = arith.constant 1 : i32
    %sub3A_16 = arith.subi %div3A, %sub3A : i32
    %select_n3A = arith.select %and3A, %sub3A_16, %div3A : i32
    %jit3A_17 = arith.constant 4 : i32
    %eq3A = arith.constant 0 : i32
    %eq3A_18 = arith.cmpi eq, %jit3A_17, %eq3A : i32
    %jit3A_19 = arith.constant 1 : i32
    %select_n3A_20 = arith.select %eq3A_18, %jit3A_19, %jit3A_17 : i32
    %rem3A_21 = arith.remsi %add3A, %select_n3A_20 : i32
    %ne3A_22 = arith.constant 0 : i32
    %ne3A_23 = arith.cmpi ne, %rem3A_21, %ne3A_22 : i32
    %lt3A = arith.constant 0 : i32
    %lt3A_24 = arith.cmpi slt, %rem3A_21, %lt3A : i32
    %lt3A_25 = arith.constant 0 : i32
    %lt3A_26 = arith.cmpi slt, %select_n3A_20, %lt3A_25 : i32
    %ne3A_27 = arith.xori %lt3A_24, %lt3A_26 : i1
    %and3A_28 = arith.andi %ne3A_27, %ne3A_23 : i1
    %add3A_29 = arith.addi %rem3A_21, %select_n3A_20 : i32
    %select_n3A_30 = arith.select %and3A_28, %add3A_29, %rem3A_21 : i32
    %iota3A = tpu.iota {dimensions = array<i32: 0>} : vector<16xi32>
    %eq3A_31 = arith.constant 0 : i32
    %eq3A_32 = arith.cmpi eq, %select_n3A_30, %eq3A_31 : i32
    %convert_element_type3A = arith.extui %eq3A_32 : i1 to i32
    %cond3A = arith.constant 0 : i32
    %cond3A_33 = arith.cmpi ne, %convert_element_type3A, %cond3A : i32
    scf.if %cond3A_33 {
      "tpu.region"() ({
        %run_scoped3A = tpu.sem_alloc : memref<!tpu.dma_semaphore, #tpu.memory_space<semaphore_mem>>
        %dma_start3A = arith.constant 0 : i32
        %dma_start3A_59 = arith.constant 0 : i32
        %dma_start3A_60 = tpu.memref_slice %arg4[%dma_start3A, %dma_start3A_59] : memref<200x400xf32, #tpu.memory_space<vmem>> -> memref<56x400xf32, #tpu.memory_space<vmem>>
        %dma_start3A_61 = arith.constant 0 : i32
        %dma_start3A_62 = arith.constant 0 : i32
        %dma_start3A_63 = tpu.memref_slice %arg2[%select_n3A, %dma_start3A_61, %dma_start3A_62] : memref<8x400x400xf32, #tpu.memory_space<hbm>> -> memref<1x56x400xf32, #tpu.memory_space<hbm>>
        %dma_start3A_64 = tpu.memref_squeeze %dma_start3A_63 : memref<1x56x400xf32, #tpu.memory_space<hbm>> -> memref<56x400xf32, #tpu.memory_space<hbm>>
        %dma_start3A_65 = arith.constant 0 : i32
        %dma_start3A_66 = arith.constant 0 : i32
        %dma_start3A_67 = tpu.memref_slice %arg4[%dma_start3A_65, %dma_start3A_66] : memref<200x400xf32, #tpu.memory_space<vmem>> -> memref<56x400xf32, #tpu.memory_space<vmem>>
        %dma_start3A_68 = arith.constant 0 : i32
        %dma_start3A_69 = arith.constant 0 : i32
        %dma_start3A_70 = tpu.memref_slice %arg2[%select_n3A, %dma_start3A_68, %dma_start3A_69] : memref<8x400x400xf32, #tpu.memory_space<hbm>> -> memref<1x56x400xf32, #tpu.memory_space<hbm>>
        %dma_start3A_71 = tpu.memref_squeeze %dma_start3A_70 : memref<1x56x400xf32, #tpu.memory_space<hbm>> -> memref<56x400xf32, #tpu.memory_space<hbm>>
        tpu.enqueue_dma source(%dma_start3A_71 : memref<56x400xf32, #tpu.memory_space<hbm>>) target(%dma_start3A_67 : memref<56x400xf32, #tpu.memory_space<vmem>>) target_semaphore(%run_scoped3A : memref<!tpu.dma_semaphore, #tpu.memory_space<semaphore_mem>>)
        %dma_wait3A = arith.constant 0 : i32
        %dma_wait3A_72 = arith.constant 0 : i32
        %dma_wait3A_73 = tpu.memref_slice %arg4[%dma_wait3A, %dma_wait3A_72] : memref<200x400xf32, #tpu.memory_space<vmem>> -> memref<56x400xf32, #tpu.memory_space<vmem>>
        %dma_wait3A_74 = arith.constant 0 : i32
        %dma_wait3A_75 = arith.constant 0 : i32
        %dma_wait3A_76 = tpu.memref_slice %arg2[%select_n3A, %dma_wait3A_74, %dma_wait3A_75] : memref<8x400x400xf32, #tpu.memory_space<hbm>> -> memref<1x56x400xf32, #tpu.memory_space<hbm>>
        %dma_wait3A_77 = tpu.memref_squeeze %dma_wait3A_76 : memref<1x56x400xf32, #tpu.memory_space<hbm>> -> memref<56x400xf32, #tpu.memory_space<hbm>>
        %dma_wait3A_78 = arith.constant 0 : i32
        %dma_wait3A_79 = arith.constant 0 : i32
        %dma_wait3A_80 = tpu.memref_slice %arg4[%dma_wait3A_78, %dma_wait3A_79] : memref<200x400xf32, #tpu.memory_space<vmem>> -> memref<56x400xf32, #tpu.memory_space<vmem>>
        %dma_wait3A_81 = arith.constant 0 : i32
        %dma_wait3A_82 = arith.constant 0 : i32
        %dma_wait3A_83 = tpu.memref_slice %arg2[%select_n3A, %dma_wait3A_81, %dma_wait3A_82] : memref<8x400x400xf32, #tpu.memory_space<hbm>> -> memref<1x56x400xf32, #tpu.memory_space<hbm>>
        %dma_wait3A_84 = tpu.memref_squeeze %dma_wait3A_83 : memref<1x56x400xf32, #tpu.memory_space<hbm>> -> memref<56x400xf32, #tpu.memory_space<hbm>>
        tpu.wait_dma2 semaphore(%run_scoped3A : memref<!tpu.dma_semaphore, #tpu.memory_space<semaphore_mem>>) src(%dma_wait3A_84 : memref<56x400xf32, #tpu.memory_space<hbm>>) dst(%dma_wait3A_80 : memref<56x400xf32, #tpu.memory_space<vmem>>)
        tpu.yield
      }) : () -> ()
      %scan3A = arith.constant 0 : i32
      %scan3A_49 = arith.constant 0 : i32
      %scan3A_50 = arith.constant 56 : i32
      %scan3A_51 = arith.addi %scan3A_49, %scan3A_50 : i32
      %scan3A_52 = arith.constant 1 : i32
      %scan3A_53 = scf.for %scan3A_59 = %scan3A_49 to %scan3A_51 step %scan3A_52 iter_args(%scan3A_60 = %scan3A) -> (i32)  : i32 {
        %add3A_61 = arith.constant 0 : i32
        %add3A_62 = arith.addi %add3A_61, %scan3A_59 : i32
        %mul3A_63 = arith.constant 399 : i32
        %mul3A_64 = arith.muli %mul3A_63, %add3A_62 : i32
        %sub3A_65 = arith.constant 1 : i32
        %sub3A_66 = arith.subi %add3A_62, %sub3A_65 : i32
        %mul3A_67 = arith.muli %add3A_62, %sub3A_66 : i32
        %shift_right_arithmetic3A = arith.constant 1 : i32
        %shift_right_arithmetic3A_68 = arith.shrsi %mul3A_67, %shift_right_arithmetic3A : i32
        %sub3A_69 = arith.subi %mul3A_64, %shift_right_arithmetic3A_68 : i32
        %sub3A_70 = arith.subi %sub3A_69, %add3A_62 : i32
        %sub3A_71 = arith.constant 1 : i32
        %sub3A_72 = arith.subi %sub3A_70, %sub3A_71 : i32
        %sub3A_73 = arith.constant 0 : i32
        %sub3A_74 = arith.subi %sub3A_72, %sub3A_73 : i32
        %add3A_75 = arith.constant 1 : i32
        %add3A_76 = arith.addi %add3A_62, %add3A_75 : i32
        %shift_right_arithmetic3A_77 = arith.constant 4 : i32
        %shift_right_arithmetic3A_78 = arith.shrsi %add3A_76, %shift_right_arithmetic3A_77 : i32
        %while3A = arith.constant 25 : i32
        %while3A_79 = arith.constant 0 : i32
        %while3A_80 = arith.subi %while3A, %shift_right_arithmetic3A_78 : i32
        %while3A_81 = arith.addi %shift_right_arithmetic3A_78, %while3A_80 : i32
        %while3A_82 = arith.constant 1 : i32
        %while3A_83 = arith.divsi %while3A_80, %while3A_82 : i32
        %while3A_84 = arith.muli %while3A_83, %while3A_82 : i32
        %while3A_85 = arith.addi %shift_right_arithmetic3A_78, %while3A_84 : i32
        %while3A_86 = arith.constant 1 : i32
        %while3A_87 = scf.for %while3A_91 = %shift_right_arithmetic3A_78 to %while3A_85 step %while3A_86 iter_args(%while3A_92 = %while3A_79) -> (i32)  : i32 {
          %mul3A_93 = arith.constant 16 : i32
          %mul3A_94 = arith.muli %while3A_91, %mul3A_93 : i32
          %add3A_95 = vector.broadcast %mul3A_94 : i32 to vector<16xi32>
          %add3A_96 = arith.addi %add3A_95, %iota3A : vector<16xi32>
          %add3A_97 = vector.broadcast %sub3A_74 : i32 to vector<16xi32>
          %add3A_98 = arith.addi %add3A_97, %add3A_96 : vector<16xi32>
          %broadcast_in_dim3A = vector.broadcast %add3A_62 : i32 to vector<16xi32>
          %gt3A = arith.cmpi sgt, %add3A_96, %broadcast_in_dim3A : vector<16xi32>
          %ge3A = arith.constant 0 : i32
          %ge3A_99 = vector.broadcast %ge3A : i32 to vector<16xi32>
          %ge3A_100 = arith.cmpi sge, %add3A_98, %ge3A_99 : vector<16xi32>
          %and3A_101 = arith.andi %gt3A, %ge3A_100 : vector<16xi1>
          %lt3A_102 = arith.constant 20480 : i32
          %lt3A_103 = vector.broadcast %lt3A_102 : i32 to vector<16xi32>
          %lt3A_104 = arith.cmpi slt, %add3A_98, %lt3A_103 : vector<16xi32>
          %and3A_105 = arith.andi %and3A_101, %lt3A_104 : vector<16xi1>
          %jit3A_106 = arith.constant 0 : i32
          %jit3A_107 = arith.constant 20479 : i32
          %max3A = vector.broadcast %jit3A_106 : i32 to vector<16xi32>
          %max3A_108 = arith.maxsi %max3A, %add3A_98 : vector<16xi32>
          %min3A = vector.broadcast %jit3A_107 : i32 to vector<16xi32>
          %min3A_109 = arith.minsi %min3A, %max3A_108 : vector<16xi32>
          %mul3A_110 = arith.constant 16 : i32
          %mul3A_111 = arith.muli %while3A_91, %mul3A_110 : i32
          %get3A = arith.index_cast %scan3A_59 : i32 to index
          %get3A_112 = arith.index_cast %mul3A_111 : i32 to index
          %get3A_113 = tpu.vector_load %arg4[%get3A, %get3A_112] {strides = array<i32>} : memref<200x400xf32, #tpu.memory_space<vmem>>, vector<16xf32>,
          tpu.vector_store_idx %arg5[%min3A_109], %get3A_113 masked %and3A_105 : memref<20480xf32, #tpu.memory_space<vmem>>[vector<16xi32>], vector<16xf32>, vector<16xi1>
          %while3A_114 = arith.constant 0 : i32
          scf.yield %while3A_114 : i32
        }
        %while3A_88 = arith.constant 1 : i32
        %while3A_89 = scf.for %while3A_91 = %while3A_85 to %while3A_81 step %while3A_88 iter_args(%while3A_92 = %while3A_87) -> (i32)  : i32 {
          %mul3A_93 = arith.constant 16 : i32
          %mul3A_94 = arith.muli %while3A_91, %mul3A_93 : i32
          %add3A_95 = vector.broadcast %mul3A_94 : i32 to vector<16xi32>
          %add3A_96 = arith.addi %add3A_95, %iota3A : vector<16xi32>
          %add3A_97 = vector.broadcast %sub3A_74 : i32 to vector<16xi32>
          %add3A_98 = arith.addi %add3A_97, %add3A_96 : vector<16xi32>
          %broadcast_in_dim3A = vector.broadcast %add3A_62 : i32 to vector<16xi32>
          %gt3A = arith.cmpi sgt, %add3A_96, %broadcast_in_dim3A : vector<16xi32>
          %ge3A = arith.constant 0 : i32
          %ge3A_99 = vector.broadcast %ge3A : i32 to vector<16xi32>
          %ge3A_100 = arith.cmpi sge, %add3A_98, %ge3A_99 : vector<16xi32>
          %and3A_101 = arith.andi %gt3A, %ge3A_100 : vector<16xi1>
          %lt3A_102 = arith.constant 20480 : i32
          %lt3A_103 = vector.broadcast %lt3A_102 : i32 to vector<16xi32>
          %lt3A_104 = arith.cmpi slt, %add3A_98, %lt3A_103 : vector<16xi32>
          %and3A_105 = arith.andi %and3A_101, %lt3A_104 : vector<16xi1>
          %jit3A_106 = arith.constant 0 : i32
          %jit3A_107 = arith.constant 20479 : i32
          %max3A = vector.broadcast %jit3A_106 : i32 to vector<16xi32>
          %max3A_108 = arith.maxsi %max3A, %add3A_98 : vector<16xi32>
          %min3A = vector.broadcast %jit3A_107 : i32 to vector<16xi32>
          %min3A_109 = arith.minsi %min3A, %max3A_108 : vector<16xi32>
          %mul3A_110 = arith.constant 16 : i32
          %mul3A_111 = arith.muli %while3A_91, %mul3A_110 : i32
          %get3A = arith.index_cast %scan3A_59 : i32 to index
          %get3A_112 = arith.index_cast %mul3A_111 : i32 to index
          %get3A_113 = tpu.vector_load %arg4[%get3A, %get3A_112] {strides = array<i32>} : memref<200x400xf32, #tpu.memory_space<vmem>>, vector<16xf32>,
          tpu.vector_store_idx %arg5[%min3A_109], %get3A_113 masked %and3A_105 : memref<20480xf32, #tpu.memory_space<vmem>>[vector<16xi32>], vector<16xf32>, vector<16xi1>
          %while3A_114 = arith.constant 0 : i32
          scf.yield %while3A_114 : i32
        }
        %scan3A_90 = arith.constant 0 : i32
        scf.yield %scan3A_90 : i32
      }
      %scan3A_54 = arith.constant 56 : i32
      %mul3A_55 = arith.constant 81920 : i32
      %mul3A_56 = arith.muli %select_n3A, %mul3A_55 : i32
      %add3A_57 = arith.constant 0 : i32
      %add3A_58 = arith.addi %mul3A_56, %add3A_57 : i32
      "tpu.region"() ({
        %run_scoped3A = tpu.sem_alloc : memref<!tpu.dma_semaphore, #tpu.memory_space<semaphore_mem>>
        %dma_start3A = tpu.memref_slice %arg3[%add3A_58] : memref<655360xf32, #tpu.memory_space<hbm>> -> memref<20480xf32, #tpu.memory_space<hbm>>
        %dma_start3A_59 = tpu.memref_slice %arg3[%add3A_58] : memref<655360xf32, #tpu.memory_space<hbm>> -> memref<20480xf32, #tpu.memory_space<hbm>>
        tpu.enqueue_dma source(%arg5 : memref<20480xf32, #tpu.memory_space<vmem>>) target(%dma_start3A_59 : memref<20480xf32, #tpu.memory_space<hbm>>) target_semaphore(%run_scoped3A : memref<!tpu.dma_semaphore, #tpu.memory_space<semaphore_mem>>)
        %dma_wait3A = tpu.memref_slice %arg3[%add3A_58] : memref<655360xf32, #tpu.memory_space<hbm>> -> memref<20480xf32, #tpu.memory_space<hbm>>
        %dma_wait3A_60 = tpu.memref_slice %arg3[%add3A_58] : memref<655360xf32, #tpu.memory_space<hbm>> -> memref<20480xf32, #tpu.memory_space<hbm>>
        tpu.wait_dma2 semaphore(%run_scoped3A : memref<!tpu.dma_semaphore, #tpu.memory_space<semaphore_mem>>) src(%arg5 : memref<20480xf32, #tpu.memory_space<vmem>>) dst(%dma_wait3A_60 : memref<20480xf32, #tpu.memory_space<hbm>>)
        tpu.yield
      }) : () -> ()
    } else {
    }
    %eq3A_34 = arith.constant 1 : i32
    %eq3A_35 = arith.cmpi eq, %select_n3A_30, %eq3A_34 : i32
    %convert_element_type3A_36 = arith.extui %eq3A_35 : i1 to i32
    %cond3A_37 = arith.constant 0 : i32
    %cond3A_38 = arith.cmpi ne, %convert_element_type3A_36, %cond3A_37 : i32
    scf.if %cond3A_38 {
      "tpu.region"() ({
        %run_scoped3A = tpu.sem_alloc : memref<!tpu.dma_semaphore, #tpu.memory_space<semaphore_mem>>
        %dma_start3A = arith.constant 0 : i32
        %dma_start3A_59 = arith.constant 0 : i32
        %dma_start3A_60 = tpu.memref_slice %arg4[%dma_start3A, %dma_start3A_59] : memref<200x400xf32, #tpu.memory_space<vmem>> -> memref<80x400xf32, #tpu.memory_space<vmem>>
        %dma_start3A_61 = arith.constant 48 : i32
        %dma_start3A_62 = arith.constant 0 : i32
        %dma_start3A_63 = tpu.memref_slice %arg2[%select_n3A, %dma_start3A_61, %dma_start3A_62] : memref<8x400x400xf32, #tpu.memory_space<hbm>> -> memref<1x80x400xf32, #tpu.memory_space<hbm>>
        %dma_start3A_64 = tpu.memref_squeeze %dma_start3A_63 : memref<1x80x400xf32, #tpu.memory_space<hbm>> -> memref<80x400xf32, #tpu.memory_space<hbm>>
        %dma_start3A_65 = arith.constant 0 : i32
        %dma_start3A_66 = arith.constant 0 : i32
        %dma_start3A_67 = tpu.memref_slice %arg4[%dma_start3A_65, %dma_start3A_66] : memref<200x400xf32, #tpu.memory_space<vmem>> -> memref<80x400xf32, #tpu.memory_space<vmem>>
        %dma_start3A_68 = arith.constant 48 : i32
        %dma_start3A_69 = arith.constant 0 : i32
        %dma_start3A_70 = tpu.memref_slice %arg2[%select_n3A, %dma_start3A_68, %dma_start3A_69] : memref<8x400x400xf32, #tpu.memory_space<hbm>> -> memref<1x80x400xf32, #tpu.memory_space<hbm>>
        %dma_start3A_71 = tpu.memref_squeeze %dma_start3A_70 : memref<1x80x400xf32, #tpu.memory_space<hbm>> -> memref<80x400xf32, #tpu.memory_space<hbm>>
        tpu.enqueue_dma source(%dma_start3A_71 : memref<80x400xf32, #tpu.memory_space<hbm>>) target(%dma_start3A_67 : memref<80x400xf32, #tpu.memory_space<vmem>>) target_semaphore(%run_scoped3A : memref<!tpu.dma_semaphore, #tpu.memory_space<semaphore_mem>>)
        %dma_wait3A = arith.constant 0 : i32
        %dma_wait3A_72 = arith.constant 0 : i32
        %dma_wait3A_73 = tpu.memref_slice %arg4[%dma_wait3A, %dma_wait3A_72] : memref<200x400xf32, #tpu.memory_space<vmem>> -> memref<80x400xf32, #tpu.memory_space<vmem>>
        %dma_wait3A_74 = arith.constant 48 : i32
        %dma_wait3A_75 = arith.constant 0 : i32
        %dma_wait3A_76 = tpu.memref_slice %arg2[%select_n3A, %dma_wait3A_74, %dma_wait3A_75] : memref<8x400x400xf32, #tpu.memory_space<hbm>> -> memref<1x80x400xf32, #tpu.memory_space<hbm>>
        %dma_wait3A_77 = tpu.memref_squeeze %dma_wait3A_76 : memref<1x80x400xf32, #tpu.memory_space<hbm>> -> memref<80x400xf32, #tpu.memory_space<hbm>>
        %dma_wait3A_78 = arith.constant 0 : i32
        %dma_wait3A_79 = arith.constant 0 : i32
        %dma_wait3A_80 = tpu.memref_slice %arg4[%dma_wait3A_78, %dma_wait3A_79] : memref<200x400xf32, #tpu.memory_space<vmem>> -> memref<80x400xf32, #tpu.memory_space<vmem>>
        %dma_wait3A_81 = arith.constant 48 : i32
        %dma_wait3A_82 = arith.constant 0 : i32
        %dma_wait3A_83 = tpu.memref_slice %arg2[%select_n3A, %dma_wait3A_81, %dma_wait3A_82] : memref<8x400x400xf32, #tpu.memory_space<hbm>> -> memref<1x80x400xf32, #tpu.memory_space<hbm>>
        %dma_wait3A_84 = tpu.memref_squeeze %dma_wait3A_83 : memref<1x80x400xf32, #tpu.memory_space<hbm>> -> memref<80x400xf32, #tpu.memory_space<hbm>>
        tpu.wait_dma2 semaphore(%run_scoped3A : memref<!tpu.dma_semaphore, #tpu.memory_space<semaphore_mem>>) src(%dma_wait3A_84 : memref<80x400xf32, #tpu.memory_space<hbm>>) dst(%dma_wait3A_80 : memref<80x400xf32, #tpu.memory_space<vmem>>)
        tpu.yield
      }) : () -> ()
      %scan3A = arith.constant 0 : i32
      %scan3A_49 = arith.constant 0 : i32
      %scan3A_50 = arith.constant 80 : i32
      %scan3A_51 = arith.addi %scan3A_49, %scan3A_50 : i32
      %scan3A_52 = arith.constant 1 : i32
      %scan3A_53 = scf.for %scan3A_59 = %scan3A_49 to %scan3A_51 step %scan3A_52 iter_args(%scan3A_60 = %scan3A) -> (i32)  : i32 {
        %add3A_61 = arith.constant 48 : i32
        %add3A_62 = arith.addi %add3A_61, %scan3A_59 : i32
        %mul3A_63 = arith.constant 399 : i32
        %mul3A_64 = arith.muli %mul3A_63, %add3A_62 : i32
        %sub3A_65 = arith.constant 1 : i32
        %sub3A_66 = arith.subi %add3A_62, %sub3A_65 : i32
        %mul3A_67 = arith.muli %add3A_62, %sub3A_66 : i32
        %shift_right_arithmetic3A = arith.constant 1 : i32
        %shift_right_arithmetic3A_68 = arith.shrsi %mul3A_67, %shift_right_arithmetic3A : i32
        %sub3A_69 = arith.subi %mul3A_64, %shift_right_arithmetic3A_68 : i32
        %sub3A_70 = arith.subi %sub3A_69, %add3A_62 : i32
        %sub3A_71 = arith.constant 1 : i32
        %sub3A_72 = arith.subi %sub3A_70, %sub3A_71 : i32
        %sub3A_73 = arith.constant 20480 : i32
        %sub3A_74 = arith.subi %sub3A_72, %sub3A_73 : i32
        %add3A_75 = arith.constant 1 : i32
        %add3A_76 = arith.addi %add3A_62, %add3A_75 : i32
        %shift_right_arithmetic3A_77 = arith.constant 4 : i32
        %shift_right_arithmetic3A_78 = arith.shrsi %add3A_76, %shift_right_arithmetic3A_77 : i32
        %while3A = arith.constant 25 : i32
        %while3A_79 = arith.constant 0 : i32
        %while3A_80 = arith.subi %while3A, %shift_right_arithmetic3A_78 : i32
        %while3A_81 = arith.addi %shift_right_arithmetic3A_78, %while3A_80 : i32
        %while3A_82 = arith.constant 1 : i32
        %while3A_83 = arith.divsi %while3A_80, %while3A_82 : i32
        %while3A_84 = arith.muli %while3A_83, %while3A_82 : i32
        %while3A_85 = arith.addi %shift_right_arithmetic3A_78, %while3A_84 : i32
        %while3A_86 = arith.constant 1 : i32
        %while3A_87 = scf.for %while3A_91 = %shift_right_arithmetic3A_78 to %while3A_85 step %while3A_86 iter_args(%while3A_92 = %while3A_79) -> (i32)  : i32 {
          %mul3A_93 = arith.constant 16 : i32
          %mul3A_94 = arith.muli %while3A_91, %mul3A_93 : i32
          %add3A_95 = vector.broadcast %mul3A_94 : i32 to vector<16xi32>
          %add3A_96 = arith.addi %add3A_95, %iota3A : vector<16xi32>
          %add3A_97 = vector.broadcast %sub3A_74 : i32 to vector<16xi32>
          %add3A_98 = arith.addi %add3A_97, %add3A_96 : vector<16xi32>
          %broadcast_in_dim3A = vector.broadcast %add3A_62 : i32 to vector<16xi32>
          %gt3A = arith.cmpi sgt, %add3A_96, %broadcast_in_dim3A : vector<16xi32>
          %ge3A = arith.constant 0 : i32
          %ge3A_99 = vector.broadcast %ge3A : i32 to vector<16xi32>
          %ge3A_100 = arith.cmpi sge, %add3A_98, %ge3A_99 : vector<16xi32>
          %and3A_101 = arith.andi %gt3A, %ge3A_100 : vector<16xi1>
          %lt3A_102 = arith.constant 20480 : i32
          %lt3A_103 = vector.broadcast %lt3A_102 : i32 to vector<16xi32>
          %lt3A_104 = arith.cmpi slt, %add3A_98, %lt3A_103 : vector<16xi32>
          %and3A_105 = arith.andi %and3A_101, %lt3A_104 : vector<16xi1>
          %jit3A_106 = arith.constant 0 : i32
          %jit3A_107 = arith.constant 20479 : i32
          %max3A = vector.broadcast %jit3A_106 : i32 to vector<16xi32>
          %max3A_108 = arith.maxsi %max3A, %add3A_98 : vector<16xi32>
          %min3A = vector.broadcast %jit3A_107 : i32 to vector<16xi32>
          %min3A_109 = arith.minsi %min3A, %max3A_108 : vector<16xi32>
          %mul3A_110 = arith.constant 16 : i32
          %mul3A_111 = arith.muli %while3A_91, %mul3A_110 : i32
          %get3A = arith.index_cast %scan3A_59 : i32 to index
          %get3A_112 = arith.index_cast %mul3A_111 : i32 to index
          %get3A_113 = tpu.vector_load %arg4[%get3A, %get3A_112] {strides = array<i32>} : memref<200x400xf32, #tpu.memory_space<vmem>>, vector<16xf32>,
          tpu.vector_store_idx %arg5[%min3A_109], %get3A_113 masked %and3A_105 : memref<20480xf32, #tpu.memory_space<vmem>>[vector<16xi32>], vector<16xf32>, vector<16xi1>
          %while3A_114 = arith.constant 0 : i32
          scf.yield %while3A_114 : i32
        }
        %while3A_88 = arith.constant 1 : i32
        %while3A_89 = scf.for %while3A_91 = %while3A_85 to %while3A_81 step %while3A_88 iter_args(%while3A_92 = %while3A_87) -> (i32)  : i32 {
          %mul3A_93 = arith.constant 16 : i32
          %mul3A_94 = arith.muli %while3A_91, %mul3A_93 : i32
          %add3A_95 = vector.broadcast %mul3A_94 : i32 to vector<16xi32>
          %add3A_96 = arith.addi %add3A_95, %iota3A : vector<16xi32>
          %add3A_97 = vector.broadcast %sub3A_74 : i32 to vector<16xi32>
          %add3A_98 = arith.addi %add3A_97, %add3A_96 : vector<16xi32>
          %broadcast_in_dim3A = vector.broadcast %add3A_62 : i32 to vector<16xi32>
          %gt3A = arith.cmpi sgt, %add3A_96, %broadcast_in_dim3A : vector<16xi32>
          %ge3A = arith.constant 0 : i32
          %ge3A_99 = vector.broadcast %ge3A : i32 to vector<16xi32>
          %ge3A_100 = arith.cmpi sge, %add3A_98, %ge3A_99 : vector<16xi32>
          %and3A_101 = arith.andi %gt3A, %ge3A_100 : vector<16xi1>
          %lt3A_102 = arith.constant 20480 : i32
          %lt3A_103 = vector.broadcast %lt3A_102 : i32 to vector<16xi32>
          %lt3A_104 = arith.cmpi slt, %add3A_98, %lt3A_103 : vector<16xi32>
          %and3A_105 = arith.andi %and3A_101, %lt3A_104 : vector<16xi1>
          %jit3A_106 = arith.constant 0 : i32
          %jit3A_107 = arith.constant 20479 : i32
          %max3A = vector.broadcast %jit3A_106 : i32 to vector<16xi32>
          %max3A_108 = arith.maxsi %max3A, %add3A_98 : vector<16xi32>
          %min3A = vector.broadcast %jit3A_107 : i32 to vector<16xi32>
          %min3A_109 = arith.minsi %min3A, %max3A_108 : vector<16xi32>
          %mul3A_110 = arith.constant 16 : i32
          %mul3A_111 = arith.muli %while3A_91, %mul3A_110 : i32
          %get3A = arith.index_cast %scan3A_59 : i32 to index
          %get3A_112 = arith.index_cast %mul3A_111 : i32 to index
          %get3A_113 = tpu.vector_load %arg4[%get3A, %get3A_112] {strides = array<i32>} : memref<200x400xf32, #tpu.memory_space<vmem>>, vector<16xf32>,
          tpu.vector_store_idx %arg5[%min3A_109], %get3A_113 masked %and3A_105 : memref<20480xf32, #tpu.memory_space<vmem>>[vector<16xi32>], vector<16xf32>, vector<16xi1>
          %while3A_114 = arith.constant 0 : i32
          scf.yield %while3A_114 : i32
        }
        %scan3A_90 = arith.constant 0 : i32
        scf.yield %scan3A_90 : i32
      }
      %scan3A_54 = arith.constant 80 : i32
      %mul3A_55 = arith.constant 81920 : i32
      %mul3A_56 = arith.muli %select_n3A, %mul3A_55 : i32
      %add3A_57 = arith.constant 20480 : i32
      %add3A_58 = arith.addi %mul3A_56, %add3A_57 : i32
      "tpu.region"() ({
        %run_scoped3A = tpu.sem_alloc : memref<!tpu.dma_semaphore, #tpu.memory_space<semaphore_mem>>
        %dma_start3A = tpu.memref_slice %arg3[%add3A_58] : memref<655360xf32, #tpu.memory_space<hbm>> -> memref<20480xf32, #tpu.memory_space<hbm>>
        %dma_start3A_59 = tpu.memref_slice %arg3[%add3A_58] : memref<655360xf32, #tpu.memory_space<hbm>> -> memref<20480xf32, #tpu.memory_space<hbm>>
        tpu.enqueue_dma source(%arg5 : memref<20480xf32, #tpu.memory_space<vmem>>) target(%dma_start3A_59 : memref<20480xf32, #tpu.memory_space<hbm>>) target_semaphore(%run_scoped3A : memref<!tpu.dma_semaphore, #tpu.memory_space<semaphore_mem>>)
        %dma_wait3A = tpu.memref_slice %arg3[%add3A_58] : memref<655360xf32, #tpu.memory_space<hbm>> -> memref<20480xf32, #tpu.memory_space<hbm>>
        %dma_wait3A_60 = tpu.memref_slice %arg3[%add3A_58] : memref<655360xf32, #tpu.memory_space<hbm>> -> memref<20480xf32, #tpu.memory_space<hbm>>
        tpu.wait_dma2 semaphore(%run_scoped3A : memref<!tpu.dma_semaphore, #tpu.memory_space<semaphore_mem>>) src(%arg5 : memref<20480xf32, #tpu.memory_space<vmem>>) dst(%dma_wait3A_60 : memref<20480xf32, #tpu.memory_space<hbm>>)
        tpu.yield
      }) : () -> ()
    } else {
    }
    %eq3A_39 = arith.constant 2 : i32
    %eq3A_40 = arith.cmpi eq, %select_n3A_30, %eq3A_39 : i32
    %convert_element_type3A_41 = arith.extui %eq3A_40 : i1 to i32
    %cond3A_42 = arith.constant 0 : i32
    %cond3A_43 = arith.cmpi ne, %convert_element_type3A_41, %cond3A_42 : i32
    scf.if %cond3A_43 {
      "tpu.region"() ({
        %run_scoped3A = tpu.sem_alloc : memref<!tpu.dma_semaphore, #tpu.memory_space<semaphore_mem>>
        %dma_start3A = arith.constant 0 : i32
        %dma_start3A_59 = arith.constant 0 : i32
        %dma_start3A_60 = tpu.memref_slice %arg4[%dma_start3A, %dma_start3A_59] : memref<200x400xf32, #tpu.memory_space<vmem>> -> memref<88x400xf32, #tpu.memory_space<vmem>>
        %dma_start3A_61 = arith.constant 120 : i32
        %dma_start3A_62 = arith.constant 0 : i32
        %dma_start3A_63 = tpu.memref_slice %arg2[%select_n3A, %dma_start3A_61, %dma_start3A_62] : memref<8x400x400xf32, #tpu.memory_space<hbm>> -> memref<1x88x400xf32, #tpu.memory_space<hbm>>
        %dma_start3A_64 = tpu.memref_squeeze %dma_start3A_63 : memref<1x88x400xf32, #tpu.memory_space<hbm>> -> memref<88x400xf32, #tpu.memory_space<hbm>>
        %dma_start3A_65 = arith.constant 0 : i32
        %dma_start3A_66 = arith.constant 0 : i32
        %dma_start3A_67 = tpu.memref_slice %arg4[%dma_start3A_65, %dma_start3A_66] : memref<200x400xf32, #tpu.memory_space<vmem>> -> memref<88x400xf32, #tpu.memory_space<vmem>>
        %dma_start3A_68 = arith.constant 120 : i32
        %dma_start3A_69 = arith.constant 0 : i32
        %dma_start3A_70 = tpu.memref_slice %arg2[%select_n3A, %dma_start3A_68, %dma_start3A_69] : memref<8x400x400xf32, #tpu.memory_space<hbm>> -> memref<1x88x400xf32, #tpu.memory_space<hbm>>
        %dma_start3A_71 = tpu.memref_squeeze %dma_start3A_70 : memref<1x88x400xf32, #tpu.memory_space<hbm>> -> memref<88x400xf32, #tpu.memory_space<hbm>>
        tpu.enqueue_dma source(%dma_start3A_71 : memref<88x400xf32, #tpu.memory_space<hbm>>) target(%dma_start3A_67 : memref<88x400xf32, #tpu.memory_space<vmem>>) target_semaphore(%run_scoped3A : memref<!tpu.dma_semaphore, #tpu.memory_space<semaphore_mem>>)
        %dma_wait3A = arith.constant 0 : i32
        %dma_wait3A_72 = arith.constant 0 : i32
        %dma_wait3A_73 = tpu.memref_slice %arg4[%dma_wait3A, %dma_wait3A_72] : memref<200x400xf32, #tpu.memory_space<vmem>> -> memref<88x400xf32, #tpu.memory_space<vmem>>
        %dma_wait3A_74 = arith.constant 120 : i32
        %dma_wait3A_75 = arith.constant 0 : i32
        %dma_wait3A_76 = tpu.memref_slice %arg2[%select_n3A, %dma_wait3A_74, %dma_wait3A_75] : memref<8x400x400xf32, #tpu.memory_space<hbm>> -> memref<1x88x400xf32, #tpu.memory_space<hbm>>
        %dma_wait3A_77 = tpu.memref_squeeze %dma_wait3A_76 : memref<1x88x400xf32, #tpu.memory_space<hbm>> -> memref<88x400xf32, #tpu.memory_space<hbm>>
        %dma_wait3A_78 = arith.constant 0 : i32
        %dma_wait3A_79 = arith.constant 0 : i32
        %dma_wait3A_80 = tpu.memref_slice %arg4[%dma_wait3A_78, %dma_wait3A_79] : memref<200x400xf32, #tpu.memory_space<vmem>> -> memref<88x400xf32, #tpu.memory_space<vmem>>
        %dma_wait3A_81 = arith.constant 120 : i32
        %dma_wait3A_82 = arith.constant 0 : i32
        %dma_wait3A_83 = tpu.memref_slice %arg2[%select_n3A, %dma_wait3A_81, %dma_wait3A_82] : memref<8x400x400xf32, #tpu.memory_space<hbm>> -> memref<1x88x400xf32, #tpu.memory_space<hbm>>
        %dma_wait3A_84 = tpu.memref_squeeze %dma_wait3A_83 : memref<1x88x400xf32, #tpu.memory_space<hbm>> -> memref<88x400xf32, #tpu.memory_space<hbm>>
        tpu.wait_dma2 semaphore(%run_scoped3A : memref<!tpu.dma_semaphore, #tpu.memory_space<semaphore_mem>>) src(%dma_wait3A_84 : memref<88x400xf32, #tpu.memory_space<hbm>>) dst(%dma_wait3A_80 : memref<88x400xf32, #tpu.memory_space<vmem>>)
        tpu.yield
      }) : () -> ()
      %scan3A = arith.constant 0 : i32
      %scan3A_49 = arith.constant 0 : i32
      %scan3A_50 = arith.constant 88 : i32
      %scan3A_51 = arith.addi %scan3A_49, %scan3A_50 : i32
      %scan3A_52 = arith.constant 1 : i32
      %scan3A_53 = scf.for %scan3A_59 = %scan3A_49 to %scan3A_51 step %scan3A_52 iter_args(%scan3A_60 = %scan3A) -> (i32)  : i32 {
        %add3A_61 = arith.constant 120 : i32
        %add3A_62 = arith.addi %add3A_61, %scan3A_59 : i32
        %mul3A_63 = arith.constant 399 : i32
        %mul3A_64 = arith.muli %mul3A_63, %add3A_62 : i32
        %sub3A_65 = arith.constant 1 : i32
        %sub3A_66 = arith.subi %add3A_62, %sub3A_65 : i32
        %mul3A_67 = arith.muli %add3A_62, %sub3A_66 : i32
        %shift_right_arithmetic3A = arith.constant 1 : i32
        %shift_right_arithmetic3A_68 = arith.shrsi %mul3A_67, %shift_right_arithmetic3A : i32
        %sub3A_69 = arith.subi %mul3A_64, %shift_right_arithmetic3A_68 : i32
        %sub3A_70 = arith.subi %sub3A_69, %add3A_62 : i32
        %sub3A_71 = arith.constant 1 : i32
        %sub3A_72 = arith.subi %sub3A_70, %sub3A_71 : i32
        %sub3A_73 = arith.constant 40960 : i32
        %sub3A_74 = arith.subi %sub3A_72, %sub3A_73 : i32
        %add3A_75 = arith.constant 1 : i32
        %add3A_76 = arith.addi %add3A_62, %add3A_75 : i32
        %shift_right_arithmetic3A_77 = arith.constant 4 : i32
        %shift_right_arithmetic3A_78 = arith.shrsi %add3A_76, %shift_right_arithmetic3A_77 : i32
        %while3A = arith.constant 25 : i32
        %while3A_79 = arith.constant 0 : i32
        %while3A_80 = arith.subi %while3A, %shift_right_arithmetic3A_78 : i32
        %while3A_81 = arith.addi %shift_right_arithmetic3A_78, %while3A_80 : i32
        %while3A_82 = arith.constant 1 : i32
        %while3A_83 = arith.divsi %while3A_80, %while3A_82 : i32
        %while3A_84 = arith.muli %while3A_83, %while3A_82 : i32
        %while3A_85 = arith.addi %shift_right_arithmetic3A_78, %while3A_84 : i32
        %while3A_86 = arith.constant 1 : i32
        %while3A_87 = scf.for %while3A_91 = %shift_right_arithmetic3A_78 to %while3A_85 step %while3A_86 iter_args(%while3A_92 = %while3A_79) -> (i32)  : i32 {
          %mul3A_93 = arith.constant 16 : i32
          %mul3A_94 = arith.muli %while3A_91, %mul3A_93 : i32
          %add3A_95 = vector.broadcast %mul3A_94 : i32 to vector<16xi32>
          %add3A_96 = arith.addi %add3A_95, %iota3A : vector<16xi32>
          %add3A_97 = vector.broadcast %sub3A_74 : i32 to vector<16xi32>
          %add3A_98 = arith.addi %add3A_97, %add3A_96 : vector<16xi32>
          %broadcast_in_dim3A = vector.broadcast %add3A_62 : i32 to vector<16xi32>
          %gt3A = arith.cmpi sgt, %add3A_96, %broadcast_in_dim3A : vector<16xi32>
          %ge3A = arith.constant 0 : i32
          %ge3A_99 = vector.broadcast %ge3A : i32 to vector<16xi32>
          %ge3A_100 = arith.cmpi sge, %add3A_98, %ge3A_99 : vector<16xi32>
          %and3A_101 = arith.andi %gt3A, %ge3A_100 : vector<16xi1>
          %lt3A_102 = arith.constant 20480 : i32
          %lt3A_103 = vector.broadcast %lt3A_102 : i32 to vector<16xi32>
          %lt3A_104 = arith.cmpi slt, %add3A_98, %lt3A_103 : vector<16xi32>
          %and3A_105 = arith.andi %and3A_101, %lt3A_104 : vector<16xi1>
          %jit3A_106 = arith.constant 0 : i32
          %jit3A_107 = arith.constant 20479 : i32
          %max3A = vector.broadcast %jit3A_106 : i32 to vector<16xi32>
          %max3A_108 = arith.maxsi %max3A, %add3A_98 : vector<16xi32>
          %min3A = vector.broadcast %jit3A_107 : i32 to vector<16xi32>
          %min3A_109 = arith.minsi %min3A, %max3A_108 : vector<16xi32>
          %mul3A_110 = arith.constant 16 : i32
          %mul3A_111 = arith.muli %while3A_91, %mul3A_110 : i32
          %get3A = arith.index_cast %scan3A_59 : i32 to index
          %get3A_112 = arith.index_cast %mul3A_111 : i32 to index
          %get3A_113 = tpu.vector_load %arg4[%get3A, %get3A_112] {strides = array<i32>} : memref<200x400xf32, #tpu.memory_space<vmem>>, vector<16xf32>,
          tpu.vector_store_idx %arg5[%min3A_109], %get3A_113 masked %and3A_105 : memref<20480xf32, #tpu.memory_space<vmem>>[vector<16xi32>], vector<16xf32>, vector<16xi1>
          %while3A_114 = arith.constant 0 : i32
          scf.yield %while3A_114 : i32
        }
        %while3A_88 = arith.constant 1 : i32
        %while3A_89 = scf.for %while3A_91 = %while3A_85 to %while3A_81 step %while3A_88 iter_args(%while3A_92 = %while3A_87) -> (i32)  : i32 {
          %mul3A_93 = arith.constant 16 : i32
          %mul3A_94 = arith.muli %while3A_91, %mul3A_93 : i32
          %add3A_95 = vector.broadcast %mul3A_94 : i32 to vector<16xi32>
          %add3A_96 = arith.addi %add3A_95, %iota3A : vector<16xi32>
          %add3A_97 = vector.broadcast %sub3A_74 : i32 to vector<16xi32>
          %add3A_98 = arith.addi %add3A_97, %add3A_96 : vector<16xi32>
          %broadcast_in_dim3A = vector.broadcast %add3A_62 : i32 to vector<16xi32>
          %gt3A = arith.cmpi sgt, %add3A_96, %broadcast_in_dim3A : vector<16xi32>
          %ge3A = arith.constant 0 : i32
          %ge3A_99 = vector.broadcast %ge3A : i32 to vector<16xi32>
          %ge3A_100 = arith.cmpi sge, %add3A_98, %ge3A_99 : vector<16xi32>
          %and3A_101 = arith.andi %gt3A, %ge3A_100 : vector<16xi1>
          %lt3A_102 = arith.constant 20480 : i32
          %lt3A_103 = vector.broadcast %lt3A_102 : i32 to vector<16xi32>
          %lt3A_104 = arith.cmpi slt, %add3A_98, %lt3A_103 : vector<16xi32>
          %and3A_105 = arith.andi %and3A_101, %lt3A_104 : vector<16xi1>
          %jit3A_106 = arith.constant 0 : i32
          %jit3A_107 = arith.constant 20479 : i32
          %max3A = vector.broadcast %jit3A_106 : i32 to vector<16xi32>
          %max3A_108 = arith.maxsi %max3A, %add3A_98 : vector<16xi32>
          %min3A = vector.broadcast %jit3A_107 : i32 to vector<16xi32>
          %min3A_109 = arith.minsi %min3A, %max3A_108 : vector<16xi32>
          %mul3A_110 = arith.constant 16 : i32
          %mul3A_111 = arith.muli %while3A_91, %mul3A_110 : i32
          %get3A = arith.index_cast %scan3A_59 : i32 to index
          %get3A_112 = arith.index_cast %mul3A_111 : i32 to index
          %get3A_113 = tpu.vector_load %arg4[%get3A, %get3A_112] {strides = array<i32>} : memref<200x400xf32, #tpu.memory_space<vmem>>, vector<16xf32>,
          tpu.vector_store_idx %arg5[%min3A_109], %get3A_113 masked %and3A_105 : memref<20480xf32, #tpu.memory_space<vmem>>[vector<16xi32>], vector<16xf32>, vector<16xi1>
          %while3A_114 = arith.constant 0 : i32
          scf.yield %while3A_114 : i32
        }
        %scan3A_90 = arith.constant 0 : i32
        scf.yield %scan3A_90 : i32
      }
      %scan3A_54 = arith.constant 88 : i32
      %mul3A_55 = arith.constant 81920 : i32
      %mul3A_56 = arith.muli %select_n3A, %mul3A_55 : i32
      %add3A_57 = arith.constant 40960 : i32
      %add3A_58 = arith.addi %mul3A_56, %add3A_57 : i32
      "tpu.region"() ({
        %run_scoped3A = tpu.sem_alloc : memref<!tpu.dma_semaphore, #tpu.memory_space<semaphore_mem>>
        %dma_start3A = tpu.memref_slice %arg3[%add3A_58] : memref<655360xf32, #tpu.memory_space<hbm>> -> memref<20480xf32, #tpu.memory_space<hbm>>
        %dma_start3A_59 = tpu.memref_slice %arg3[%add3A_58] : memref<655360xf32, #tpu.memory_space<hbm>> -> memref<20480xf32, #tpu.memory_space<hbm>>
        tpu.enqueue_dma source(%arg5 : memref<20480xf32, #tpu.memory_space<vmem>>) target(%dma_start3A_59 : memref<20480xf32, #tpu.memory_space<hbm>>) target_semaphore(%run_scoped3A : memref<!tpu.dma_semaphore, #tpu.memory_space<semaphore_mem>>)
        %dma_wait3A = tpu.memref_slice %arg3[%add3A_58] : memref<655360xf32, #tpu.memory_space<hbm>> -> memref<20480xf32, #tpu.memory_space<hbm>>
        %dma_wait3A_60 = tpu.memref_slice %arg3[%add3A_58] : memref<655360xf32, #tpu.memory_space<hbm>> -> memref<20480xf32, #tpu.memory_space<hbm>>
        tpu.wait_dma2 semaphore(%run_scoped3A : memref<!tpu.dma_semaphore, #tpu.memory_space<semaphore_mem>>) src(%arg5 : memref<20480xf32, #tpu.memory_space<vmem>>) dst(%dma_wait3A_60 : memref<20480xf32, #tpu.memory_space<hbm>>)
        tpu.yield
      }) : () -> ()
    } else {
    }
    %eq3A_44 = arith.constant 3 : i32
    %eq3A_45 = arith.cmpi eq, %select_n3A_30, %eq3A_44 : i32
    %convert_element_type3A_46 = arith.extui %eq3A_45 : i1 to i32
    %cond3A_47 = arith.constant 0 : i32
    %cond3A_48 = arith.cmpi ne, %convert_element_type3A_46, %cond3A_47 : i32
    scf.if %cond3A_48 {
      "tpu.region"() ({
        %run_scoped3A = tpu.sem_alloc : memref<!tpu.dma_semaphore, #tpu.memory_space<semaphore_mem>>
        %dma_start3A = arith.constant 0 : i32
        %dma_start3A_59 = arith.constant 0 : i32
        %dma_start3A_60 = tpu.memref_slice %arg4[%dma_start3A, %dma_start3A_59] : memref<200x400xf32, #tpu.memory_space<vmem>> -> memref<200x400xf32, #tpu.memory_space<vmem>>
        %dma_start3A_61 = arith.constant 200 : i32
        %dma_start3A_62 = arith.constant 0 : i32
        %dma_start3A_63 = tpu.memref_slice %arg2[%select_n3A, %dma_start3A_61, %dma_start3A_62] : memref<8x400x400xf32, #tpu.memory_space<hbm>> -> memref<1x200x400xf32, #tpu.memory_space<hbm>>
        %dma_start3A_64 = tpu.memref_squeeze %dma_start3A_63 : memref<1x200x400xf32, #tpu.memory_space<hbm>> -> memref<200x400xf32, #tpu.memory_space<hbm>>
        %dma_start3A_65 = arith.constant 0 : i32
        %dma_start3A_66 = arith.constant 0 : i32
        %dma_start3A_67 = tpu.memref_slice %arg4[%dma_start3A_65, %dma_start3A_66] : memref<200x400xf32, #tpu.memory_space<vmem>> -> memref<200x400xf32, #tpu.memory_space<vmem>>
        %dma_start3A_68 = arith.constant 200 : i32
        %dma_start3A_69 = arith.constant 0 : i32
        %dma_start3A_70 = tpu.memref_slice %arg2[%select_n3A, %dma_start3A_68, %dma_start3A_69] : memref<8x400x400xf32, #tpu.memory_space<hbm>> -> memref<1x200x400xf32, #tpu.memory_space<hbm>>
        %dma_start3A_71 = tpu.memref_squeeze %dma_start3A_70 : memref<1x200x400xf32, #tpu.memory_space<hbm>> -> memref<200x400xf32, #tpu.memory_space<hbm>>
        tpu.enqueue_dma source(%dma_start3A_71 : memref<200x400xf32, #tpu.memory_space<hbm>>) target(%dma_start3A_67 : memref<200x400xf32, #tpu.memory_space<vmem>>) target_semaphore(%run_scoped3A : memref<!tpu.dma_semaphore, #tpu.memory_space<semaphore_mem>>)
        %dma_wait3A = arith.constant 0 : i32
        %dma_wait3A_72 = arith.constant 0 : i32
        %dma_wait3A_73 = tpu.memref_slice %arg4[%dma_wait3A, %dma_wait3A_72] : memref<200x400xf32, #tpu.memory_space<vmem>> -> memref<200x400xf32, #tpu.memory_space<vmem>>
        %dma_wait3A_74 = arith.constant 200 : i32
        %dma_wait3A_75 = arith.constant 0 : i32
        %dma_wait3A_76 = tpu.memref_slice %arg2[%select_n3A, %dma_wait3A_74, %dma_wait3A_75] : memref<8x400x400xf32, #tpu.memory_space<hbm>> -> memref<1x200x400xf32, #tpu.memory_space<hbm>>
        %dma_wait3A_77 = tpu.memref_squeeze %dma_wait3A_76 : memref<1x200x400xf32, #tpu.memory_space<hbm>> -> memref<200x400xf32, #tpu.memory_space<hbm>>
        %dma_wait3A_78 = arith.constant 0 : i32
        %dma_wait3A_79 = arith.constant 0 : i32
        %dma_wait3A_80 = tpu.memref_slice %arg4[%dma_wait3A_78, %dma_wait3A_79] : memref<200x400xf32, #tpu.memory_space<vmem>> -> memref<200x400xf32, #tpu.memory_space<vmem>>
        %dma_wait3A_81 = arith.constant 200 : i32
        %dma_wait3A_82 = arith.constant 0 : i32
        %dma_wait3A_83 = tpu.memref_slice %arg2[%select_n3A, %dma_wait3A_81, %dma_wait3A_82] : memref<8x400x400xf32, #tpu.memory_space<hbm>> -> memref<1x200x400xf32, #tpu.memory_space<hbm>>
        %dma_wait3A_84 = tpu.memref_squeeze %dma_wait3A_83 : memref<1x200x400xf32, #tpu.memory_space<hbm>> -> memref<200x400xf32, #tpu.memory_space<hbm>>
        tpu.wait_dma2 semaphore(%run_scoped3A : memref<!tpu.dma_semaphore, #tpu.memory_space<semaphore_mem>>) src(%dma_wait3A_84 : memref<200x400xf32, #tpu.memory_space<hbm>>) dst(%dma_wait3A_80 : memref<200x400xf32, #tpu.memory_space<vmem>>)
        tpu.yield
      }) : () -> ()
      %scan3A = arith.constant 0 : i32
      %scan3A_49 = arith.constant 0 : i32
      %scan3A_50 = arith.constant 200 : i32
      %scan3A_51 = arith.addi %scan3A_49, %scan3A_50 : i32
      %scan3A_52 = arith.constant 1 : i32
      %scan3A_53 = scf.for %scan3A_59 = %scan3A_49 to %scan3A_51 step %scan3A_52 iter_args(%scan3A_60 = %scan3A) -> (i32)  : i32 {
        %add3A_61 = arith.constant 200 : i32
        %add3A_62 = arith.addi %add3A_61, %scan3A_59 : i32
        %mul3A_63 = arith.constant 399 : i32
        %mul3A_64 = arith.muli %mul3A_63, %add3A_62 : i32
        %sub3A_65 = arith.constant 1 : i32
        %sub3A_66 = arith.subi %add3A_62, %sub3A_65 : i32
        %mul3A_67 = arith.muli %add3A_62, %sub3A_66 : i32
        %shift_right_arithmetic3A = arith.constant 1 : i32
        %shift_right_arithmetic3A_68 = arith.shrsi %mul3A_67, %shift_right_arithmetic3A : i32
        %sub3A_69 = arith.subi %mul3A_64, %shift_right_arithmetic3A_68 : i32
        %sub3A_70 = arith.subi %sub3A_69, %add3A_62 : i32
        %sub3A_71 = arith.constant 1 : i32
        %sub3A_72 = arith.subi %sub3A_70, %sub3A_71 : i32
        %sub3A_73 = arith.constant 61440 : i32
        %sub3A_74 = arith.subi %sub3A_72, %sub3A_73 : i32
        %add3A_75 = arith.constant 1 : i32
        %add3A_76 = arith.addi %add3A_62, %add3A_75 : i32
        %shift_right_arithmetic3A_77 = arith.constant 4 : i32
        %shift_right_arithmetic3A_78 = arith.shrsi %add3A_76, %shift_right_arithmetic3A_77 : i32
        %while3A = arith.constant 25 : i32
        %while3A_79 = arith.constant 0 : i32
        %while3A_80 = arith.subi %while3A, %shift_right_arithmetic3A_78 : i32
        %while3A_81 = arith.addi %shift_right_arithmetic3A_78, %while3A_80 : i32
        %while3A_82 = arith.constant 1 : i32
        %while3A_83 = arith.divsi %while3A_80, %while3A_82 : i32
        %while3A_84 = arith.muli %while3A_83, %while3A_82 : i32
        %while3A_85 = arith.addi %shift_right_arithmetic3A_78, %while3A_84 : i32
        %while3A_86 = arith.constant 1 : i32
        %while3A_87 = scf.for %while3A_91 = %shift_right_arithmetic3A_78 to %while3A_85 step %while3A_86 iter_args(%while3A_92 = %while3A_79) -> (i32)  : i32 {
          %mul3A_93 = arith.constant 16 : i32
          %mul3A_94 = arith.muli %while3A_91, %mul3A_93 : i32
          %add3A_95 = vector.broadcast %mul3A_94 : i32 to vector<16xi32>
          %add3A_96 = arith.addi %add3A_95, %iota3A : vector<16xi32>
          %add3A_97 = vector.broadcast %sub3A_74 : i32 to vector<16xi32>
          %add3A_98 = arith.addi %add3A_97, %add3A_96 : vector<16xi32>
          %broadcast_in_dim3A = vector.broadcast %add3A_62 : i32 to vector<16xi32>
          %gt3A = arith.cmpi sgt, %add3A_96, %broadcast_in_dim3A : vector<16xi32>
          %ge3A = arith.constant 0 : i32
          %ge3A_99 = vector.broadcast %ge3A : i32 to vector<16xi32>
          %ge3A_100 = arith.cmpi sge, %add3A_98, %ge3A_99 : vector<16xi32>
          %and3A_101 = arith.andi %gt3A, %ge3A_100 : vector<16xi1>
          %lt3A_102 = arith.constant 20480 : i32
          %lt3A_103 = vector.broadcast %lt3A_102 : i32 to vector<16xi32>
          %lt3A_104 = arith.cmpi slt, %add3A_98, %lt3A_103 : vector<16xi32>
          %and3A_105 = arith.andi %and3A_101, %lt3A_104 : vector<16xi1>
          %jit3A_106 = arith.constant 0 : i32
          %jit3A_107 = arith.constant 20479 : i32
          %max3A = vector.broadcast %jit3A_106 : i32 to vector<16xi32>
          %max3A_108 = arith.maxsi %max3A, %add3A_98 : vector<16xi32>
          %min3A = vector.broadcast %jit3A_107 : i32 to vector<16xi32>
          %min3A_109 = arith.minsi %min3A, %max3A_108 : vector<16xi32>
          %mul3A_110 = arith.constant 16 : i32
          %mul3A_111 = arith.muli %while3A_91, %mul3A_110 : i32
          %get3A = arith.index_cast %scan3A_59 : i32 to index
          %get3A_112 = arith.index_cast %mul3A_111 : i32 to index
          %get3A_113 = tpu.vector_load %arg4[%get3A, %get3A_112] {strides = array<i32>} : memref<200x400xf32, #tpu.memory_space<vmem>>, vector<16xf32>,
          tpu.vector_store_idx %arg5[%min3A_109], %get3A_113 masked %and3A_105 : memref<20480xf32, #tpu.memory_space<vmem>>[vector<16xi32>], vector<16xf32>, vector<16xi1>
          %while3A_114 = arith.constant 0 : i32
          scf.yield %while3A_114 : i32
        }
        %while3A_88 = arith.constant 1 : i32
        %while3A_89 = scf.for %while3A_91 = %while3A_85 to %while3A_81 step %while3A_88 iter_args(%while3A_92 = %while3A_87) -> (i32)  : i32 {
          %mul3A_93 = arith.constant 16 : i32
          %mul3A_94 = arith.muli %while3A_91, %mul3A_93 : i32
          %add3A_95 = vector.broadcast %mul3A_94 : i32 to vector<16xi32>
          %add3A_96 = arith.addi %add3A_95, %iota3A : vector<16xi32>
          %add3A_97 = vector.broadcast %sub3A_74 : i32 to vector<16xi32>
          %add3A_98 = arith.addi %add3A_97, %add3A_96 : vector<16xi32>
          %broadcast_in_dim3A = vector.broadcast %add3A_62 : i32 to vector<16xi32>
          %gt3A = arith.cmpi sgt, %add3A_96, %broadcast_in_dim3A : vector<16xi32>
          %ge3A = arith.constant 0 : i32
          %ge3A_99 = vector.broadcast %ge3A : i32 to vector<16xi32>
          %ge3A_100 = arith.cmpi sge, %add3A_98, %ge3A_99 : vector<16xi32>
          %and3A_101 = arith.andi %gt3A, %ge3A_100 : vector<16xi1>
          %lt3A_102 = arith.constant 20480 : i32
          %lt3A_103 = vector.broadcast %lt3A_102 : i32 to vector<16xi32>
          %lt3A_104 = arith.cmpi slt, %add3A_98, %lt3A_103 : vector<16xi32>
          %and3A_105 = arith.andi %and3A_101, %lt3A_104 : vector<16xi1>
          %jit3A_106 = arith.constant 0 : i32
          %jit3A_107 = arith.constant 20479 : i32
          %max3A = vector.broadcast %jit3A_106 : i32 to vector<16xi32>
          %max3A_108 = arith.maxsi %max3A, %add3A_98 : vector<16xi32>
          %min3A = vector.broadcast %jit3A_107 : i32 to vector<16xi32>
          %min3A_109 = arith.minsi %min3A, %max3A_108 : vector<16xi32>
          %mul3A_110 = arith.constant 16 : i32
          %mul3A_111 = arith.muli %while3A_91, %mul3A_110 : i32
          %get3A = arith.index_cast %scan3A_59 : i32 to index
          %get3A_112 = arith.index_cast %mul3A_111 : i32 to index
          %get3A_113 = tpu.vector_load %arg4[%get3A, %get3A_112] {strides = array<i32>} : memref<200x400xf32, #tpu.memory_space<vmem>>, vector<16xf32>,
          tpu.vector_store_idx %arg5[%min3A_109], %get3A_113 masked %and3A_105 : memref<20480xf32, #tpu.memory_space<vmem>>[vector<16xi32>], vector<16xf32>, vector<16xi1>
          %while3A_114 = arith.constant 0 : i32
          scf.yield %while3A_114 : i32
        }
        %scan3A_90 = arith.constant 0 : i32
        scf.yield %scan3A_90 : i32
      }
      %scan3A_54 = arith.constant 200 : i32
      %mul3A_55 = arith.constant 81920 : i32
      %mul3A_56 = arith.muli %select_n3A, %mul3A_55 : i32
      %add3A_57 = arith.constant 61440 : i32
      %add3A_58 = arith.addi %mul3A_56, %add3A_57 : i32
      "tpu.region"() ({
        %run_scoped3A = tpu.sem_alloc : memref<!tpu.dma_semaphore, #tpu.memory_space<semaphore_mem>>
        %dma_start3A = tpu.memref_slice %arg3[%add3A_58] : memref<655360xf32, #tpu.memory_space<hbm>> -> memref<20480xf32, #tpu.memory_space<hbm>>
        %dma_start3A_59 = tpu.memref_slice %arg3[%add3A_58] : memref<655360xf32, #tpu.memory_space<hbm>> -> memref<20480xf32, #tpu.memory_space<hbm>>
        tpu.enqueue_dma source(%arg5 : memref<20480xf32, #tpu.memory_space<vmem>>) target(%dma_start3A_59 : memref<20480xf32, #tpu.memory_space<hbm>>) target_semaphore(%run_scoped3A : memref<!tpu.dma_semaphore, #tpu.memory_space<semaphore_mem>>)
        %dma_wait3A = tpu.memref_slice %arg3[%add3A_58] : memref<655360xf32, #tpu.memory_space<hbm>> -> memref<20480xf32, #tpu.memory_space<hbm>>
        %dma_wait3A_60 = tpu.memref_slice %arg3[%add3A_58] : memref<655360xf32, #tpu.memory_space<hbm>> -> memref<20480xf32, #tpu.memory_space<hbm>>
        tpu.wait_dma2 semaphore(%run_scoped3A : memref<!tpu.dma_semaphore, #tpu.memory_space<semaphore_mem>>) src(%arg5 : memref<20480xf32, #tpu.memory_space<vmem>>) dst(%dma_wait3A_60 : memref<20480xf32, #tpu.memory_space<hbm>>)
        tpu.yield
      }) : () -> ()
    } else {
    }
    return
  }
}

#map = affine_map<(d0, d1) -> (0)>
#map1 = affine_map<(d0, d1) -> (0, 0, 0)>
module attributes {stable_mosaic.version = 14 : i64} {
  func.func @_sc_unpack(%arg0: i32, %arg1: i32, %arg2: memref<638976xf32, #tpu.memory_space<hbm>>, %arg3: memref<8x400x400xf32, #tpu.memory_space<hbm>>, %arg4: memref<79872xf32, #tpu.memory_space<vmem>>, %arg5: memref<56x400xf32, #tpu.memory_space<vmem>>) attributes {dimension_semantics = [#tpu.dimension_semantics<core_parallel>, #tpu.dimension_semantics<subcore_parallel>], iteration_bounds = array<i64: 2, 16>, scalar_prefetch = 0 : i64, scratch_operands = 2 : i64, tpu.core_type = #tpu.core_type<sc_vector_subcore>, window_params = [{transform_indices = #map}, {transform_indices = #map1}]} {
    %mul3A = arith.constant 2 : i32
    %mul3A_0 = arith.muli %arg1, %mul3A : i32
    %add3A = arith.addi %mul3A_0, %arg0 : i32
    %jit3A = arith.constant 4 : i32
    %div3A = arith.divsi %add3A, %jit3A : i32
    %sign3A = arith.constant 0 : i32
    %sign3A_1 = arith.cmpi sgt, %add3A, %sign3A : i32
    %sign3A_2 = arith.extui %sign3A_1 : i1 to i32
    %sign3A_3 = arith.constant 0 : i32
    %sign3A_4 = arith.cmpi slt, %add3A, %sign3A_3 : i32
    %sign3A_5 = arith.extui %sign3A_4 : i1 to i32
    %sign3A_6 = arith.subi %sign3A_2, %sign3A_5 : i32
    %sign3A_7 = arith.constant 0 : i32
    %sign3A_8 = arith.cmpi sgt, %jit3A, %sign3A_7 : i32
    %sign3A_9 = arith.extui %sign3A_8 : i1 to i32
    %sign3A_10 = arith.constant 0 : i32
    %sign3A_11 = arith.cmpi slt, %jit3A, %sign3A_10 : i32
    %sign3A_12 = arith.extui %sign3A_11 : i1 to i32
    %sign3A_13 = arith.subi %sign3A_9, %sign3A_12 : i32
    %ne3A = arith.cmpi ne, %sign3A_6, %sign3A_13 : i32
    %rem3A = arith.remsi %add3A, %jit3A : i32
    %ne3A_14 = arith.constant 0 : i32
    %ne3A_15 = arith.cmpi ne, %rem3A, %ne3A_14 : i32
    %and3A = arith.andi %ne3A, %ne3A_15 : i1
    %sub3A = arith.constant 1 : i32
    %sub3A_16 = arith.subi %div3A, %sub3A : i32
    %select_n3A = arith.select %and3A, %sub3A_16, %div3A : i32
    %jit3A_17 = arith.constant 4 : i32
    %eq3A = arith.constant 0 : i32
    %eq3A_18 = arith.cmpi eq, %jit3A_17, %eq3A : i32
    %jit3A_19 = arith.constant 1 : i32
    %select_n3A_20 = arith.select %eq3A_18, %jit3A_19, %jit3A_17 : i32
    %rem3A_21 = arith.remsi %add3A, %select_n3A_20 : i32
    %ne3A_22 = arith.constant 0 : i32
    %ne3A_23 = arith.cmpi ne, %rem3A_21, %ne3A_22 : i32
    %lt3A = arith.constant 0 : i32
    %lt3A_24 = arith.cmpi slt, %rem3A_21, %lt3A : i32
    %lt3A_25 = arith.constant 0 : i32
    %lt3A_26 = arith.cmpi slt, %select_n3A_20, %lt3A_25 : i32
    %ne3A_27 = arith.xori %lt3A_24, %lt3A_26 : i1
    %and3A_28 = arith.andi %ne3A_27, %ne3A_23 : i1
    %add3A_29 = arith.addi %rem3A_21, %select_n3A_20 : i32
    %select_n3A_30 = arith.select %and3A_28, %add3A_29, %rem3A_21 : i32
    %mul3A_31 = arith.constant 79872 : i32
    %mul3A_32 = arith.muli %select_n3A, %mul3A_31 : i32
    "tpu.region"() ({
      %run_scoped3A = tpu.sem_alloc : memref<!tpu.dma_semaphore, #tpu.memory_space<semaphore_mem>>
      %dma_start3A = tpu.memref_slice %arg2[%mul3A_32] : memref<638976xf32, #tpu.memory_space<hbm>> -> memref<79872xf32, #tpu.memory_space<hbm>>
      %dma_start3A_51 = tpu.memref_slice %arg2[%mul3A_32] : memref<638976xf32, #tpu.memory_space<hbm>> -> memref<79872xf32, #tpu.memory_space<hbm>>
      tpu.enqueue_dma source(%dma_start3A_51 : memref<79872xf32, #tpu.memory_space<hbm>>) target(%arg4 : memref<79872xf32, #tpu.memory_space<vmem>>) target_semaphore(%run_scoped3A : memref<!tpu.dma_semaphore, #tpu.memory_space<semaphore_mem>>)
      %dma_wait3A = tpu.memref_slice %arg2[%mul3A_32] : memref<638976xf32, #tpu.memory_space<hbm>> -> memref<79872xf32, #tpu.memory_space<hbm>>
      %dma_wait3A_52 = tpu.memref_slice %arg2[%mul3A_32] : memref<638976xf32, #tpu.memory_space<hbm>> -> memref<79872xf32, #tpu.memory_space<hbm>>
      tpu.wait_dma2 semaphore(%run_scoped3A : memref<!tpu.dma_semaphore, #tpu.memory_space<semaphore_mem>>) src(%dma_wait3A_52 : memref<79872xf32, #tpu.memory_space<hbm>>) dst(%arg4 : memref<79872xf32, #tpu.memory_space<vmem>>)
      tpu.yield
    }) : () -> ()
    %iota3A = tpu.iota {dimensions = array<i32: 0>} : vector<16xi32>
    %eq3A_33 = arith.constant 0 : i32
    %eq3A_34 = arith.cmpi eq, %select_n3A_30, %eq3A_33 : i32
    %convert_element_type3A = arith.extui %eq3A_34 : i1 to i32
    %cond3A = arith.constant 0 : i32
    %cond3A_35 = arith.cmpi ne, %convert_element_type3A, %cond3A : i32
    scf.if %cond3A_35 {
      %scan3A = arith.constant 0 : i32
      %scan3A_51 = arith.constant 0 : i32
      %scan3A_52 = arith.constant 56 : i32
      %scan3A_53 = arith.addi %scan3A_51, %scan3A_52 : i32
      %scan3A_54 = arith.constant 1 : i32
      %scan3A_55 = scf.for %scan3A_64 = %scan3A_51 to %scan3A_53 step %scan3A_54 iter_args(%scan3A_65 = %scan3A) -> (i32)  : i32 {
        %add3A_66 = arith.constant 0 : i32
        %add3A_67 = arith.addi %add3A_66, %scan3A_64 : i32
        %scan3A_68 = arith.constant 0 : i32
        %scan3A_69 = arith.constant 0 : i32
        %scan3A_70 = arith.constant 25 : i32
        %scan3A_71 = arith.addi %scan3A_69, %scan3A_70 : i32
        %scan3A_72 = arith.constant 1 : i32
        %scan3A_73 = scf.for %scan3A_76 = %scan3A_69 to %scan3A_71 step %scan3A_72 iter_args(%scan3A_77 = %scan3A_68) -> (i32)  : i32 {
          %mul3A_78 = arith.constant 16 : i32
          %mul3A_79 = arith.muli %scan3A_76, %mul3A_78 : i32
          %add3A_80 = vector.broadcast %mul3A_79 : i32 to vector<16xi32>
          %add3A_81 = arith.addi %add3A_80, %iota3A : vector<16xi32>
          %broadcast_in_dim3A = vector.broadcast %add3A_67 : i32 to vector<16xi32>
          %min3A = arith.minsi %broadcast_in_dim3A, %add3A_81 : vector<16xi32>
          %max3A = arith.maxsi %broadcast_in_dim3A, %add3A_81 : vector<16xi32>
          %mul3A_82 = arith.constant 399 : i32
          %mul3A_83 = vector.broadcast %mul3A_82 : i32 to vector<16xi32>
          %mul3A_84 = arith.muli %mul3A_83, %min3A : vector<16xi32>
          %sub3A_85 = arith.constant 1 : i32
          %sub3A_86 = vector.broadcast %sub3A_85 : i32 to vector<16xi32>
          %sub3A_87 = arith.subi %min3A, %sub3A_86 : vector<16xi32>
          %mul3A_88 = arith.muli %min3A, %sub3A_87 : vector<16xi32>
          %shift_right_arithmetic3A = arith.constant 1 : i32
          %shift_right_arithmetic3A_89 = vector.broadcast %shift_right_arithmetic3A : i32 to vector<16xi32>
          %shift_right_arithmetic3A_90 = arith.shrsi %mul3A_88, %shift_right_arithmetic3A_89 : vector<16xi32>
          %sub3A_91 = arith.subi %mul3A_84, %shift_right_arithmetic3A_90 : vector<16xi32>
          %add3A_92 = arith.addi %sub3A_91, %max3A : vector<16xi32>
          %sub3A_93 = arith.subi %add3A_92, %min3A : vector<16xi32>
          %sub3A_94 = arith.constant 1 : i32
          %sub3A_95 = vector.broadcast %sub3A_94 : i32 to vector<16xi32>
          %sub3A_96 = arith.subi %sub3A_93, %sub3A_95 : vector<16xi32>
          %eq3A_97 = arith.cmpi eq, %broadcast_in_dim3A, %add3A_81 : vector<16xi32>
          %jit3A_98 = arith.constant 79800 : i32
          %broadcast_in_dim3A_99 = vector.broadcast %jit3A_98 : i32 to vector<16xi32>
          %select_n3A_100 = arith.select %eq3A_97, %broadcast_in_dim3A_99, %sub3A_96 : vector<16xi1>, vector<16xi32>
          %gather3A = tpu.vector_load_idx %arg4[%select_n3A_100] : memref<79872xf32, #tpu.memory_space<vmem>>[vector<16xi32>], vector<16xf32>,
          %mul3A_101 = arith.constant 16 : i32
          %mul3A_102 = arith.muli %scan3A_76, %mul3A_101 : i32
          %swap3A = arith.index_cast %scan3A_64 : i32 to index
          %swap3A_103 = arith.index_cast %mul3A_102 : i32 to index
          %swap3A_104 = tpu.vector_load %arg5[%swap3A, %swap3A_103] {strides = array<i32>} : memref<56x400xf32, #tpu.memory_space<vmem>>, vector<16xf32>,
          tpu.vector_store %arg5[%swap3A, %swap3A_103], %gather3A {strides = array<i32>} : memref<56x400xf32, #tpu.memory_space<vmem>>, vector<16xf32>,
          %scan3A_105 = arith.constant 0 : i32
          scf.yield %scan3A_105 : i32
        }
        %scan3A_74 = arith.constant 25 : i32
        %scan3A_75 = arith.constant 0 : i32
        scf.yield %scan3A_75 : i32
      }
      %scan3A_56 = arith.constant 56 : i32
      "tpu.region"() ({
        %run_scoped3A = tpu.sem_alloc : memref<!tpu.dma_semaphore, #tpu.memory_space<semaphore_mem>>
        %dma_start3A = arith.constant 0 : i32
        %dma_start3A_64 = arith.constant 0 : i32
        %dma_start3A_65 = tpu.memref_slice %arg5[%dma_start3A, %dma_start3A_64] : memref<56x400xf32, #tpu.memory_space<vmem>> -> memref<56x400xf32, #tpu.memory_space<vmem>>
        %dma_start3A_66 = arith.constant 0 : i32
        %dma_start3A_67 = arith.constant 0 : i32
        %dma_start3A_68 = tpu.memref_slice %arg3[%select_n3A, %dma_start3A_66, %dma_start3A_67] : memref<8x400x400xf32, #tpu.memory_space<hbm>> -> memref<1x56x400xf32, #tpu.memory_space<hbm>>
        %dma_start3A_69 = tpu.memref_squeeze %dma_start3A_68 : memref<1x56x400xf32, #tpu.memory_space<hbm>> -> memref<56x400xf32, #tpu.memory_space<hbm>>
        %dma_start3A_70 = arith.constant 0 : i32
        %dma_start3A_71 = arith.constant 0 : i32
        %dma_start3A_72 = tpu.memref_slice %arg3[%select_n3A, %dma_start3A_70, %dma_start3A_71] : memref<8x400x400xf32, #tpu.memory_space<hbm>> -> memref<1x56x400xf32, #tpu.memory_space<hbm>>
        %dma_start3A_73 = tpu.memref_squeeze %dma_start3A_72 : memref<1x56x400xf32, #tpu.memory_space<hbm>> -> memref<56x400xf32, #tpu.memory_space<hbm>>
        %dma_start3A_74 = arith.constant 0 : i32
        %dma_start3A_75 = arith.constant 0 : i32
        %dma_start3A_76 = tpu.memref_slice %arg5[%dma_start3A_74, %dma_start3A_75] : memref<56x400xf32, #tpu.memory_space<vmem>> -> memref<56x400xf32, #tpu.memory_space<vmem>>
        tpu.enqueue_dma source(%dma_start3A_76 : memref<56x400xf32, #tpu.memory_space<vmem>>) target(%dma_start3A_73 : memref<56x400xf32, #tpu.memory_space<hbm>>) target_semaphore(%run_scoped3A : memref<!tpu.dma_semaphore, #tpu.memory_space<semaphore_mem>>)
        %dma_wait3A = arith.constant 0 : i32
        %dma_wait3A_77 = arith.constant 0 : i32
        %dma_wait3A_78 = tpu.memref_slice %arg5[%dma_wait3A, %dma_wait3A_77] : memref<56x400xf32, #tpu.memory_space<vmem>> -> memref<56x400xf32, #tpu.memory_space<vmem>>
        %dma_wait3A_79 = arith.constant 0 : i32
        %dma_wait3A_80 = arith.constant 0 : i32
        %dma_wait3A_81 = tpu.memref_slice %arg3[%select_n3A, %dma_wait3A_79, %dma_wait3A_80] : memref<8x400x400xf32, #tpu.memory_space<hbm>> -> memref<1x56x400xf32, #tpu.memory_space<hbm>>
        %dma_wait3A_82 = tpu.memref_squeeze %dma_wait3A_81 : memref<1x56x400xf32, #tpu.memory_space<hbm>> -> memref<56x400xf32, #tpu.memory_space<hbm>>
        %dma_wait3A_83 = arith.constant 0 : i32
        %dma_wait3A_84 = arith.constant 0 : i32
        %dma_wait3A_85 = tpu.memref_slice %arg3[%select_n3A, %dma_wait3A_83, %dma_wait3A_84] : memref<8x400x400xf32, #tpu.memory_space<hbm>> -> memref<1x56x400xf32, #tpu.memory_space<hbm>>
        %dma_wait3A_86 = tpu.memref_squeeze %dma_wait3A_85 : memref<1x56x400xf32, #tpu.memory_space<hbm>> -> memref<56x400xf32, #tpu.memory_space<hbm>>
        %dma_wait3A_87 = arith.constant 0 : i32
        %dma_wait3A_88 = arith.constant 0 : i32
        %dma_wait3A_89 = tpu.memref_slice %arg5[%dma_wait3A_87, %dma_wait3A_88] : memref<56x400xf32, #tpu.memory_space<vmem>> -> memref<56x400xf32, #tpu.memory_space<vmem>>
        tpu.wait_dma2 semaphore(%run_scoped3A : memref<!tpu.dma_semaphore, #tpu.memory_space<semaphore_mem>>) src(%dma_wait3A_89 : memref<56x400xf32, #tpu.memory_space<vmem>>) dst(%dma_wait3A_86 : memref<56x400xf32, #tpu.memory_space<hbm>>)
        tpu.yield
      }) : () -> ()
      %scan3A_57 = arith.constant 0 : i32
      %scan3A_58 = arith.constant 0 : i32
      %scan3A_59 = arith.constant 48 : i32
      %scan3A_60 = arith.addi %scan3A_58, %scan3A_59 : i32
      %scan3A_61 = arith.constant 1 : i32
      %scan3A_62 = scf.for %scan3A_64 = %scan3A_58 to %scan3A_60 step %scan3A_61 iter_args(%scan3A_65 = %scan3A_57) -> (i32)  : i32 {
        %add3A_66 = arith.constant 56 : i32
        %add3A_67 = arith.addi %add3A_66, %scan3A_64 : i32
        %scan3A_68 = arith.constant 0 : i32
        %scan3A_69 = arith.constant 0 : i32
        %scan3A_70 = arith.constant 25 : i32
        %scan3A_71 = arith.addi %scan3A_69, %scan3A_70 : i32
        %scan3A_72 = arith.constant 1 : i32
        %scan3A_73 = scf.for %scan3A_76 = %scan3A_69 to %scan3A_71 step %scan3A_72 iter_args(%scan3A_77 = %scan3A_68) -> (i32)  : i32 {
          %mul3A_78 = arith.constant 16 : i32
          %mul3A_79 = arith.muli %scan3A_76, %mul3A_78 : i32
          %add3A_80 = vector.broadcast %mul3A_79 : i32 to vector<16xi32>
          %add3A_81 = arith.addi %add3A_80, %iota3A : vector<16xi32>
          %broadcast_in_dim3A = vector.broadcast %add3A_67 : i32 to vector<16xi32>
          %min3A = arith.minsi %broadcast_in_dim3A, %add3A_81 : vector<16xi32>
          %max3A = arith.maxsi %broadcast_in_dim3A, %add3A_81 : vector<16xi32>
          %mul3A_82 = arith.constant 399 : i32
          %mul3A_83 = vector.broadcast %mul3A_82 : i32 to vector<16xi32>
          %mul3A_84 = arith.muli %mul3A_83, %min3A : vector<16xi32>
          %sub3A_85 = arith.constant 1 : i32
          %sub3A_86 = vector.broadcast %sub3A_85 : i32 to vector<16xi32>
          %sub3A_87 = arith.subi %min3A, %sub3A_86 : vector<16xi32>
          %mul3A_88 = arith.muli %min3A, %sub3A_87 : vector<16xi32>
          %shift_right_arithmetic3A = arith.constant 1 : i32
          %shift_right_arithmetic3A_89 = vector.broadcast %shift_right_arithmetic3A : i32 to vector<16xi32>
          %shift_right_arithmetic3A_90 = arith.shrsi %mul3A_88, %shift_right_arithmetic3A_89 : vector<16xi32>
          %sub3A_91 = arith.subi %mul3A_84, %shift_right_arithmetic3A_90 : vector<16xi32>
          %add3A_92 = arith.addi %sub3A_91, %max3A : vector<16xi32>
          %sub3A_93 = arith.subi %add3A_92, %min3A : vector<16xi32>
          %sub3A_94 = arith.constant 1 : i32
          %sub3A_95 = vector.broadcast %sub3A_94 : i32 to vector<16xi32>
          %sub3A_96 = arith.subi %sub3A_93, %sub3A_95 : vector<16xi32>
          %eq3A_97 = arith.cmpi eq, %broadcast_in_dim3A, %add3A_81 : vector<16xi32>
          %jit3A_98 = arith.constant 79800 : i32
          %broadcast_in_dim3A_99 = vector.broadcast %jit3A_98 : i32 to vector<16xi32>
          %select_n3A_100 = arith.select %eq3A_97, %broadcast_in_dim3A_99, %sub3A_96 : vector<16xi1>, vector<16xi32>
          %gather3A = tpu.vector_load_idx %arg4[%select_n3A_100] : memref<79872xf32, #tpu.memory_space<vmem>>[vector<16xi32>], vector<16xf32>,
          %mul3A_101 = arith.constant 16 : i32
          %mul3A_102 = arith.muli %scan3A_76, %mul3A_101 : i32
          %swap3A = arith.index_cast %scan3A_64 : i32 to index
          %swap3A_103 = arith.index_cast %mul3A_102 : i32 to index
          %swap3A_104 = tpu.vector_load %arg5[%swap3A, %swap3A_103] {strides = array<i32>} : memref<56x400xf32, #tpu.memory_space<vmem>>, vector<16xf32>,
          tpu.vector_store %arg5[%swap3A, %swap3A_103], %gather3A {strides = array<i32>} : memref<56x400xf32, #tpu.memory_space<vmem>>, vector<16xf32>,
          %scan3A_105 = arith.constant 0 : i32
          scf.yield %scan3A_105 : i32
        }
        %scan3A_74 = arith.constant 25 : i32
        %scan3A_75 = arith.constant 0 : i32
        scf.yield %scan3A_75 : i32
      }
      %scan3A_63 = arith.constant 48 : i32
      "tpu.region"() ({
        %run_scoped3A = tpu.sem_alloc : memref<!tpu.dma_semaphore, #tpu.memory_space<semaphore_mem>>
        %dma_start3A = arith.constant 0 : i32
        %dma_start3A_64 = arith.constant 0 : i32
        %dma_start3A_65 = tpu.memref_slice %arg5[%dma_start3A, %dma_start3A_64] : memref<56x400xf32, #tpu.memory_space<vmem>> -> memref<48x400xf32, #tpu.memory_space<vmem>>
        %dma_start3A_66 = arith.constant 56 : i32
        %dma_start3A_67 = arith.constant 0 : i32
        %dma_start3A_68 = tpu.memref_slice %arg3[%select_n3A, %dma_start3A_66, %dma_start3A_67] : memref<8x400x400xf32, #tpu.memory_space<hbm>> -> memref<1x48x400xf32, #tpu.memory_space<hbm>>
        %dma_start3A_69 = tpu.memref_squeeze %dma_start3A_68 : memref<1x48x400xf32, #tpu.memory_space<hbm>> -> memref<48x400xf32, #tpu.memory_space<hbm>>
        %dma_start3A_70 = arith.constant 56 : i32
        %dma_start3A_71 = arith.constant 0 : i32
        %dma_start3A_72 = tpu.memref_slice %arg3[%select_n3A, %dma_start3A_70, %dma_start3A_71] : memref<8x400x400xf32, #tpu.memory_space<hbm>> -> memref<1x48x400xf32, #tpu.memory_space<hbm>>
        %dma_start3A_73 = tpu.memref_squeeze %dma_start3A_72 : memref<1x48x400xf32, #tpu.memory_space<hbm>> -> memref<48x400xf32, #tpu.memory_space<hbm>>
        %dma_start3A_74 = arith.constant 0 : i32
        %dma_start3A_75 = arith.constant 0 : i32
        %dma_start3A_76 = tpu.memref_slice %arg5[%dma_start3A_74, %dma_start3A_75] : memref<56x400xf32, #tpu.memory_space<vmem>> -> memref<48x400xf32, #tpu.memory_space<vmem>>
        tpu.enqueue_dma source(%dma_start3A_76 : memref<48x400xf32, #tpu.memory_space<vmem>>) target(%dma_start3A_73 : memref<48x400xf32, #tpu.memory_space<hbm>>) target_semaphore(%run_scoped3A : memref<!tpu.dma_semaphore, #tpu.memory_space<semaphore_mem>>)
        %dma_wait3A = arith.constant 0 : i32
        %dma_wait3A_77 = arith.constant 0 : i32
        %dma_wait3A_78 = tpu.memref_slice %arg5[%dma_wait3A, %dma_wait3A_77] : memref<56x400xf32, #tpu.memory_space<vmem>> -> memref<48x400xf32, #tpu.memory_space<vmem>>
        %dma_wait3A_79 = arith.constant 56 : i32
        %dma_wait3A_80 = arith.constant 0 : i32
        %dma_wait3A_81 = tpu.memref_slice %arg3[%select_n3A, %dma_wait3A_79, %dma_wait3A_80] : memref<8x400x400xf32, #tpu.memory_space<hbm>> -> memref<1x48x400xf32, #tpu.memory_space<hbm>>
        %dma_wait3A_82 = tpu.memref_squeeze %dma_wait3A_81 : memref<1x48x400xf32, #tpu.memory_space<hbm>> -> memref<48x400xf32, #tpu.memory_space<hbm>>
        %dma_wait3A_83 = arith.constant 56 : i32
        %dma_wait3A_84 = arith.constant 0 : i32
        %dma_wait3A_85 = tpu.memref_slice %arg3[%select_n3A, %dma_wait3A_83, %dma_wait3A_84] : memref<8x400x400xf32, #tpu.memory_space<hbm>> -> memref<1x48x400xf32, #tpu.memory_space<hbm>>
        %dma_wait3A_86 = tpu.memref_squeeze %dma_wait3A_85 : memref<1x48x400xf32, #tpu.memory_space<hbm>> -> memref<48x400xf32, #tpu.memory_space<hbm>>
        %dma_wait3A_87 = arith.constant 0 : i32
        %dma_wait3A_88 = arith.constant 0 : i32
        %dma_wait3A_89 = tpu.memref_slice %arg5[%dma_wait3A_87, %dma_wait3A_88] : memref<56x400xf32, #tpu.memory_space<vmem>> -> memref<48x400xf32, #tpu.memory_space<vmem>>
        tpu.wait_dma2 semaphore(%run_scoped3A : memref<!tpu.dma_semaphore, #tpu.memory_space<semaphore_mem>>) src(%dma_wait3A_89 : memref<48x400xf32, #tpu.memory_space<vmem>>) dst(%dma_wait3A_86 : memref<48x400xf32, #tpu.memory_space<hbm>>)
        tpu.yield
      }) : () -> ()
    } else {
    }
    %eq3A_36 = arith.constant 1 : i32
    %eq3A_37 = arith.cmpi eq, %select_n3A_30, %eq3A_36 : i32
    %convert_element_type3A_38 = arith.extui %eq3A_37 : i1 to i32
    %cond3A_39 = arith.constant 0 : i32
    %cond3A_40 = arith.cmpi ne, %convert_element_type3A_38, %cond3A_39 : i32
    scf.if %cond3A_40 {
      %scan3A = arith.constant 0 : i32
      %scan3A_51 = arith.constant 0 : i32
      %scan3A_52 = arith.constant 56 : i32
      %scan3A_53 = arith.addi %scan3A_51, %scan3A_52 : i32
      %scan3A_54 = arith.constant 1 : i32
      %scan3A_55 = scf.for %scan3A_64 = %scan3A_51 to %scan3A_53 step %scan3A_54 iter_args(%scan3A_65 = %scan3A) -> (i32)  : i32 {
        %add3A_66 = arith.constant 104 : i32
        %add3A_67 = arith.addi %add3A_66, %scan3A_64 : i32
        %scan3A_68 = arith.constant 0 : i32
        %scan3A_69 = arith.constant 0 : i32
        %scan3A_70 = arith.constant 25 : i32
        %scan3A_71 = arith.addi %scan3A_69, %scan3A_70 : i32
        %scan3A_72 = arith.constant 1 : i32
        %scan3A_73 = scf.for %scan3A_76 = %scan3A_69 to %scan3A_71 step %scan3A_72 iter_args(%scan3A_77 = %scan3A_68) -> (i32)  : i32 {
          %mul3A_78 = arith.constant 16 : i32
          %mul3A_79 = arith.muli %scan3A_76, %mul3A_78 : i32
          %add3A_80 = vector.broadcast %mul3A_79 : i32 to vector<16xi32>
          %add3A_81 = arith.addi %add3A_80, %iota3A : vector<16xi32>
          %broadcast_in_dim3A = vector.broadcast %add3A_67 : i32 to vector<16xi32>
          %min3A = arith.minsi %broadcast_in_dim3A, %add3A_81 : vector<16xi32>
          %max3A = arith.maxsi %broadcast_in_dim3A, %add3A_81 : vector<16xi32>
          %mul3A_82 = arith.constant 399 : i32
          %mul3A_83 = vector.broadcast %mul3A_82 : i32 to vector<16xi32>
          %mul3A_84 = arith.muli %mul3A_83, %min3A : vector<16xi32>
          %sub3A_85 = arith.constant 1 : i32
          %sub3A_86 = vector.broadcast %sub3A_85 : i32 to vector<16xi32>
          %sub3A_87 = arith.subi %min3A, %sub3A_86 : vector<16xi32>
          %mul3A_88 = arith.muli %min3A, %sub3A_87 : vector<16xi32>
          %shift_right_arithmetic3A = arith.constant 1 : i32
          %shift_right_arithmetic3A_89 = vector.broadcast %shift_right_arithmetic3A : i32 to vector<16xi32>
          %shift_right_arithmetic3A_90 = arith.shrsi %mul3A_88, %shift_right_arithmetic3A_89 : vector<16xi32>
          %sub3A_91 = arith.subi %mul3A_84, %shift_right_arithmetic3A_90 : vector<16xi32>
          %add3A_92 = arith.addi %sub3A_91, %max3A : vector<16xi32>
          %sub3A_93 = arith.subi %add3A_92, %min3A : vector<16xi32>
          %sub3A_94 = arith.constant 1 : i32
          %sub3A_95 = vector.broadcast %sub3A_94 : i32 to vector<16xi32>
          %sub3A_96 = arith.subi %sub3A_93, %sub3A_95 : vector<16xi32>
          %eq3A_97 = arith.cmpi eq, %broadcast_in_dim3A, %add3A_81 : vector<16xi32>
          %jit3A_98 = arith.constant 79800 : i32
          %broadcast_in_dim3A_99 = vector.broadcast %jit3A_98 : i32 to vector<16xi32>
          %select_n3A_100 = arith.select %eq3A_97, %broadcast_in_dim3A_99, %sub3A_96 : vector<16xi1>, vector<16xi32>
          %gather3A = tpu.vector_load_idx %arg4[%select_n3A_100] : memref<79872xf32, #tpu.memory_space<vmem>>[vector<16xi32>], vector<16xf32>,
          %mul3A_101 = arith.constant 16 : i32
          %mul3A_102 = arith.muli %scan3A_76, %mul3A_101 : i32
          %swap3A = arith.index_cast %scan3A_64 : i32 to index
          %swap3A_103 = arith.index_cast %mul3A_102 : i32 to index
          %swap3A_104 = tpu.vector_load %arg5[%swap3A, %swap3A_103] {strides = array<i32>} : memref<56x400xf32, #tpu.memory_space<vmem>>, vector<16xf32>,
          tpu.vector_store %arg5[%swap3A, %swap3A_103], %gather3A {strides = array<i32>} : memref<56x400xf32, #tpu.memory_space<vmem>>, vector<16xf32>,
          %scan3A_105 = arith.constant 0 : i32
          scf.yield %scan3A_105 : i32
        }
        %scan3A_74 = arith.constant 25 : i32
        %scan3A_75 = arith.constant 0 : i32
        scf.yield %scan3A_75 : i32
      }
      %scan3A_56 = arith.constant 56 : i32
      "tpu.region"() ({
        %run_scoped3A = tpu.sem_alloc : memref<!tpu.dma_semaphore, #tpu.memory_space<semaphore_mem>>
        %dma_start3A = arith.constant 0 : i32
        %dma_start3A_64 = arith.constant 0 : i32
        %dma_start3A_65 = tpu.memref_slice %arg5[%dma_start3A, %dma_start3A_64] : memref<56x400xf32, #tpu.memory_space<vmem>> -> memref<56x400xf32, #tpu.memory_space<vmem>>
        %dma_start3A_66 = arith.constant 104 : i32
        %dma_start3A_67 = arith.constant 0 : i32
        %dma_start3A_68 = tpu.memref_slice %arg3[%select_n3A, %dma_start3A_66, %dma_start3A_67] : memref<8x400x400xf32, #tpu.memory_space<hbm>> -> memref<1x56x400xf32, #tpu.memory_space<hbm>>
        %dma_start3A_69 = tpu.memref_squeeze %dma_start3A_68 : memref<1x56x400xf32, #tpu.memory_space<hbm>> -> memref<56x400xf32, #tpu.memory_space<hbm>>
        %dma_start3A_70 = arith.constant 104 : i32
        %dma_start3A_71 = arith.constant 0 : i32
        %dma_start3A_72 = tpu.memref_slice %arg3[%select_n3A, %dma_start3A_70, %dma_start3A_71] : memref<8x400x400xf32, #tpu.memory_space<hbm>> -> memref<1x56x400xf32, #tpu.memory_space<hbm>>
        %dma_start3A_73 = tpu.memref_squeeze %dma_start3A_72 : memref<1x56x400xf32, #tpu.memory_space<hbm>> -> memref<56x400xf32, #tpu.memory_space<hbm>>
        %dma_start3A_74 = arith.constant 0 : i32
        %dma_start3A_75 = arith.constant 0 : i32
        %dma_start3A_76 = tpu.memref_slice %arg5[%dma_start3A_74, %dma_start3A_75] : memref<56x400xf32, #tpu.memory_space<vmem>> -> memref<56x400xf32, #tpu.memory_space<vmem>>
        tpu.enqueue_dma source(%dma_start3A_76 : memref<56x400xf32, #tpu.memory_space<vmem>>) target(%dma_start3A_73 : memref<56x400xf32, #tpu.memory_space<hbm>>) target_semaphore(%run_scoped3A : memref<!tpu.dma_semaphore, #tpu.memory_space<semaphore_mem>>)
        %dma_wait3A = arith.constant 0 : i32
        %dma_wait3A_77 = arith.constant 0 : i32
        %dma_wait3A_78 = tpu.memref_slice %arg5[%dma_wait3A, %dma_wait3A_77] : memref<56x400xf32, #tpu.memory_space<vmem>> -> memref<56x400xf32, #tpu.memory_space<vmem>>
        %dma_wait3A_79 = arith.constant 104 : i32
        %dma_wait3A_80 = arith.constant 0 : i32
        %dma_wait3A_81 = tpu.memref_slice %arg3[%select_n3A, %dma_wait3A_79, %dma_wait3A_80] : memref<8x400x400xf32, #tpu.memory_space<hbm>> -> memref<1x56x400xf32, #tpu.memory_space<hbm>>
        %dma_wait3A_82 = tpu.memref_squeeze %dma_wait3A_81 : memref<1x56x400xf32, #tpu.memory_space<hbm>> -> memref<56x400xf32, #tpu.memory_space<hbm>>
        %dma_wait3A_83 = arith.constant 104 : i32
        %dma_wait3A_84 = arith.constant 0 : i32
        %dma_wait3A_85 = tpu.memref_slice %arg3[%select_n3A, %dma_wait3A_83, %dma_wait3A_84] : memref<8x400x400xf32, #tpu.memory_space<hbm>> -> memref<1x56x400xf32, #tpu.memory_space<hbm>>
        %dma_wait3A_86 = tpu.memref_squeeze %dma_wait3A_85 : memref<1x56x400xf32, #tpu.memory_space<hbm>> -> memref<56x400xf32, #tpu.memory_space<hbm>>
        %dma_wait3A_87 = arith.constant 0 : i32
        %dma_wait3A_88 = arith.constant 0 : i32
        %dma_wait3A_89 = tpu.memref_slice %arg5[%dma_wait3A_87, %dma_wait3A_88] : memref<56x400xf32, #tpu.memory_space<vmem>> -> memref<56x400xf32, #tpu.memory_space<vmem>>
        tpu.wait_dma2 semaphore(%run_scoped3A : memref<!tpu.dma_semaphore, #tpu.memory_space<semaphore_mem>>) src(%dma_wait3A_89 : memref<56x400xf32, #tpu.memory_space<vmem>>) dst(%dma_wait3A_86 : memref<56x400xf32, #tpu.memory_space<hbm>>)
        tpu.yield
      }) : () -> ()
      %scan3A_57 = arith.constant 0 : i32
      %scan3A_58 = arith.constant 0 : i32
      %scan3A_59 = arith.constant 48 : i32
      %scan3A_60 = arith.addi %scan3A_58, %scan3A_59 : i32
      %scan3A_61 = arith.constant 1 : i32
      %scan3A_62 = scf.for %scan3A_64 = %scan3A_58 to %scan3A_60 step %scan3A_61 iter_args(%scan3A_65 = %scan3A_57) -> (i32)  : i32 {
        %add3A_66 = arith.constant 160 : i32
        %add3A_67 = arith.addi %add3A_66, %scan3A_64 : i32
        %scan3A_68 = arith.constant 0 : i32
        %scan3A_69 = arith.constant 0 : i32
        %scan3A_70 = arith.constant 25 : i32
        %scan3A_71 = arith.addi %scan3A_69, %scan3A_70 : i32
        %scan3A_72 = arith.constant 1 : i32
        %scan3A_73 = scf.for %scan3A_76 = %scan3A_69 to %scan3A_71 step %scan3A_72 iter_args(%scan3A_77 = %scan3A_68) -> (i32)  : i32 {
          %mul3A_78 = arith.constant 16 : i32
          %mul3A_79 = arith.muli %scan3A_76, %mul3A_78 : i32
          %add3A_80 = vector.broadcast %mul3A_79 : i32 to vector<16xi32>
          %add3A_81 = arith.addi %add3A_80, %iota3A : vector<16xi32>
          %broadcast_in_dim3A = vector.broadcast %add3A_67 : i32 to vector<16xi32>
          %min3A = arith.minsi %broadcast_in_dim3A, %add3A_81 : vector<16xi32>
          %max3A = arith.maxsi %broadcast_in_dim3A, %add3A_81 : vector<16xi32>
          %mul3A_82 = arith.constant 399 : i32
          %mul3A_83 = vector.broadcast %mul3A_82 : i32 to vector<16xi32>
          %mul3A_84 = arith.muli %mul3A_83, %min3A : vector<16xi32>
          %sub3A_85 = arith.constant 1 : i32
          %sub3A_86 = vector.broadcast %sub3A_85 : i32 to vector<16xi32>
          %sub3A_87 = arith.subi %min3A, %sub3A_86 : vector<16xi32>
          %mul3A_88 = arith.muli %min3A, %sub3A_87 : vector<16xi32>
          %shift_right_arithmetic3A = arith.constant 1 : i32
          %shift_right_arithmetic3A_89 = vector.broadcast %shift_right_arithmetic3A : i32 to vector<16xi32>
          %shift_right_arithmetic3A_90 = arith.shrsi %mul3A_88, %shift_right_arithmetic3A_89 : vector<16xi32>
          %sub3A_91 = arith.subi %mul3A_84, %shift_right_arithmetic3A_90 : vector<16xi32>
          %add3A_92 = arith.addi %sub3A_91, %max3A : vector<16xi32>
          %sub3A_93 = arith.subi %add3A_92, %min3A : vector<16xi32>
          %sub3A_94 = arith.constant 1 : i32
          %sub3A_95 = vector.broadcast %sub3A_94 : i32 to vector<16xi32>
          %sub3A_96 = arith.subi %sub3A_93, %sub3A_95 : vector<16xi32>
          %eq3A_97 = arith.cmpi eq, %broadcast_in_dim3A, %add3A_81 : vector<16xi32>
          %jit3A_98 = arith.constant 79800 : i32
          %broadcast_in_dim3A_99 = vector.broadcast %jit3A_98 : i32 to vector<16xi32>
          %select_n3A_100 = arith.select %eq3A_97, %broadcast_in_dim3A_99, %sub3A_96 : vector<16xi1>, vector<16xi32>
          %gather3A = tpu.vector_load_idx %arg4[%select_n3A_100] : memref<79872xf32, #tpu.memory_space<vmem>>[vector<16xi32>], vector<16xf32>,
          %mul3A_101 = arith.constant 16 : i32
          %mul3A_102 = arith.muli %scan3A_76, %mul3A_101 : i32
          %swap3A = arith.index_cast %scan3A_64 : i32 to index
          %swap3A_103 = arith.index_cast %mul3A_102 : i32 to index
          %swap3A_104 = tpu.vector_load %arg5[%swap3A, %swap3A_103] {strides = array<i32>} : memref<56x400xf32, #tpu.memory_space<vmem>>, vector<16xf32>,
          tpu.vector_store %arg5[%swap3A, %swap3A_103], %gather3A {strides = array<i32>} : memref<56x400xf32, #tpu.memory_space<vmem>>, vector<16xf32>,
          %scan3A_105 = arith.constant 0 : i32
          scf.yield %scan3A_105 : i32
        }
        %scan3A_74 = arith.constant 25 : i32
        %scan3A_75 = arith.constant 0 : i32
        scf.yield %scan3A_75 : i32
      }
      %scan3A_63 = arith.constant 48 : i32
      "tpu.region"() ({
        %run_scoped3A = tpu.sem_alloc : memref<!tpu.dma_semaphore, #tpu.memory_space<semaphore_mem>>
        %dma_start3A = arith.constant 0 : i32
        %dma_start3A_64 = arith.constant 0 : i32
        %dma_start3A_65 = tpu.memref_slice %arg5[%dma_start3A, %dma_start3A_64] : memref<56x400xf32, #tpu.memory_space<vmem>> -> memref<48x400xf32, #tpu.memory_space<vmem>>
        %dma_start3A_66 = arith.constant 160 : i32
        %dma_start3A_67 = arith.constant 0 : i32
        %dma_start3A_68 = tpu.memref_slice %arg3[%select_n3A, %dma_start3A_66, %dma_start3A_67] : memref<8x400x400xf32, #tpu.memory_space<hbm>> -> memref<1x48x400xf32, #tpu.memory_space<hbm>>
        %dma_start3A_69 = tpu.memref_squeeze %dma_start3A_68 : memref<1x48x400xf32, #tpu.memory_space<hbm>> -> memref<48x400xf32, #tpu.memory_space<hbm>>
        %dma_start3A_70 = arith.constant 160 : i32
        %dma_start3A_71 = arith.constant 0 : i32
        %dma_start3A_72 = tpu.memref_slice %arg3[%select_n3A, %dma_start3A_70, %dma_start3A_71] : memref<8x400x400xf32, #tpu.memory_space<hbm>> -> memref<1x48x400xf32, #tpu.memory_space<hbm>>
        %dma_start3A_73 = tpu.memref_squeeze %dma_start3A_72 : memref<1x48x400xf32, #tpu.memory_space<hbm>> -> memref<48x400xf32, #tpu.memory_space<hbm>>
        %dma_start3A_74 = arith.constant 0 : i32
        %dma_start3A_75 = arith.constant 0 : i32
        %dma_start3A_76 = tpu.memref_slice %arg5[%dma_start3A_74, %dma_start3A_75] : memref<56x400xf32, #tpu.memory_space<vmem>> -> memref<48x400xf32, #tpu.memory_space<vmem>>
        tpu.enqueue_dma source(%dma_start3A_76 : memref<48x400xf32, #tpu.memory_space<vmem>>) target(%dma_start3A_73 : memref<48x400xf32, #tpu.memory_space<hbm>>) target_semaphore(%run_scoped3A : memref<!tpu.dma_semaphore, #tpu.memory_space<semaphore_mem>>)
        %dma_wait3A = arith.constant 0 : i32
        %dma_wait3A_77 = arith.constant 0 : i32
        %dma_wait3A_78 = tpu.memref_slice %arg5[%dma_wait3A, %dma_wait3A_77] : memref<56x400xf32, #tpu.memory_space<vmem>> -> memref<48x400xf32, #tpu.memory_space<vmem>>
        %dma_wait3A_79 = arith.constant 160 : i32
        %dma_wait3A_80 = arith.constant 0 : i32
        %dma_wait3A_81 = tpu.memref_slice %arg3[%select_n3A, %dma_wait3A_79, %dma_wait3A_80] : memref<8x400x400xf32, #tpu.memory_space<hbm>> -> memref<1x48x400xf32, #tpu.memory_space<hbm>>
        %dma_wait3A_82 = tpu.memref_squeeze %dma_wait3A_81 : memref<1x48x400xf32, #tpu.memory_space<hbm>> -> memref<48x400xf32, #tpu.memory_space<hbm>>
        %dma_wait3A_83 = arith.constant 160 : i32
        %dma_wait3A_84 = arith.constant 0 : i32
        %dma_wait3A_85 = tpu.memref_slice %arg3[%select_n3A, %dma_wait3A_83, %dma_wait3A_84] : memref<8x400x400xf32, #tpu.memory_space<hbm>> -> memref<1x48x400xf32, #tpu.memory_space<hbm>>
        %dma_wait3A_86 = tpu.memref_squeeze %dma_wait3A_85 : memref<1x48x400xf32, #tpu.memory_space<hbm>> -> memref<48x400xf32, #tpu.memory_space<hbm>>
        %dma_wait3A_87 = arith.constant 0 : i32
        %dma_wait3A_88 = arith.constant 0 : i32
        %dma_wait3A_89 = tpu.memref_slice %arg5[%dma_wait3A_87, %dma_wait3A_88] : memref<56x400xf32, #tpu.memory_space<vmem>> -> memref<48x400xf32, #tpu.memory_space<vmem>>
        tpu.wait_dma2 semaphore(%run_scoped3A : memref<!tpu.dma_semaphore, #tpu.memory_space<semaphore_mem>>) src(%dma_wait3A_89 : memref<48x400xf32, #tpu.memory_space<vmem>>) dst(%dma_wait3A_86 : memref<48x400xf32, #tpu.memory_space<hbm>>)
        tpu.yield
      }) : () -> ()
    } else {
    }
    %eq3A_41 = arith.constant 2 : i32
    %eq3A_42 = arith.cmpi eq, %select_n3A_30, %eq3A_41 : i32
    %convert_element_type3A_43 = arith.extui %eq3A_42 : i1 to i32
    %cond3A_44 = arith.constant 0 : i32
    %cond3A_45 = arith.cmpi ne, %convert_element_type3A_43, %cond3A_44 : i32
    scf.if %cond3A_45 {
      %scan3A = arith.constant 0 : i32
      %scan3A_51 = arith.constant 0 : i32
      %scan3A_52 = arith.constant 48 : i32
      %scan3A_53 = arith.addi %scan3A_51, %scan3A_52 : i32
      %scan3A_54 = arith.constant 1 : i32
      %scan3A_55 = scf.for %scan3A_64 = %scan3A_51 to %scan3A_53 step %scan3A_54 iter_args(%scan3A_65 = %scan3A) -> (i32)  : i32 {
        %add3A_66 = arith.constant 208 : i32
        %add3A_67 = arith.addi %add3A_66, %scan3A_64 : i32
        %scan3A_68 = arith.constant 0 : i32
        %scan3A_69 = arith.constant 0 : i32
        %scan3A_70 = arith.constant 25 : i32
        %scan3A_71 = arith.addi %scan3A_69, %scan3A_70 : i32
        %scan3A_72 = arith.constant 1 : i32
        %scan3A_73 = scf.for %scan3A_76 = %scan3A_69 to %scan3A_71 step %scan3A_72 iter_args(%scan3A_77 = %scan3A_68) -> (i32)  : i32 {
          %mul3A_78 = arith.constant 16 : i32
          %mul3A_79 = arith.muli %scan3A_76, %mul3A_78 : i32
          %add3A_80 = vector.broadcast %mul3A_79 : i32 to vector<16xi32>
          %add3A_81 = arith.addi %add3A_80, %iota3A : vector<16xi32>
          %broadcast_in_dim3A = vector.broadcast %add3A_67 : i32 to vector<16xi32>
          %min3A = arith.minsi %broadcast_in_dim3A, %add3A_81 : vector<16xi32>
          %max3A = arith.maxsi %broadcast_in_dim3A, %add3A_81 : vector<16xi32>
          %mul3A_82 = arith.constant 399 : i32
          %mul3A_83 = vector.broadcast %mul3A_82 : i32 to vector<16xi32>
          %mul3A_84 = arith.muli %mul3A_83, %min3A : vector<16xi32>
          %sub3A_85 = arith.constant 1 : i32
          %sub3A_86 = vector.broadcast %sub3A_85 : i32 to vector<16xi32>
          %sub3A_87 = arith.subi %min3A, %sub3A_86 : vector<16xi32>
          %mul3A_88 = arith.muli %min3A, %sub3A_87 : vector<16xi32>
          %shift_right_arithmetic3A = arith.constant 1 : i32
          %shift_right_arithmetic3A_89 = vector.broadcast %shift_right_arithmetic3A : i32 to vector<16xi32>
          %shift_right_arithmetic3A_90 = arith.shrsi %mul3A_88, %shift_right_arithmetic3A_89 : vector<16xi32>
          %sub3A_91 = arith.subi %mul3A_84, %shift_right_arithmetic3A_90 : vector<16xi32>
          %add3A_92 = arith.addi %sub3A_91, %max3A : vector<16xi32>
          %sub3A_93 = arith.subi %add3A_92, %min3A : vector<16xi32>
          %sub3A_94 = arith.constant 1 : i32
          %sub3A_95 = vector.broadcast %sub3A_94 : i32 to vector<16xi32>
          %sub3A_96 = arith.subi %sub3A_93, %sub3A_95 : vector<16xi32>
          %eq3A_97 = arith.cmpi eq, %broadcast_in_dim3A, %add3A_81 : vector<16xi32>
          %jit3A_98 = arith.constant 79800 : i32
          %broadcast_in_dim3A_99 = vector.broadcast %jit3A_98 : i32 to vector<16xi32>
          %select_n3A_100 = arith.select %eq3A_97, %broadcast_in_dim3A_99, %sub3A_96 : vector<16xi1>, vector<16xi32>
          %gather3A = tpu.vector_load_idx %arg4[%select_n3A_100] : memref<79872xf32, #tpu.memory_space<vmem>>[vector<16xi32>], vector<16xf32>,
          %mul3A_101 = arith.constant 16 : i32
          %mul3A_102 = arith.muli %scan3A_76, %mul3A_101 : i32
          %swap3A = arith.index_cast %scan3A_64 : i32 to index
          %swap3A_103 = arith.index_cast %mul3A_102 : i32 to index
          %swap3A_104 = tpu.vector_load %arg5[%swap3A, %swap3A_103] {strides = array<i32>} : memref<56x400xf32, #tpu.memory_space<vmem>>, vector<16xf32>,
          tpu.vector_store %arg5[%swap3A, %swap3A_103], %gather3A {strides = array<i32>} : memref<56x400xf32, #tpu.memory_space<vmem>>, vector<16xf32>,
          %scan3A_105 = arith.constant 0 : i32
          scf.yield %scan3A_105 : i32
        }
        %scan3A_74 = arith.constant 25 : i32
        %scan3A_75 = arith.constant 0 : i32
        scf.yield %scan3A_75 : i32
      }
      %scan3A_56 = arith.constant 48 : i32
      "tpu.region"() ({
        %run_scoped3A = tpu.sem_alloc : memref<!tpu.dma_semaphore, #tpu.memory_space<semaphore_mem>>
        %dma_start3A = arith.constant 0 : i32
        %dma_start3A_64 = arith.constant 0 : i32
        %dma_start3A_65 = tpu.memref_slice %arg5[%dma_start3A, %dma_start3A_64] : memref<56x400xf32, #tpu.memory_space<vmem>> -> memref<48x400xf32, #tpu.memory_space<vmem>>
        %dma_start3A_66 = arith.constant 208 : i32
        %dma_start3A_67 = arith.constant 0 : i32
        %dma_start3A_68 = tpu.memref_slice %arg3[%select_n3A, %dma_start3A_66, %dma_start3A_67] : memref<8x400x400xf32, #tpu.memory_space<hbm>> -> memref<1x48x400xf32, #tpu.memory_space<hbm>>
        %dma_start3A_69 = tpu.memref_squeeze %dma_start3A_68 : memref<1x48x400xf32, #tpu.memory_space<hbm>> -> memref<48x400xf32, #tpu.memory_space<hbm>>
        %dma_start3A_70 = arith.constant 208 : i32
        %dma_start3A_71 = arith.constant 0 : i32
        %dma_start3A_72 = tpu.memref_slice %arg3[%select_n3A, %dma_start3A_70, %dma_start3A_71] : memref<8x400x400xf32, #tpu.memory_space<hbm>> -> memref<1x48x400xf32, #tpu.memory_space<hbm>>
        %dma_start3A_73 = tpu.memref_squeeze %dma_start3A_72 : memref<1x48x400xf32, #tpu.memory_space<hbm>> -> memref<48x400xf32, #tpu.memory_space<hbm>>
        %dma_start3A_74 = arith.constant 0 : i32
        %dma_start3A_75 = arith.constant 0 : i32
        %dma_start3A_76 = tpu.memref_slice %arg5[%dma_start3A_74, %dma_start3A_75] : memref<56x400xf32, #tpu.memory_space<vmem>> -> memref<48x400xf32, #tpu.memory_space<vmem>>
        tpu.enqueue_dma source(%dma_start3A_76 : memref<48x400xf32, #tpu.memory_space<vmem>>) target(%dma_start3A_73 : memref<48x400xf32, #tpu.memory_space<hbm>>) target_semaphore(%run_scoped3A : memref<!tpu.dma_semaphore, #tpu.memory_space<semaphore_mem>>)
        %dma_wait3A = arith.constant 0 : i32
        %dma_wait3A_77 = arith.constant 0 : i32
        %dma_wait3A_78 = tpu.memref_slice %arg5[%dma_wait3A, %dma_wait3A_77] : memref<56x400xf32, #tpu.memory_space<vmem>> -> memref<48x400xf32, #tpu.memory_space<vmem>>
        %dma_wait3A_79 = arith.constant 208 : i32
        %dma_wait3A_80 = arith.constant 0 : i32
        %dma_wait3A_81 = tpu.memref_slice %arg3[%select_n3A, %dma_wait3A_79, %dma_wait3A_80] : memref<8x400x400xf32, #tpu.memory_space<hbm>> -> memref<1x48x400xf32, #tpu.memory_space<hbm>>
        %dma_wait3A_82 = tpu.memref_squeeze %dma_wait3A_81 : memref<1x48x400xf32, #tpu.memory_space<hbm>> -> memref<48x400xf32, #tpu.memory_space<hbm>>
        %dma_wait3A_83 = arith.constant 208 : i32
        %dma_wait3A_84 = arith.constant 0 : i32
        %dma_wait3A_85 = tpu.memref_slice %arg3[%select_n3A, %dma_wait3A_83, %dma_wait3A_84] : memref<8x400x400xf32, #tpu.memory_space<hbm>> -> memref<1x48x400xf32, #tpu.memory_space<hbm>>
        %dma_wait3A_86 = tpu.memref_squeeze %dma_wait3A_85 : memref<1x48x400xf32, #tpu.memory_space<hbm>> -> memref<48x400xf32, #tpu.memory_space<hbm>>
        %dma_wait3A_87 = arith.constant 0 : i32
        %dma_wait3A_88 = arith.constant 0 : i32
        %dma_wait3A_89 = tpu.memref_slice %arg5[%dma_wait3A_87, %dma_wait3A_88] : memref<56x400xf32, #tpu.memory_space<vmem>> -> memref<48x400xf32, #tpu.memory_space<vmem>>
        tpu.wait_dma2 semaphore(%run_scoped3A : memref<!tpu.dma_semaphore, #tpu.memory_space<semaphore_mem>>) src(%dma_wait3A_89 : memref<48x400xf32, #tpu.memory_space<vmem>>) dst(%dma_wait3A_86 : memref<48x400xf32, #tpu.memory_space<hbm>>)
        tpu.yield
      }) : () -> ()
      %scan3A_57 = arith.constant 0 : i32
      %scan3A_58 = arith.constant 0 : i32
      %scan3A_59 = arith.constant 48 : i32
      %scan3A_60 = arith.addi %scan3A_58, %scan3A_59 : i32
      %scan3A_61 = arith.constant 1 : i32
      %scan3A_62 = scf.for %scan3A_64 = %scan3A_58 to %scan3A_60 step %scan3A_61 iter_args(%scan3A_65 = %scan3A_57) -> (i32)  : i32 {
        %add3A_66 = arith.constant 256 : i32
        %add3A_67 = arith.addi %add3A_66, %scan3A_64 : i32
        %scan3A_68 = arith.constant 0 : i32
        %scan3A_69 = arith.constant 0 : i32
        %scan3A_70 = arith.constant 25 : i32
        %scan3A_71 = arith.addi %scan3A_69, %scan3A_70 : i32
        %scan3A_72 = arith.constant 1 : i32
        %scan3A_73 = scf.for %scan3A_76 = %scan3A_69 to %scan3A_71 step %scan3A_72 iter_args(%scan3A_77 = %scan3A_68) -> (i32)  : i32 {
          %mul3A_78 = arith.constant 16 : i32
          %mul3A_79 = arith.muli %scan3A_76, %mul3A_78 : i32
          %add3A_80 = vector.broadcast %mul3A_79 : i32 to vector<16xi32>
          %add3A_81 = arith.addi %add3A_80, %iota3A : vector<16xi32>
          %broadcast_in_dim3A = vector.broadcast %add3A_67 : i32 to vector<16xi32>
          %min3A = arith.minsi %broadcast_in_dim3A, %add3A_81 : vector<16xi32>
          %max3A = arith.maxsi %broadcast_in_dim3A, %add3A_81 : vector<16xi32>
          %mul3A_82 = arith.constant 399 : i32
          %mul3A_83 = vector.broadcast %mul3A_82 : i32 to vector<16xi32>
          %mul3A_84 = arith.muli %mul3A_83, %min3A : vector<16xi32>
          %sub3A_85 = arith.constant 1 : i32
          %sub3A_86 = vector.broadcast %sub3A_85 : i32 to vector<16xi32>
          %sub3A_87 = arith.subi %min3A, %sub3A_86 : vector<16xi32>
          %mul3A_88 = arith.muli %min3A, %sub3A_87 : vector<16xi32>
          %shift_right_arithmetic3A = arith.constant 1 : i32
          %shift_right_arithmetic3A_89 = vector.broadcast %shift_right_arithmetic3A : i32 to vector<16xi32>
          %shift_right_arithmetic3A_90 = arith.shrsi %mul3A_88, %shift_right_arithmetic3A_89 : vector<16xi32>
          %sub3A_91 = arith.subi %mul3A_84, %shift_right_arithmetic3A_90 : vector<16xi32>
          %add3A_92 = arith.addi %sub3A_91, %max3A : vector<16xi32>
          %sub3A_93 = arith.subi %add3A_92, %min3A : vector<16xi32>
          %sub3A_94 = arith.constant 1 : i32
          %sub3A_95 = vector.broadcast %sub3A_94 : i32 to vector<16xi32>
          %sub3A_96 = arith.subi %sub3A_93, %sub3A_95 : vector<16xi32>
          %eq3A_97 = arith.cmpi eq, %broadcast_in_dim3A, %add3A_81 : vector<16xi32>
          %jit3A_98 = arith.constant 79800 : i32
          %broadcast_in_dim3A_99 = vector.broadcast %jit3A_98 : i32 to vector<16xi32>
          %select_n3A_100 = arith.select %eq3A_97, %broadcast_in_dim3A_99, %sub3A_96 : vector<16xi1>, vector<16xi32>
          %gather3A = tpu.vector_load_idx %arg4[%select_n3A_100] : memref<79872xf32, #tpu.memory_space<vmem>>[vector<16xi32>], vector<16xf32>,
          %mul3A_101 = arith.constant 16 : i32
          %mul3A_102 = arith.muli %scan3A_76, %mul3A_101 : i32
          %swap3A = arith.index_cast %scan3A_64 : i32 to index
          %swap3A_103 = arith.index_cast %mul3A_102 : i32 to index
          %swap3A_104 = tpu.vector_load %arg5[%swap3A, %swap3A_103] {strides = array<i32>} : memref<56x400xf32, #tpu.memory_space<vmem>>, vector<16xf32>,
          tpu.vector_store %arg5[%swap3A, %swap3A_103], %gather3A {strides = array<i32>} : memref<56x400xf32, #tpu.memory_space<vmem>>, vector<16xf32>,
          %scan3A_105 = arith.constant 0 : i32
          scf.yield %scan3A_105 : i32
        }
        %scan3A_74 = arith.constant 25 : i32
        %scan3A_75 = arith.constant 0 : i32
        scf.yield %scan3A_75 : i32
      }
      %scan3A_63 = arith.constant 48 : i32
      "tpu.region"() ({
        %run_scoped3A = tpu.sem_alloc : memref<!tpu.dma_semaphore, #tpu.memory_space<semaphore_mem>>
        %dma_start3A = arith.constant 0 : i32
        %dma_start3A_64 = arith.constant 0 : i32
        %dma_start3A_65 = tpu.memref_slice %arg5[%dma_start3A, %dma_start3A_64] : memref<56x400xf32, #tpu.memory_space<vmem>> -> memref<48x400xf32, #tpu.memory_space<vmem>>
        %dma_start3A_66 = arith.constant 256 : i32
        %dma_start3A_67 = arith.constant 0 : i32
        %dma_start3A_68 = tpu.memref_slice %arg3[%select_n3A, %dma_start3A_66, %dma_start3A_67] : memref<8x400x400xf32, #tpu.memory_space<hbm>> -> memref<1x48x400xf32, #tpu.memory_space<hbm>>
        %dma_start3A_69 = tpu.memref_squeeze %dma_start3A_68 : memref<1x48x400xf32, #tpu.memory_space<hbm>> -> memref<48x400xf32, #tpu.memory_space<hbm>>
        %dma_start3A_70 = arith.constant 256 : i32
        %dma_start3A_71 = arith.constant 0 : i32
        %dma_start3A_72 = tpu.memref_slice %arg3[%select_n3A, %dma_start3A_70, %dma_start3A_71] : memref<8x400x400xf32, #tpu.memory_space<hbm>> -> memref<1x48x400xf32, #tpu.memory_space<hbm>>
        %dma_start3A_73 = tpu.memref_squeeze %dma_start3A_72 : memref<1x48x400xf32, #tpu.memory_space<hbm>> -> memref<48x400xf32, #tpu.memory_space<hbm>>
        %dma_start3A_74 = arith.constant 0 : i32
        %dma_start3A_75 = arith.constant 0 : i32
        %dma_start3A_76 = tpu.memref_slice %arg5[%dma_start3A_74, %dma_start3A_75] : memref<56x400xf32, #tpu.memory_space<vmem>> -> memref<48x400xf32, #tpu.memory_space<vmem>>
        tpu.enqueue_dma source(%dma_start3A_76 : memref<48x400xf32, #tpu.memory_space<vmem>>) target(%dma_start3A_73 : memref<48x400xf32, #tpu.memory_space<hbm>>) target_semaphore(%run_scoped3A : memref<!tpu.dma_semaphore, #tpu.memory_space<semaphore_mem>>)
        %dma_wait3A = arith.constant 0 : i32
        %dma_wait3A_77 = arith.constant 0 : i32
        %dma_wait3A_78 = tpu.memref_slice %arg5[%dma_wait3A, %dma_wait3A_77] : memref<56x400xf32, #tpu.memory_space<vmem>> -> memref<48x400xf32, #tpu.memory_space<vmem>>
        %dma_wait3A_79 = arith.constant 256 : i32
        %dma_wait3A_80 = arith.constant 0 : i32
        %dma_wait3A_81 = tpu.memref_slice %arg3[%select_n3A, %dma_wait3A_79, %dma_wait3A_80] : memref<8x400x400xf32, #tpu.memory_space<hbm>> -> memref<1x48x400xf32, #tpu.memory_space<hbm>>
        %dma_wait3A_82 = tpu.memref_squeeze %dma_wait3A_81 : memref<1x48x400xf32, #tpu.memory_space<hbm>> -> memref<48x400xf32, #tpu.memory_space<hbm>>
        %dma_wait3A_83 = arith.constant 256 : i32
        %dma_wait3A_84 = arith.constant 0 : i32
        %dma_wait3A_85 = tpu.memref_slice %arg3[%select_n3A, %dma_wait3A_83, %dma_wait3A_84] : memref<8x400x400xf32, #tpu.memory_space<hbm>> -> memref<1x48x400xf32, #tpu.memory_space<hbm>>
        %dma_wait3A_86 = tpu.memref_squeeze %dma_wait3A_85 : memref<1x48x400xf32, #tpu.memory_space<hbm>> -> memref<48x400xf32, #tpu.memory_space<hbm>>
        %dma_wait3A_87 = arith.constant 0 : i32
        %dma_wait3A_88 = arith.constant 0 : i32
        %dma_wait3A_89 = tpu.memref_slice %arg5[%dma_wait3A_87, %dma_wait3A_88] : memref<56x400xf32, #tpu.memory_space<vmem>> -> memref<48x400xf32, #tpu.memory_space<vmem>>
        tpu.wait_dma2 semaphore(%run_scoped3A : memref<!tpu.dma_semaphore, #tpu.memory_space<semaphore_mem>>) src(%dma_wait3A_89 : memref<48x400xf32, #tpu.memory_space<vmem>>) dst(%dma_wait3A_86 : memref<48x400xf32, #tpu.memory_space<hbm>>)
        tpu.yield
      }) : () -> ()
    } else {
    }
    %eq3A_46 = arith.constant 3 : i32
    %eq3A_47 = arith.cmpi eq, %select_n3A_30, %eq3A_46 : i32
    %convert_element_type3A_48 = arith.extui %eq3A_47 : i1 to i32
    %cond3A_49 = arith.constant 0 : i32
    %cond3A_50 = arith.cmpi ne, %convert_element_type3A_48, %cond3A_49 : i32
    scf.if %cond3A_50 {
      %scan3A = arith.constant 0 : i32
      %scan3A_51 = arith.constant 0 : i32
      %scan3A_52 = arith.constant 48 : i32
      %scan3A_53 = arith.addi %scan3A_51, %scan3A_52 : i32
      %scan3A_54 = arith.constant 1 : i32
      %scan3A_55 = scf.for %scan3A_64 = %scan3A_51 to %scan3A_53 step %scan3A_54 iter_args(%scan3A_65 = %scan3A) -> (i32)  : i32 {
        %add3A_66 = arith.constant 304 : i32
        %add3A_67 = arith.addi %add3A_66, %scan3A_64 : i32
        %scan3A_68 = arith.constant 0 : i32
        %scan3A_69 = arith.constant 0 : i32
        %scan3A_70 = arith.constant 25 : i32
        %scan3A_71 = arith.addi %scan3A_69, %scan3A_70 : i32
        %scan3A_72 = arith.constant 1 : i32
        %scan3A_73 = scf.for %scan3A_76 = %scan3A_69 to %scan3A_71 step %scan3A_72 iter_args(%scan3A_77 = %scan3A_68) -> (i32)  : i32 {
          %mul3A_78 = arith.constant 16 : i32
          %mul3A_79 = arith.muli %scan3A_76, %mul3A_78 : i32
          %add3A_80 = vector.broadcast %mul3A_79 : i32 to vector<16xi32>
          %add3A_81 = arith.addi %add3A_80, %iota3A : vector<16xi32>
          %broadcast_in_dim3A = vector.broadcast %add3A_67 : i32 to vector<16xi32>
          %min3A = arith.minsi %broadcast_in_dim3A, %add3A_81 : vector<16xi32>
          %max3A = arith.maxsi %broadcast_in_dim3A, %add3A_81 : vector<16xi32>
          %mul3A_82 = arith.constant 399 : i32
          %mul3A_83 = vector.broadcast %mul3A_82 : i32 to vector<16xi32>
          %mul3A_84 = arith.muli %mul3A_83, %min3A : vector<16xi32>
          %sub3A_85 = arith.constant 1 : i32
          %sub3A_86 = vector.broadcast %sub3A_85 : i32 to vector<16xi32>
          %sub3A_87 = arith.subi %min3A, %sub3A_86 : vector<16xi32>
          %mul3A_88 = arith.muli %min3A, %sub3A_87 : vector<16xi32>
          %shift_right_arithmetic3A = arith.constant 1 : i32
          %shift_right_arithmetic3A_89 = vector.broadcast %shift_right_arithmetic3A : i32 to vector<16xi32>
          %shift_right_arithmetic3A_90 = arith.shrsi %mul3A_88, %shift_right_arithmetic3A_89 : vector<16xi32>
          %sub3A_91 = arith.subi %mul3A_84, %shift_right_arithmetic3A_90 : vector<16xi32>
          %add3A_92 = arith.addi %sub3A_91, %max3A : vector<16xi32>
          %sub3A_93 = arith.subi %add3A_92, %min3A : vector<16xi32>
          %sub3A_94 = arith.constant 1 : i32
          %sub3A_95 = vector.broadcast %sub3A_94 : i32 to vector<16xi32>
          %sub3A_96 = arith.subi %sub3A_93, %sub3A_95 : vector<16xi32>
          %eq3A_97 = arith.cmpi eq, %broadcast_in_dim3A, %add3A_81 : vector<16xi32>
          %jit3A_98 = arith.constant 79800 : i32
          %broadcast_in_dim3A_99 = vector.broadcast %jit3A_98 : i32 to vector<16xi32>
          %select_n3A_100 = arith.select %eq3A_97, %broadcast_in_dim3A_99, %sub3A_96 : vector<16xi1>, vector<16xi32>
          %gather3A = tpu.vector_load_idx %arg4[%select_n3A_100] : memref<79872xf32, #tpu.memory_space<vmem>>[vector<16xi32>], vector<16xf32>,
          %mul3A_101 = arith.constant 16 : i32
          %mul3A_102 = arith.muli %scan3A_76, %mul3A_101 : i32
          %swap3A = arith.index_cast %scan3A_64 : i32 to index
          %swap3A_103 = arith.index_cast %mul3A_102 : i32 to index
          %swap3A_104 = tpu.vector_load %arg5[%swap3A, %swap3A_103] {strides = array<i32>} : memref<56x400xf32, #tpu.memory_space<vmem>>, vector<16xf32>,
          tpu.vector_store %arg5[%swap3A, %swap3A_103], %gather3A {strides = array<i32>} : memref<56x400xf32, #tpu.memory_space<vmem>>, vector<16xf32>,
          %scan3A_105 = arith.constant 0 : i32
          scf.yield %scan3A_105 : i32
        }
        %scan3A_74 = arith.constant 25 : i32
        %scan3A_75 = arith.constant 0 : i32
        scf.yield %scan3A_75 : i32
      }
      %scan3A_56 = arith.constant 48 : i32
      "tpu.region"() ({
        %run_scoped3A = tpu.sem_alloc : memref<!tpu.dma_semaphore, #tpu.memory_space<semaphore_mem>>
        %dma_start3A = arith.constant 0 : i32
        %dma_start3A_64 = arith.constant 0 : i32
        %dma_start3A_65 = tpu.memref_slice %arg5[%dma_start3A, %dma_start3A_64] : memref<56x400xf32, #tpu.memory_space<vmem>> -> memref<48x400xf32, #tpu.memory_space<vmem>>
        %dma_start3A_66 = arith.constant 304 : i32
        %dma_start3A_67 = arith.constant 0 : i32
        %dma_start3A_68 = tpu.memref_slice %arg3[%select_n3A, %dma_start3A_66, %dma_start3A_67] : memref<8x400x400xf32, #tpu.memory_space<hbm>> -> memref<1x48x400xf32, #tpu.memory_space<hbm>>
        %dma_start3A_69 = tpu.memref_squeeze %dma_start3A_68 : memref<1x48x400xf32, #tpu.memory_space<hbm>> -> memref<48x400xf32, #tpu.memory_space<hbm>>
        %dma_start3A_70 = arith.constant 304 : i32
        %dma_start3A_71 = arith.constant 0 : i32
        %dma_start3A_72 = tpu.memref_slice %arg3[%select_n3A, %dma_start3A_70, %dma_start3A_71] : memref<8x400x400xf32, #tpu.memory_space<hbm>> -> memref<1x48x400xf32, #tpu.memory_space<hbm>>
        %dma_start3A_73 = tpu.memref_squeeze %dma_start3A_72 : memref<1x48x400xf32, #tpu.memory_space<hbm>> -> memref<48x400xf32, #tpu.memory_space<hbm>>
        %dma_start3A_74 = arith.constant 0 : i32
        %dma_start3A_75 = arith.constant 0 : i32
        %dma_start3A_76 = tpu.memref_slice %arg5[%dma_start3A_74, %dma_start3A_75] : memref<56x400xf32, #tpu.memory_space<vmem>> -> memref<48x400xf32, #tpu.memory_space<vmem>>
        tpu.enqueue_dma source(%dma_start3A_76 : memref<48x400xf32, #tpu.memory_space<vmem>>) target(%dma_start3A_73 : memref<48x400xf32, #tpu.memory_space<hbm>>) target_semaphore(%run_scoped3A : memref<!tpu.dma_semaphore, #tpu.memory_space<semaphore_mem>>)
        %dma_wait3A = arith.constant 0 : i32
        %dma_wait3A_77 = arith.constant 0 : i32
        %dma_wait3A_78 = tpu.memref_slice %arg5[%dma_wait3A, %dma_wait3A_77] : memref<56x400xf32, #tpu.memory_space<vmem>> -> memref<48x400xf32, #tpu.memory_space<vmem>>
        %dma_wait3A_79 = arith.constant 304 : i32
        %dma_wait3A_80 = arith.constant 0 : i32
        %dma_wait3A_81 = tpu.memref_slice %arg3[%select_n3A, %dma_wait3A_79, %dma_wait3A_80] : memref<8x400x400xf32, #tpu.memory_space<hbm>> -> memref<1x48x400xf32, #tpu.memory_space<hbm>>
        %dma_wait3A_82 = tpu.memref_squeeze %dma_wait3A_81 : memref<1x48x400xf32, #tpu.memory_space<hbm>> -> memref<48x400xf32, #tpu.memory_space<hbm>>
        %dma_wait3A_83 = arith.constant 304 : i32
        %dma_wait3A_84 = arith.constant 0 : i32
        %dma_wait3A_85 = tpu.memref_slice %arg3[%select_n3A, %dma_wait3A_83, %dma_wait3A_84] : memref<8x400x400xf32, #tpu.memory_space<hbm>> -> memref<1x48x400xf32, #tpu.memory_space<hbm>>
        %dma_wait3A_86 = tpu.memref_squeeze %dma_wait3A_85 : memref<1x48x400xf32, #tpu.memory_space<hbm>> -> memref<48x400xf32, #tpu.memory_space<hbm>>
        %dma_wait3A_87 = arith.constant 0 : i32
        %dma_wait3A_88 = arith.constant 0 : i32
        %dma_wait3A_89 = tpu.memref_slice %arg5[%dma_wait3A_87, %dma_wait3A_88] : memref<56x400xf32, #tpu.memory_space<vmem>> -> memref<48x400xf32, #tpu.memory_space<vmem>>
        tpu.wait_dma2 semaphore(%run_scoped3A : memref<!tpu.dma_semaphore, #tpu.memory_space<semaphore_mem>>) src(%dma_wait3A_89 : memref<48x400xf32, #tpu.memory_space<vmem>>) dst(%dma_wait3A_86 : memref<48x400xf32, #tpu.memory_space<hbm>>)
        tpu.yield
      }) : () -> ()
      %scan3A_57 = arith.constant 0 : i32
      %scan3A_58 = arith.constant 0 : i32
      %scan3A_59 = arith.constant 48 : i32
      %scan3A_60 = arith.addi %scan3A_58, %scan3A_59 : i32
      %scan3A_61 = arith.constant 1 : i32
      %scan3A_62 = scf.for %scan3A_64 = %scan3A_58 to %scan3A_60 step %scan3A_61 iter_args(%scan3A_65 = %scan3A_57) -> (i32)  : i32 {
        %add3A_66 = arith.constant 352 : i32
        %add3A_67 = arith.addi %add3A_66, %scan3A_64 : i32
        %scan3A_68 = arith.constant 0 : i32
        %scan3A_69 = arith.constant 0 : i32
        %scan3A_70 = arith.constant 25 : i32
        %scan3A_71 = arith.addi %scan3A_69, %scan3A_70 : i32
        %scan3A_72 = arith.constant 1 : i32
        %scan3A_73 = scf.for %scan3A_76 = %scan3A_69 to %scan3A_71 step %scan3A_72 iter_args(%scan3A_77 = %scan3A_68) -> (i32)  : i32 {
          %mul3A_78 = arith.constant 16 : i32
          %mul3A_79 = arith.muli %scan3A_76, %mul3A_78 : i32
          %add3A_80 = vector.broadcast %mul3A_79 : i32 to vector<16xi32>
          %add3A_81 = arith.addi %add3A_80, %iota3A : vector<16xi32>
          %broadcast_in_dim3A = vector.broadcast %add3A_67 : i32 to vector<16xi32>
          %min3A = arith.minsi %broadcast_in_dim3A, %add3A_81 : vector<16xi32>
          %max3A = arith.maxsi %broadcast_in_dim3A, %add3A_81 : vector<16xi32>
          %mul3A_82 = arith.constant 399 : i32
          %mul3A_83 = vector.broadcast %mul3A_82 : i32 to vector<16xi32>
          %mul3A_84 = arith.muli %mul3A_83, %min3A : vector<16xi32>
          %sub3A_85 = arith.constant 1 : i32
          %sub3A_86 = vector.broadcast %sub3A_85 : i32 to vector<16xi32>
          %sub3A_87 = arith.subi %min3A, %sub3A_86 : vector<16xi32>
          %mul3A_88 = arith.muli %min3A, %sub3A_87 : vector<16xi32>
          %shift_right_arithmetic3A = arith.constant 1 : i32
          %shift_right_arithmetic3A_89 = vector.broadcast %shift_right_arithmetic3A : i32 to vector<16xi32>
          %shift_right_arithmetic3A_90 = arith.shrsi %mul3A_88, %shift_right_arithmetic3A_89 : vector<16xi32>
          %sub3A_91 = arith.subi %mul3A_84, %shift_right_arithmetic3A_90 : vector<16xi32>
          %add3A_92 = arith.addi %sub3A_91, %max3A : vector<16xi32>
          %sub3A_93 = arith.subi %add3A_92, %min3A : vector<16xi32>
          %sub3A_94 = arith.constant 1 : i32
          %sub3A_95 = vector.broadcast %sub3A_94 : i32 to vector<16xi32>
          %sub3A_96 = arith.subi %sub3A_93, %sub3A_95 : vector<16xi32>
          %eq3A_97 = arith.cmpi eq, %broadcast_in_dim3A, %add3A_81 : vector<16xi32>
          %jit3A_98 = arith.constant 79800 : i32
          %broadcast_in_dim3A_99 = vector.broadcast %jit3A_98 : i32 to vector<16xi32>
          %select_n3A_100 = arith.select %eq3A_97, %broadcast_in_dim3A_99, %sub3A_96 : vector<16xi1>, vector<16xi32>
          %gather3A = tpu.vector_load_idx %arg4[%select_n3A_100] : memref<79872xf32, #tpu.memory_space<vmem>>[vector<16xi32>], vector<16xf32>,
          %mul3A_101 = arith.constant 16 : i32
          %mul3A_102 = arith.muli %scan3A_76, %mul3A_101 : i32
          %swap3A = arith.index_cast %scan3A_64 : i32 to index
          %swap3A_103 = arith.index_cast %mul3A_102 : i32 to index
          %swap3A_104 = tpu.vector_load %arg5[%swap3A, %swap3A_103] {strides = array<i32>} : memref<56x400xf32, #tpu.memory_space<vmem>>, vector<16xf32>,
          tpu.vector_store %arg5[%swap3A, %swap3A_103], %gather3A {strides = array<i32>} : memref<56x400xf32, #tpu.memory_space<vmem>>, vector<16xf32>,
          %scan3A_105 = arith.constant 0 : i32
          scf.yield %scan3A_105 : i32
        }
        %scan3A_74 = arith.constant 25 : i32
        %scan3A_75 = arith.constant 0 : i32
        scf.yield %scan3A_75 : i32
      }
      %scan3A_63 = arith.constant 48 : i32
      "tpu.region"() ({
        %run_scoped3A = tpu.sem_alloc : memref<!tpu.dma_semaphore, #tpu.memory_space<semaphore_mem>>
        %dma_start3A = arith.constant 0 : i32
        %dma_start3A_64 = arith.constant 0 : i32
        %dma_start3A_65 = tpu.memref_slice %arg5[%dma_start3A, %dma_start3A_64] : memref<56x400xf32, #tpu.memory_space<vmem>> -> memref<48x400xf32, #tpu.memory_space<vmem>>
        %dma_start3A_66 = arith.constant 352 : i32
        %dma_start3A_67 = arith.constant 0 : i32
        %dma_start3A_68 = tpu.memref_slice %arg3[%select_n3A, %dma_start3A_66, %dma_start3A_67] : memref<8x400x400xf32, #tpu.memory_space<hbm>> -> memref<1x48x400xf32, #tpu.memory_space<hbm>>
        %dma_start3A_69 = tpu.memref_squeeze %dma_start3A_68 : memref<1x48x400xf32, #tpu.memory_space<hbm>> -> memref<48x400xf32, #tpu.memory_space<hbm>>
        %dma_start3A_70 = arith.constant 352 : i32
        %dma_start3A_71 = arith.constant 0 : i32
        %dma_start3A_72 = tpu.memref_slice %arg3[%select_n3A, %dma_start3A_70, %dma_start3A_71] : memref<8x400x400xf32, #tpu.memory_space<hbm>> -> memref<1x48x400xf32, #tpu.memory_space<hbm>>
        %dma_start3A_73 = tpu.memref_squeeze %dma_start3A_72 : memref<1x48x400xf32, #tpu.memory_space<hbm>> -> memref<48x400xf32, #tpu.memory_space<hbm>>
        %dma_start3A_74 = arith.constant 0 : i32
        %dma_start3A_75 = arith.constant 0 : i32
        %dma_start3A_76 = tpu.memref_slice %arg5[%dma_start3A_74, %dma_start3A_75] : memref<56x400xf32, #tpu.memory_space<vmem>> -> memref<48x400xf32, #tpu.memory_space<vmem>>
        tpu.enqueue_dma source(%dma_start3A_76 : memref<48x400xf32, #tpu.memory_space<vmem>>) target(%dma_start3A_73 : memref<48x400xf32, #tpu.memory_space<hbm>>) target_semaphore(%run_scoped3A : memref<!tpu.dma_semaphore, #tpu.memory_space<semaphore_mem>>)
        %dma_wait3A = arith.constant 0 : i32
        %dma_wait3A_77 = arith.constant 0 : i32
        %dma_wait3A_78 = tpu.memref_slice %arg5[%dma_wait3A, %dma_wait3A_77] : memref<56x400xf32, #tpu.memory_space<vmem>> -> memref<48x400xf32, #tpu.memory_space<vmem>>
        %dma_wait3A_79 = arith.constant 352 : i32
        %dma_wait3A_80 = arith.constant 0 : i32
        %dma_wait3A_81 = tpu.memref_slice %arg3[%select_n3A, %dma_wait3A_79, %dma_wait3A_80] : memref<8x400x400xf32, #tpu.memory_space<hbm>> -> memref<1x48x400xf32, #tpu.memory_space<hbm>>
        %dma_wait3A_82 = tpu.memref_squeeze %dma_wait3A_81 : memref<1x48x400xf32, #tpu.memory_space<hbm>> -> memref<48x400xf32, #tpu.memory_space<hbm>>
        %dma_wait3A_83 = arith.constant 352 : i32
        %dma_wait3A_84 = arith.constant 0 : i32
        %dma_wait3A_85 = tpu.memref_slice %arg3[%select_n3A, %dma_wait3A_83, %dma_wait3A_84] : memref<8x400x400xf32, #tpu.memory_space<hbm>> -> memref<1x48x400xf32, #tpu.memory_space<hbm>>
        %dma_wait3A_86 = tpu.memref_squeeze %dma_wait3A_85 : memref<1x48x400xf32, #tpu.memory_space<hbm>> -> memref<48x400xf32, #tpu.memory_space<hbm>>
        %dma_wait3A_87 = arith.constant 0 : i32
        %dma_wait3A_88 = arith.constant 0 : i32
        %dma_wait3A_89 = tpu.memref_slice %arg5[%dma_wait3A_87, %dma_wait3A_88] : memref<56x400xf32, #tpu.memory_space<vmem>> -> memref<48x400xf32, #tpu.memory_space<vmem>>
        tpu.wait_dma2 semaphore(%run_scoped3A : memref<!tpu.dma_semaphore, #tpu.memory_space<semaphore_mem>>) src(%dma_wait3A_89 : memref<48x400xf32, #tpu.memory_space<vmem>>) dst(%dma_wait3A_86 : memref<48x400xf32, #tpu.memory_space<hbm>>)
        tpu.yield
      }) : () -> ()
    } else {
    }
    return
  }
}

module attributes {stable_mosaic.version = 14 : i64} {
  func.func @_tc_body(%arg0: i32, %arg1: memref<1x400x400xf32, #tpu.memory_space<vmem>>, %arg2: memref<400x128xf32, #tpu.memory_space<vmem>>, %arg3: memref<128x128xf32, #tpu.memory_space<vmem>>, %arg4: memref<128x64xf32, #tpu.memory_space<vmem>>, %arg5: memref<128x64xf32, #tpu.memory_space<vmem>>, %arg6: memref<1x64xf32, #tpu.memory_space<vmem>>, %arg7: memref<1x128xf32, #tpu.memory_space<vmem>>, %arg8: memref<1x128xf32, #tpu.memory_space<vmem>>, %arg9: memref<1x64xf32, #tpu.memory_space<vmem>>, %arg10: memref<1x4xf32, #tpu.memory_space<vmem>>, %arg11: memref<1x400x400xf32, #tpu.memory_space<vmem>>) attributes {dimension_semantics = [#tpu.dimension_semantics<arbitrary>], iteration_bounds = array<i64: 8>, scalar_prefetch = 0 : i64, scratch_operands = 0 : i64, tpu.core_type = #tpu.core_type<tc>, window_params = [{transform_indices = @transform_0, window_bounds = array<i64: 1, 400, 400>}, {pipeline_mode = #tpu.pipeline_mode<synchronous>, transform_indices = @transform_1, window_bounds = array<i64: 400, 128>}, {pipeline_mode = #tpu.pipeline_mode<synchronous>, transform_indices = @transform_2, window_bounds = array<i64: 128, 128>}, {pipeline_mode = #tpu.pipeline_mode<synchronous>, transform_indices = @transform_3, window_bounds = array<i64: 128, 64>}, {pipeline_mode = #tpu.pipeline_mode<synchronous>, transform_indices = @transform_4, window_bounds = array<i64: 128, 64>}, {pipeline_mode = #tpu.pipeline_mode<synchronous>, transform_indices = @transform_5, window_bounds = array<i64: 1, 64>}, {pipeline_mode = #tpu.pipeline_mode<synchronous>, transform_indices = @transform_6, window_bounds = array<i64: 1, 128>}, {pipeline_mode = #tpu.pipeline_mode<synchronous>, transform_indices = @transform_7, window_bounds = array<i64: 1, 128>}, {pipeline_mode = #tpu.pipeline_mode<synchronous>, transform_indices = @transform_8, window_bounds = array<i64: 1, 64>}, {pipeline_mode = #tpu.pipeline_mode<synchronous>, transform_indices = @transform_9, window_bounds = array<i64: 1, 4>}, {transform_indices = @transform_10, window_bounds = array<i64: 1, 400, 400>}]} {
    %get3A = arith.constant 0 : index
    %get3A_0 = arith.constant 0 : index
    %get3A_1 = vector.load %arg10[%get3A, %get3A_0] : memref<1x4xf32, #tpu.memory_space<vmem>>, vector<1x1xf32>
    %get3A_2 = vector.extract %get3A_1[0, 0] : f32 from vector<1x1xf32>
    %get3A_3 = arith.constant 0 : index
    %get3A_4 = arith.constant 1 : index
    %get3A_5 = vector.load %arg10[%get3A_3, %get3A_4] : memref<1x4xf32, #tpu.memory_space<vmem>>, vector<1x1xf32>
    %get3A_6 = vector.extract %get3A_5[0, 0] : f32 from vector<1x1xf32>
    %get3A_7 = arith.constant 0 : index
    %get3A_8 = arith.constant 2 : index
    %get3A_9 = vector.load %arg10[%get3A_7, %get3A_8] : memref<1x4xf32, #tpu.memory_space<vmem>>, vector<1x1xf32>
    %get3A_10 = vector.extract %get3A_9[0, 0] : f32 from vector<1x1xf32>
    %get3A_11 = arith.constant 0 : index
    %get3A_12 = arith.constant 3 : index
    %get3A_13 = vector.load %arg10[%get3A_11, %get3A_12] : memref<1x4xf32, #tpu.memory_space<vmem>>, vector<1x1xf32>
    %get3A_14 = vector.extract %get3A_13[0, 0] : f32 from vector<1x1xf32>
    %get3A_15 = arith.constant 0 : index
    %get3A_16 = arith.constant 0 : index
    %get3A_17 = arith.constant 0 : index
    %get3A_18 = vector.load %arg1[%get3A_15, %get3A_16, %get3A_17] : memref<1x400x400xf32, #tpu.memory_space<vmem>>, vector<1x400x400xf32>
    %get3A_19 = vector.shape_cast %get3A_18 : vector<1x400x400xf32> to vector<400x400xf32>
    %reduce_sum3A = arith.constant dense<0.000000e+00> : vector<400xf32>
    %reduce_sum3A_20 = vector.multi_reduction <add>, %get3A_19, %reduce_sum3A [1] : vector<400x400xf32> to vector<400xf32>
    %broadcast_in_dim3A = vector.shape_cast %reduce_sum3A_20 : vector<400xf32> to vector<400x1xf32>
    %reduce_sum3A_21 = arith.constant dense<0.000000e+00> : vector<400xf32>
    %reduce_sum3A_22 = vector.multi_reduction <add>, %get3A_19, %reduce_sum3A_21 [0] : vector<400x400xf32> to vector<400xf32>
    %broadcast_in_dim3A_23 = vector.shape_cast %reduce_sum3A_22 : vector<400xf32> to vector<1x400xf32>
    %gt3A = arith.constant 0.000000e+00 : f32
    %gt3A_24 = vector.broadcast %gt3A : f32 to vector<400x1xf32>
    %gt3A_25 = arith.cmpf ogt, %broadcast_in_dim3A, %gt3A_24 : vector<400x1xf32>
    %rsqrt3A = math.rsqrt %broadcast_in_dim3A : vector<400x1xf32>
    %jit3A = arith.constant 0.000000e+00 : f32
    %broadcast_in_dim3A_26 = vector.broadcast %jit3A : f32 to vector<400x1xf32>
    %select_n3A = arith.select %gt3A_25, %rsqrt3A, %broadcast_in_dim3A_26 : vector<400x1xi1>, vector<400x1xf32>
    %gt3A_27 = arith.constant 0.000000e+00 : f32
    %gt3A_28 = vector.broadcast %gt3A_27 : f32 to vector<1x400xf32>
    %gt3A_29 = arith.cmpf ogt, %broadcast_in_dim3A_23, %gt3A_28 : vector<1x400xf32>
    %rsqrt3A_30 = math.rsqrt %broadcast_in_dim3A_23 : vector<1x400xf32>
    %jit3A_31 = arith.constant 0.000000e+00 : f32
    %broadcast_in_dim3A_32 = vector.broadcast %jit3A_31 : f32 to vector<1x400xf32>
    %select_n3A_33 = arith.select %gt3A_29, %rsqrt3A_30, %broadcast_in_dim3A_32 : vector<1x400xi1>, vector<1x400xf32>
    %mul3A = vector.broadcast %select_n3A : vector<400x1xf32> to vector<400x400xf32>
    %mul3A_34 = arith.mulf %get3A_19, %mul3A : vector<400x400xf32>
    %mul3A_35 = vector.broadcast %select_n3A_33 : vector<1x400xf32> to vector<400x400xf32>
    %mul3A_36 = arith.mulf %mul3A_34, %mul3A_35 : vector<400x400xf32>
    %get3A_37 = arith.constant 0 : index
    %get3A_38 = arith.constant 0 : index
    %get3A_39 = vector.load %arg2[%get3A_37, %get3A_38] : memref<400x128xf32, #tpu.memory_space<vmem>>, vector<400x128xf32>
    %dot_general3A = arith.constant dense<0.000000e+00> : vector<400x128xf32>
    %dot_general3A_40 = tpu.matmul %mul3A_36, %get3A_39, %dot_general3A {dimension_numbers = #tpu.dot_dimension_numbers<[1], [0], [0], [1], [0, 0, 1, 1], [], []>, transpose_lhs_hint = false} : vector<400x400xf32>, vector<400x128xf32>, vector<400x128xf32> -> vector<400x128xf32>
    %get3A_41 = arith.constant 0 : index
    %get3A_42 = arith.constant 0 : index
    %get3A_43 = vector.load %arg7[%get3A_41, %get3A_42] : memref<1x128xf32, #tpu.memory_space<vmem>>, vector<1x128xf32>
    %add3A = vector.broadcast %get3A_43 : vector<1x128xf32> to vector<400x128xf32>
    %add3A_44 = arith.addf %dot_general3A_40, %add3A : vector<400x128xf32>
    %ge3A = arith.constant 0.000000e+00 : f32
    %ge3A_45 = vector.broadcast %ge3A : f32 to vector<400x128xf32>
    %ge3A_46 = arith.cmpf oge, %add3A_44, %ge3A_45 : vector<400x128xf32>
    %mul3A_47 = vector.broadcast %get3A_2 : f32 to vector<400x128xf32>
    %mul3A_48 = arith.mulf %mul3A_47, %add3A_44 : vector<400x128xf32>
    %select_n3A_49 = arith.select %ge3A_46, %add3A_44, %mul3A_48 : vector<400x128xi1>, vector<400x128xf32>
    %get3A_50 = arith.constant 0 : index
    %get3A_51 = arith.constant 0 : index
    %get3A_52 = vector.load %arg3[%get3A_50, %get3A_51] : memref<128x128xf32, #tpu.memory_space<vmem>>, vector<128x128xf32>
    %dot_general3A_53 = arith.constant dense<0.000000e+00> : vector<400x128xf32>
    %dot_general3A_54 = tpu.matmul %select_n3A_49, %get3A_52, %dot_general3A_53 {dimension_numbers = #tpu.dot_dimension_numbers<[1], [0], [0], [1], [0, 0, 1, 1], [], []>, transpose_lhs_hint = false} : vector<400x128xf32>, vector<128x128xf32>, vector<400x128xf32> -> vector<400x128xf32>
    %dot_general3A_55 = arith.constant dense<0.000000e+00> : vector<400x128xf32>
    %dot_general3A_56 = tpu.matmul %mul3A_36, %dot_general3A_54, %dot_general3A_55 {dimension_numbers = #tpu.dot_dimension_numbers<[1], [0], [0], [1], [0, 0, 1, 1], [], []>, transpose_lhs_hint = false} : vector<400x400xf32>, vector<400x128xf32>, vector<400x128xf32> -> vector<400x128xf32>
    %get3A_57 = arith.constant 0 : index
    %get3A_58 = arith.constant 0 : index
    %get3A_59 = vector.load %arg8[%get3A_57, %get3A_58] : memref<1x128xf32, #tpu.memory_space<vmem>>, vector<1x128xf32>
    %add3A_60 = vector.broadcast %get3A_59 : vector<1x128xf32> to vector<400x128xf32>
    %add3A_61 = arith.addf %dot_general3A_56, %add3A_60 : vector<400x128xf32>
    %ge3A_62 = arith.constant 0.000000e+00 : f32
    %ge3A_63 = vector.broadcast %ge3A_62 : f32 to vector<400x128xf32>
    %ge3A_64 = arith.cmpf oge, %add3A_61, %ge3A_63 : vector<400x128xf32>
    %mul3A_65 = vector.broadcast %get3A_6 : f32 to vector<400x128xf32>
    %mul3A_66 = arith.mulf %mul3A_65, %add3A_61 : vector<400x128xf32>
    %select_n3A_67 = arith.select %ge3A_64, %add3A_61, %mul3A_66 : vector<400x128xi1>, vector<400x128xf32>
    %get3A_68 = arith.constant 0 : index
    %get3A_69 = arith.constant 0 : index
    %get3A_70 = vector.load %arg4[%get3A_68, %get3A_69] : memref<128x64xf32, #tpu.memory_space<vmem>>, vector<128x64xf32>
    %dot_general3A_71 = arith.constant dense<0.000000e+00> : vector<400x64xf32>
    %dot_general3A_72 = tpu.matmul %select_n3A_67, %get3A_70, %dot_general3A_71 {dimension_numbers = #tpu.dot_dimension_numbers<[1], [0], [0], [1], [0, 0, 1, 1], [], []>, transpose_lhs_hint = false} : vector<400x128xf32>, vector<128x64xf32>, vector<400x64xf32> -> vector<400x64xf32>
    %get3A_73 = arith.constant 0 : index
    %get3A_74 = arith.constant 0 : index
    %get3A_75 = vector.load %arg9[%get3A_73, %get3A_74] : memref<1x64xf32, #tpu.memory_space<vmem>>, vector<1x64xf32>
    %add3A_76 = vector.broadcast %get3A_75 : vector<1x64xf32> to vector<400x64xf32>
    %add3A_77 = arith.addf %dot_general3A_72, %add3A_76 : vector<400x64xf32>
    %get3A_78 = arith.constant 0 : index
    %get3A_79 = arith.constant 0 : index
    %get3A_80 = vector.load %arg5[%get3A_78, %get3A_79] : memref<128x64xf32, #tpu.memory_space<vmem>>, vector<128x64xf32>
    %dot_general3A_81 = arith.constant dense<0.000000e+00> : vector<400x64xf32>
    %dot_general3A_82 = tpu.matmul %select_n3A_67, %get3A_80, %dot_general3A_81 {dimension_numbers = #tpu.dot_dimension_numbers<[1], [0], [0], [1], [0, 0, 1, 1], [], []>, transpose_lhs_hint = false} : vector<400x128xf32>, vector<128x64xf32>, vector<400x64xf32> -> vector<400x64xf32>
    %transpose3A = tpu.transpose %dot_general3A_82, [1, 0] : vector<400x64xf32> -> vector<64x400xf32>
    %add3A_83 = arith.constant 1.000000e+00 : f32
    %add3A_84 = arith.addf %add3A_83, %get3A_10 : f32
    %mul3A_85 = arith.constant 5.000000e-01 : f32
    %mul3A_86 = arith.mulf %add3A_84, %mul3A_85 : f32
    %sub3A = arith.constant 1.000000e+00 : f32
    %sub3A_87 = arith.subf %sub3A, %get3A_10 : f32
    %mul3A_88 = arith.constant 5.000000e-01 : f32
    %mul3A_89 = arith.mulf %sub3A_87, %mul3A_88 : f32
    %get3A_90 = arith.constant 0 : index
    %get3A_91 = arith.constant 0 : index
    %get3A_92 = vector.load %arg6[%get3A_90, %get3A_91] : memref<1x64xf32, #tpu.memory_space<vmem>>, vector<1x64xf32>
    %dot_general3A_93 = arith.constant dense<0.000000e+00> : vector<400x1xf32>
    %dot_general3A_94 = tpu.matmul %add3A_77, %get3A_92, %dot_general3A_93 {dimension_numbers = #tpu.dot_dimension_numbers<[1], [1], [0], [0], [0, 0, 1, 0], [], []>, transpose_lhs_hint = false} : vector<400x64xf32>, vector<1x64xf32>, vector<400x1xf32> -> vector<400x1xf32>
    %dot_general3A_95 = arith.constant dense<0.000000e+00> : vector<1x400xf32>
    %dot_general3A_96 = tpu.matmul %get3A_92, %transpose3A, %dot_general3A_95 {dimension_numbers = #tpu.dot_dimension_numbers<[1], [0], [0], [1], [0, 0, 1, 1], [], []>, transpose_lhs_hint = false} : vector<1x64xf32>, vector<64x400xf32>, vector<1x400xf32> -> vector<1x400xf32>
    %add3A_97 = vector.broadcast %dot_general3A_94 : vector<400x1xf32> to vector<400x400xf32>
    %add3A_98 = vector.broadcast %dot_general3A_96 : vector<1x400xf32> to vector<400x400xf32>
    %add3A_99 = arith.addf %add3A_97, %add3A_98 : vector<400x400xf32>
    %mul3A_100 = vector.broadcast %mul3A_86 : f32 to vector<400x400xf32>
    %mul3A_101 = arith.mulf %mul3A_100, %add3A_99 : vector<400x400xf32>
    %add3A_102 = vector.broadcast %get3A_14 : f32 to vector<400x400xf32>
    %add3A_103 = arith.addf %add3A_102, %mul3A_101 : vector<400x400xf32>
    %broadcast_in_dim3A_104 = arith.constant 0.000000e+00 : f32
    %broadcast_in_dim3A_105 = vector.broadcast %broadcast_in_dim3A_104 : f32 to vector<128x128xf32>
    %broadcast_in_dim3A_106 = arith.constant 0.000000e+00 : f32
    %broadcast_in_dim3A_107 = vector.broadcast %broadcast_in_dim3A_106 : f32 to vector<256x128xf32>
    %broadcast_in_dim3A_108 = arith.constant 0.000000e+00 : f32
    %broadcast_in_dim3A_109 = vector.broadcast %broadcast_in_dim3A_108 : f32 to vector<384x128xf32>
    %broadcast_in_dim3A_110 = arith.constant 0.000000e+00 : f32
    %broadcast_in_dim3A_111 = vector.broadcast %broadcast_in_dim3A_110 : f32 to vector<400x16xf32>
    %get3A_112 = arith.constant 0 : index
    %get3A_113 = arith.constant 0 : index
    %get3A_114 = vector.load %arg6[%get3A_112, %get3A_113] : memref<1x64xf32, #tpu.memory_space<vmem>>, vector<1x1xf32>
    %get3A_115 = vector.extract %get3A_114[0, 0] : f32 from vector<1x1xf32>
    %slice3A = vector.extract_strided_slice %add3A_77 {offsets = [0, 0], sizes = [400, 1], strides = [1, 1]} : vector<400x64xf32> to vector<400x1xf32>
    %slice3A_116 = vector.extract_strided_slice %transpose3A {offsets = [0, 0], sizes = [1, 400], strides = [1, 1]} : vector<64x400xf32> to vector<1x400xf32>
    %slice3A_117 = vector.extract_strided_slice %slice3A {offsets = [0, 0], sizes = [128, 1], strides = [1, 1]} : vector<400x1xf32> to vector<128x1xf32>
    %slice3A_118 = vector.extract_strided_slice %slice3A_116 {offsets = [0, 0], sizes = [1, 128], strides = [1, 1]} : vector<1x400xf32> to vector<1x128xf32>
    %add3A_119 = vector.broadcast %slice3A_117 : vector<128x1xf32> to vector<128x128xf32>
    %add3A_120 = vector.broadcast %slice3A_118 : vector<1x128xf32> to vector<128x128xf32>
    %add3A_121 = arith.addf %add3A_119, %add3A_120 : vector<128x128xf32>
    %abs3A = math.absf %add3A_121 : vector<128x128xf32>
    %mul3A_122 = vector.broadcast %get3A_115 : f32 to vector<128x128xf32>
    %mul3A_123 = arith.mulf %mul3A_122, %abs3A : vector<128x128xf32>
    %add3A_124 = arith.addf %broadcast_in_dim3A_105, %mul3A_123 : vector<128x128xf32>
    %slice3A_125 = vector.extract_strided_slice %slice3A {offsets = [0, 0], sizes = [256, 1], strides = [1, 1]} : vector<400x1xf32> to vector<256x1xf32>
    %slice3A_126 = vector.extract_strided_slice %slice3A_116 {offsets = [0, 128], sizes = [1, 128], strides = [1, 1]} : vector<1x400xf32> to vector<1x128xf32>
    %add3A_127 = vector.broadcast %slice3A_125 : vector<256x1xf32> to vector<256x128xf32>
    %add3A_128 = vector.broadcast %slice3A_126 : vector<1x128xf32> to vector<256x128xf32>
    %add3A_129 = arith.addf %add3A_127, %add3A_128 : vector<256x128xf32>
    %abs3A_130 = math.absf %add3A_129 : vector<256x128xf32>
    %mul3A_131 = vector.broadcast %get3A_115 : f32 to vector<256x128xf32>
    %mul3A_132 = arith.mulf %mul3A_131, %abs3A_130 : vector<256x128xf32>
    %add3A_133 = arith.addf %broadcast_in_dim3A_107, %mul3A_132 : vector<256x128xf32>
    %slice3A_134 = vector.extract_strided_slice %slice3A {offsets = [0, 0], sizes = [384, 1], strides = [1, 1]} : vector<400x1xf32> to vector<384x1xf32>
    %slice3A_135 = vector.extract_strided_slice %slice3A_116 {offsets = [0, 256], sizes = [1, 128], strides = [1, 1]} : vector<1x400xf32> to vector<1x128xf32>
    %add3A_136 = vector.broadcast %slice3A_134 : vector<384x1xf32> to vector<384x128xf32>
    %add3A_137 = vector.broadcast %slice3A_135 : vector<1x128xf32> to vector<384x128xf32>
    %add3A_138 = arith.addf %add3A_136, %add3A_137 : vector<384x128xf32>
    %abs3A_139 = math.absf %add3A_138 : vector<384x128xf32>
    %mul3A_140 = vector.broadcast %get3A_115 : f32 to vector<384x128xf32>
    %mul3A_141 = arith.mulf %mul3A_140, %abs3A_139 : vector<384x128xf32>
    %add3A_142 = arith.addf %broadcast_in_dim3A_109, %mul3A_141 : vector<384x128xf32>
    %slice3A_143 = vector.extract_strided_slice %slice3A_116 {offsets = [0, 384], sizes = [1, 16], strides = [1, 1]} : vector<1x400xf32> to vector<1x16xf32>
    %add3A_144 = vector.broadcast %slice3A : vector<400x1xf32> to vector<400x16xf32>
    %add3A_145 = vector.broadcast %slice3A_143 : vector<1x16xf32> to vector<400x16xf32>
    %add3A_146 = arith.addf %add3A_144, %add3A_145 : vector<400x16xf32>
    %abs3A_147 = math.absf %add3A_146 : vector<400x16xf32>
    %mul3A_148 = vector.broadcast %get3A_115 : f32 to vector<400x16xf32>
    %mul3A_149 = arith.mulf %mul3A_148, %abs3A_147 : vector<400x16xf32>
    %add3A_150 = arith.addf %broadcast_in_dim3A_111, %mul3A_149 : vector<400x16xf32>
    %get3A_151 = arith.constant 0 : index
    %get3A_152 = arith.constant 1 : index
    %get3A_153 = vector.load %arg6[%get3A_151, %get3A_152] : memref<1x64xf32, #tpu.memory_space<vmem>>, vector<1x1xf32>
    %get3A_154 = vector.extract %get3A_153[0, 0] : f32 from vector<1x1xf32>
    %slice3A_155 = vector.extract_strided_slice %add3A_77 {offsets = [0, 1], sizes = [400, 1], strides = [1, 1]} : vector<400x64xf32> to vector<400x1xf32>
    %slice3A_156 = vector.extract_strided_slice %transpose3A {offsets = [1, 0], sizes = [1, 400], strides = [1, 1]} : vector<64x400xf32> to vector<1x400xf32>
    %slice3A_157 = vector.extract_strided_slice %slice3A_155 {offsets = [0, 0], sizes = [128, 1], strides = [1, 1]} : vector<400x1xf32> to vector<128x1xf32>
    %slice3A_158 = vector.extract_strided_slice %slice3A_156 {offsets = [0, 0], sizes = [1, 128], strides = [1, 1]} : vector<1x400xf32> to vector<1x128xf32>
    %add3A_159 = vector.broadcast %slice3A_157 : vector<128x1xf32> to vector<128x128xf32>
    %add3A_160 = vector.broadcast %slice3A_158 : vector<1x128xf32> to vector<128x128xf32>
    %add3A_161 = arith.addf %add3A_159, %add3A_160 : vector<128x128xf32>
    %abs3A_162 = math.absf %add3A_161 : vector<128x128xf32>
    %mul3A_163 = vector.broadcast %get3A_154 : f32 to vector<128x128xf32>
    %mul3A_164 = arith.mulf %mul3A_163, %abs3A_162 : vector<128x128xf32>
    %add3A_165 = arith.addf %add3A_124, %mul3A_164 : vector<128x128xf32>
    %slice3A_166 = vector.extract_strided_slice %slice3A_155 {offsets = [0, 0], sizes = [256, 1], strides = [1, 1]} : vector<400x1xf32> to vector<256x1xf32>
    %slice3A_167 = vector.extract_strided_slice %slice3A_156 {offsets = [0, 128], sizes = [1, 128], strides = [1, 1]} : vector<1x400xf32> to vector<1x128xf32>
    %add3A_168 = vector.broadcast %slice3A_166 : vector<256x1xf32> to vector<256x128xf32>
    %add3A_169 = vector.broadcast %slice3A_167 : vector<1x128xf32> to vector<256x128xf32>
    %add3A_170 = arith.addf %add3A_168, %add3A_169 : vector<256x128xf32>
    %abs3A_171 = math.absf %add3A_170 : vector<256x128xf32>
    %mul3A_172 = vector.broadcast %get3A_154 : f32 to vector<256x128xf32>
    %mul3A_173 = arith.mulf %mul3A_172, %abs3A_171 : vector<256x128xf32>
    %add3A_174 = arith.addf %add3A_133, %mul3A_173 : vector<256x128xf32>
    %slice3A_175 = vector.extract_strided_slice %slice3A_155 {offsets = [0, 0], sizes = [384, 1], strides = [1, 1]} : vector<400x1xf32> to vector<384x1xf32>
    %slice3A_176 = vector.extract_strided_slice %slice3A_156 {offsets = [0, 256], sizes = [1, 128], strides = [1, 1]} : vector<1x400xf32> to vector<1x128xf32>
    %add3A_177 = vector.broadcast %slice3A_175 : vector<384x1xf32> to vector<384x128xf32>
    %add3A_178 = vector.broadcast %slice3A_176 : vector<1x128xf32> to vector<384x128xf32>
    %add3A_179 = arith.addf %add3A_177, %add3A_178 : vector<384x128xf32>
    %abs3A_180 = math.absf %add3A_179 : vector<384x128xf32>
    %mul3A_181 = vector.broadcast %get3A_154 : f32 to vector<384x128xf32>
    %mul3A_182 = arith.mulf %mul3A_181, %abs3A_180 : vector<384x128xf32>
    %add3A_183 = arith.addf %add3A_142, %mul3A_182 : vector<384x128xf32>
    %slice3A_184 = vector.extract_strided_slice %slice3A_156 {offsets = [0, 384], sizes = [1, 16], strides = [1, 1]} : vector<1x400xf32> to vector<1x16xf32>
    %add3A_185 = vector.broadcast %slice3A_155 : vector<400x1xf32> to vector<400x16xf32>
    %add3A_186 = vector.broadcast %slice3A_184 : vector<1x16xf32> to vector<400x16xf32>
    %add3A_187 = arith.addf %add3A_185, %add3A_186 : vector<400x16xf32>
    %abs3A_188 = math.absf %add3A_187 : vector<400x16xf32>
    %mul3A_189 = vector.broadcast %get3A_154 : f32 to vector<400x16xf32>
    %mul3A_190 = arith.mulf %mul3A_189, %abs3A_188 : vector<400x16xf32>
    %add3A_191 = arith.addf %add3A_150, %mul3A_190 : vector<400x16xf32>
    %get3A_192 = arith.constant 0 : index
    %get3A_193 = arith.constant 2 : index
    %get3A_194 = vector.load %arg6[%get3A_192, %get3A_193] : memref<1x64xf32, #tpu.memory_space<vmem>>, vector<1x1xf32>
    %get3A_195 = vector.extract %get3A_194[0, 0] : f32 from vector<1x1xf32>
    %slice3A_196 = vector.extract_strided_slice %add3A_77 {offsets = [0, 2], sizes = [400, 1], strides = [1, 1]} : vector<400x64xf32> to vector<400x1xf32>
    %slice3A_197 = vector.extract_strided_slice %transpose3A {offsets = [2, 0], sizes = [1, 400], strides = [1, 1]} : vector<64x400xf32> to vector<1x400xf32>
    %slice3A_198 = vector.extract_strided_slice %slice3A_196 {offsets = [0, 0], sizes = [128, 1], strides = [1, 1]} : vector<400x1xf32> to vector<128x1xf32>
    %slice3A_199 = vector.extract_strided_slice %slice3A_197 {offsets = [0, 0], sizes = [1, 128], strides = [1, 1]} : vector<1x400xf32> to vector<1x128xf32>
    %add3A_200 = vector.broadcast %slice3A_198 : vector<128x1xf32> to vector<128x128xf32>
    %add3A_201 = vector.broadcast %slice3A_199 : vector<1x128xf32> to vector<128x128xf32>
    %add3A_202 = arith.addf %add3A_200, %add3A_201 : vector<128x128xf32>
    %abs3A_203 = math.absf %add3A_202 : vector<128x128xf32>
    %mul3A_204 = vector.broadcast %get3A_195 : f32 to vector<128x128xf32>
    %mul3A_205 = arith.mulf %mul3A_204, %abs3A_203 : vector<128x128xf32>
    %add3A_206 = arith.addf %add3A_165, %mul3A_205 : vector<128x128xf32>
    %slice3A_207 = vector.extract_strided_slice %slice3A_196 {offsets = [0, 0], sizes = [256, 1], strides = [1, 1]} : vector<400x1xf32> to vector<256x1xf32>
    %slice3A_208 = vector.extract_strided_slice %slice3A_197 {offsets = [0, 128], sizes = [1, 128], strides = [1, 1]} : vector<1x400xf32> to vector<1x128xf32>
    %add3A_209 = vector.broadcast %slice3A_207 : vector<256x1xf32> to vector<256x128xf32>
    %add3A_210 = vector.broadcast %slice3A_208 : vector<1x128xf32> to vector<256x128xf32>
    %add3A_211 = arith.addf %add3A_209, %add3A_210 : vector<256x128xf32>
    %abs3A_212 = math.absf %add3A_211 : vector<256x128xf32>
    %mul3A_213 = vector.broadcast %get3A_195 : f32 to vector<256x128xf32>
    %mul3A_214 = arith.mulf %mul3A_213, %abs3A_212 : vector<256x128xf32>
    %add3A_215 = arith.addf %add3A_174, %mul3A_214 : vector<256x128xf32>
    %slice3A_216 = vector.extract_strided_slice %slice3A_196 {offsets = [0, 0], sizes = [384, 1], strides = [1, 1]} : vector<400x1xf32> to vector<384x1xf32>
    %slice3A_217 = vector.extract_strided_slice %slice3A_197 {offsets = [0, 256], sizes = [1, 128], strides = [1, 1]} : vector<1x400xf32> to vector<1x128xf32>
    %add3A_218 = vector.broadcast %slice3A_216 : vector<384x1xf32> to vector<384x128xf32>
    %add3A_219 = vector.broadcast %slice3A_217 : vector<1x128xf32> to vector<384x128xf32>
    %add3A_220 = arith.addf %add3A_218, %add3A_219 : vector<384x128xf32>
    %abs3A_221 = math.absf %add3A_220 : vector<384x128xf32>
    %mul3A_222 = vector.broadcast %get3A_195 : f32 to vector<384x128xf32>
    %mul3A_223 = arith.mulf %mul3A_222, %abs3A_221 : vector<384x128xf32>
    %add3A_224 = arith.addf %add3A_183, %mul3A_223 : vector<384x128xf32>
    %slice3A_225 = vector.extract_strided_slice %slice3A_197 {offsets = [0, 384], sizes = [1, 16], strides = [1, 1]} : vector<1x400xf32> to vector<1x16xf32>
    %add3A_226 = vector.broadcast %slice3A_196 : vector<400x1xf32> to vector<400x16xf32>
    %add3A_227 = vector.broadcast %slice3A_225 : vector<1x16xf32> to vector<400x16xf32>
    %add3A_228 = arith.addf %add3A_226, %add3A_227 : vector<400x16xf32>
    %abs3A_229 = math.absf %add3A_228 : vector<400x16xf32>
    %mul3A_230 = vector.broadcast %get3A_195 : f32 to vector<400x16xf32>
    %mul3A_231 = arith.mulf %mul3A_230, %abs3A_229 : vector<400x16xf32>
    %add3A_232 = arith.addf %add3A_191, %mul3A_231 : vector<400x16xf32>
    %get3A_233 = arith.constant 0 : index
    %get3A_234 = arith.constant 3 : index
    %get3A_235 = vector.load %arg6[%get3A_233, %get3A_234] : memref<1x64xf32, #tpu.memory_space<vmem>>, vector<1x1xf32>
    %get3A_236 = vector.extract %get3A_235[0, 0] : f32 from vector<1x1xf32>
    %slice3A_237 = vector.extract_strided_slice %add3A_77 {offsets = [0, 3], sizes = [400, 1], strides = [1, 1]} : vector<400x64xf32> to vector<400x1xf32>
    %slice3A_238 = vector.extract_strided_slice %transpose3A {offsets = [3, 0], sizes = [1, 400], strides = [1, 1]} : vector<64x400xf32> to vector<1x400xf32>
    %slice3A_239 = vector.extract_strided_slice %slice3A_237 {offsets = [0, 0], sizes = [128, 1], strides = [1, 1]} : vector<400x1xf32> to vector<128x1xf32>
    %slice3A_240 = vector.extract_strided_slice %slice3A_238 {offsets = [0, 0], sizes = [1, 128], strides = [1, 1]} : vector<1x400xf32> to vector<1x128xf32>
    %add3A_241 = vector.broadcast %slice3A_239 : vector<128x1xf32> to vector<128x128xf32>
    %add3A_242 = vector.broadcast %slice3A_240 : vector<1x128xf32> to vector<128x128xf32>
    %add3A_243 = arith.addf %add3A_241, %add3A_242 : vector<128x128xf32>
    %abs3A_244 = math.absf %add3A_243 : vector<128x128xf32>
    %mul3A_245 = vector.broadcast %get3A_236 : f32 to vector<128x128xf32>
    %mul3A_246 = arith.mulf %mul3A_245, %abs3A_244 : vector<128x128xf32>
    %add3A_247 = arith.addf %add3A_206, %mul3A_246 : vector<128x128xf32>
    %slice3A_248 = vector.extract_strided_slice %slice3A_237 {offsets = [0, 0], sizes = [256, 1], strides = [1, 1]} : vector<400x1xf32> to vector<256x1xf32>
    %slice3A_249 = vector.extract_strided_slice %slice3A_238 {offsets = [0, 128], sizes = [1, 128], strides = [1, 1]} : vector<1x400xf32> to vector<1x128xf32>
    %add3A_250 = vector.broadcast %slice3A_248 : vector<256x1xf32> to vector<256x128xf32>
    %add3A_251 = vector.broadcast %slice3A_249 : vector<1x128xf32> to vector<256x128xf32>
    %add3A_252 = arith.addf %add3A_250, %add3A_251 : vector<256x128xf32>
    %abs3A_253 = math.absf %add3A_252 : vector<256x128xf32>
    %mul3A_254 = vector.broadcast %get3A_236 : f32 to vector<256x128xf32>
    %mul3A_255 = arith.mulf %mul3A_254, %abs3A_253 : vector<256x128xf32>
    %add3A_256 = arith.addf %add3A_215, %mul3A_255 : vector<256x128xf32>
    %slice3A_257 = vector.extract_strided_slice %slice3A_237 {offsets = [0, 0], sizes = [384, 1], strides = [1, 1]} : vector<400x1xf32> to vector<384x1xf32>
    %slice3A_258 = vector.extract_strided_slice %slice3A_238 {offsets = [0, 256], sizes = [1, 128], strides = [1, 1]} : vector<1x400xf32> to vector<1x128xf32>
    %add3A_259 = vector.broadcast %slice3A_257 : vector<384x1xf32> to vector<384x128xf32>
    %add3A_260 = vector.broadcast %slice3A_258 : vector<1x128xf32> to vector<384x128xf32>
    %add3A_261 = arith.addf %add3A_259, %add3A_260 : vector<384x128xf32>
    %abs3A_262 = math.absf %add3A_261 : vector<384x128xf32>
    %mul3A_263 = vector.broadcast %get3A_236 : f32 to vector<384x128xf32>
    %mul3A_264 = arith.mulf %mul3A_263, %abs3A_262 : vector<384x128xf32>
    %add3A_265 = arith.addf %add3A_224, %mul3A_264 : vector<384x128xf32>
    %slice3A_266 = vector.extract_strided_slice %slice3A_238 {offsets = [0, 384], sizes = [1, 16], strides = [1, 1]} : vector<1x400xf32> to vector<1x16xf32>
    %add3A_267 = vector.broadcast %slice3A_237 : vector<400x1xf32> to vector<400x16xf32>
    %add3A_268 = vector.broadcast %slice3A_266 : vector<1x16xf32> to vector<400x16xf32>
    %add3A_269 = arith.addf %add3A_267, %add3A_268 : vector<400x16xf32>
    %abs3A_270 = math.absf %add3A_269 : vector<400x16xf32>
    %mul3A_271 = vector.broadcast %get3A_236 : f32 to vector<400x16xf32>
    %mul3A_272 = arith.mulf %mul3A_271, %abs3A_270 : vector<400x16xf32>
    %add3A_273 = arith.addf %add3A_232, %mul3A_272 : vector<400x16xf32>
    %get3A_274 = arith.constant 0 : index
    %get3A_275 = arith.constant 4 : index
    %get3A_276 = vector.load %arg6[%get3A_274, %get3A_275] : memref<1x64xf32, #tpu.memory_space<vmem>>, vector<1x1xf32>
    %get3A_277 = vector.extract %get3A_276[0, 0] : f32 from vector<1x1xf32>
    %slice3A_278 = vector.extract_strided_slice %add3A_77 {offsets = [0, 4], sizes = [400, 1], strides = [1, 1]} : vector<400x64xf32> to vector<400x1xf32>
    %slice3A_279 = vector.extract_strided_slice %transpose3A {offsets = [4, 0], sizes = [1, 400], strides = [1, 1]} : vector<64x400xf32> to vector<1x400xf32>
    %slice3A_280 = vector.extract_strided_slice %slice3A_278 {offsets = [0, 0], sizes = [128, 1], strides = [1, 1]} : vector<400x1xf32> to vector<128x1xf32>
    %slice3A_281 = vector.extract_strided_slice %slice3A_279 {offsets = [0, 0], sizes = [1, 128], strides = [1, 1]} : vector<1x400xf32> to vector<1x128xf32>
    %add3A_282 = vector.broadcast %slice3A_280 : vector<128x1xf32> to vector<128x128xf32>
    %add3A_283 = vector.broadcast %slice3A_281 : vector<1x128xf32> to vector<128x128xf32>
    %add3A_284 = arith.addf %add3A_282, %add3A_283 : vector<128x128xf32>
    %abs3A_285 = math.absf %add3A_284 : vector<128x128xf32>
    %mul3A_286 = vector.broadcast %get3A_277 : f32 to vector<128x128xf32>
    %mul3A_287 = arith.mulf %mul3A_286, %abs3A_285 : vector<128x128xf32>
    %add3A_288 = arith.addf %add3A_247, %mul3A_287 : vector<128x128xf32>
    %slice3A_289 = vector.extract_strided_slice %slice3A_278 {offsets = [0, 0], sizes = [256, 1], strides = [1, 1]} : vector<400x1xf32> to vector<256x1xf32>
    %slice3A_290 = vector.extract_strided_slice %slice3A_279 {offsets = [0, 128], sizes = [1, 128], strides = [1, 1]} : vector<1x400xf32> to vector<1x128xf32>
    %add3A_291 = vector.broadcast %slice3A_289 : vector<256x1xf32> to vector<256x128xf32>
    %add3A_292 = vector.broadcast %slice3A_290 : vector<1x128xf32> to vector<256x128xf32>
    %add3A_293 = arith.addf %add3A_291, %add3A_292 : vector<256x128xf32>
    %abs3A_294 = math.absf %add3A_293 : vector<256x128xf32>
    %mul3A_295 = vector.broadcast %get3A_277 : f32 to vector<256x128xf32>
    %mul3A_296 = arith.mulf %mul3A_295, %abs3A_294 : vector<256x128xf32>
    %add3A_297 = arith.addf %add3A_256, %mul3A_296 : vector<256x128xf32>
    %slice3A_298 = vector.extract_strided_slice %slice3A_278 {offsets = [0, 0], sizes = [384, 1], strides = [1, 1]} : vector<400x1xf32> to vector<384x1xf32>
    %slice3A_299 = vector.extract_strided_slice %slice3A_279 {offsets = [0, 256], sizes = [1, 128], strides = [1, 1]} : vector<1x400xf32> to vector<1x128xf32>
    %add3A_300 = vector.broadcast %slice3A_298 : vector<384x1xf32> to vector<384x128xf32>
    %add3A_301 = vector.broadcast %slice3A_299 : vector<1x128xf32> to vector<384x128xf32>
    %add3A_302 = arith.addf %add3A_300, %add3A_301 : vector<384x128xf32>
    %abs3A_303 = math.absf %add3A_302 : vector<384x128xf32>
    %mul3A_304 = vector.broadcast %get3A_277 : f32 to vector<384x128xf32>
    %mul3A_305 = arith.mulf %mul3A_304, %abs3A_303 : vector<384x128xf32>
    %add3A_306 = arith.addf %add3A_265, %mul3A_305 : vector<384x128xf32>
    %slice3A_307 = vector.extract_strided_slice %slice3A_279 {offsets = [0, 384], sizes = [1, 16], strides = [1, 1]} : vector<1x400xf32> to vector<1x16xf32>
    %add3A_308 = vector.broadcast %slice3A_278 : vector<400x1xf32> to vector<400x16xf32>
    %add3A_309 = vector.broadcast %slice3A_307 : vector<1x16xf32> to vector<400x16xf32>
    %add3A_310 = arith.addf %add3A_308, %add3A_309 : vector<400x16xf32>
    %abs3A_311 = math.absf %add3A_310 : vector<400x16xf32>
    %mul3A_312 = vector.broadcast %get3A_277 : f32 to vector<400x16xf32>
    %mul3A_313 = arith.mulf %mul3A_312, %abs3A_311 : vector<400x16xf32>
    %add3A_314 = arith.addf %add3A_273, %mul3A_313 : vector<400x16xf32>
    %get3A_315 = arith.constant 0 : index
    %get3A_316 = arith.constant 5 : index
    %get3A_317 = vector.load %arg6[%get3A_315, %get3A_316] : memref<1x64xf32, #tpu.memory_space<vmem>>, vector<1x1xf32>
    %get3A_318 = vector.extract %get3A_317[0, 0] : f32 from vector<1x1xf32>
    %slice3A_319 = vector.extract_strided_slice %add3A_77 {offsets = [0, 5], sizes = [400, 1], strides = [1, 1]} : vector<400x64xf32> to vector<400x1xf32>
    %slice3A_320 = vector.extract_strided_slice %transpose3A {offsets = [5, 0], sizes = [1, 400], strides = [1, 1]} : vector<64x400xf32> to vector<1x400xf32>
    %slice3A_321 = vector.extract_strided_slice %slice3A_319 {offsets = [0, 0], sizes = [128, 1], strides = [1, 1]} : vector<400x1xf32> to vector<128x1xf32>
    %slice3A_322 = vector.extract_strided_slice %slice3A_320 {offsets = [0, 0], sizes = [1, 128], strides = [1, 1]} : vector<1x400xf32> to vector<1x128xf32>
    %add3A_323 = vector.broadcast %slice3A_321 : vector<128x1xf32> to vector<128x128xf32>
    %add3A_324 = vector.broadcast %slice3A_322 : vector<1x128xf32> to vector<128x128xf32>
    %add3A_325 = arith.addf %add3A_323, %add3A_324 : vector<128x128xf32>
    %abs3A_326 = math.absf %add3A_325 : vector<128x128xf32>
    %mul3A_327 = vector.broadcast %get3A_318 : f32 to vector<128x128xf32>
    %mul3A_328 = arith.mulf %mul3A_327, %abs3A_326 : vector<128x128xf32>
    %add3A_329 = arith.addf %add3A_288, %mul3A_328 : vector<128x128xf32>
    %slice3A_330 = vector.extract_strided_slice %slice3A_319 {offsets = [0, 0], sizes = [256, 1], strides = [1, 1]} : vector<400x1xf32> to vector<256x1xf32>
    %slice3A_331 = vector.extract_strided_slice %slice3A_320 {offsets = [0, 128], sizes = [1, 128], strides = [1, 1]} : vector<1x400xf32> to vector<1x128xf32>
    %add3A_332 = vector.broadcast %slice3A_330 : vector<256x1xf32> to vector<256x128xf32>
    %add3A_333 = vector.broadcast %slice3A_331 : vector<1x128xf32> to vector<256x128xf32>
    %add3A_334 = arith.addf %add3A_332, %add3A_333 : vector<256x128xf32>
    %abs3A_335 = math.absf %add3A_334 : vector<256x128xf32>
    %mul3A_336 = vector.broadcast %get3A_318 : f32 to vector<256x128xf32>
    %mul3A_337 = arith.mulf %mul3A_336, %abs3A_335 : vector<256x128xf32>
    %add3A_338 = arith.addf %add3A_297, %mul3A_337 : vector<256x128xf32>
    %slice3A_339 = vector.extract_strided_slice %slice3A_319 {offsets = [0, 0], sizes = [384, 1], strides = [1, 1]} : vector<400x1xf32> to vector<384x1xf32>
    %slice3A_340 = vector.extract_strided_slice %slice3A_320 {offsets = [0, 256], sizes = [1, 128], strides = [1, 1]} : vector<1x400xf32> to vector<1x128xf32>
    %add3A_341 = vector.broadcast %slice3A_339 : vector<384x1xf32> to vector<384x128xf32>
    %add3A_342 = vector.broadcast %slice3A_340 : vector<1x128xf32> to vector<384x128xf32>
    %add3A_343 = arith.addf %add3A_341, %add3A_342 : vector<384x128xf32>
    %abs3A_344 = math.absf %add3A_343 : vector<384x128xf32>
    %mul3A_345 = vector.broadcast %get3A_318 : f32 to vector<384x128xf32>
    %mul3A_346 = arith.mulf %mul3A_345, %abs3A_344 : vector<384x128xf32>
    %add3A_347 = arith.addf %add3A_306, %mul3A_346 : vector<384x128xf32>
    %slice3A_348 = vector.extract_strided_slice %slice3A_320 {offsets = [0, 384], sizes = [1, 16], strides = [1, 1]} : vector<1x400xf32> to vector<1x16xf32>
    %add3A_349 = vector.broadcast %slice3A_319 : vector<400x1xf32> to vector<400x16xf32>
    %add3A_350 = vector.broadcast %slice3A_348 : vector<1x16xf32> to vector<400x16xf32>
    %add3A_351 = arith.addf %add3A_349, %add3A_350 : vector<400x16xf32>
    %abs3A_352 = math.absf %add3A_351 : vector<400x16xf32>
    %mul3A_353 = vector.broadcast %get3A_318 : f32 to vector<400x16xf32>
    %mul3A_354 = arith.mulf %mul3A_353, %abs3A_352 : vector<400x16xf32>
    %add3A_355 = arith.addf %add3A_314, %mul3A_354 : vector<400x16xf32>
    %get3A_356 = arith.constant 0 : index
    %get3A_357 = arith.constant 6 : index
    %get3A_358 = vector.load %arg6[%get3A_356, %get3A_357] : memref<1x64xf32, #tpu.memory_space<vmem>>, vector<1x1xf32>
    %get3A_359 = vector.extract %get3A_358[0, 0] : f32 from vector<1x1xf32>
    %slice3A_360 = vector.extract_strided_slice %add3A_77 {offsets = [0, 6], sizes = [400, 1], strides = [1, 1]} : vector<400x64xf32> to vector<400x1xf32>
    %slice3A_361 = vector.extract_strided_slice %transpose3A {offsets = [6, 0], sizes = [1, 400], strides = [1, 1]} : vector<64x400xf32> to vector<1x400xf32>
    %slice3A_362 = vector.extract_strided_slice %slice3A_360 {offsets = [0, 0], sizes = [128, 1], strides = [1, 1]} : vector<400x1xf32> to vector<128x1xf32>
    %slice3A_363 = vector.extract_strided_slice %slice3A_361 {offsets = [0, 0], sizes = [1, 128], strides = [1, 1]} : vector<1x400xf32> to vector<1x128xf32>
    %add3A_364 = vector.broadcast %slice3A_362 : vector<128x1xf32> to vector<128x128xf32>
    %add3A_365 = vector.broadcast %slice3A_363 : vector<1x128xf32> to vector<128x128xf32>
    %add3A_366 = arith.addf %add3A_364, %add3A_365 : vector<128x128xf32>
    %abs3A_367 = math.absf %add3A_366 : vector<128x128xf32>
    %mul3A_368 = vector.broadcast %get3A_359 : f32 to vector<128x128xf32>
    %mul3A_369 = arith.mulf %mul3A_368, %abs3A_367 : vector<128x128xf32>
    %add3A_370 = arith.addf %add3A_329, %mul3A_369 : vector<128x128xf32>
    %slice3A_371 = vector.extract_strided_slice %slice3A_360 {offsets = [0, 0], sizes = [256, 1], strides = [1, 1]} : vector<400x1xf32> to vector<256x1xf32>
    %slice3A_372 = vector.extract_strided_slice %slice3A_361 {offsets = [0, 128], sizes = [1, 128], strides = [1, 1]} : vector<1x400xf32> to vector<1x128xf32>
    %add3A_373 = vector.broadcast %slice3A_371 : vector<256x1xf32> to vector<256x128xf32>
    %add3A_374 = vector.broadcast %slice3A_372 : vector<1x128xf32> to vector<256x128xf32>
    %add3A_375 = arith.addf %add3A_373, %add3A_374 : vector<256x128xf32>
    %abs3A_376 = math.absf %add3A_375 : vector<256x128xf32>
    %mul3A_377 = vector.broadcast %get3A_359 : f32 to vector<256x128xf32>
    %mul3A_378 = arith.mulf %mul3A_377, %abs3A_376 : vector<256x128xf32>
    %add3A_379 = arith.addf %add3A_338, %mul3A_378 : vector<256x128xf32>
    %slice3A_380 = vector.extract_strided_slice %slice3A_360 {offsets = [0, 0], sizes = [384, 1], strides = [1, 1]} : vector<400x1xf32> to vector<384x1xf32>
    %slice3A_381 = vector.extract_strided_slice %slice3A_361 {offsets = [0, 256], sizes = [1, 128], strides = [1, 1]} : vector<1x400xf32> to vector<1x128xf32>
    %add3A_382 = vector.broadcast %slice3A_380 : vector<384x1xf32> to vector<384x128xf32>
    %add3A_383 = vector.broadcast %slice3A_381 : vector<1x128xf32> to vector<384x128xf32>
    %add3A_384 = arith.addf %add3A_382, %add3A_383 : vector<384x128xf32>
    %abs3A_385 = math.absf %add3A_384 : vector<384x128xf32>
    %mul3A_386 = vector.broadcast %get3A_359 : f32 to vector<384x128xf32>
    %mul3A_387 = arith.mulf %mul3A_386, %abs3A_385 : vector<384x128xf32>
    %add3A_388 = arith.addf %add3A_347, %mul3A_387 : vector<384x128xf32>
    %slice3A_389 = vector.extract_strided_slice %slice3A_361 {offsets = [0, 384], sizes = [1, 16], strides = [1, 1]} : vector<1x400xf32> to vector<1x16xf32>
    %add3A_390 = vector.broadcast %slice3A_360 : vector<400x1xf32> to vector<400x16xf32>
    %add3A_391 = vector.broadcast %slice3A_389 : vector<1x16xf32> to vector<400x16xf32>
    %add3A_392 = arith.addf %add3A_390, %add3A_391 : vector<400x16xf32>
    %abs3A_393 = math.absf %add3A_392 : vector<400x16xf32>
    %mul3A_394 = vector.broadcast %get3A_359 : f32 to vector<400x16xf32>
    %mul3A_395 = arith.mulf %mul3A_394, %abs3A_393 : vector<400x16xf32>
    %add3A_396 = arith.addf %add3A_355, %mul3A_395 : vector<400x16xf32>
    %get3A_397 = arith.constant 0 : index
    %get3A_398 = arith.constant 7 : index
    %get3A_399 = vector.load %arg6[%get3A_397, %get3A_398] : memref<1x64xf32, #tpu.memory_space<vmem>>, vector<1x1xf32>
    %get3A_400 = vector.extract %get3A_399[0, 0] : f32 from vector<1x1xf32>
    %slice3A_401 = vector.extract_strided_slice %add3A_77 {offsets = [0, 7], sizes = [400, 1], strides = [1, 1]} : vector<400x64xf32> to vector<400x1xf32>
    %slice3A_402 = vector.extract_strided_slice %transpose3A {offsets = [7, 0], sizes = [1, 400], strides = [1, 1]} : vector<64x400xf32> to vector<1x400xf32>
    %slice3A_403 = vector.extract_strided_slice %slice3A_401 {offsets = [0, 0], sizes = [128, 1], strides = [1, 1]} : vector<400x1xf32> to vector<128x1xf32>
    %slice3A_404 = vector.extract_strided_slice %slice3A_402 {offsets = [0, 0], sizes = [1, 128], strides = [1, 1]} : vector<1x400xf32> to vector<1x128xf32>
    %add3A_405 = vector.broadcast %slice3A_403 : vector<128x1xf32> to vector<128x128xf32>
    %add3A_406 = vector.broadcast %slice3A_404 : vector<1x128xf32> to vector<128x128xf32>
    %add3A_407 = arith.addf %add3A_405, %add3A_406 : vector<128x128xf32>
    %abs3A_408 = math.absf %add3A_407 : vector<128x128xf32>
    %mul3A_409 = vector.broadcast %get3A_400 : f32 to vector<128x128xf32>
    %mul3A_410 = arith.mulf %mul3A_409, %abs3A_408 : vector<128x128xf32>
    %add3A_411 = arith.addf %add3A_370, %mul3A_410 : vector<128x128xf32>
    %slice3A_412 = vector.extract_strided_slice %slice3A_401 {offsets = [0, 0], sizes = [256, 1], strides = [1, 1]} : vector<400x1xf32> to vector<256x1xf32>
    %slice3A_413 = vector.extract_strided_slice %slice3A_402 {offsets = [0, 128], sizes = [1, 128], strides = [1, 1]} : vector<1x400xf32> to vector<1x128xf32>
    %add3A_414 = vector.broadcast %slice3A_412 : vector<256x1xf32> to vector<256x128xf32>
    %add3A_415 = vector.broadcast %slice3A_413 : vector<1x128xf32> to vector<256x128xf32>
    %add3A_416 = arith.addf %add3A_414, %add3A_415 : vector<256x128xf32>
    %abs3A_417 = math.absf %add3A_416 : vector<256x128xf32>
    %mul3A_418 = vector.broadcast %get3A_400 : f32 to vector<256x128xf32>
    %mul3A_419 = arith.mulf %mul3A_418, %abs3A_417 : vector<256x128xf32>
    %add3A_420 = arith.addf %add3A_379, %mul3A_419 : vector<256x128xf32>
    %slice3A_421 = vector.extract_strided_slice %slice3A_401 {offsets = [0, 0], sizes = [384, 1], strides = [1, 1]} : vector<400x1xf32> to vector<384x1xf32>
    %slice3A_422 = vector.extract_strided_slice %slice3A_402 {offsets = [0, 256], sizes = [1, 128], strides = [1, 1]} : vector<1x400xf32> to vector<1x128xf32>
    %add3A_423 = vector.broadcast %slice3A_421 : vector<384x1xf32> to vector<384x128xf32>
    %add3A_424 = vector.broadcast %slice3A_422 : vector<1x128xf32> to vector<384x128xf32>
    %add3A_425 = arith.addf %add3A_423, %add3A_424 : vector<384x128xf32>
    %abs3A_426 = math.absf %add3A_425 : vector<384x128xf32>
    %mul3A_427 = vector.broadcast %get3A_400 : f32 to vector<384x128xf32>
    %mul3A_428 = arith.mulf %mul3A_427, %abs3A_426 : vector<384x128xf32>
    %add3A_429 = arith.addf %add3A_388, %mul3A_428 : vector<384x128xf32>
    %slice3A_430 = vector.extract_strided_slice %slice3A_402 {offsets = [0, 384], sizes = [1, 16], strides = [1, 1]} : vector<1x400xf32> to vector<1x16xf32>
    %add3A_431 = vector.broadcast %slice3A_401 : vector<400x1xf32> to vector<400x16xf32>
    %add3A_432 = vector.broadcast %slice3A_430 : vector<1x16xf32> to vector<400x16xf32>
    %add3A_433 = arith.addf %add3A_431, %add3A_432 : vector<400x16xf32>
    %abs3A_434 = math.absf %add3A_433 : vector<400x16xf32>
    %mul3A_435 = vector.broadcast %get3A_400 : f32 to vector<400x16xf32>
    %mul3A_436 = arith.mulf %mul3A_435, %abs3A_434 : vector<400x16xf32>
    %add3A_437 = arith.addf %add3A_396, %mul3A_436 : vector<400x16xf32>
    %get3A_438 = arith.constant 0 : index
    %get3A_439 = arith.constant 8 : index
    %get3A_440 = vector.load %arg6[%get3A_438, %get3A_439] : memref<1x64xf32, #tpu.memory_space<vmem>>, vector<1x1xf32>
    %get3A_441 = vector.extract %get3A_440[0, 0] : f32 from vector<1x1xf32>
    %slice3A_442 = vector.extract_strided_slice %add3A_77 {offsets = [0, 8], sizes = [400, 1], strides = [1, 1]} : vector<400x64xf32> to vector<400x1xf32>
    %slice3A_443 = vector.extract_strided_slice %transpose3A {offsets = [8, 0], sizes = [1, 400], strides = [1, 1]} : vector<64x400xf32> to vector<1x400xf32>
    %slice3A_444 = vector.extract_strided_slice %slice3A_442 {offsets = [0, 0], sizes = [128, 1], strides = [1, 1]} : vector<400x1xf32> to vector<128x1xf32>
    %slice3A_445 = vector.extract_strided_slice %slice3A_443 {offsets = [0, 0], sizes = [1, 128], strides = [1, 1]} : vector<1x400xf32> to vector<1x128xf32>
    %add3A_446 = vector.broadcast %slice3A_444 : vector<128x1xf32> to vector<128x128xf32>
    %add3A_447 = vector.broadcast %slice3A_445 : vector<1x128xf32> to vector<128x128xf32>
    %add3A_448 = arith.addf %add3A_446, %add3A_447 : vector<128x128xf32>
    %abs3A_449 = math.absf %add3A_448 : vector<128x128xf32>
    %mul3A_450 = vector.broadcast %get3A_441 : f32 to vector<128x128xf32>
    %mul3A_451 = arith.mulf %mul3A_450, %abs3A_449 : vector<128x128xf32>
    %add3A_452 = arith.addf %add3A_411, %mul3A_451 : vector<128x128xf32>
    %slice3A_453 = vector.extract_strided_slice %slice3A_442 {offsets = [0, 0], sizes = [256, 1], strides = [1, 1]} : vector<400x1xf32> to vector<256x1xf32>
    %slice3A_454 = vector.extract_strided_slice %slice3A_443 {offsets = [0, 128], sizes = [1, 128], strides = [1, 1]} : vector<1x400xf32> to vector<1x128xf32>
    %add3A_455 = vector.broadcast %slice3A_453 : vector<256x1xf32> to vector<256x128xf32>
    %add3A_456 = vector.broadcast %slice3A_454 : vector<1x128xf32> to vector<256x128xf32>
    %add3A_457 = arith.addf %add3A_455, %add3A_456 : vector<256x128xf32>
    %abs3A_458 = math.absf %add3A_457 : vector<256x128xf32>
    %mul3A_459 = vector.broadcast %get3A_441 : f32 to vector<256x128xf32>
    %mul3A_460 = arith.mulf %mul3A_459, %abs3A_458 : vector<256x128xf32>
    %add3A_461 = arith.addf %add3A_420, %mul3A_460 : vector<256x128xf32>
    %slice3A_462 = vector.extract_strided_slice %slice3A_442 {offsets = [0, 0], sizes = [384, 1], strides = [1, 1]} : vector<400x1xf32> to vector<384x1xf32>
    %slice3A_463 = vector.extract_strided_slice %slice3A_443 {offsets = [0, 256], sizes = [1, 128], strides = [1, 1]} : vector<1x400xf32> to vector<1x128xf32>
    %add3A_464 = vector.broadcast %slice3A_462 : vector<384x1xf32> to vector<384x128xf32>
    %add3A_465 = vector.broadcast %slice3A_463 : vector<1x128xf32> to vector<384x128xf32>
    %add3A_466 = arith.addf %add3A_464, %add3A_465 : vector<384x128xf32>
    %abs3A_467 = math.absf %add3A_466 : vector<384x128xf32>
    %mul3A_468 = vector.broadcast %get3A_441 : f32 to vector<384x128xf32>
    %mul3A_469 = arith.mulf %mul3A_468, %abs3A_467 : vector<384x128xf32>
    %add3A_470 = arith.addf %add3A_429, %mul3A_469 : vector<384x128xf32>
    %slice3A_471 = vector.extract_strided_slice %slice3A_443 {offsets = [0, 384], sizes = [1, 16], strides = [1, 1]} : vector<1x400xf32> to vector<1x16xf32>
    %add3A_472 = vector.broadcast %slice3A_442 : vector<400x1xf32> to vector<400x16xf32>
    %add3A_473 = vector.broadcast %slice3A_471 : vector<1x16xf32> to vector<400x16xf32>
    %add3A_474 = arith.addf %add3A_472, %add3A_473 : vector<400x16xf32>
    %abs3A_475 = math.absf %add3A_474 : vector<400x16xf32>
    %mul3A_476 = vector.broadcast %get3A_441 : f32 to vector<400x16xf32>
    %mul3A_477 = arith.mulf %mul3A_476, %abs3A_475 : vector<400x16xf32>
    %add3A_478 = arith.addf %add3A_437, %mul3A_477 : vector<400x16xf32>
    %get3A_479 = arith.constant 0 : index
    %get3A_480 = arith.constant 9 : index
    %get3A_481 = vector.load %arg6[%get3A_479, %get3A_480] : memref<1x64xf32, #tpu.memory_space<vmem>>, vector<1x1xf32>
    %get3A_482 = vector.extract %get3A_481[0, 0] : f32 from vector<1x1xf32>
    %slice3A_483 = vector.extract_strided_slice %add3A_77 {offsets = [0, 9], sizes = [400, 1], strides = [1, 1]} : vector<400x64xf32> to vector<400x1xf32>
    %slice3A_484 = vector.extract_strided_slice %transpose3A {offsets = [9, 0], sizes = [1, 400], strides = [1, 1]} : vector<64x400xf32> to vector<1x400xf32>
    %slice3A_485 = vector.extract_strided_slice %slice3A_483 {offsets = [0, 0], sizes = [128, 1], strides = [1, 1]} : vector<400x1xf32> to vector<128x1xf32>
    %slice3A_486 = vector.extract_strided_slice %slice3A_484 {offsets = [0, 0], sizes = [1, 128], strides = [1, 1]} : vector<1x400xf32> to vector<1x128xf32>
    %add3A_487 = vector.broadcast %slice3A_485 : vector<128x1xf32> to vector<128x128xf32>
    %add3A_488 = vector.broadcast %slice3A_486 : vector<1x128xf32> to vector<128x128xf32>
    %add3A_489 = arith.addf %add3A_487, %add3A_488 : vector<128x128xf32>
    %abs3A_490 = math.absf %add3A_489 : vector<128x128xf32>
    %mul3A_491 = vector.broadcast %get3A_482 : f32 to vector<128x128xf32>
    %mul3A_492 = arith.mulf %mul3A_491, %abs3A_490 : vector<128x128xf32>
    %add3A_493 = arith.addf %add3A_452, %mul3A_492 : vector<128x128xf32>
    %slice3A_494 = vector.extract_strided_slice %slice3A_483 {offsets = [0, 0], sizes = [256, 1], strides = [1, 1]} : vector<400x1xf32> to vector<256x1xf32>
    %slice3A_495 = vector.extract_strided_slice %slice3A_484 {offsets = [0, 128], sizes = [1, 128], strides = [1, 1]} : vector<1x400xf32> to vector<1x128xf32>
    %add3A_496 = vector.broadcast %slice3A_494 : vector<256x1xf32> to vector<256x128xf32>
    %add3A_497 = vector.broadcast %slice3A_495 : vector<1x128xf32> to vector<256x128xf32>
    %add3A_498 = arith.addf %add3A_496, %add3A_497 : vector<256x128xf32>
    %abs3A_499 = math.absf %add3A_498 : vector<256x128xf32>
    %mul3A_500 = vector.broadcast %get3A_482 : f32 to vector<256x128xf32>
    %mul3A_501 = arith.mulf %mul3A_500, %abs3A_499 : vector<256x128xf32>
    %add3A_502 = arith.addf %add3A_461, %mul3A_501 : vector<256x128xf32>
    %slice3A_503 = vector.extract_strided_slice %slice3A_483 {offsets = [0, 0], sizes = [384, 1], strides = [1, 1]} : vector<400x1xf32> to vector<384x1xf32>
    %slice3A_504 = vector.extract_strided_slice %slice3A_484 {offsets = [0, 256], sizes = [1, 128], strides = [1, 1]} : vector<1x400xf32> to vector<1x128xf32>
    %add3A_505 = vector.broadcast %slice3A_503 : vector<384x1xf32> to vector<384x128xf32>
    %add3A_506 = vector.broadcast %slice3A_504 : vector<1x128xf32> to vector<384x128xf32>
    %add3A_507 = arith.addf %add3A_505, %add3A_506 : vector<384x128xf32>
    %abs3A_508 = math.absf %add3A_507 : vector<384x128xf32>
    %mul3A_509 = vector.broadcast %get3A_482 : f32 to vector<384x128xf32>
    %mul3A_510 = arith.mulf %mul3A_509, %abs3A_508 : vector<384x128xf32>
    %add3A_511 = arith.addf %add3A_470, %mul3A_510 : vector<384x128xf32>
    %slice3A_512 = vector.extract_strided_slice %slice3A_484 {offsets = [0, 384], sizes = [1, 16], strides = [1, 1]} : vector<1x400xf32> to vector<1x16xf32>
    %add3A_513 = vector.broadcast %slice3A_483 : vector<400x1xf32> to vector<400x16xf32>
    %add3A_514 = vector.broadcast %slice3A_512 : vector<1x16xf32> to vector<400x16xf32>
    %add3A_515 = arith.addf %add3A_513, %add3A_514 : vector<400x16xf32>
    %abs3A_516 = math.absf %add3A_515 : vector<400x16xf32>
    %mul3A_517 = vector.broadcast %get3A_482 : f32 to vector<400x16xf32>
    %mul3A_518 = arith.mulf %mul3A_517, %abs3A_516 : vector<400x16xf32>
    %add3A_519 = arith.addf %add3A_478, %mul3A_518 : vector<400x16xf32>
    %get3A_520 = arith.constant 0 : index
    %get3A_521 = arith.constant 10 : index
    %get3A_522 = vector.load %arg6[%get3A_520, %get3A_521] : memref<1x64xf32, #tpu.memory_space<vmem>>, vector<1x1xf32>
    %get3A_523 = vector.extract %get3A_522[0, 0] : f32 from vector<1x1xf32>
    %slice3A_524 = vector.extract_strided_slice %add3A_77 {offsets = [0, 10], sizes = [400, 1], strides = [1, 1]} : vector<400x64xf32> to vector<400x1xf32>
    %slice3A_525 = vector.extract_strided_slice %transpose3A {offsets = [10, 0], sizes = [1, 400], strides = [1, 1]} : vector<64x400xf32> to vector<1x400xf32>
    %slice3A_526 = vector.extract_strided_slice %slice3A_524 {offsets = [0, 0], sizes = [128, 1], strides = [1, 1]} : vector<400x1xf32> to vector<128x1xf32>
    %slice3A_527 = vector.extract_strided_slice %slice3A_525 {offsets = [0, 0], sizes = [1, 128], strides = [1, 1]} : vector<1x400xf32> to vector<1x128xf32>
    %add3A_528 = vector.broadcast %slice3A_526 : vector<128x1xf32> to vector<128x128xf32>
    %add3A_529 = vector.broadcast %slice3A_527 : vector<1x128xf32> to vector<128x128xf32>
    %add3A_530 = arith.addf %add3A_528, %add3A_529 : vector<128x128xf32>
    %abs3A_531 = math.absf %add3A_530 : vector<128x128xf32>
    %mul3A_532 = vector.broadcast %get3A_523 : f32 to vector<128x128xf32>
    %mul3A_533 = arith.mulf %mul3A_532, %abs3A_531 : vector<128x128xf32>
    %add3A_534 = arith.addf %add3A_493, %mul3A_533 : vector<128x128xf32>
    %slice3A_535 = vector.extract_strided_slice %slice3A_524 {offsets = [0, 0], sizes = [256, 1], strides = [1, 1]} : vector<400x1xf32> to vector<256x1xf32>
    %slice3A_536 = vector.extract_strided_slice %slice3A_525 {offsets = [0, 128], sizes = [1, 128], strides = [1, 1]} : vector<1x400xf32> to vector<1x128xf32>
    %add3A_537 = vector.broadcast %slice3A_535 : vector<256x1xf32> to vector<256x128xf32>
    %add3A_538 = vector.broadcast %slice3A_536 : vector<1x128xf32> to vector<256x128xf32>
    %add3A_539 = arith.addf %add3A_537, %add3A_538 : vector<256x128xf32>
    %abs3A_540 = math.absf %add3A_539 : vector<256x128xf32>
    %mul3A_541 = vector.broadcast %get3A_523 : f32 to vector<256x128xf32>
    %mul3A_542 = arith.mulf %mul3A_541, %abs3A_540 : vector<256x128xf32>
    %add3A_543 = arith.addf %add3A_502, %mul3A_542 : vector<256x128xf32>
    %slice3A_544 = vector.extract_strided_slice %slice3A_524 {offsets = [0, 0], sizes = [384, 1], strides = [1, 1]} : vector<400x1xf32> to vector<384x1xf32>
    %slice3A_545 = vector.extract_strided_slice %slice3A_525 {offsets = [0, 256], sizes = [1, 128], strides = [1, 1]} : vector<1x400xf32> to vector<1x128xf32>
    %add3A_546 = vector.broadcast %slice3A_544 : vector<384x1xf32> to vector<384x128xf32>
    %add3A_547 = vector.broadcast %slice3A_545 : vector<1x128xf32> to vector<384x128xf32>
    %add3A_548 = arith.addf %add3A_546, %add3A_547 : vector<384x128xf32>
    %abs3A_549 = math.absf %add3A_548 : vector<384x128xf32>
    %mul3A_550 = vector.broadcast %get3A_523 : f32 to vector<384x128xf32>
    %mul3A_551 = arith.mulf %mul3A_550, %abs3A_549 : vector<384x128xf32>
    %add3A_552 = arith.addf %add3A_511, %mul3A_551 : vector<384x128xf32>
    %slice3A_553 = vector.extract_strided_slice %slice3A_525 {offsets = [0, 384], sizes = [1, 16], strides = [1, 1]} : vector<1x400xf32> to vector<1x16xf32>
    %add3A_554 = vector.broadcast %slice3A_524 : vector<400x1xf32> to vector<400x16xf32>
    %add3A_555 = vector.broadcast %slice3A_553 : vector<1x16xf32> to vector<400x16xf32>
    %add3A_556 = arith.addf %add3A_554, %add3A_555 : vector<400x16xf32>
    %abs3A_557 = math.absf %add3A_556 : vector<400x16xf32>
    %mul3A_558 = vector.broadcast %get3A_523 : f32 to vector<400x16xf32>
    %mul3A_559 = arith.mulf %mul3A_558, %abs3A_557 : vector<400x16xf32>
    %add3A_560 = arith.addf %add3A_519, %mul3A_559 : vector<400x16xf32>
    %get3A_561 = arith.constant 0 : index
    %get3A_562 = arith.constant 11 : index
    %get3A_563 = vector.load %arg6[%get3A_561, %get3A_562] : memref<1x64xf32, #tpu.memory_space<vmem>>, vector<1x1xf32>
    %get3A_564 = vector.extract %get3A_563[0, 0] : f32 from vector<1x1xf32>
    %slice3A_565 = vector.extract_strided_slice %add3A_77 {offsets = [0, 11], sizes = [400, 1], strides = [1, 1]} : vector<400x64xf32> to vector<400x1xf32>
    %slice3A_566 = vector.extract_strided_slice %transpose3A {offsets = [11, 0], sizes = [1, 400], strides = [1, 1]} : vector<64x400xf32> to vector<1x400xf32>
    %slice3A_567 = vector.extract_strided_slice %slice3A_565 {offsets = [0, 0], sizes = [128, 1], strides = [1, 1]} : vector<400x1xf32> to vector<128x1xf32>
    %slice3A_568 = vector.extract_strided_slice %slice3A_566 {offsets = [0, 0], sizes = [1, 128], strides = [1, 1]} : vector<1x400xf32> to vector<1x128xf32>
    %add3A_569 = vector.broadcast %slice3A_567 : vector<128x1xf32> to vector<128x128xf32>
    %add3A_570 = vector.broadcast %slice3A_568 : vector<1x128xf32> to vector<128x128xf32>
    %add3A_571 = arith.addf %add3A_569, %add3A_570 : vector<128x128xf32>
    %abs3A_572 = math.absf %add3A_571 : vector<128x128xf32>
    %mul3A_573 = vector.broadcast %get3A_564 : f32 to vector<128x128xf32>
    %mul3A_574 = arith.mulf %mul3A_573, %abs3A_572 : vector<128x128xf32>
    %add3A_575 = arith.addf %add3A_534, %mul3A_574 : vector<128x128xf32>
    %slice3A_576 = vector.extract_strided_slice %slice3A_565 {offsets = [0, 0], sizes = [256, 1], strides = [1, 1]} : vector<400x1xf32> to vector<256x1xf32>
    %slice3A_577 = vector.extract_strided_slice %slice3A_566 {offsets = [0, 128], sizes = [1, 128], strides = [1, 1]} : vector<1x400xf32> to vector<1x128xf32>
    %add3A_578 = vector.broadcast %slice3A_576 : vector<256x1xf32> to vector<256x128xf32>
    %add3A_579 = vector.broadcast %slice3A_577 : vector<1x128xf32> to vector<256x128xf32>
    %add3A_580 = arith.addf %add3A_578, %add3A_579 : vector<256x128xf32>
    %abs3A_581 = math.absf %add3A_580 : vector<256x128xf32>
    %mul3A_582 = vector.broadcast %get3A_564 : f32 to vector<256x128xf32>
    %mul3A_583 = arith.mulf %mul3A_582, %abs3A_581 : vector<256x128xf32>
    %add3A_584 = arith.addf %add3A_543, %mul3A_583 : vector<256x128xf32>
    %slice3A_585 = vector.extract_strided_slice %slice3A_565 {offsets = [0, 0], sizes = [384, 1], strides = [1, 1]} : vector<400x1xf32> to vector<384x1xf32>
    %slice3A_586 = vector.extract_strided_slice %slice3A_566 {offsets = [0, 256], sizes = [1, 128], strides = [1, 1]} : vector<1x400xf32> to vector<1x128xf32>
    %add3A_587 = vector.broadcast %slice3A_585 : vector<384x1xf32> to vector<384x128xf32>
    %add3A_588 = vector.broadcast %slice3A_586 : vector<1x128xf32> to vector<384x128xf32>
    %add3A_589 = arith.addf %add3A_587, %add3A_588 : vector<384x128xf32>
    %abs3A_590 = math.absf %add3A_589 : vector<384x128xf32>
    %mul3A_591 = vector.broadcast %get3A_564 : f32 to vector<384x128xf32>
    %mul3A_592 = arith.mulf %mul3A_591, %abs3A_590 : vector<384x128xf32>
    %add3A_593 = arith.addf %add3A_552, %mul3A_592 : vector<384x128xf32>
    %slice3A_594 = vector.extract_strided_slice %slice3A_566 {offsets = [0, 384], sizes = [1, 16], strides = [1, 1]} : vector<1x400xf32> to vector<1x16xf32>
    %add3A_595 = vector.broadcast %slice3A_565 : vector<400x1xf32> to vector<400x16xf32>
    %add3A_596 = vector.broadcast %slice3A_594 : vector<1x16xf32> to vector<400x16xf32>
    %add3A_597 = arith.addf %add3A_595, %add3A_596 : vector<400x16xf32>
    %abs3A_598 = math.absf %add3A_597 : vector<400x16xf32>
    %mul3A_599 = vector.broadcast %get3A_564 : f32 to vector<400x16xf32>
    %mul3A_600 = arith.mulf %mul3A_599, %abs3A_598 : vector<400x16xf32>
    %add3A_601 = arith.addf %add3A_560, %mul3A_600 : vector<400x16xf32>
    %get3A_602 = arith.constant 0 : index
    %get3A_603 = arith.constant 12 : index
    %get3A_604 = vector.load %arg6[%get3A_602, %get3A_603] : memref<1x64xf32, #tpu.memory_space<vmem>>, vector<1x1xf32>
    %get3A_605 = vector.extract %get3A_604[0, 0] : f32 from vector<1x1xf32>
    %slice3A_606 = vector.extract_strided_slice %add3A_77 {offsets = [0, 12], sizes = [400, 1], strides = [1, 1]} : vector<400x64xf32> to vector<400x1xf32>
    %slice3A_607 = vector.extract_strided_slice %transpose3A {offsets = [12, 0], sizes = [1, 400], strides = [1, 1]} : vector<64x400xf32> to vector<1x400xf32>
    %slice3A_608 = vector.extract_strided_slice %slice3A_606 {offsets = [0, 0], sizes = [128, 1], strides = [1, 1]} : vector<400x1xf32> to vector<128x1xf32>
    %slice3A_609 = vector.extract_strided_slice %slice3A_607 {offsets = [0, 0], sizes = [1, 128], strides = [1, 1]} : vector<1x400xf32> to vector<1x128xf32>
    %add3A_610 = vector.broadcast %slice3A_608 : vector<128x1xf32> to vector<128x128xf32>
    %add3A_611 = vector.broadcast %slice3A_609 : vector<1x128xf32> to vector<128x128xf32>
    %add3A_612 = arith.addf %add3A_610, %add3A_611 : vector<128x128xf32>
    %abs3A_613 = math.absf %add3A_612 : vector<128x128xf32>
    %mul3A_614 = vector.broadcast %get3A_605 : f32 to vector<128x128xf32>
    %mul3A_615 = arith.mulf %mul3A_614, %abs3A_613 : vector<128x128xf32>
    %add3A_616 = arith.addf %add3A_575, %mul3A_615 : vector<128x128xf32>
    %slice3A_617 = vector.extract_strided_slice %slice3A_606 {offsets = [0, 0], sizes = [256, 1], strides = [1, 1]} : vector<400x1xf32> to vector<256x1xf32>
    %slice3A_618 = vector.extract_strided_slice %slice3A_607 {offsets = [0, 128], sizes = [1, 128], strides = [1, 1]} : vector<1x400xf32> to vector<1x128xf32>
    %add3A_619 = vector.broadcast %slice3A_617 : vector<256x1xf32> to vector<256x128xf32>
    %add3A_620 = vector.broadcast %slice3A_618 : vector<1x128xf32> to vector<256x128xf32>
    %add3A_621 = arith.addf %add3A_619, %add3A_620 : vector<256x128xf32>
    %abs3A_622 = math.absf %add3A_621 : vector<256x128xf32>
    %mul3A_623 = vector.broadcast %get3A_605 : f32 to vector<256x128xf32>
    %mul3A_624 = arith.mulf %mul3A_623, %abs3A_622 : vector<256x128xf32>
    %add3A_625 = arith.addf %add3A_584, %mul3A_624 : vector<256x128xf32>
    %slice3A_626 = vector.extract_strided_slice %slice3A_606 {offsets = [0, 0], sizes = [384, 1], strides = [1, 1]} : vector<400x1xf32> to vector<384x1xf32>
    %slice3A_627 = vector.extract_strided_slice %slice3A_607 {offsets = [0, 256], sizes = [1, 128], strides = [1, 1]} : vector<1x400xf32> to vector<1x128xf32>
    %add3A_628 = vector.broadcast %slice3A_626 : vector<384x1xf32> to vector<384x128xf32>
    %add3A_629 = vector.broadcast %slice3A_627 : vector<1x128xf32> to vector<384x128xf32>
    %add3A_630 = arith.addf %add3A_628, %add3A_629 : vector<384x128xf32>
    %abs3A_631 = math.absf %add3A_630 : vector<384x128xf32>
    %mul3A_632 = vector.broadcast %get3A_605 : f32 to vector<384x128xf32>
    %mul3A_633 = arith.mulf %mul3A_632, %abs3A_631 : vector<384x128xf32>
    %add3A_634 = arith.addf %add3A_593, %mul3A_633 : vector<384x128xf32>
    %slice3A_635 = vector.extract_strided_slice %slice3A_607 {offsets = [0, 384], sizes = [1, 16], strides = [1, 1]} : vector<1x400xf32> to vector<1x16xf32>
    %add3A_636 = vector.broadcast %slice3A_606 : vector<400x1xf32> to vector<400x16xf32>
    %add3A_637 = vector.broadcast %slice3A_635 : vector<1x16xf32> to vector<400x16xf32>
    %add3A_638 = arith.addf %add3A_636, %add3A_637 : vector<400x16xf32>
    %abs3A_639 = math.absf %add3A_638 : vector<400x16xf32>
    %mul3A_640 = vector.broadcast %get3A_605 : f32 to vector<400x16xf32>
    %mul3A_641 = arith.mulf %mul3A_640, %abs3A_639 : vector<400x16xf32>
    %add3A_642 = arith.addf %add3A_601, %mul3A_641 : vector<400x16xf32>
    %get3A_643 = arith.constant 0 : index
    %get3A_644 = arith.constant 13 : index
    %get3A_645 = vector.load %arg6[%get3A_643, %get3A_644] : memref<1x64xf32, #tpu.memory_space<vmem>>, vector<1x1xf32>
    %get3A_646 = vector.extract %get3A_645[0, 0] : f32 from vector<1x1xf32>
    %slice3A_647 = vector.extract_strided_slice %add3A_77 {offsets = [0, 13], sizes = [400, 1], strides = [1, 1]} : vector<400x64xf32> to vector<400x1xf32>
    %slice3A_648 = vector.extract_strided_slice %transpose3A {offsets = [13, 0], sizes = [1, 400], strides = [1, 1]} : vector<64x400xf32> to vector<1x400xf32>
    %slice3A_649 = vector.extract_strided_slice %slice3A_647 {offsets = [0, 0], sizes = [128, 1], strides = [1, 1]} : vector<400x1xf32> to vector<128x1xf32>
    %slice3A_650 = vector.extract_strided_slice %slice3A_648 {offsets = [0, 0], sizes = [1, 128], strides = [1, 1]} : vector<1x400xf32> to vector<1x128xf32>
    %add3A_651 = vector.broadcast %slice3A_649 : vector<128x1xf32> to vector<128x128xf32>
    %add3A_652 = vector.broadcast %slice3A_650 : vector<1x128xf32> to vector<128x128xf32>
    %add3A_653 = arith.addf %add3A_651, %add3A_652 : vector<128x128xf32>
    %abs3A_654 = math.absf %add3A_653 : vector<128x128xf32>
    %mul3A_655 = vector.broadcast %get3A_646 : f32 to vector<128x128xf32>
    %mul3A_656 = arith.mulf %mul3A_655, %abs3A_654 : vector<128x128xf32>
    %add3A_657 = arith.addf %add3A_616, %mul3A_656 : vector<128x128xf32>
    %slice3A_658 = vector.extract_strided_slice %slice3A_647 {offsets = [0, 0], sizes = [256, 1], strides = [1, 1]} : vector<400x1xf32> to vector<256x1xf32>
    %slice3A_659 = vector.extract_strided_slice %slice3A_648 {offsets = [0, 128], sizes = [1, 128], strides = [1, 1]} : vector<1x400xf32> to vector<1x128xf32>
    %add3A_660 = vector.broadcast %slice3A_658 : vector<256x1xf32> to vector<256x128xf32>
    %add3A_661 = vector.broadcast %slice3A_659 : vector<1x128xf32> to vector<256x128xf32>
    %add3A_662 = arith.addf %add3A_660, %add3A_661 : vector<256x128xf32>
    %abs3A_663 = math.absf %add3A_662 : vector<256x128xf32>
    %mul3A_664 = vector.broadcast %get3A_646 : f32 to vector<256x128xf32>
    %mul3A_665 = arith.mulf %mul3A_664, %abs3A_663 : vector<256x128xf32>
    %add3A_666 = arith.addf %add3A_625, %mul3A_665 : vector<256x128xf32>
    %slice3A_667 = vector.extract_strided_slice %slice3A_647 {offsets = [0, 0], sizes = [384, 1], strides = [1, 1]} : vector<400x1xf32> to vector<384x1xf32>
    %slice3A_668 = vector.extract_strided_slice %slice3A_648 {offsets = [0, 256], sizes = [1, 128], strides = [1, 1]} : vector<1x400xf32> to vector<1x128xf32>
    %add3A_669 = vector.broadcast %slice3A_667 : vector<384x1xf32> to vector<384x128xf32>
    %add3A_670 = vector.broadcast %slice3A_668 : vector<1x128xf32> to vector<384x128xf32>
    %add3A_671 = arith.addf %add3A_669, %add3A_670 : vector<384x128xf32>
    %abs3A_672 = math.absf %add3A_671 : vector<384x128xf32>
    %mul3A_673 = vector.broadcast %get3A_646 : f32 to vector<384x128xf32>
    %mul3A_674 = arith.mulf %mul3A_673, %abs3A_672 : vector<384x128xf32>
    %add3A_675 = arith.addf %add3A_634, %mul3A_674 : vector<384x128xf32>
    %slice3A_676 = vector.extract_strided_slice %slice3A_648 {offsets = [0, 384], sizes = [1, 16], strides = [1, 1]} : vector<1x400xf32> to vector<1x16xf32>
    %add3A_677 = vector.broadcast %slice3A_647 : vector<400x1xf32> to vector<400x16xf32>
    %add3A_678 = vector.broadcast %slice3A_676 : vector<1x16xf32> to vector<400x16xf32>
    %add3A_679 = arith.addf %add3A_677, %add3A_678 : vector<400x16xf32>
    %abs3A_680 = math.absf %add3A_679 : vector<400x16xf32>
    %mul3A_681 = vector.broadcast %get3A_646 : f32 to vector<400x16xf32>
    %mul3A_682 = arith.mulf %mul3A_681, %abs3A_680 : vector<400x16xf32>
    %add3A_683 = arith.addf %add3A_642, %mul3A_682 : vector<400x16xf32>
    %get3A_684 = arith.constant 0 : index
    %get3A_685 = arith.constant 14 : index
    %get3A_686 = vector.load %arg6[%get3A_684, %get3A_685] : memref<1x64xf32, #tpu.memory_space<vmem>>, vector<1x1xf32>
    %get3A_687 = vector.extract %get3A_686[0, 0] : f32 from vector<1x1xf32>
    %slice3A_688 = vector.extract_strided_slice %add3A_77 {offsets = [0, 14], sizes = [400, 1], strides = [1, 1]} : vector<400x64xf32> to vector<400x1xf32>
    %slice3A_689 = vector.extract_strided_slice %transpose3A {offsets = [14, 0], sizes = [1, 400], strides = [1, 1]} : vector<64x400xf32> to vector<1x400xf32>
    %slice3A_690 = vector.extract_strided_slice %slice3A_688 {offsets = [0, 0], sizes = [128, 1], strides = [1, 1]} : vector<400x1xf32> to vector<128x1xf32>
    %slice3A_691 = vector.extract_strided_slice %slice3A_689 {offsets = [0, 0], sizes = [1, 128], strides = [1, 1]} : vector<1x400xf32> to vector<1x128xf32>
    %add3A_692 = vector.broadcast %slice3A_690 : vector<128x1xf32> to vector<128x128xf32>
    %add3A_693 = vector.broadcast %slice3A_691 : vector<1x128xf32> to vector<128x128xf32>
    %add3A_694 = arith.addf %add3A_692, %add3A_693 : vector<128x128xf32>
    %abs3A_695 = math.absf %add3A_694 : vector<128x128xf32>
    %mul3A_696 = vector.broadcast %get3A_687 : f32 to vector<128x128xf32>
    %mul3A_697 = arith.mulf %mul3A_696, %abs3A_695 : vector<128x128xf32>
    %add3A_698 = arith.addf %add3A_657, %mul3A_697 : vector<128x128xf32>
    %slice3A_699 = vector.extract_strided_slice %slice3A_688 {offsets = [0, 0], sizes = [256, 1], strides = [1, 1]} : vector<400x1xf32> to vector<256x1xf32>
    %slice3A_700 = vector.extract_strided_slice %slice3A_689 {offsets = [0, 128], sizes = [1, 128], strides = [1, 1]} : vector<1x400xf32> to vector<1x128xf32>
    %add3A_701 = vector.broadcast %slice3A_699 : vector<256x1xf32> to vector<256x128xf32>
    %add3A_702 = vector.broadcast %slice3A_700 : vector<1x128xf32> to vector<256x128xf32>
    %add3A_703 = arith.addf %add3A_701, %add3A_702 : vector<256x128xf32>
    %abs3A_704 = math.absf %add3A_703 : vector<256x128xf32>
    %mul3A_705 = vector.broadcast %get3A_687 : f32 to vector<256x128xf32>
    %mul3A_706 = arith.mulf %mul3A_705, %abs3A_704 : vector<256x128xf32>
    %add3A_707 = arith.addf %add3A_666, %mul3A_706 : vector<256x128xf32>
    %slice3A_708 = vector.extract_strided_slice %slice3A_688 {offsets = [0, 0], sizes = [384, 1], strides = [1, 1]} : vector<400x1xf32> to vector<384x1xf32>
    %slice3A_709 = vector.extract_strided_slice %slice3A_689 {offsets = [0, 256], sizes = [1, 128], strides = [1, 1]} : vector<1x400xf32> to vector<1x128xf32>
    %add3A_710 = vector.broadcast %slice3A_708 : vector<384x1xf32> to vector<384x128xf32>
    %add3A_711 = vector.broadcast %slice3A_709 : vector<1x128xf32> to vector<384x128xf32>
    %add3A_712 = arith.addf %add3A_710, %add3A_711 : vector<384x128xf32>
    %abs3A_713 = math.absf %add3A_712 : vector<384x128xf32>
    %mul3A_714 = vector.broadcast %get3A_687 : f32 to vector<384x128xf32>
    %mul3A_715 = arith.mulf %mul3A_714, %abs3A_713 : vector<384x128xf32>
    %add3A_716 = arith.addf %add3A_675, %mul3A_715 : vector<384x128xf32>
    %slice3A_717 = vector.extract_strided_slice %slice3A_689 {offsets = [0, 384], sizes = [1, 16], strides = [1, 1]} : vector<1x400xf32> to vector<1x16xf32>
    %add3A_718 = vector.broadcast %slice3A_688 : vector<400x1xf32> to vector<400x16xf32>
    %add3A_719 = vector.broadcast %slice3A_717 : vector<1x16xf32> to vector<400x16xf32>
    %add3A_720 = arith.addf %add3A_718, %add3A_719 : vector<400x16xf32>
    %abs3A_721 = math.absf %add3A_720 : vector<400x16xf32>
    %mul3A_722 = vector.broadcast %get3A_687 : f32 to vector<400x16xf32>
    %mul3A_723 = arith.mulf %mul3A_722, %abs3A_721 : vector<400x16xf32>
    %add3A_724 = arith.addf %add3A_683, %mul3A_723 : vector<400x16xf32>
    %get3A_725 = arith.constant 0 : index
    %get3A_726 = arith.constant 15 : index
    %get3A_727 = vector.load %arg6[%get3A_725, %get3A_726] : memref<1x64xf32, #tpu.memory_space<vmem>>, vector<1x1xf32>
    %get3A_728 = vector.extract %get3A_727[0, 0] : f32 from vector<1x1xf32>
    %slice3A_729 = vector.extract_strided_slice %add3A_77 {offsets = [0, 15], sizes = [400, 1], strides = [1, 1]} : vector<400x64xf32> to vector<400x1xf32>
    %slice3A_730 = vector.extract_strided_slice %transpose3A {offsets = [15, 0], sizes = [1, 400], strides = [1, 1]} : vector<64x400xf32> to vector<1x400xf32>
    %slice3A_731 = vector.extract_strided_slice %slice3A_729 {offsets = [0, 0], sizes = [128, 1], strides = [1, 1]} : vector<400x1xf32> to vector<128x1xf32>
    %slice3A_732 = vector.extract_strided_slice %slice3A_730 {offsets = [0, 0], sizes = [1, 128], strides = [1, 1]} : vector<1x400xf32> to vector<1x128xf32>
    %add3A_733 = vector.broadcast %slice3A_731 : vector<128x1xf32> to vector<128x128xf32>
    %add3A_734 = vector.broadcast %slice3A_732 : vector<1x128xf32> to vector<128x128xf32>
    %add3A_735 = arith.addf %add3A_733, %add3A_734 : vector<128x128xf32>
    %abs3A_736 = math.absf %add3A_735 : vector<128x128xf32>
    %mul3A_737 = vector.broadcast %get3A_728 : f32 to vector<128x128xf32>
    %mul3A_738 = arith.mulf %mul3A_737, %abs3A_736 : vector<128x128xf32>
    %add3A_739 = arith.addf %add3A_698, %mul3A_738 : vector<128x128xf32>
    %slice3A_740 = vector.extract_strided_slice %slice3A_729 {offsets = [0, 0], sizes = [256, 1], strides = [1, 1]} : vector<400x1xf32> to vector<256x1xf32>
    %slice3A_741 = vector.extract_strided_slice %slice3A_730 {offsets = [0, 128], sizes = [1, 128], strides = [1, 1]} : vector<1x400xf32> to vector<1x128xf32>
    %add3A_742 = vector.broadcast %slice3A_740 : vector<256x1xf32> to vector<256x128xf32>
    %add3A_743 = vector.broadcast %slice3A_741 : vector<1x128xf32> to vector<256x128xf32>
    %add3A_744 = arith.addf %add3A_742, %add3A_743 : vector<256x128xf32>
    %abs3A_745 = math.absf %add3A_744 : vector<256x128xf32>
    %mul3A_746 = vector.broadcast %get3A_728 : f32 to vector<256x128xf32>
    %mul3A_747 = arith.mulf %mul3A_746, %abs3A_745 : vector<256x128xf32>
    %add3A_748 = arith.addf %add3A_707, %mul3A_747 : vector<256x128xf32>
    %slice3A_749 = vector.extract_strided_slice %slice3A_729 {offsets = [0, 0], sizes = [384, 1], strides = [1, 1]} : vector<400x1xf32> to vector<384x1xf32>
    %slice3A_750 = vector.extract_strided_slice %slice3A_730 {offsets = [0, 256], sizes = [1, 128], strides = [1, 1]} : vector<1x400xf32> to vector<1x128xf32>
    %add3A_751 = vector.broadcast %slice3A_749 : vector<384x1xf32> to vector<384x128xf32>
    %add3A_752 = vector.broadcast %slice3A_750 : vector<1x128xf32> to vector<384x128xf32>
    %add3A_753 = arith.addf %add3A_751, %add3A_752 : vector<384x128xf32>
    %abs3A_754 = math.absf %add3A_753 : vector<384x128xf32>
    %mul3A_755 = vector.broadcast %get3A_728 : f32 to vector<384x128xf32>
    %mul3A_756 = arith.mulf %mul3A_755, %abs3A_754 : vector<384x128xf32>
    %add3A_757 = arith.addf %add3A_716, %mul3A_756 : vector<384x128xf32>
    %slice3A_758 = vector.extract_strided_slice %slice3A_730 {offsets = [0, 384], sizes = [1, 16], strides = [1, 1]} : vector<1x400xf32> to vector<1x16xf32>
    %add3A_759 = vector.broadcast %slice3A_729 : vector<400x1xf32> to vector<400x16xf32>
    %add3A_760 = vector.broadcast %slice3A_758 : vector<1x16xf32> to vector<400x16xf32>
    %add3A_761 = arith.addf %add3A_759, %add3A_760 : vector<400x16xf32>
    %abs3A_762 = math.absf %add3A_761 : vector<400x16xf32>
    %mul3A_763 = vector.broadcast %get3A_728 : f32 to vector<400x16xf32>
    %mul3A_764 = arith.mulf %mul3A_763, %abs3A_762 : vector<400x16xf32>
    %add3A_765 = arith.addf %add3A_724, %mul3A_764 : vector<400x16xf32>
    %get3A_766 = arith.constant 0 : index
    %get3A_767 = arith.constant 16 : index
    %get3A_768 = vector.load %arg6[%get3A_766, %get3A_767] : memref<1x64xf32, #tpu.memory_space<vmem>>, vector<1x1xf32>
    %get3A_769 = vector.extract %get3A_768[0, 0] : f32 from vector<1x1xf32>
    %slice3A_770 = vector.extract_strided_slice %add3A_77 {offsets = [0, 16], sizes = [400, 1], strides = [1, 1]} : vector<400x64xf32> to vector<400x1xf32>
    %slice3A_771 = vector.extract_strided_slice %transpose3A {offsets = [16, 0], sizes = [1, 400], strides = [1, 1]} : vector<64x400xf32> to vector<1x400xf32>
    %slice3A_772 = vector.extract_strided_slice %slice3A_770 {offsets = [0, 0], sizes = [128, 1], strides = [1, 1]} : vector<400x1xf32> to vector<128x1xf32>
    %slice3A_773 = vector.extract_strided_slice %slice3A_771 {offsets = [0, 0], sizes = [1, 128], strides = [1, 1]} : vector<1x400xf32> to vector<1x128xf32>
    %add3A_774 = vector.broadcast %slice3A_772 : vector<128x1xf32> to vector<128x128xf32>
    %add3A_775 = vector.broadcast %slice3A_773 : vector<1x128xf32> to vector<128x128xf32>
    %add3A_776 = arith.addf %add3A_774, %add3A_775 : vector<128x128xf32>
    %abs3A_777 = math.absf %add3A_776 : vector<128x128xf32>
    %mul3A_778 = vector.broadcast %get3A_769 : f32 to vector<128x128xf32>
    %mul3A_779 = arith.mulf %mul3A_778, %abs3A_777 : vector<128x128xf32>
    %add3A_780 = arith.addf %add3A_739, %mul3A_779 : vector<128x128xf32>
    %slice3A_781 = vector.extract_strided_slice %slice3A_770 {offsets = [0, 0], sizes = [256, 1], strides = [1, 1]} : vector<400x1xf32> to vector<256x1xf32>
    %slice3A_782 = vector.extract_strided_slice %slice3A_771 {offsets = [0, 128], sizes = [1, 128], strides = [1, 1]} : vector<1x400xf32> to vector<1x128xf32>
    %add3A_783 = vector.broadcast %slice3A_781 : vector<256x1xf32> to vector<256x128xf32>
    %add3A_784 = vector.broadcast %slice3A_782 : vector<1x128xf32> to vector<256x128xf32>
    %add3A_785 = arith.addf %add3A_783, %add3A_784 : vector<256x128xf32>
    %abs3A_786 = math.absf %add3A_785 : vector<256x128xf32>
    %mul3A_787 = vector.broadcast %get3A_769 : f32 to vector<256x128xf32>
    %mul3A_788 = arith.mulf %mul3A_787, %abs3A_786 : vector<256x128xf32>
    %add3A_789 = arith.addf %add3A_748, %mul3A_788 : vector<256x128xf32>
    %slice3A_790 = vector.extract_strided_slice %slice3A_770 {offsets = [0, 0], sizes = [384, 1], strides = [1, 1]} : vector<400x1xf32> to vector<384x1xf32>
    %slice3A_791 = vector.extract_strided_slice %slice3A_771 {offsets = [0, 256], sizes = [1, 128], strides = [1, 1]} : vector<1x400xf32> to vector<1x128xf32>
    %add3A_792 = vector.broadcast %slice3A_790 : vector<384x1xf32> to vector<384x128xf32>
    %add3A_793 = vector.broadcast %slice3A_791 : vector<1x128xf32> to vector<384x128xf32>
    %add3A_794 = arith.addf %add3A_792, %add3A_793 : vector<384x128xf32>
    %abs3A_795 = math.absf %add3A_794 : vector<384x128xf32>
    %mul3A_796 = vector.broadcast %get3A_769 : f32 to vector<384x128xf32>
    %mul3A_797 = arith.mulf %mul3A_796, %abs3A_795 : vector<384x128xf32>
    %add3A_798 = arith.addf %add3A_757, %mul3A_797 : vector<384x128xf32>
    %slice3A_799 = vector.extract_strided_slice %slice3A_771 {offsets = [0, 384], sizes = [1, 16], strides = [1, 1]} : vector<1x400xf32> to vector<1x16xf32>
    %add3A_800 = vector.broadcast %slice3A_770 : vector<400x1xf32> to vector<400x16xf32>
    %add3A_801 = vector.broadcast %slice3A_799 : vector<1x16xf32> to vector<400x16xf32>
    %add3A_802 = arith.addf %add3A_800, %add3A_801 : vector<400x16xf32>
    %abs3A_803 = math.absf %add3A_802 : vector<400x16xf32>
    %mul3A_804 = vector.broadcast %get3A_769 : f32 to vector<400x16xf32>
    %mul3A_805 = arith.mulf %mul3A_804, %abs3A_803 : vector<400x16xf32>
    %add3A_806 = arith.addf %add3A_765, %mul3A_805 : vector<400x16xf32>
    %get3A_807 = arith.constant 0 : index
    %get3A_808 = arith.constant 17 : index
    %get3A_809 = vector.load %arg6[%get3A_807, %get3A_808] : memref<1x64xf32, #tpu.memory_space<vmem>>, vector<1x1xf32>
    %get3A_810 = vector.extract %get3A_809[0, 0] : f32 from vector<1x1xf32>
    %slice3A_811 = vector.extract_strided_slice %add3A_77 {offsets = [0, 17], sizes = [400, 1], strides = [1, 1]} : vector<400x64xf32> to vector<400x1xf32>
    %slice3A_812 = vector.extract_strided_slice %transpose3A {offsets = [17, 0], sizes = [1, 400], strides = [1, 1]} : vector<64x400xf32> to vector<1x400xf32>
    %slice3A_813 = vector.extract_strided_slice %slice3A_811 {offsets = [0, 0], sizes = [128, 1], strides = [1, 1]} : vector<400x1xf32> to vector<128x1xf32>
    %slice3A_814 = vector.extract_strided_slice %slice3A_812 {offsets = [0, 0], sizes = [1, 128], strides = [1, 1]} : vector<1x400xf32> to vector<1x128xf32>
    %add3A_815 = vector.broadcast %slice3A_813 : vector<128x1xf32> to vector<128x128xf32>
    %add3A_816 = vector.broadcast %slice3A_814 : vector<1x128xf32> to vector<128x128xf32>
    %add3A_817 = arith.addf %add3A_815, %add3A_816 : vector<128x128xf32>
    %abs3A_818 = math.absf %add3A_817 : vector<128x128xf32>
    %mul3A_819 = vector.broadcast %get3A_810 : f32 to vector<128x128xf32>
    %mul3A_820 = arith.mulf %mul3A_819, %abs3A_818 : vector<128x128xf32>
    %add3A_821 = arith.addf %add3A_780, %mul3A_820 : vector<128x128xf32>
    %slice3A_822 = vector.extract_strided_slice %slice3A_811 {offsets = [0, 0], sizes = [256, 1], strides = [1, 1]} : vector<400x1xf32> to vector<256x1xf32>
    %slice3A_823 = vector.extract_strided_slice %slice3A_812 {offsets = [0, 128], sizes = [1, 128], strides = [1, 1]} : vector<1x400xf32> to vector<1x128xf32>
    %add3A_824 = vector.broadcast %slice3A_822 : vector<256x1xf32> to vector<256x128xf32>
    %add3A_825 = vector.broadcast %slice3A_823 : vector<1x128xf32> to vector<256x128xf32>
    %add3A_826 = arith.addf %add3A_824, %add3A_825 : vector<256x128xf32>
    %abs3A_827 = math.absf %add3A_826 : vector<256x128xf32>
    %mul3A_828 = vector.broadcast %get3A_810 : f32 to vector<256x128xf32>
    %mul3A_829 = arith.mulf %mul3A_828, %abs3A_827 : vector<256x128xf32>
    %add3A_830 = arith.addf %add3A_789, %mul3A_829 : vector<256x128xf32>
    %slice3A_831 = vector.extract_strided_slice %slice3A_811 {offsets = [0, 0], sizes = [384, 1], strides = [1, 1]} : vector<400x1xf32> to vector<384x1xf32>
    %slice3A_832 = vector.extract_strided_slice %slice3A_812 {offsets = [0, 256], sizes = [1, 128], strides = [1, 1]} : vector<1x400xf32> to vector<1x128xf32>
    %add3A_833 = vector.broadcast %slice3A_831 : vector<384x1xf32> to vector<384x128xf32>
    %add3A_834 = vector.broadcast %slice3A_832 : vector<1x128xf32> to vector<384x128xf32>
    %add3A_835 = arith.addf %add3A_833, %add3A_834 : vector<384x128xf32>
    %abs3A_836 = math.absf %add3A_835 : vector<384x128xf32>
    %mul3A_837 = vector.broadcast %get3A_810 : f32 to vector<384x128xf32>
    %mul3A_838 = arith.mulf %mul3A_837, %abs3A_836 : vector<384x128xf32>
    %add3A_839 = arith.addf %add3A_798, %mul3A_838 : vector<384x128xf32>
    %slice3A_840 = vector.extract_strided_slice %slice3A_812 {offsets = [0, 384], sizes = [1, 16], strides = [1, 1]} : vector<1x400xf32> to vector<1x16xf32>
    %add3A_841 = vector.broadcast %slice3A_811 : vector<400x1xf32> to vector<400x16xf32>
    %add3A_842 = vector.broadcast %slice3A_840 : vector<1x16xf32> to vector<400x16xf32>
    %add3A_843 = arith.addf %add3A_841, %add3A_842 : vector<400x16xf32>
    %abs3A_844 = math.absf %add3A_843 : vector<400x16xf32>
    %mul3A_845 = vector.broadcast %get3A_810 : f32 to vector<400x16xf32>
    %mul3A_846 = arith.mulf %mul3A_845, %abs3A_844 : vector<400x16xf32>
    %add3A_847 = arith.addf %add3A_806, %mul3A_846 : vector<400x16xf32>
    %get3A_848 = arith.constant 0 : index
    %get3A_849 = arith.constant 18 : index
    %get3A_850 = vector.load %arg6[%get3A_848, %get3A_849] : memref<1x64xf32, #tpu.memory_space<vmem>>, vector<1x1xf32>
    %get3A_851 = vector.extract %get3A_850[0, 0] : f32 from vector<1x1xf32>
    %slice3A_852 = vector.extract_strided_slice %add3A_77 {offsets = [0, 18], sizes = [400, 1], strides = [1, 1]} : vector<400x64xf32> to vector<400x1xf32>
    %slice3A_853 = vector.extract_strided_slice %transpose3A {offsets = [18, 0], sizes = [1, 400], strides = [1, 1]} : vector<64x400xf32> to vector<1x400xf32>
    %slice3A_854 = vector.extract_strided_slice %slice3A_852 {offsets = [0, 0], sizes = [128, 1], strides = [1, 1]} : vector<400x1xf32> to vector<128x1xf32>
    %slice3A_855 = vector.extract_strided_slice %slice3A_853 {offsets = [0, 0], sizes = [1, 128], strides = [1, 1]} : vector<1x400xf32> to vector<1x128xf32>
    %add3A_856 = vector.broadcast %slice3A_854 : vector<128x1xf32> to vector<128x128xf32>
    %add3A_857 = vector.broadcast %slice3A_855 : vector<1x128xf32> to vector<128x128xf32>
    %add3A_858 = arith.addf %add3A_856, %add3A_857 : vector<128x128xf32>
    %abs3A_859 = math.absf %add3A_858 : vector<128x128xf32>
    %mul3A_860 = vector.broadcast %get3A_851 : f32 to vector<128x128xf32>
    %mul3A_861 = arith.mulf %mul3A_860, %abs3A_859 : vector<128x128xf32>
    %add3A_862 = arith.addf %add3A_821, %mul3A_861 : vector<128x128xf32>
    %slice3A_863 = vector.extract_strided_slice %slice3A_852 {offsets = [0, 0], sizes = [256, 1], strides = [1, 1]} : vector<400x1xf32> to vector<256x1xf32>
    %slice3A_864 = vector.extract_strided_slice %slice3A_853 {offsets = [0, 128], sizes = [1, 128], strides = [1, 1]} : vector<1x400xf32> to vector<1x128xf32>
    %add3A_865 = vector.broadcast %slice3A_863 : vector<256x1xf32> to vector<256x128xf32>
    %add3A_866 = vector.broadcast %slice3A_864 : vector<1x128xf32> to vector<256x128xf32>
    %add3A_867 = arith.addf %add3A_865, %add3A_866 : vector<256x128xf32>
    %abs3A_868 = math.absf %add3A_867 : vector<256x128xf32>
    %mul3A_869 = vector.broadcast %get3A_851 : f32 to vector<256x128xf32>
    %mul3A_870 = arith.mulf %mul3A_869, %abs3A_868 : vector<256x128xf32>
    %add3A_871 = arith.addf %add3A_830, %mul3A_870 : vector<256x128xf32>
    %slice3A_872 = vector.extract_strided_slice %slice3A_852 {offsets = [0, 0], sizes = [384, 1], strides = [1, 1]} : vector<400x1xf32> to vector<384x1xf32>
    %slice3A_873 = vector.extract_strided_slice %slice3A_853 {offsets = [0, 256], sizes = [1, 128], strides = [1, 1]} : vector<1x400xf32> to vector<1x128xf32>
    %add3A_874 = vector.broadcast %slice3A_872 : vector<384x1xf32> to vector<384x128xf32>
    %add3A_875 = vector.broadcast %slice3A_873 : vector<1x128xf32> to vector<384x128xf32>
    %add3A_876 = arith.addf %add3A_874, %add3A_875 : vector<384x128xf32>
    %abs3A_877 = math.absf %add3A_876 : vector<384x128xf32>
    %mul3A_878 = vector.broadcast %get3A_851 : f32 to vector<384x128xf32>
    %mul3A_879 = arith.mulf %mul3A_878, %abs3A_877 : vector<384x128xf32>
    %add3A_880 = arith.addf %add3A_839, %mul3A_879 : vector<384x128xf32>
    %slice3A_881 = vector.extract_strided_slice %slice3A_853 {offsets = [0, 384], sizes = [1, 16], strides = [1, 1]} : vector<1x400xf32> to vector<1x16xf32>
    %add3A_882 = vector.broadcast %slice3A_852 : vector<400x1xf32> to vector<400x16xf32>
    %add3A_883 = vector.broadcast %slice3A_881 : vector<1x16xf32> to vector<400x16xf32>
    %add3A_884 = arith.addf %add3A_882, %add3A_883 : vector<400x16xf32>
    %abs3A_885 = math.absf %add3A_884 : vector<400x16xf32>
    %mul3A_886 = vector.broadcast %get3A_851 : f32 to vector<400x16xf32>
    %mul3A_887 = arith.mulf %mul3A_886, %abs3A_885 : vector<400x16xf32>
    %add3A_888 = arith.addf %add3A_847, %mul3A_887 : vector<400x16xf32>
    %get3A_889 = arith.constant 0 : index
    %get3A_890 = arith.constant 19 : index
    %get3A_891 = vector.load %arg6[%get3A_889, %get3A_890] : memref<1x64xf32, #tpu.memory_space<vmem>>, vector<1x1xf32>
    %get3A_892 = vector.extract %get3A_891[0, 0] : f32 from vector<1x1xf32>
    %slice3A_893 = vector.extract_strided_slice %add3A_77 {offsets = [0, 19], sizes = [400, 1], strides = [1, 1]} : vector<400x64xf32> to vector<400x1xf32>
    %slice3A_894 = vector.extract_strided_slice %transpose3A {offsets = [19, 0], sizes = [1, 400], strides = [1, 1]} : vector<64x400xf32> to vector<1x400xf32>
    %slice3A_895 = vector.extract_strided_slice %slice3A_893 {offsets = [0, 0], sizes = [128, 1], strides = [1, 1]} : vector<400x1xf32> to vector<128x1xf32>
    %slice3A_896 = vector.extract_strided_slice %slice3A_894 {offsets = [0, 0], sizes = [1, 128], strides = [1, 1]} : vector<1x400xf32> to vector<1x128xf32>
    %add3A_897 = vector.broadcast %slice3A_895 : vector<128x1xf32> to vector<128x128xf32>
    %add3A_898 = vector.broadcast %slice3A_896 : vector<1x128xf32> to vector<128x128xf32>
    %add3A_899 = arith.addf %add3A_897, %add3A_898 : vector<128x128xf32>
    %abs3A_900 = math.absf %add3A_899 : vector<128x128xf32>
    %mul3A_901 = vector.broadcast %get3A_892 : f32 to vector<128x128xf32>
    %mul3A_902 = arith.mulf %mul3A_901, %abs3A_900 : vector<128x128xf32>
    %add3A_903 = arith.addf %add3A_862, %mul3A_902 : vector<128x128xf32>
    %slice3A_904 = vector.extract_strided_slice %slice3A_893 {offsets = [0, 0], sizes = [256, 1], strides = [1, 1]} : vector<400x1xf32> to vector<256x1xf32>
    %slice3A_905 = vector.extract_strided_slice %slice3A_894 {offsets = [0, 128], sizes = [1, 128], strides = [1, 1]} : vector<1x400xf32> to vector<1x128xf32>
    %add3A_906 = vector.broadcast %slice3A_904 : vector<256x1xf32> to vector<256x128xf32>
    %add3A_907 = vector.broadcast %slice3A_905 : vector<1x128xf32> to vector<256x128xf32>
    %add3A_908 = arith.addf %add3A_906, %add3A_907 : vector<256x128xf32>
    %abs3A_909 = math.absf %add3A_908 : vector<256x128xf32>
    %mul3A_910 = vector.broadcast %get3A_892 : f32 to vector<256x128xf32>
    %mul3A_911 = arith.mulf %mul3A_910, %abs3A_909 : vector<256x128xf32>
    %add3A_912 = arith.addf %add3A_871, %mul3A_911 : vector<256x128xf32>
    %slice3A_913 = vector.extract_strided_slice %slice3A_893 {offsets = [0, 0], sizes = [384, 1], strides = [1, 1]} : vector<400x1xf32> to vector<384x1xf32>
    %slice3A_914 = vector.extract_strided_slice %slice3A_894 {offsets = [0, 256], sizes = [1, 128], strides = [1, 1]} : vector<1x400xf32> to vector<1x128xf32>
    %add3A_915 = vector.broadcast %slice3A_913 : vector<384x1xf32> to vector<384x128xf32>
    %add3A_916 = vector.broadcast %slice3A_914 : vector<1x128xf32> to vector<384x128xf32>
    %add3A_917 = arith.addf %add3A_915, %add3A_916 : vector<384x128xf32>
    %abs3A_918 = math.absf %add3A_917 : vector<384x128xf32>
    %mul3A_919 = vector.broadcast %get3A_892 : f32 to vector<384x128xf32>
    %mul3A_920 = arith.mulf %mul3A_919, %abs3A_918 : vector<384x128xf32>
    %add3A_921 = arith.addf %add3A_880, %mul3A_920 : vector<384x128xf32>
    %slice3A_922 = vector.extract_strided_slice %slice3A_894 {offsets = [0, 384], sizes = [1, 16], strides = [1, 1]} : vector<1x400xf32> to vector<1x16xf32>
    %add3A_923 = vector.broadcast %slice3A_893 : vector<400x1xf32> to vector<400x16xf32>
    %add3A_924 = vector.broadcast %slice3A_922 : vector<1x16xf32> to vector<400x16xf32>
    %add3A_925 = arith.addf %add3A_923, %add3A_924 : vector<400x16xf32>
    %abs3A_926 = math.absf %add3A_925 : vector<400x16xf32>
    %mul3A_927 = vector.broadcast %get3A_892 : f32 to vector<400x16xf32>
    %mul3A_928 = arith.mulf %mul3A_927, %abs3A_926 : vector<400x16xf32>
    %add3A_929 = arith.addf %add3A_888, %mul3A_928 : vector<400x16xf32>
    %get3A_930 = arith.constant 0 : index
    %get3A_931 = arith.constant 20 : index
    %get3A_932 = vector.load %arg6[%get3A_930, %get3A_931] : memref<1x64xf32, #tpu.memory_space<vmem>>, vector<1x1xf32>
    %get3A_933 = vector.extract %get3A_932[0, 0] : f32 from vector<1x1xf32>
    %slice3A_934 = vector.extract_strided_slice %add3A_77 {offsets = [0, 20], sizes = [400, 1], strides = [1, 1]} : vector<400x64xf32> to vector<400x1xf32>
    %slice3A_935 = vector.extract_strided_slice %transpose3A {offsets = [20, 0], sizes = [1, 400], strides = [1, 1]} : vector<64x400xf32> to vector<1x400xf32>
    %slice3A_936 = vector.extract_strided_slice %slice3A_934 {offsets = [0, 0], sizes = [128, 1], strides = [1, 1]} : vector<400x1xf32> to vector<128x1xf32>
    %slice3A_937 = vector.extract_strided_slice %slice3A_935 {offsets = [0, 0], sizes = [1, 128], strides = [1, 1]} : vector<1x400xf32> to vector<1x128xf32>
    %add3A_938 = vector.broadcast %slice3A_936 : vector<128x1xf32> to vector<128x128xf32>
    %add3A_939 = vector.broadcast %slice3A_937 : vector<1x128xf32> to vector<128x128xf32>
    %add3A_940 = arith.addf %add3A_938, %add3A_939 : vector<128x128xf32>
    %abs3A_941 = math.absf %add3A_940 : vector<128x128xf32>
    %mul3A_942 = vector.broadcast %get3A_933 : f32 to vector<128x128xf32>
    %mul3A_943 = arith.mulf %mul3A_942, %abs3A_941 : vector<128x128xf32>
    %add3A_944 = arith.addf %add3A_903, %mul3A_943 : vector<128x128xf32>
    %slice3A_945 = vector.extract_strided_slice %slice3A_934 {offsets = [0, 0], sizes = [256, 1], strides = [1, 1]} : vector<400x1xf32> to vector<256x1xf32>
    %slice3A_946 = vector.extract_strided_slice %slice3A_935 {offsets = [0, 128], sizes = [1, 128], strides = [1, 1]} : vector<1x400xf32> to vector<1x128xf32>
    %add3A_947 = vector.broadcast %slice3A_945 : vector<256x1xf32> to vector<256x128xf32>
    %add3A_948 = vector.broadcast %slice3A_946 : vector<1x128xf32> to vector<256x128xf32>
    %add3A_949 = arith.addf %add3A_947, %add3A_948 : vector<256x128xf32>
    %abs3A_950 = math.absf %add3A_949 : vector<256x128xf32>
    %mul3A_951 = vector.broadcast %get3A_933 : f32 to vector<256x128xf32>
    %mul3A_952 = arith.mulf %mul3A_951, %abs3A_950 : vector<256x128xf32>
    %add3A_953 = arith.addf %add3A_912, %mul3A_952 : vector<256x128xf32>
    %slice3A_954 = vector.extract_strided_slice %slice3A_934 {offsets = [0, 0], sizes = [384, 1], strides = [1, 1]} : vector<400x1xf32> to vector<384x1xf32>
    %slice3A_955 = vector.extract_strided_slice %slice3A_935 {offsets = [0, 256], sizes = [1, 128], strides = [1, 1]} : vector<1x400xf32> to vector<1x128xf32>
    %add3A_956 = vector.broadcast %slice3A_954 : vector<384x1xf32> to vector<384x128xf32>
    %add3A_957 = vector.broadcast %slice3A_955 : vector<1x128xf32> to vector<384x128xf32>
    %add3A_958 = arith.addf %add3A_956, %add3A_957 : vector<384x128xf32>
    %abs3A_959 = math.absf %add3A_958 : vector<384x128xf32>
    %mul3A_960 = vector.broadcast %get3A_933 : f32 to vector<384x128xf32>
    %mul3A_961 = arith.mulf %mul3A_960, %abs3A_959 : vector<384x128xf32>
    %add3A_962 = arith.addf %add3A_921, %mul3A_961 : vector<384x128xf32>
    %slice3A_963 = vector.extract_strided_slice %slice3A_935 {offsets = [0, 384], sizes = [1, 16], strides = [1, 1]} : vector<1x400xf32> to vector<1x16xf32>
    %add3A_964 = vector.broadcast %slice3A_934 : vector<400x1xf32> to vector<400x16xf32>
    %add3A_965 = vector.broadcast %slice3A_963 : vector<1x16xf32> to vector<400x16xf32>
    %add3A_966 = arith.addf %add3A_964, %add3A_965 : vector<400x16xf32>
    %abs3A_967 = math.absf %add3A_966 : vector<400x16xf32>
    %mul3A_968 = vector.broadcast %get3A_933 : f32 to vector<400x16xf32>
    %mul3A_969 = arith.mulf %mul3A_968, %abs3A_967 : vector<400x16xf32>
    %add3A_970 = arith.addf %add3A_929, %mul3A_969 : vector<400x16xf32>
    %get3A_971 = arith.constant 0 : index
    %get3A_972 = arith.constant 21 : index
    %get3A_973 = vector.load %arg6[%get3A_971, %get3A_972] : memref<1x64xf32, #tpu.memory_space<vmem>>, vector<1x1xf32>
    %get3A_974 = vector.extract %get3A_973[0, 0] : f32 from vector<1x1xf32>
    %slice3A_975 = vector.extract_strided_slice %add3A_77 {offsets = [0, 21], sizes = [400, 1], strides = [1, 1]} : vector<400x64xf32> to vector<400x1xf32>
    %slice3A_976 = vector.extract_strided_slice %transpose3A {offsets = [21, 0], sizes = [1, 400], strides = [1, 1]} : vector<64x400xf32> to vector<1x400xf32>
    %slice3A_977 = vector.extract_strided_slice %slice3A_975 {offsets = [0, 0], sizes = [128, 1], strides = [1, 1]} : vector<400x1xf32> to vector<128x1xf32>
    %slice3A_978 = vector.extract_strided_slice %slice3A_976 {offsets = [0, 0], sizes = [1, 128], strides = [1, 1]} : vector<1x400xf32> to vector<1x128xf32>
    %add3A_979 = vector.broadcast %slice3A_977 : vector<128x1xf32> to vector<128x128xf32>
    %add3A_980 = vector.broadcast %slice3A_978 : vector<1x128xf32> to vector<128x128xf32>
    %add3A_981 = arith.addf %add3A_979, %add3A_980 : vector<128x128xf32>
    %abs3A_982 = math.absf %add3A_981 : vector<128x128xf32>
    %mul3A_983 = vector.broadcast %get3A_974 : f32 to vector<128x128xf32>
    %mul3A_984 = arith.mulf %mul3A_983, %abs3A_982 : vector<128x128xf32>
    %add3A_985 = arith.addf %add3A_944, %mul3A_984 : vector<128x128xf32>
    %slice3A_986 = vector.extract_strided_slice %slice3A_975 {offsets = [0, 0], sizes = [256, 1], strides = [1, 1]} : vector<400x1xf32> to vector<256x1xf32>
    %slice3A_987 = vector.extract_strided_slice %slice3A_976 {offsets = [0, 128], sizes = [1, 128], strides = [1, 1]} : vector<1x400xf32> to vector<1x128xf32>
    %add3A_988 = vector.broadcast %slice3A_986 : vector<256x1xf32> to vector<256x128xf32>
    %add3A_989 = vector.broadcast %slice3A_987 : vector<1x128xf32> to vector<256x128xf32>
    %add3A_990 = arith.addf %add3A_988, %add3A_989 : vector<256x128xf32>
    %abs3A_991 = math.absf %add3A_990 : vector<256x128xf32>
    %mul3A_992 = vector.broadcast %get3A_974 : f32 to vector<256x128xf32>
    %mul3A_993 = arith.mulf %mul3A_992, %abs3A_991 : vector<256x128xf32>
    %add3A_994 = arith.addf %add3A_953, %mul3A_993 : vector<256x128xf32>
    %slice3A_995 = vector.extract_strided_slice %slice3A_975 {offsets = [0, 0], sizes = [384, 1], strides = [1, 1]} : vector<400x1xf32> to vector<384x1xf32>
    %slice3A_996 = vector.extract_strided_slice %slice3A_976 {offsets = [0, 256], sizes = [1, 128], strides = [1, 1]} : vector<1x400xf32> to vector<1x128xf32>
    %add3A_997 = vector.broadcast %slice3A_995 : vector<384x1xf32> to vector<384x128xf32>
    %add3A_998 = vector.broadcast %slice3A_996 : vector<1x128xf32> to vector<384x128xf32>
    %add3A_999 = arith.addf %add3A_997, %add3A_998 : vector<384x128xf32>
    %abs3A_1000 = math.absf %add3A_999 : vector<384x128xf32>
    %mul3A_1001 = vector.broadcast %get3A_974 : f32 to vector<384x128xf32>
    %mul3A_1002 = arith.mulf %mul3A_1001, %abs3A_1000 : vector<384x128xf32>
    %add3A_1003 = arith.addf %add3A_962, %mul3A_1002 : vector<384x128xf32>
    %slice3A_1004 = vector.extract_strided_slice %slice3A_976 {offsets = [0, 384], sizes = [1, 16], strides = [1, 1]} : vector<1x400xf32> to vector<1x16xf32>
    %add3A_1005 = vector.broadcast %slice3A_975 : vector<400x1xf32> to vector<400x16xf32>
    %add3A_1006 = vector.broadcast %slice3A_1004 : vector<1x16xf32> to vector<400x16xf32>
    %add3A_1007 = arith.addf %add3A_1005, %add3A_1006 : vector<400x16xf32>
    %abs3A_1008 = math.absf %add3A_1007 : vector<400x16xf32>
    %mul3A_1009 = vector.broadcast %get3A_974 : f32 to vector<400x16xf32>
    %mul3A_1010 = arith.mulf %mul3A_1009, %abs3A_1008 : vector<400x16xf32>
    %add3A_1011 = arith.addf %add3A_970, %mul3A_1010 : vector<400x16xf32>
    %get3A_1012 = arith.constant 0 : index
    %get3A_1013 = arith.constant 22 : index
    %get3A_1014 = vector.load %arg6[%get3A_1012, %get3A_1013] : memref<1x64xf32, #tpu.memory_space<vmem>>, vector<1x1xf32>
    %get3A_1015 = vector.extract %get3A_1014[0, 0] : f32 from vector<1x1xf32>
    %slice3A_1016 = vector.extract_strided_slice %add3A_77 {offsets = [0, 22], sizes = [400, 1], strides = [1, 1]} : vector<400x64xf32> to vector<400x1xf32>
    %slice3A_1017 = vector.extract_strided_slice %transpose3A {offsets = [22, 0], sizes = [1, 400], strides = [1, 1]} : vector<64x400xf32> to vector<1x400xf32>
    %slice3A_1018 = vector.extract_strided_slice %slice3A_1016 {offsets = [0, 0], sizes = [128, 1], strides = [1, 1]} : vector<400x1xf32> to vector<128x1xf32>
    %slice3A_1019 = vector.extract_strided_slice %slice3A_1017 {offsets = [0, 0], sizes = [1, 128], strides = [1, 1]} : vector<1x400xf32> to vector<1x128xf32>
    %add3A_1020 = vector.broadcast %slice3A_1018 : vector<128x1xf32> to vector<128x128xf32>
    %add3A_1021 = vector.broadcast %slice3A_1019 : vector<1x128xf32> to vector<128x128xf32>
    %add3A_1022 = arith.addf %add3A_1020, %add3A_1021 : vector<128x128xf32>
    %abs3A_1023 = math.absf %add3A_1022 : vector<128x128xf32>
    %mul3A_1024 = vector.broadcast %get3A_1015 : f32 to vector<128x128xf32>
    %mul3A_1025 = arith.mulf %mul3A_1024, %abs3A_1023 : vector<128x128xf32>
    %add3A_1026 = arith.addf %add3A_985, %mul3A_1025 : vector<128x128xf32>
    %slice3A_1027 = vector.extract_strided_slice %slice3A_1016 {offsets = [0, 0], sizes = [256, 1], strides = [1, 1]} : vector<400x1xf32> to vector<256x1xf32>
    %slice3A_1028 = vector.extract_strided_slice %slice3A_1017 {offsets = [0, 128], sizes = [1, 128], strides = [1, 1]} : vector<1x400xf32> to vector<1x128xf32>
    %add3A_1029 = vector.broadcast %slice3A_1027 : vector<256x1xf32> to vector<256x128xf32>
    %add3A_1030 = vector.broadcast %slice3A_1028 : vector<1x128xf32> to vector<256x128xf32>
    %add3A_1031 = arith.addf %add3A_1029, %add3A_1030 : vector<256x128xf32>
    %abs3A_1032 = math.absf %add3A_1031 : vector<256x128xf32>
    %mul3A_1033 = vector.broadcast %get3A_1015 : f32 to vector<256x128xf32>
    %mul3A_1034 = arith.mulf %mul3A_1033, %abs3A_1032 : vector<256x128xf32>
    %add3A_1035 = arith.addf %add3A_994, %mul3A_1034 : vector<256x128xf32>
    %slice3A_1036 = vector.extract_strided_slice %slice3A_1016 {offsets = [0, 0], sizes = [384, 1], strides = [1, 1]} : vector<400x1xf32> to vector<384x1xf32>
    %slice3A_1037 = vector.extract_strided_slice %slice3A_1017 {offsets = [0, 256], sizes = [1, 128], strides = [1, 1]} : vector<1x400xf32> to vector<1x128xf32>
    %add3A_1038 = vector.broadcast %slice3A_1036 : vector<384x1xf32> to vector<384x128xf32>
    %add3A_1039 = vector.broadcast %slice3A_1037 : vector<1x128xf32> to vector<384x128xf32>
    %add3A_1040 = arith.addf %add3A_1038, %add3A_1039 : vector<384x128xf32>
    %abs3A_1041 = math.absf %add3A_1040 : vector<384x128xf32>
    %mul3A_1042 = vector.broadcast %get3A_1015 : f32 to vector<384x128xf32>
    %mul3A_1043 = arith.mulf %mul3A_1042, %abs3A_1041 : vector<384x128xf32>
    %add3A_1044 = arith.addf %add3A_1003, %mul3A_1043 : vector<384x128xf32>
    %slice3A_1045 = vector.extract_strided_slice %slice3A_1017 {offsets = [0, 384], sizes = [1, 16], strides = [1, 1]} : vector<1x400xf32> to vector<1x16xf32>
    %add3A_1046 = vector.broadcast %slice3A_1016 : vector<400x1xf32> to vector<400x16xf32>
    %add3A_1047 = vector.broadcast %slice3A_1045 : vector<1x16xf32> to vector<400x16xf32>
    %add3A_1048 = arith.addf %add3A_1046, %add3A_1047 : vector<400x16xf32>
    %abs3A_1049 = math.absf %add3A_1048 : vector<400x16xf32>
    %mul3A_1050 = vector.broadcast %get3A_1015 : f32 to vector<400x16xf32>
    %mul3A_1051 = arith.mulf %mul3A_1050, %abs3A_1049 : vector<400x16xf32>
    %add3A_1052 = arith.addf %add3A_1011, %mul3A_1051 : vector<400x16xf32>
    %get3A_1053 = arith.constant 0 : index
    %get3A_1054 = arith.constant 23 : index
    %get3A_1055 = vector.load %arg6[%get3A_1053, %get3A_1054] : memref<1x64xf32, #tpu.memory_space<vmem>>, vector<1x1xf32>
    %get3A_1056 = vector.extract %get3A_1055[0, 0] : f32 from vector<1x1xf32>
    %slice3A_1057 = vector.extract_strided_slice %add3A_77 {offsets = [0, 23], sizes = [400, 1], strides = [1, 1]} : vector<400x64xf32> to vector<400x1xf32>
    %slice3A_1058 = vector.extract_strided_slice %transpose3A {offsets = [23, 0], sizes = [1, 400], strides = [1, 1]} : vector<64x400xf32> to vector<1x400xf32>
    %slice3A_1059 = vector.extract_strided_slice %slice3A_1057 {offsets = [0, 0], sizes = [128, 1], strides = [1, 1]} : vector<400x1xf32> to vector<128x1xf32>
    %slice3A_1060 = vector.extract_strided_slice %slice3A_1058 {offsets = [0, 0], sizes = [1, 128], strides = [1, 1]} : vector<1x400xf32> to vector<1x128xf32>
    %add3A_1061 = vector.broadcast %slice3A_1059 : vector<128x1xf32> to vector<128x128xf32>
    %add3A_1062 = vector.broadcast %slice3A_1060 : vector<1x128xf32> to vector<128x128xf32>
    %add3A_1063 = arith.addf %add3A_1061, %add3A_1062 : vector<128x128xf32>
    %abs3A_1064 = math.absf %add3A_1063 : vector<128x128xf32>
    %mul3A_1065 = vector.broadcast %get3A_1056 : f32 to vector<128x128xf32>
    %mul3A_1066 = arith.mulf %mul3A_1065, %abs3A_1064 : vector<128x128xf32>
    %add3A_1067 = arith.addf %add3A_1026, %mul3A_1066 : vector<128x128xf32>
    %slice3A_1068 = vector.extract_strided_slice %slice3A_1057 {offsets = [0, 0], sizes = [256, 1], strides = [1, 1]} : vector<400x1xf32> to vector<256x1xf32>
    %slice3A_1069 = vector.extract_strided_slice %slice3A_1058 {offsets = [0, 128], sizes = [1, 128], strides = [1, 1]} : vector<1x400xf32> to vector<1x128xf32>
    %add3A_1070 = vector.broadcast %slice3A_1068 : vector<256x1xf32> to vector<256x128xf32>
    %add3A_1071 = vector.broadcast %slice3A_1069 : vector<1x128xf32> to vector<256x128xf32>
    %add3A_1072 = arith.addf %add3A_1070, %add3A_1071 : vector<256x128xf32>
    %abs3A_1073 = math.absf %add3A_1072 : vector<256x128xf32>
    %mul3A_1074 = vector.broadcast %get3A_1056 : f32 to vector<256x128xf32>
    %mul3A_1075 = arith.mulf %mul3A_1074, %abs3A_1073 : vector<256x128xf32>
    %add3A_1076 = arith.addf %add3A_1035, %mul3A_1075 : vector<256x128xf32>
    %slice3A_1077 = vector.extract_strided_slice %slice3A_1057 {offsets = [0, 0], sizes = [384, 1], strides = [1, 1]} : vector<400x1xf32> to vector<384x1xf32>
    %slice3A_1078 = vector.extract_strided_slice %slice3A_1058 {offsets = [0, 256], sizes = [1, 128], strides = [1, 1]} : vector<1x400xf32> to vector<1x128xf32>
    %add3A_1079 = vector.broadcast %slice3A_1077 : vector<384x1xf32> to vector<384x128xf32>
    %add3A_1080 = vector.broadcast %slice3A_1078 : vector<1x128xf32> to vector<384x128xf32>
    %add3A_1081 = arith.addf %add3A_1079, %add3A_1080 : vector<384x128xf32>
    %abs3A_1082 = math.absf %add3A_1081 : vector<384x128xf32>
    %mul3A_1083 = vector.broadcast %get3A_1056 : f32 to vector<384x128xf32>
    %mul3A_1084 = arith.mulf %mul3A_1083, %abs3A_1082 : vector<384x128xf32>
    %add3A_1085 = arith.addf %add3A_1044, %mul3A_1084 : vector<384x128xf32>
    %slice3A_1086 = vector.extract_strided_slice %slice3A_1058 {offsets = [0, 384], sizes = [1, 16], strides = [1, 1]} : vector<1x400xf32> to vector<1x16xf32>
    %add3A_1087 = vector.broadcast %slice3A_1057 : vector<400x1xf32> to vector<400x16xf32>
    %add3A_1088 = vector.broadcast %slice3A_1086 : vector<1x16xf32> to vector<400x16xf32>
    %add3A_1089 = arith.addf %add3A_1087, %add3A_1088 : vector<400x16xf32>
    %abs3A_1090 = math.absf %add3A_1089 : vector<400x16xf32>
    %mul3A_1091 = vector.broadcast %get3A_1056 : f32 to vector<400x16xf32>
    %mul3A_1092 = arith.mulf %mul3A_1091, %abs3A_1090 : vector<400x16xf32>
    %add3A_1093 = arith.addf %add3A_1052, %mul3A_1092 : vector<400x16xf32>
    %get3A_1094 = arith.constant 0 : index
    %get3A_1095 = arith.constant 24 : index
    %get3A_1096 = vector.load %arg6[%get3A_1094, %get3A_1095] : memref<1x64xf32, #tpu.memory_space<vmem>>, vector<1x1xf32>
    %get3A_1097 = vector.extract %get3A_1096[0, 0] : f32 from vector<1x1xf32>
    %slice3A_1098 = vector.extract_strided_slice %add3A_77 {offsets = [0, 24], sizes = [400, 1], strides = [1, 1]} : vector<400x64xf32> to vector<400x1xf32>
    %slice3A_1099 = vector.extract_strided_slice %transpose3A {offsets = [24, 0], sizes = [1, 400], strides = [1, 1]} : vector<64x400xf32> to vector<1x400xf32>
    %slice3A_1100 = vector.extract_strided_slice %slice3A_1098 {offsets = [0, 0], sizes = [128, 1], strides = [1, 1]} : vector<400x1xf32> to vector<128x1xf32>
    %slice3A_1101 = vector.extract_strided_slice %slice3A_1099 {offsets = [0, 0], sizes = [1, 128], strides = [1, 1]} : vector<1x400xf32> to vector<1x128xf32>
    %add3A_1102 = vector.broadcast %slice3A_1100 : vector<128x1xf32> to vector<128x128xf32>
    %add3A_1103 = vector.broadcast %slice3A_1101 : vector<1x128xf32> to vector<128x128xf32>
    %add3A_1104 = arith.addf %add3A_1102, %add3A_1103 : vector<128x128xf32>
    %abs3A_1105 = math.absf %add3A_1104 : vector<128x128xf32>
    %mul3A_1106 = vector.broadcast %get3A_1097 : f32 to vector<128x128xf32>
    %mul3A_1107 = arith.mulf %mul3A_1106, %abs3A_1105 : vector<128x128xf32>
    %add3A_1108 = arith.addf %add3A_1067, %mul3A_1107 : vector<128x128xf32>
    %slice3A_1109 = vector.extract_strided_slice %slice3A_1098 {offsets = [0, 0], sizes = [256, 1], strides = [1, 1]} : vector<400x1xf32> to vector<256x1xf32>
    %slice3A_1110 = vector.extract_strided_slice %slice3A_1099 {offsets = [0, 128], sizes = [1, 128], strides = [1, 1]} : vector<1x400xf32> to vector<1x128xf32>
    %add3A_1111 = vector.broadcast %slice3A_1109 : vector<256x1xf32> to vector<256x128xf32>
    %add3A_1112 = vector.broadcast %slice3A_1110 : vector<1x128xf32> to vector<256x128xf32>
    %add3A_1113 = arith.addf %add3A_1111, %add3A_1112 : vector<256x128xf32>
    %abs3A_1114 = math.absf %add3A_1113 : vector<256x128xf32>
    %mul3A_1115 = vector.broadcast %get3A_1097 : f32 to vector<256x128xf32>
    %mul3A_1116 = arith.mulf %mul3A_1115, %abs3A_1114 : vector<256x128xf32>
    %add3A_1117 = arith.addf %add3A_1076, %mul3A_1116 : vector<256x128xf32>
    %slice3A_1118 = vector.extract_strided_slice %slice3A_1098 {offsets = [0, 0], sizes = [384, 1], strides = [1, 1]} : vector<400x1xf32> to vector<384x1xf32>
    %slice3A_1119 = vector.extract_strided_slice %slice3A_1099 {offsets = [0, 256], sizes = [1, 128], strides = [1, 1]} : vector<1x400xf32> to vector<1x128xf32>
    %add3A_1120 = vector.broadcast %slice3A_1118 : vector<384x1xf32> to vector<384x128xf32>
    %add3A_1121 = vector.broadcast %slice3A_1119 : vector<1x128xf32> to vector<384x128xf32>
    %add3A_1122 = arith.addf %add3A_1120, %add3A_1121 : vector<384x128xf32>
    %abs3A_1123 = math.absf %add3A_1122 : vector<384x128xf32>
    %mul3A_1124 = vector.broadcast %get3A_1097 : f32 to vector<384x128xf32>
    %mul3A_1125 = arith.mulf %mul3A_1124, %abs3A_1123 : vector<384x128xf32>
    %add3A_1126 = arith.addf %add3A_1085, %mul3A_1125 : vector<384x128xf32>
    %slice3A_1127 = vector.extract_strided_slice %slice3A_1099 {offsets = [0, 384], sizes = [1, 16], strides = [1, 1]} : vector<1x400xf32> to vector<1x16xf32>
    %add3A_1128 = vector.broadcast %slice3A_1098 : vector<400x1xf32> to vector<400x16xf32>
    %add3A_1129 = vector.broadcast %slice3A_1127 : vector<1x16xf32> to vector<400x16xf32>
    %add3A_1130 = arith.addf %add3A_1128, %add3A_1129 : vector<400x16xf32>
    %abs3A_1131 = math.absf %add3A_1130 : vector<400x16xf32>
    %mul3A_1132 = vector.broadcast %get3A_1097 : f32 to vector<400x16xf32>
    %mul3A_1133 = arith.mulf %mul3A_1132, %abs3A_1131 : vector<400x16xf32>
    %add3A_1134 = arith.addf %add3A_1093, %mul3A_1133 : vector<400x16xf32>
    %get3A_1135 = arith.constant 0 : index
    %get3A_1136 = arith.constant 25 : index
    %get3A_1137 = vector.load %arg6[%get3A_1135, %get3A_1136] : memref<1x64xf32, #tpu.memory_space<vmem>>, vector<1x1xf32>
    %get3A_1138 = vector.extract %get3A_1137[0, 0] : f32 from vector<1x1xf32>
    %slice3A_1139 = vector.extract_strided_slice %add3A_77 {offsets = [0, 25], sizes = [400, 1], strides = [1, 1]} : vector<400x64xf32> to vector<400x1xf32>
    %slice3A_1140 = vector.extract_strided_slice %transpose3A {offsets = [25, 0], sizes = [1, 400], strides = [1, 1]} : vector<64x400xf32> to vector<1x400xf32>
    %slice3A_1141 = vector.extract_strided_slice %slice3A_1139 {offsets = [0, 0], sizes = [128, 1], strides = [1, 1]} : vector<400x1xf32> to vector<128x1xf32>
    %slice3A_1142 = vector.extract_strided_slice %slice3A_1140 {offsets = [0, 0], sizes = [1, 128], strides = [1, 1]} : vector<1x400xf32> to vector<1x128xf32>
    %add3A_1143 = vector.broadcast %slice3A_1141 : vector<128x1xf32> to vector<128x128xf32>
    %add3A_1144 = vector.broadcast %slice3A_1142 : vector<1x128xf32> to vector<128x128xf32>
    %add3A_1145 = arith.addf %add3A_1143, %add3A_1144 : vector<128x128xf32>
    %abs3A_1146 = math.absf %add3A_1145 : vector<128x128xf32>
    %mul3A_1147 = vector.broadcast %get3A_1138 : f32 to vector<128x128xf32>
    %mul3A_1148 = arith.mulf %mul3A_1147, %abs3A_1146 : vector<128x128xf32>
    %add3A_1149 = arith.addf %add3A_1108, %mul3A_1148 : vector<128x128xf32>
    %slice3A_1150 = vector.extract_strided_slice %slice3A_1139 {offsets = [0, 0], sizes = [256, 1], strides = [1, 1]} : vector<400x1xf32> to vector<256x1xf32>
    %slice3A_1151 = vector.extract_strided_slice %slice3A_1140 {offsets = [0, 128], sizes = [1, 128], strides = [1, 1]} : vector<1x400xf32> to vector<1x128xf32>
    %add3A_1152 = vector.broadcast %slice3A_1150 : vector<256x1xf32> to vector<256x128xf32>
    %add3A_1153 = vector.broadcast %slice3A_1151 : vector<1x128xf32> to vector<256x128xf32>
    %add3A_1154 = arith.addf %add3A_1152, %add3A_1153 : vector<256x128xf32>
    %abs3A_1155 = math.absf %add3A_1154 : vector<256x128xf32>
    %mul3A_1156 = vector.broadcast %get3A_1138 : f32 to vector<256x128xf32>
    %mul3A_1157 = arith.mulf %mul3A_1156, %abs3A_1155 : vector<256x128xf32>
    %add3A_1158 = arith.addf %add3A_1117, %mul3A_1157 : vector<256x128xf32>
    %slice3A_1159 = vector.extract_strided_slice %slice3A_1139 {offsets = [0, 0], sizes = [384, 1], strides = [1, 1]} : vector<400x1xf32> to vector<384x1xf32>
    %slice3A_1160 = vector.extract_strided_slice %slice3A_1140 {offsets = [0, 256], sizes = [1, 128], strides = [1, 1]} : vector<1x400xf32> to vector<1x128xf32>
    %add3A_1161 = vector.broadcast %slice3A_1159 : vector<384x1xf32> to vector<384x128xf32>
    %add3A_1162 = vector.broadcast %slice3A_1160 : vector<1x128xf32> to vector<384x128xf32>
    %add3A_1163 = arith.addf %add3A_1161, %add3A_1162 : vector<384x128xf32>
    %abs3A_1164 = math.absf %add3A_1163 : vector<384x128xf32>
    %mul3A_1165 = vector.broadcast %get3A_1138 : f32 to vector<384x128xf32>
    %mul3A_1166 = arith.mulf %mul3A_1165, %abs3A_1164 : vector<384x128xf32>
    %add3A_1167 = arith.addf %add3A_1126, %mul3A_1166 : vector<384x128xf32>
    %slice3A_1168 = vector.extract_strided_slice %slice3A_1140 {offsets = [0, 384], sizes = [1, 16], strides = [1, 1]} : vector<1x400xf32> to vector<1x16xf32>
    %add3A_1169 = vector.broadcast %slice3A_1139 : vector<400x1xf32> to vector<400x16xf32>
    %add3A_1170 = vector.broadcast %slice3A_1168 : vector<1x16xf32> to vector<400x16xf32>
    %add3A_1171 = arith.addf %add3A_1169, %add3A_1170 : vector<400x16xf32>
    %abs3A_1172 = math.absf %add3A_1171 : vector<400x16xf32>
    %mul3A_1173 = vector.broadcast %get3A_1138 : f32 to vector<400x16xf32>
    %mul3A_1174 = arith.mulf %mul3A_1173, %abs3A_1172 : vector<400x16xf32>
    %add3A_1175 = arith.addf %add3A_1134, %mul3A_1174 : vector<400x16xf32>
    %get3A_1176 = arith.constant 0 : index
    %get3A_1177 = arith.constant 26 : index
    %get3A_1178 = vector.load %arg6[%get3A_1176, %get3A_1177] : memref<1x64xf32, #tpu.memory_space<vmem>>, vector<1x1xf32>
    %get3A_1179 = vector.extract %get3A_1178[0, 0] : f32 from vector<1x1xf32>
    %slice3A_1180 = vector.extract_strided_slice %add3A_77 {offsets = [0, 26], sizes = [400, 1], strides = [1, 1]} : vector<400x64xf32> to vector<400x1xf32>
    %slice3A_1181 = vector.extract_strided_slice %transpose3A {offsets = [26, 0], sizes = [1, 400], strides = [1, 1]} : vector<64x400xf32> to vector<1x400xf32>
    %slice3A_1182 = vector.extract_strided_slice %slice3A_1180 {offsets = [0, 0], sizes = [128, 1], strides = [1, 1]} : vector<400x1xf32> to vector<128x1xf32>
    %slice3A_1183 = vector.extract_strided_slice %slice3A_1181 {offsets = [0, 0], sizes = [1, 128], strides = [1, 1]} : vector<1x400xf32> to vector<1x128xf32>
    %add3A_1184 = vector.broadcast %slice3A_1182 : vector<128x1xf32> to vector<128x128xf32>
    %add3A_1185 = vector.broadcast %slice3A_1183 : vector<1x128xf32> to vector<128x128xf32>
    %add3A_1186 = arith.addf %add3A_1184, %add3A_1185 : vector<128x128xf32>
    %abs3A_1187 = math.absf %add3A_1186 : vector<128x128xf32>
    %mul3A_1188 = vector.broadcast %get3A_1179 : f32 to vector<128x128xf32>
    %mul3A_1189 = arith.mulf %mul3A_1188, %abs3A_1187 : vector<128x128xf32>
    %add3A_1190 = arith.addf %add3A_1149, %mul3A_1189 : vector<128x128xf32>
    %slice3A_1191 = vector.extract_strided_slice %slice3A_1180 {offsets = [0, 0], sizes = [256, 1], strides = [1, 1]} : vector<400x1xf32> to vector<256x1xf32>
    %slice3A_1192 = vector.extract_strided_slice %slice3A_1181 {offsets = [0, 128], sizes = [1, 128], strides = [1, 1]} : vector<1x400xf32> to vector<1x128xf32>
    %add3A_1193 = vector.broadcast %slice3A_1191 : vector<256x1xf32> to vector<256x128xf32>
    %add3A_1194 = vector.broadcast %slice3A_1192 : vector<1x128xf32> to vector<256x128xf32>
    %add3A_1195 = arith.addf %add3A_1193, %add3A_1194 : vector<256x128xf32>
    %abs3A_1196 = math.absf %add3A_1195 : vector<256x128xf32>
    %mul3A_1197 = vector.broadcast %get3A_1179 : f32 to vector<256x128xf32>
    %mul3A_1198 = arith.mulf %mul3A_1197, %abs3A_1196 : vector<256x128xf32>
    %add3A_1199 = arith.addf %add3A_1158, %mul3A_1198 : vector<256x128xf32>
    %slice3A_1200 = vector.extract_strided_slice %slice3A_1180 {offsets = [0, 0], sizes = [384, 1], strides = [1, 1]} : vector<400x1xf32> to vector<384x1xf32>
    %slice3A_1201 = vector.extract_strided_slice %slice3A_1181 {offsets = [0, 256], sizes = [1, 128], strides = [1, 1]} : vector<1x400xf32> to vector<1x128xf32>
    %add3A_1202 = vector.broadcast %slice3A_1200 : vector<384x1xf32> to vector<384x128xf32>
    %add3A_1203 = vector.broadcast %slice3A_1201 : vector<1x128xf32> to vector<384x128xf32>
    %add3A_1204 = arith.addf %add3A_1202, %add3A_1203 : vector<384x128xf32>
    %abs3A_1205 = math.absf %add3A_1204 : vector<384x128xf32>
    %mul3A_1206 = vector.broadcast %get3A_1179 : f32 to vector<384x128xf32>
    %mul3A_1207 = arith.mulf %mul3A_1206, %abs3A_1205 : vector<384x128xf32>
    %add3A_1208 = arith.addf %add3A_1167, %mul3A_1207 : vector<384x128xf32>
    %slice3A_1209 = vector.extract_strided_slice %slice3A_1181 {offsets = [0, 384], sizes = [1, 16], strides = [1, 1]} : vector<1x400xf32> to vector<1x16xf32>
    %add3A_1210 = vector.broadcast %slice3A_1180 : vector<400x1xf32> to vector<400x16xf32>
    %add3A_1211 = vector.broadcast %slice3A_1209 : vector<1x16xf32> to vector<400x16xf32>
    %add3A_1212 = arith.addf %add3A_1210, %add3A_1211 : vector<400x16xf32>
    %abs3A_1213 = math.absf %add3A_1212 : vector<400x16xf32>
    %mul3A_1214 = vector.broadcast %get3A_1179 : f32 to vector<400x16xf32>
    %mul3A_1215 = arith.mulf %mul3A_1214, %abs3A_1213 : vector<400x16xf32>
    %add3A_1216 = arith.addf %add3A_1175, %mul3A_1215 : vector<400x16xf32>
    %get3A_1217 = arith.constant 0 : index
    %get3A_1218 = arith.constant 27 : index
    %get3A_1219 = vector.load %arg6[%get3A_1217, %get3A_1218] : memref<1x64xf32, #tpu.memory_space<vmem>>, vector<1x1xf32>
    %get3A_1220 = vector.extract %get3A_1219[0, 0] : f32 from vector<1x1xf32>
    %slice3A_1221 = vector.extract_strided_slice %add3A_77 {offsets = [0, 27], sizes = [400, 1], strides = [1, 1]} : vector<400x64xf32> to vector<400x1xf32>
    %slice3A_1222 = vector.extract_strided_slice %transpose3A {offsets = [27, 0], sizes = [1, 400], strides = [1, 1]} : vector<64x400xf32> to vector<1x400xf32>
    %slice3A_1223 = vector.extract_strided_slice %slice3A_1221 {offsets = [0, 0], sizes = [128, 1], strides = [1, 1]} : vector<400x1xf32> to vector<128x1xf32>
    %slice3A_1224 = vector.extract_strided_slice %slice3A_1222 {offsets = [0, 0], sizes = [1, 128], strides = [1, 1]} : vector<1x400xf32> to vector<1x128xf32>
    %add3A_1225 = vector.broadcast %slice3A_1223 : vector<128x1xf32> to vector<128x128xf32>
    %add3A_1226 = vector.broadcast %slice3A_1224 : vector<1x128xf32> to vector<128x128xf32>
    %add3A_1227 = arith.addf %add3A_1225, %add3A_1226 : vector<128x128xf32>
    %abs3A_1228 = math.absf %add3A_1227 : vector<128x128xf32>
    %mul3A_1229 = vector.broadcast %get3A_1220 : f32 to vector<128x128xf32>
    %mul3A_1230 = arith.mulf %mul3A_1229, %abs3A_1228 : vector<128x128xf32>
    %add3A_1231 = arith.addf %add3A_1190, %mul3A_1230 : vector<128x128xf32>
    %slice3A_1232 = vector.extract_strided_slice %slice3A_1221 {offsets = [0, 0], sizes = [256, 1], strides = [1, 1]} : vector<400x1xf32> to vector<256x1xf32>
    %slice3A_1233 = vector.extract_strided_slice %slice3A_1222 {offsets = [0, 128], sizes = [1, 128], strides = [1, 1]} : vector<1x400xf32> to vector<1x128xf32>
    %add3A_1234 = vector.broadcast %slice3A_1232 : vector<256x1xf32> to vector<256x128xf32>
    %add3A_1235 = vector.broadcast %slice3A_1233 : vector<1x128xf32> to vector<256x128xf32>
    %add3A_1236 = arith.addf %add3A_1234, %add3A_1235 : vector<256x128xf32>
    %abs3A_1237 = math.absf %add3A_1236 : vector<256x128xf32>
    %mul3A_1238 = vector.broadcast %get3A_1220 : f32 to vector<256x128xf32>
    %mul3A_1239 = arith.mulf %mul3A_1238, %abs3A_1237 : vector<256x128xf32>
    %add3A_1240 = arith.addf %add3A_1199, %mul3A_1239 : vector<256x128xf32>
    %slice3A_1241 = vector.extract_strided_slice %slice3A_1221 {offsets = [0, 0], sizes = [384, 1], strides = [1, 1]} : vector<400x1xf32> to vector<384x1xf32>
    %slice3A_1242 = vector.extract_strided_slice %slice3A_1222 {offsets = [0, 256], sizes = [1, 128], strides = [1, 1]} : vector<1x400xf32> to vector<1x128xf32>
    %add3A_1243 = vector.broadcast %slice3A_1241 : vector<384x1xf32> to vector<384x128xf32>
    %add3A_1244 = vector.broadcast %slice3A_1242 : vector<1x128xf32> to vector<384x128xf32>
    %add3A_1245 = arith.addf %add3A_1243, %add3A_1244 : vector<384x128xf32>
    %abs3A_1246 = math.absf %add3A_1245 : vector<384x128xf32>
    %mul3A_1247 = vector.broadcast %get3A_1220 : f32 to vector<384x128xf32>
    %mul3A_1248 = arith.mulf %mul3A_1247, %abs3A_1246 : vector<384x128xf32>
    %add3A_1249 = arith.addf %add3A_1208, %mul3A_1248 : vector<384x128xf32>
    %slice3A_1250 = vector.extract_strided_slice %slice3A_1222 {offsets = [0, 384], sizes = [1, 16], strides = [1, 1]} : vector<1x400xf32> to vector<1x16xf32>
    %add3A_1251 = vector.broadcast %slice3A_1221 : vector<400x1xf32> to vector<400x16xf32>
    %add3A_1252 = vector.broadcast %slice3A_1250 : vector<1x16xf32> to vector<400x16xf32>
    %add3A_1253 = arith.addf %add3A_1251, %add3A_1252 : vector<400x16xf32>
    %abs3A_1254 = math.absf %add3A_1253 : vector<400x16xf32>
    %mul3A_1255 = vector.broadcast %get3A_1220 : f32 to vector<400x16xf32>
    %mul3A_1256 = arith.mulf %mul3A_1255, %abs3A_1254 : vector<400x16xf32>
    %add3A_1257 = arith.addf %add3A_1216, %mul3A_1256 : vector<400x16xf32>
    %get3A_1258 = arith.constant 0 : index
    %get3A_1259 = arith.constant 28 : index
    %get3A_1260 = vector.load %arg6[%get3A_1258, %get3A_1259] : memref<1x64xf32, #tpu.memory_space<vmem>>, vector<1x1xf32>
    %get3A_1261 = vector.extract %get3A_1260[0, 0] : f32 from vector<1x1xf32>
    %slice3A_1262 = vector.extract_strided_slice %add3A_77 {offsets = [0, 28], sizes = [400, 1], strides = [1, 1]} : vector<400x64xf32> to vector<400x1xf32>
    %slice3A_1263 = vector.extract_strided_slice %transpose3A {offsets = [28, 0], sizes = [1, 400], strides = [1, 1]} : vector<64x400xf32> to vector<1x400xf32>
    %slice3A_1264 = vector.extract_strided_slice %slice3A_1262 {offsets = [0, 0], sizes = [128, 1], strides = [1, 1]} : vector<400x1xf32> to vector<128x1xf32>
    %slice3A_1265 = vector.extract_strided_slice %slice3A_1263 {offsets = [0, 0], sizes = [1, 128], strides = [1, 1]} : vector<1x400xf32> to vector<1x128xf32>
    %add3A_1266 = vector.broadcast %slice3A_1264 : vector<128x1xf32> to vector<128x128xf32>
    %add3A_1267 = vector.broadcast %slice3A_1265 : vector<1x128xf32> to vector<128x128xf32>
    %add3A_1268 = arith.addf %add3A_1266, %add3A_1267 : vector<128x128xf32>
    %abs3A_1269 = math.absf %add3A_1268 : vector<128x128xf32>
    %mul3A_1270 = vector.broadcast %get3A_1261 : f32 to vector<128x128xf32>
    %mul3A_1271 = arith.mulf %mul3A_1270, %abs3A_1269 : vector<128x128xf32>
    %add3A_1272 = arith.addf %add3A_1231, %mul3A_1271 : vector<128x128xf32>
    %slice3A_1273 = vector.extract_strided_slice %slice3A_1262 {offsets = [0, 0], sizes = [256, 1], strides = [1, 1]} : vector<400x1xf32> to vector<256x1xf32>
    %slice3A_1274 = vector.extract_strided_slice %slice3A_1263 {offsets = [0, 128], sizes = [1, 128], strides = [1, 1]} : vector<1x400xf32> to vector<1x128xf32>
    %add3A_1275 = vector.broadcast %slice3A_1273 : vector<256x1xf32> to vector<256x128xf32>
    %add3A_1276 = vector.broadcast %slice3A_1274 : vector<1x128xf32> to vector<256x128xf32>
    %add3A_1277 = arith.addf %add3A_1275, %add3A_1276 : vector<256x128xf32>
    %abs3A_1278 = math.absf %add3A_1277 : vector<256x128xf32>
    %mul3A_1279 = vector.broadcast %get3A_1261 : f32 to vector<256x128xf32>
    %mul3A_1280 = arith.mulf %mul3A_1279, %abs3A_1278 : vector<256x128xf32>
    %add3A_1281 = arith.addf %add3A_1240, %mul3A_1280 : vector<256x128xf32>
    %slice3A_1282 = vector.extract_strided_slice %slice3A_1262 {offsets = [0, 0], sizes = [384, 1], strides = [1, 1]} : vector<400x1xf32> to vector<384x1xf32>
    %slice3A_1283 = vector.extract_strided_slice %slice3A_1263 {offsets = [0, 256], sizes = [1, 128], strides = [1, 1]} : vector<1x400xf32> to vector<1x128xf32>
    %add3A_1284 = vector.broadcast %slice3A_1282 : vector<384x1xf32> to vector<384x128xf32>
    %add3A_1285 = vector.broadcast %slice3A_1283 : vector<1x128xf32> to vector<384x128xf32>
    %add3A_1286 = arith.addf %add3A_1284, %add3A_1285 : vector<384x128xf32>
    %abs3A_1287 = math.absf %add3A_1286 : vector<384x128xf32>
    %mul3A_1288 = vector.broadcast %get3A_1261 : f32 to vector<384x128xf32>
    %mul3A_1289 = arith.mulf %mul3A_1288, %abs3A_1287 : vector<384x128xf32>
    %add3A_1290 = arith.addf %add3A_1249, %mul3A_1289 : vector<384x128xf32>
    %slice3A_1291 = vector.extract_strided_slice %slice3A_1263 {offsets = [0, 384], sizes = [1, 16], strides = [1, 1]} : vector<1x400xf32> to vector<1x16xf32>
    %add3A_1292 = vector.broadcast %slice3A_1262 : vector<400x1xf32> to vector<400x16xf32>
    %add3A_1293 = vector.broadcast %slice3A_1291 : vector<1x16xf32> to vector<400x16xf32>
    %add3A_1294 = arith.addf %add3A_1292, %add3A_1293 : vector<400x16xf32>
    %abs3A_1295 = math.absf %add3A_1294 : vector<400x16xf32>
    %mul3A_1296 = vector.broadcast %get3A_1261 : f32 to vector<400x16xf32>
    %mul3A_1297 = arith.mulf %mul3A_1296, %abs3A_1295 : vector<400x16xf32>
    %add3A_1298 = arith.addf %add3A_1257, %mul3A_1297 : vector<400x16xf32>
    %get3A_1299 = arith.constant 0 : index
    %get3A_1300 = arith.constant 29 : index
    %get3A_1301 = vector.load %arg6[%get3A_1299, %get3A_1300] : memref<1x64xf32, #tpu.memory_space<vmem>>, vector<1x1xf32>
    %get3A_1302 = vector.extract %get3A_1301[0, 0] : f32 from vector<1x1xf32>
    %slice3A_1303 = vector.extract_strided_slice %add3A_77 {offsets = [0, 29], sizes = [400, 1], strides = [1, 1]} : vector<400x64xf32> to vector<400x1xf32>
    %slice3A_1304 = vector.extract_strided_slice %transpose3A {offsets = [29, 0], sizes = [1, 400], strides = [1, 1]} : vector<64x400xf32> to vector<1x400xf32>
    %slice3A_1305 = vector.extract_strided_slice %slice3A_1303 {offsets = [0, 0], sizes = [128, 1], strides = [1, 1]} : vector<400x1xf32> to vector<128x1xf32>
    %slice3A_1306 = vector.extract_strided_slice %slice3A_1304 {offsets = [0, 0], sizes = [1, 128], strides = [1, 1]} : vector<1x400xf32> to vector<1x128xf32>
    %add3A_1307 = vector.broadcast %slice3A_1305 : vector<128x1xf32> to vector<128x128xf32>
    %add3A_1308 = vector.broadcast %slice3A_1306 : vector<1x128xf32> to vector<128x128xf32>
    %add3A_1309 = arith.addf %add3A_1307, %add3A_1308 : vector<128x128xf32>
    %abs3A_1310 = math.absf %add3A_1309 : vector<128x128xf32>
    %mul3A_1311 = vector.broadcast %get3A_1302 : f32 to vector<128x128xf32>
    %mul3A_1312 = arith.mulf %mul3A_1311, %abs3A_1310 : vector<128x128xf32>
    %add3A_1313 = arith.addf %add3A_1272, %mul3A_1312 : vector<128x128xf32>
    %slice3A_1314 = vector.extract_strided_slice %slice3A_1303 {offsets = [0, 0], sizes = [256, 1], strides = [1, 1]} : vector<400x1xf32> to vector<256x1xf32>
    %slice3A_1315 = vector.extract_strided_slice %slice3A_1304 {offsets = [0, 128], sizes = [1, 128], strides = [1, 1]} : vector<1x400xf32> to vector<1x128xf32>
    %add3A_1316 = vector.broadcast %slice3A_1314 : vector<256x1xf32> to vector<256x128xf32>
    %add3A_1317 = vector.broadcast %slice3A_1315 : vector<1x128xf32> to vector<256x128xf32>
    %add3A_1318 = arith.addf %add3A_1316, %add3A_1317 : vector<256x128xf32>
    %abs3A_1319 = math.absf %add3A_1318 : vector<256x128xf32>
    %mul3A_1320 = vector.broadcast %get3A_1302 : f32 to vector<256x128xf32>
    %mul3A_1321 = arith.mulf %mul3A_1320, %abs3A_1319 : vector<256x128xf32>
    %add3A_1322 = arith.addf %add3A_1281, %mul3A_1321 : vector<256x128xf32>
    %slice3A_1323 = vector.extract_strided_slice %slice3A_1303 {offsets = [0, 0], sizes = [384, 1], strides = [1, 1]} : vector<400x1xf32> to vector<384x1xf32>
    %slice3A_1324 = vector.extract_strided_slice %slice3A_1304 {offsets = [0, 256], sizes = [1, 128], strides = [1, 1]} : vector<1x400xf32> to vector<1x128xf32>
    %add3A_1325 = vector.broadcast %slice3A_1323 : vector<384x1xf32> to vector<384x128xf32>
    %add3A_1326 = vector.broadcast %slice3A_1324 : vector<1x128xf32> to vector<384x128xf32>
    %add3A_1327 = arith.addf %add3A_1325, %add3A_1326 : vector<384x128xf32>
    %abs3A_1328 = math.absf %add3A_1327 : vector<384x128xf32>
    %mul3A_1329 = vector.broadcast %get3A_1302 : f32 to vector<384x128xf32>
    %mul3A_1330 = arith.mulf %mul3A_1329, %abs3A_1328 : vector<384x128xf32>
    %add3A_1331 = arith.addf %add3A_1290, %mul3A_1330 : vector<384x128xf32>
    %slice3A_1332 = vector.extract_strided_slice %slice3A_1304 {offsets = [0, 384], sizes = [1, 16], strides = [1, 1]} : vector<1x400xf32> to vector<1x16xf32>
    %add3A_1333 = vector.broadcast %slice3A_1303 : vector<400x1xf32> to vector<400x16xf32>
    %add3A_1334 = vector.broadcast %slice3A_1332 : vector<1x16xf32> to vector<400x16xf32>
    %add3A_1335 = arith.addf %add3A_1333, %add3A_1334 : vector<400x16xf32>
    %abs3A_1336 = math.absf %add3A_1335 : vector<400x16xf32>
    %mul3A_1337 = vector.broadcast %get3A_1302 : f32 to vector<400x16xf32>
    %mul3A_1338 = arith.mulf %mul3A_1337, %abs3A_1336 : vector<400x16xf32>
    %add3A_1339 = arith.addf %add3A_1298, %mul3A_1338 : vector<400x16xf32>
    %get3A_1340 = arith.constant 0 : index
    %get3A_1341 = arith.constant 30 : index
    %get3A_1342 = vector.load %arg6[%get3A_1340, %get3A_1341] : memref<1x64xf32, #tpu.memory_space<vmem>>, vector<1x1xf32>
    %get3A_1343 = vector.extract %get3A_1342[0, 0] : f32 from vector<1x1xf32>
    %slice3A_1344 = vector.extract_strided_slice %add3A_77 {offsets = [0, 30], sizes = [400, 1], strides = [1, 1]} : vector<400x64xf32> to vector<400x1xf32>
    %slice3A_1345 = vector.extract_strided_slice %transpose3A {offsets = [30, 0], sizes = [1, 400], strides = [1, 1]} : vector<64x400xf32> to vector<1x400xf32>
    %slice3A_1346 = vector.extract_strided_slice %slice3A_1344 {offsets = [0, 0], sizes = [128, 1], strides = [1, 1]} : vector<400x1xf32> to vector<128x1xf32>
    %slice3A_1347 = vector.extract_strided_slice %slice3A_1345 {offsets = [0, 0], sizes = [1, 128], strides = [1, 1]} : vector<1x400xf32> to vector<1x128xf32>
    %add3A_1348 = vector.broadcast %slice3A_1346 : vector<128x1xf32> to vector<128x128xf32>
    %add3A_1349 = vector.broadcast %slice3A_1347 : vector<1x128xf32> to vector<128x128xf32>
    %add3A_1350 = arith.addf %add3A_1348, %add3A_1349 : vector<128x128xf32>
    %abs3A_1351 = math.absf %add3A_1350 : vector<128x128xf32>
    %mul3A_1352 = vector.broadcast %get3A_1343 : f32 to vector<128x128xf32>
    %mul3A_1353 = arith.mulf %mul3A_1352, %abs3A_1351 : vector<128x128xf32>
    %add3A_1354 = arith.addf %add3A_1313, %mul3A_1353 : vector<128x128xf32>
    %slice3A_1355 = vector.extract_strided_slice %slice3A_1344 {offsets = [0, 0], sizes = [256, 1], strides = [1, 1]} : vector<400x1xf32> to vector<256x1xf32>
    %slice3A_1356 = vector.extract_strided_slice %slice3A_1345 {offsets = [0, 128], sizes = [1, 128], strides = [1, 1]} : vector<1x400xf32> to vector<1x128xf32>
    %add3A_1357 = vector.broadcast %slice3A_1355 : vector<256x1xf32> to vector<256x128xf32>
    %add3A_1358 = vector.broadcast %slice3A_1356 : vector<1x128xf32> to vector<256x128xf32>
    %add3A_1359 = arith.addf %add3A_1357, %add3A_1358 : vector<256x128xf32>
    %abs3A_1360 = math.absf %add3A_1359 : vector<256x128xf32>
    %mul3A_1361 = vector.broadcast %get3A_1343 : f32 to vector<256x128xf32>
    %mul3A_1362 = arith.mulf %mul3A_1361, %abs3A_1360 : vector<256x128xf32>
    %add3A_1363 = arith.addf %add3A_1322, %mul3A_1362 : vector<256x128xf32>
    %slice3A_1364 = vector.extract_strided_slice %slice3A_1344 {offsets = [0, 0], sizes = [384, 1], strides = [1, 1]} : vector<400x1xf32> to vector<384x1xf32>
    %slice3A_1365 = vector.extract_strided_slice %slice3A_1345 {offsets = [0, 256], sizes = [1, 128], strides = [1, 1]} : vector<1x400xf32> to vector<1x128xf32>
    %add3A_1366 = vector.broadcast %slice3A_1364 : vector<384x1xf32> to vector<384x128xf32>
    %add3A_1367 = vector.broadcast %slice3A_1365 : vector<1x128xf32> to vector<384x128xf32>
    %add3A_1368 = arith.addf %add3A_1366, %add3A_1367 : vector<384x128xf32>
    %abs3A_1369 = math.absf %add3A_1368 : vector<384x128xf32>
    %mul3A_1370 = vector.broadcast %get3A_1343 : f32 to vector<384x128xf32>
    %mul3A_1371 = arith.mulf %mul3A_1370, %abs3A_1369 : vector<384x128xf32>
    %add3A_1372 = arith.addf %add3A_1331, %mul3A_1371 : vector<384x128xf32>
    %slice3A_1373 = vector.extract_strided_slice %slice3A_1345 {offsets = [0, 384], sizes = [1, 16], strides = [1, 1]} : vector<1x400xf32> to vector<1x16xf32>
    %add3A_1374 = vector.broadcast %slice3A_1344 : vector<400x1xf32> to vector<400x16xf32>
    %add3A_1375 = vector.broadcast %slice3A_1373 : vector<1x16xf32> to vector<400x16xf32>
    %add3A_1376 = arith.addf %add3A_1374, %add3A_1375 : vector<400x16xf32>
    %abs3A_1377 = math.absf %add3A_1376 : vector<400x16xf32>
    %mul3A_1378 = vector.broadcast %get3A_1343 : f32 to vector<400x16xf32>
    %mul3A_1379 = arith.mulf %mul3A_1378, %abs3A_1377 : vector<400x16xf32>
    %add3A_1380 = arith.addf %add3A_1339, %mul3A_1379 : vector<400x16xf32>
    %get3A_1381 = arith.constant 0 : index
    %get3A_1382 = arith.constant 31 : index
    %get3A_1383 = vector.load %arg6[%get3A_1381, %get3A_1382] : memref<1x64xf32, #tpu.memory_space<vmem>>, vector<1x1xf32>
    %get3A_1384 = vector.extract %get3A_1383[0, 0] : f32 from vector<1x1xf32>
    %slice3A_1385 = vector.extract_strided_slice %add3A_77 {offsets = [0, 31], sizes = [400, 1], strides = [1, 1]} : vector<400x64xf32> to vector<400x1xf32>
    %slice3A_1386 = vector.extract_strided_slice %transpose3A {offsets = [31, 0], sizes = [1, 400], strides = [1, 1]} : vector<64x400xf32> to vector<1x400xf32>
    %slice3A_1387 = vector.extract_strided_slice %slice3A_1385 {offsets = [0, 0], sizes = [128, 1], strides = [1, 1]} : vector<400x1xf32> to vector<128x1xf32>
    %slice3A_1388 = vector.extract_strided_slice %slice3A_1386 {offsets = [0, 0], sizes = [1, 128], strides = [1, 1]} : vector<1x400xf32> to vector<1x128xf32>
    %add3A_1389 = vector.broadcast %slice3A_1387 : vector<128x1xf32> to vector<128x128xf32>
    %add3A_1390 = vector.broadcast %slice3A_1388 : vector<1x128xf32> to vector<128x128xf32>
    %add3A_1391 = arith.addf %add3A_1389, %add3A_1390 : vector<128x128xf32>
    %abs3A_1392 = math.absf %add3A_1391 : vector<128x128xf32>
    %mul3A_1393 = vector.broadcast %get3A_1384 : f32 to vector<128x128xf32>
    %mul3A_1394 = arith.mulf %mul3A_1393, %abs3A_1392 : vector<128x128xf32>
    %add3A_1395 = arith.addf %add3A_1354, %mul3A_1394 : vector<128x128xf32>
    %slice3A_1396 = vector.extract_strided_slice %slice3A_1385 {offsets = [0, 0], sizes = [256, 1], strides = [1, 1]} : vector<400x1xf32> to vector<256x1xf32>
    %slice3A_1397 = vector.extract_strided_slice %slice3A_1386 {offsets = [0, 128], sizes = [1, 128], strides = [1, 1]} : vector<1x400xf32> to vector<1x128xf32>
    %add3A_1398 = vector.broadcast %slice3A_1396 : vector<256x1xf32> to vector<256x128xf32>
    %add3A_1399 = vector.broadcast %slice3A_1397 : vector<1x128xf32> to vector<256x128xf32>
    %add3A_1400 = arith.addf %add3A_1398, %add3A_1399 : vector<256x128xf32>
    %abs3A_1401 = math.absf %add3A_1400 : vector<256x128xf32>
    %mul3A_1402 = vector.broadcast %get3A_1384 : f32 to vector<256x128xf32>
    %mul3A_1403 = arith.mulf %mul3A_1402, %abs3A_1401 : vector<256x128xf32>
    %add3A_1404 = arith.addf %add3A_1363, %mul3A_1403 : vector<256x128xf32>
    %slice3A_1405 = vector.extract_strided_slice %slice3A_1385 {offsets = [0, 0], sizes = [384, 1], strides = [1, 1]} : vector<400x1xf32> to vector<384x1xf32>
    %slice3A_1406 = vector.extract_strided_slice %slice3A_1386 {offsets = [0, 256], sizes = [1, 128], strides = [1, 1]} : vector<1x400xf32> to vector<1x128xf32>
    %add3A_1407 = vector.broadcast %slice3A_1405 : vector<384x1xf32> to vector<384x128xf32>
    %add3A_1408 = vector.broadcast %slice3A_1406 : vector<1x128xf32> to vector<384x128xf32>
    %add3A_1409 = arith.addf %add3A_1407, %add3A_1408 : vector<384x128xf32>
    %abs3A_1410 = math.absf %add3A_1409 : vector<384x128xf32>
    %mul3A_1411 = vector.broadcast %get3A_1384 : f32 to vector<384x128xf32>
    %mul3A_1412 = arith.mulf %mul3A_1411, %abs3A_1410 : vector<384x128xf32>
    %add3A_1413 = arith.addf %add3A_1372, %mul3A_1412 : vector<384x128xf32>
    %slice3A_1414 = vector.extract_strided_slice %slice3A_1386 {offsets = [0, 384], sizes = [1, 16], strides = [1, 1]} : vector<1x400xf32> to vector<1x16xf32>
    %add3A_1415 = vector.broadcast %slice3A_1385 : vector<400x1xf32> to vector<400x16xf32>
    %add3A_1416 = vector.broadcast %slice3A_1414 : vector<1x16xf32> to vector<400x16xf32>
    %add3A_1417 = arith.addf %add3A_1415, %add3A_1416 : vector<400x16xf32>
    %abs3A_1418 = math.absf %add3A_1417 : vector<400x16xf32>
    %mul3A_1419 = vector.broadcast %get3A_1384 : f32 to vector<400x16xf32>
    %mul3A_1420 = arith.mulf %mul3A_1419, %abs3A_1418 : vector<400x16xf32>
    %add3A_1421 = arith.addf %add3A_1380, %mul3A_1420 : vector<400x16xf32>
    %get3A_1422 = arith.constant 0 : index
    %get3A_1423 = arith.constant 32 : index
    %get3A_1424 = vector.load %arg6[%get3A_1422, %get3A_1423] : memref<1x64xf32, #tpu.memory_space<vmem>>, vector<1x1xf32>
    %get3A_1425 = vector.extract %get3A_1424[0, 0] : f32 from vector<1x1xf32>
    %slice3A_1426 = vector.extract_strided_slice %add3A_77 {offsets = [0, 32], sizes = [400, 1], strides = [1, 1]} : vector<400x64xf32> to vector<400x1xf32>
    %slice3A_1427 = vector.extract_strided_slice %transpose3A {offsets = [32, 0], sizes = [1, 400], strides = [1, 1]} : vector<64x400xf32> to vector<1x400xf32>
    %slice3A_1428 = vector.extract_strided_slice %slice3A_1426 {offsets = [0, 0], sizes = [128, 1], strides = [1, 1]} : vector<400x1xf32> to vector<128x1xf32>
    %slice3A_1429 = vector.extract_strided_slice %slice3A_1427 {offsets = [0, 0], sizes = [1, 128], strides = [1, 1]} : vector<1x400xf32> to vector<1x128xf32>
    %add3A_1430 = vector.broadcast %slice3A_1428 : vector<128x1xf32> to vector<128x128xf32>
    %add3A_1431 = vector.broadcast %slice3A_1429 : vector<1x128xf32> to vector<128x128xf32>
    %add3A_1432 = arith.addf %add3A_1430, %add3A_1431 : vector<128x128xf32>
    %abs3A_1433 = math.absf %add3A_1432 : vector<128x128xf32>
    %mul3A_1434 = vector.broadcast %get3A_1425 : f32 to vector<128x128xf32>
    %mul3A_1435 = arith.mulf %mul3A_1434, %abs3A_1433 : vector<128x128xf32>
    %add3A_1436 = arith.addf %add3A_1395, %mul3A_1435 : vector<128x128xf32>
    %slice3A_1437 = vector.extract_strided_slice %slice3A_1426 {offsets = [0, 0], sizes = [256, 1], strides = [1, 1]} : vector<400x1xf32> to vector<256x1xf32>
    %slice3A_1438 = vector.extract_strided_slice %slice3A_1427 {offsets = [0, 128], sizes = [1, 128], strides = [1, 1]} : vector<1x400xf32> to vector<1x128xf32>
    %add3A_1439 = vector.broadcast %slice3A_1437 : vector<256x1xf32> to vector<256x128xf32>
    %add3A_1440 = vector.broadcast %slice3A_1438 : vector<1x128xf32> to vector<256x128xf32>
    %add3A_1441 = arith.addf %add3A_1439, %add3A_1440 : vector<256x128xf32>
    %abs3A_1442 = math.absf %add3A_1441 : vector<256x128xf32>
    %mul3A_1443 = vector.broadcast %get3A_1425 : f32 to vector<256x128xf32>
    %mul3A_1444 = arith.mulf %mul3A_1443, %abs3A_1442 : vector<256x128xf32>
    %add3A_1445 = arith.addf %add3A_1404, %mul3A_1444 : vector<256x128xf32>
    %slice3A_1446 = vector.extract_strided_slice %slice3A_1426 {offsets = [0, 0], sizes = [384, 1], strides = [1, 1]} : vector<400x1xf32> to vector<384x1xf32>
    %slice3A_1447 = vector.extract_strided_slice %slice3A_1427 {offsets = [0, 256], sizes = [1, 128], strides = [1, 1]} : vector<1x400xf32> to vector<1x128xf32>
    %add3A_1448 = vector.broadcast %slice3A_1446 : vector<384x1xf32> to vector<384x128xf32>
    %add3A_1449 = vector.broadcast %slice3A_1447 : vector<1x128xf32> to vector<384x128xf32>
    %add3A_1450 = arith.addf %add3A_1448, %add3A_1449 : vector<384x128xf32>
    %abs3A_1451 = math.absf %add3A_1450 : vector<384x128xf32>
    %mul3A_1452 = vector.broadcast %get3A_1425 : f32 to vector<384x128xf32>
    %mul3A_1453 = arith.mulf %mul3A_1452, %abs3A_1451 : vector<384x128xf32>
    %add3A_1454 = arith.addf %add3A_1413, %mul3A_1453 : vector<384x128xf32>
    %slice3A_1455 = vector.extract_strided_slice %slice3A_1427 {offsets = [0, 384], sizes = [1, 16], strides = [1, 1]} : vector<1x400xf32> to vector<1x16xf32>
    %add3A_1456 = vector.broadcast %slice3A_1426 : vector<400x1xf32> to vector<400x16xf32>
    %add3A_1457 = vector.broadcast %slice3A_1455 : vector<1x16xf32> to vector<400x16xf32>
    %add3A_1458 = arith.addf %add3A_1456, %add3A_1457 : vector<400x16xf32>
    %abs3A_1459 = math.absf %add3A_1458 : vector<400x16xf32>
    %mul3A_1460 = vector.broadcast %get3A_1425 : f32 to vector<400x16xf32>
    %mul3A_1461 = arith.mulf %mul3A_1460, %abs3A_1459 : vector<400x16xf32>
    %add3A_1462 = arith.addf %add3A_1421, %mul3A_1461 : vector<400x16xf32>
    %get3A_1463 = arith.constant 0 : index
    %get3A_1464 = arith.constant 33 : index
    %get3A_1465 = vector.load %arg6[%get3A_1463, %get3A_1464] : memref<1x64xf32, #tpu.memory_space<vmem>>, vector<1x1xf32>
    %get3A_1466 = vector.extract %get3A_1465[0, 0] : f32 from vector<1x1xf32>
    %slice3A_1467 = vector.extract_strided_slice %add3A_77 {offsets = [0, 33], sizes = [400, 1], strides = [1, 1]} : vector<400x64xf32> to vector<400x1xf32>
    %slice3A_1468 = vector.extract_strided_slice %transpose3A {offsets = [33, 0], sizes = [1, 400], strides = [1, 1]} : vector<64x400xf32> to vector<1x400xf32>
    %slice3A_1469 = vector.extract_strided_slice %slice3A_1467 {offsets = [0, 0], sizes = [128, 1], strides = [1, 1]} : vector<400x1xf32> to vector<128x1xf32>
    %slice3A_1470 = vector.extract_strided_slice %slice3A_1468 {offsets = [0, 0], sizes = [1, 128], strides = [1, 1]} : vector<1x400xf32> to vector<1x128xf32>
    %add3A_1471 = vector.broadcast %slice3A_1469 : vector<128x1xf32> to vector<128x128xf32>
    %add3A_1472 = vector.broadcast %slice3A_1470 : vector<1x128xf32> to vector<128x128xf32>
    %add3A_1473 = arith.addf %add3A_1471, %add3A_1472 : vector<128x128xf32>
    %abs3A_1474 = math.absf %add3A_1473 : vector<128x128xf32>
    %mul3A_1475 = vector.broadcast %get3A_1466 : f32 to vector<128x128xf32>
    %mul3A_1476 = arith.mulf %mul3A_1475, %abs3A_1474 : vector<128x128xf32>
    %add3A_1477 = arith.addf %add3A_1436, %mul3A_1476 : vector<128x128xf32>
    %slice3A_1478 = vector.extract_strided_slice %slice3A_1467 {offsets = [0, 0], sizes = [256, 1], strides = [1, 1]} : vector<400x1xf32> to vector<256x1xf32>
    %slice3A_1479 = vector.extract_strided_slice %slice3A_1468 {offsets = [0, 128], sizes = [1, 128], strides = [1, 1]} : vector<1x400xf32> to vector<1x128xf32>
    %add3A_1480 = vector.broadcast %slice3A_1478 : vector<256x1xf32> to vector<256x128xf32>
    %add3A_1481 = vector.broadcast %slice3A_1479 : vector<1x128xf32> to vector<256x128xf32>
    %add3A_1482 = arith.addf %add3A_1480, %add3A_1481 : vector<256x128xf32>
    %abs3A_1483 = math.absf %add3A_1482 : vector<256x128xf32>
    %mul3A_1484 = vector.broadcast %get3A_1466 : f32 to vector<256x128xf32>
    %mul3A_1485 = arith.mulf %mul3A_1484, %abs3A_1483 : vector<256x128xf32>
    %add3A_1486 = arith.addf %add3A_1445, %mul3A_1485 : vector<256x128xf32>
    %slice3A_1487 = vector.extract_strided_slice %slice3A_1467 {offsets = [0, 0], sizes = [384, 1], strides = [1, 1]} : vector<400x1xf32> to vector<384x1xf32>
    %slice3A_1488 = vector.extract_strided_slice %slice3A_1468 {offsets = [0, 256], sizes = [1, 128], strides = [1, 1]} : vector<1x400xf32> to vector<1x128xf32>
    %add3A_1489 = vector.broadcast %slice3A_1487 : vector<384x1xf32> to vector<384x128xf32>
    %add3A_1490 = vector.broadcast %slice3A_1488 : vector<1x128xf32> to vector<384x128xf32>
    %add3A_1491 = arith.addf %add3A_1489, %add3A_1490 : vector<384x128xf32>
    %abs3A_1492 = math.absf %add3A_1491 : vector<384x128xf32>
    %mul3A_1493 = vector.broadcast %get3A_1466 : f32 to vector<384x128xf32>
    %mul3A_1494 = arith.mulf %mul3A_1493, %abs3A_1492 : vector<384x128xf32>
    %add3A_1495 = arith.addf %add3A_1454, %mul3A_1494 : vector<384x128xf32>
    %slice3A_1496 = vector.extract_strided_slice %slice3A_1468 {offsets = [0, 384], sizes = [1, 16], strides = [1, 1]} : vector<1x400xf32> to vector<1x16xf32>
    %add3A_1497 = vector.broadcast %slice3A_1467 : vector<400x1xf32> to vector<400x16xf32>
    %add3A_1498 = vector.broadcast %slice3A_1496 : vector<1x16xf32> to vector<400x16xf32>
    %add3A_1499 = arith.addf %add3A_1497, %add3A_1498 : vector<400x16xf32>
    %abs3A_1500 = math.absf %add3A_1499 : vector<400x16xf32>
    %mul3A_1501 = vector.broadcast %get3A_1466 : f32 to vector<400x16xf32>
    %mul3A_1502 = arith.mulf %mul3A_1501, %abs3A_1500 : vector<400x16xf32>
    %add3A_1503 = arith.addf %add3A_1462, %mul3A_1502 : vector<400x16xf32>
    %get3A_1504 = arith.constant 0 : index
    %get3A_1505 = arith.constant 34 : index
    %get3A_1506 = vector.load %arg6[%get3A_1504, %get3A_1505] : memref<1x64xf32, #tpu.memory_space<vmem>>, vector<1x1xf32>
    %get3A_1507 = vector.extract %get3A_1506[0, 0] : f32 from vector<1x1xf32>
    %slice3A_1508 = vector.extract_strided_slice %add3A_77 {offsets = [0, 34], sizes = [400, 1], strides = [1, 1]} : vector<400x64xf32> to vector<400x1xf32>
    %slice3A_1509 = vector.extract_strided_slice %transpose3A {offsets = [34, 0], sizes = [1, 400], strides = [1, 1]} : vector<64x400xf32> to vector<1x400xf32>
    %slice3A_1510 = vector.extract_strided_slice %slice3A_1508 {offsets = [0, 0], sizes = [128, 1], strides = [1, 1]} : vector<400x1xf32> to vector<128x1xf32>
    %slice3A_1511 = vector.extract_strided_slice %slice3A_1509 {offsets = [0, 0], sizes = [1, 128], strides = [1, 1]} : vector<1x400xf32> to vector<1x128xf32>
    %add3A_1512 = vector.broadcast %slice3A_1510 : vector<128x1xf32> to vector<128x128xf32>
    %add3A_1513 = vector.broadcast %slice3A_1511 : vector<1x128xf32> to vector<128x128xf32>
    %add3A_1514 = arith.addf %add3A_1512, %add3A_1513 : vector<128x128xf32>
    %abs3A_1515 = math.absf %add3A_1514 : vector<128x128xf32>
    %mul3A_1516 = vector.broadcast %get3A_1507 : f32 to vector<128x128xf32>
    %mul3A_1517 = arith.mulf %mul3A_1516, %abs3A_1515 : vector<128x128xf32>
    %add3A_1518 = arith.addf %add3A_1477, %mul3A_1517 : vector<128x128xf32>
    %slice3A_1519 = vector.extract_strided_slice %slice3A_1508 {offsets = [0, 0], sizes = [256, 1], strides = [1, 1]} : vector<400x1xf32> to vector<256x1xf32>
    %slice3A_1520 = vector.extract_strided_slice %slice3A_1509 {offsets = [0, 128], sizes = [1, 128], strides = [1, 1]} : vector<1x400xf32> to vector<1x128xf32>
    %add3A_1521 = vector.broadcast %slice3A_1519 : vector<256x1xf32> to vector<256x128xf32>
    %add3A_1522 = vector.broadcast %slice3A_1520 : vector<1x128xf32> to vector<256x128xf32>
    %add3A_1523 = arith.addf %add3A_1521, %add3A_1522 : vector<256x128xf32>
    %abs3A_1524 = math.absf %add3A_1523 : vector<256x128xf32>
    %mul3A_1525 = vector.broadcast %get3A_1507 : f32 to vector<256x128xf32>
    %mul3A_1526 = arith.mulf %mul3A_1525, %abs3A_1524 : vector<256x128xf32>
    %add3A_1527 = arith.addf %add3A_1486, %mul3A_1526 : vector<256x128xf32>
    %slice3A_1528 = vector.extract_strided_slice %slice3A_1508 {offsets = [0, 0], sizes = [384, 1], strides = [1, 1]} : vector<400x1xf32> to vector<384x1xf32>
    %slice3A_1529 = vector.extract_strided_slice %slice3A_1509 {offsets = [0, 256], sizes = [1, 128], strides = [1, 1]} : vector<1x400xf32> to vector<1x128xf32>
    %add3A_1530 = vector.broadcast %slice3A_1528 : vector<384x1xf32> to vector<384x128xf32>
    %add3A_1531 = vector.broadcast %slice3A_1529 : vector<1x128xf32> to vector<384x128xf32>
    %add3A_1532 = arith.addf %add3A_1530, %add3A_1531 : vector<384x128xf32>
    %abs3A_1533 = math.absf %add3A_1532 : vector<384x128xf32>
    %mul3A_1534 = vector.broadcast %get3A_1507 : f32 to vector<384x128xf32>
    %mul3A_1535 = arith.mulf %mul3A_1534, %abs3A_1533 : vector<384x128xf32>
    %add3A_1536 = arith.addf %add3A_1495, %mul3A_1535 : vector<384x128xf32>
    %slice3A_1537 = vector.extract_strided_slice %slice3A_1509 {offsets = [0, 384], sizes = [1, 16], strides = [1, 1]} : vector<1x400xf32> to vector<1x16xf32>
    %add3A_1538 = vector.broadcast %slice3A_1508 : vector<400x1xf32> to vector<400x16xf32>
    %add3A_1539 = vector.broadcast %slice3A_1537 : vector<1x16xf32> to vector<400x16xf32>
    %add3A_1540 = arith.addf %add3A_1538, %add3A_1539 : vector<400x16xf32>
    %abs3A_1541 = math.absf %add3A_1540 : vector<400x16xf32>
    %mul3A_1542 = vector.broadcast %get3A_1507 : f32 to vector<400x16xf32>
    %mul3A_1543 = arith.mulf %mul3A_1542, %abs3A_1541 : vector<400x16xf32>
    %add3A_1544 = arith.addf %add3A_1503, %mul3A_1543 : vector<400x16xf32>
    %get3A_1545 = arith.constant 0 : index
    %get3A_1546 = arith.constant 35 : index
    %get3A_1547 = vector.load %arg6[%get3A_1545, %get3A_1546] : memref<1x64xf32, #tpu.memory_space<vmem>>, vector<1x1xf32>
    %get3A_1548 = vector.extract %get3A_1547[0, 0] : f32 from vector<1x1xf32>
    %slice3A_1549 = vector.extract_strided_slice %add3A_77 {offsets = [0, 35], sizes = [400, 1], strides = [1, 1]} : vector<400x64xf32> to vector<400x1xf32>
    %slice3A_1550 = vector.extract_strided_slice %transpose3A {offsets = [35, 0], sizes = [1, 400], strides = [1, 1]} : vector<64x400xf32> to vector<1x400xf32>
    %slice3A_1551 = vector.extract_strided_slice %slice3A_1549 {offsets = [0, 0], sizes = [128, 1], strides = [1, 1]} : vector<400x1xf32> to vector<128x1xf32>
    %slice3A_1552 = vector.extract_strided_slice %slice3A_1550 {offsets = [0, 0], sizes = [1, 128], strides = [1, 1]} : vector<1x400xf32> to vector<1x128xf32>
    %add3A_1553 = vector.broadcast %slice3A_1551 : vector<128x1xf32> to vector<128x128xf32>
    %add3A_1554 = vector.broadcast %slice3A_1552 : vector<1x128xf32> to vector<128x128xf32>
    %add3A_1555 = arith.addf %add3A_1553, %add3A_1554 : vector<128x128xf32>
    %abs3A_1556 = math.absf %add3A_1555 : vector<128x128xf32>
    %mul3A_1557 = vector.broadcast %get3A_1548 : f32 to vector<128x128xf32>
    %mul3A_1558 = arith.mulf %mul3A_1557, %abs3A_1556 : vector<128x128xf32>
    %add3A_1559 = arith.addf %add3A_1518, %mul3A_1558 : vector<128x128xf32>
    %slice3A_1560 = vector.extract_strided_slice %slice3A_1549 {offsets = [0, 0], sizes = [256, 1], strides = [1, 1]} : vector<400x1xf32> to vector<256x1xf32>
    %slice3A_1561 = vector.extract_strided_slice %slice3A_1550 {offsets = [0, 128], sizes = [1, 128], strides = [1, 1]} : vector<1x400xf32> to vector<1x128xf32>
    %add3A_1562 = vector.broadcast %slice3A_1560 : vector<256x1xf32> to vector<256x128xf32>
    %add3A_1563 = vector.broadcast %slice3A_1561 : vector<1x128xf32> to vector<256x128xf32>
    %add3A_1564 = arith.addf %add3A_1562, %add3A_1563 : vector<256x128xf32>
    %abs3A_1565 = math.absf %add3A_1564 : vector<256x128xf32>
    %mul3A_1566 = vector.broadcast %get3A_1548 : f32 to vector<256x128xf32>
    %mul3A_1567 = arith.mulf %mul3A_1566, %abs3A_1565 : vector<256x128xf32>
    %add3A_1568 = arith.addf %add3A_1527, %mul3A_1567 : vector<256x128xf32>
    %slice3A_1569 = vector.extract_strided_slice %slice3A_1549 {offsets = [0, 0], sizes = [384, 1], strides = [1, 1]} : vector<400x1xf32> to vector<384x1xf32>
    %slice3A_1570 = vector.extract_strided_slice %slice3A_1550 {offsets = [0, 256], sizes = [1, 128], strides = [1, 1]} : vector<1x400xf32> to vector<1x128xf32>
    %add3A_1571 = vector.broadcast %slice3A_1569 : vector<384x1xf32> to vector<384x128xf32>
    %add3A_1572 = vector.broadcast %slice3A_1570 : vector<1x128xf32> to vector<384x128xf32>
    %add3A_1573 = arith.addf %add3A_1571, %add3A_1572 : vector<384x128xf32>
    %abs3A_1574 = math.absf %add3A_1573 : vector<384x128xf32>
    %mul3A_1575 = vector.broadcast %get3A_1548 : f32 to vector<384x128xf32>
    %mul3A_1576 = arith.mulf %mul3A_1575, %abs3A_1574 : vector<384x128xf32>
    %add3A_1577 = arith.addf %add3A_1536, %mul3A_1576 : vector<384x128xf32>
    %slice3A_1578 = vector.extract_strided_slice %slice3A_1550 {offsets = [0, 384], sizes = [1, 16], strides = [1, 1]} : vector<1x400xf32> to vector<1x16xf32>
    %add3A_1579 = vector.broadcast %slice3A_1549 : vector<400x1xf32> to vector<400x16xf32>
    %add3A_1580 = vector.broadcast %slice3A_1578 : vector<1x16xf32> to vector<400x16xf32>
    %add3A_1581 = arith.addf %add3A_1579, %add3A_1580 : vector<400x16xf32>
    %abs3A_1582 = math.absf %add3A_1581 : vector<400x16xf32>
    %mul3A_1583 = vector.broadcast %get3A_1548 : f32 to vector<400x16xf32>
    %mul3A_1584 = arith.mulf %mul3A_1583, %abs3A_1582 : vector<400x16xf32>
    %add3A_1585 = arith.addf %add3A_1544, %mul3A_1584 : vector<400x16xf32>
    %get3A_1586 = arith.constant 0 : index
    %get3A_1587 = arith.constant 36 : index
    %get3A_1588 = vector.load %arg6[%get3A_1586, %get3A_1587] : memref<1x64xf32, #tpu.memory_space<vmem>>, vector<1x1xf32>
    %get3A_1589 = vector.extract %get3A_1588[0, 0] : f32 from vector<1x1xf32>
    %slice3A_1590 = vector.extract_strided_slice %add3A_77 {offsets = [0, 36], sizes = [400, 1], strides = [1, 1]} : vector<400x64xf32> to vector<400x1xf32>
    %slice3A_1591 = vector.extract_strided_slice %transpose3A {offsets = [36, 0], sizes = [1, 400], strides = [1, 1]} : vector<64x400xf32> to vector<1x400xf32>
    %slice3A_1592 = vector.extract_strided_slice %slice3A_1590 {offsets = [0, 0], sizes = [128, 1], strides = [1, 1]} : vector<400x1xf32> to vector<128x1xf32>
    %slice3A_1593 = vector.extract_strided_slice %slice3A_1591 {offsets = [0, 0], sizes = [1, 128], strides = [1, 1]} : vector<1x400xf32> to vector<1x128xf32>
    %add3A_1594 = vector.broadcast %slice3A_1592 : vector<128x1xf32> to vector<128x128xf32>
    %add3A_1595 = vector.broadcast %slice3A_1593 : vector<1x128xf32> to vector<128x128xf32>
    %add3A_1596 = arith.addf %add3A_1594, %add3A_1595 : vector<128x128xf32>
    %abs3A_1597 = math.absf %add3A_1596 : vector<128x128xf32>
    %mul3A_1598 = vector.broadcast %get3A_1589 : f32 to vector<128x128xf32>
    %mul3A_1599 = arith.mulf %mul3A_1598, %abs3A_1597 : vector<128x128xf32>
    %add3A_1600 = arith.addf %add3A_1559, %mul3A_1599 : vector<128x128xf32>
    %slice3A_1601 = vector.extract_strided_slice %slice3A_1590 {offsets = [0, 0], sizes = [256, 1], strides = [1, 1]} : vector<400x1xf32> to vector<256x1xf32>
    %slice3A_1602 = vector.extract_strided_slice %slice3A_1591 {offsets = [0, 128], sizes = [1, 128], strides = [1, 1]} : vector<1x400xf32> to vector<1x128xf32>
    %add3A_1603 = vector.broadcast %slice3A_1601 : vector<256x1xf32> to vector<256x128xf32>
    %add3A_1604 = vector.broadcast %slice3A_1602 : vector<1x128xf32> to vector<256x128xf32>
    %add3A_1605 = arith.addf %add3A_1603, %add3A_1604 : vector<256x128xf32>
    %abs3A_1606 = math.absf %add3A_1605 : vector<256x128xf32>
    %mul3A_1607 = vector.broadcast %get3A_1589 : f32 to vector<256x128xf32>
    %mul3A_1608 = arith.mulf %mul3A_1607, %abs3A_1606 : vector<256x128xf32>
    %add3A_1609 = arith.addf %add3A_1568, %mul3A_1608 : vector<256x128xf32>
    %slice3A_1610 = vector.extract_strided_slice %slice3A_1590 {offsets = [0, 0], sizes = [384, 1], strides = [1, 1]} : vector<400x1xf32> to vector<384x1xf32>
    %slice3A_1611 = vector.extract_strided_slice %slice3A_1591 {offsets = [0, 256], sizes = [1, 128], strides = [1, 1]} : vector<1x400xf32> to vector<1x128xf32>
    %add3A_1612 = vector.broadcast %slice3A_1610 : vector<384x1xf32> to vector<384x128xf32>
    %add3A_1613 = vector.broadcast %slice3A_1611 : vector<1x128xf32> to vector<384x128xf32>
    %add3A_1614 = arith.addf %add3A_1612, %add3A_1613 : vector<384x128xf32>
    %abs3A_1615 = math.absf %add3A_1614 : vector<384x128xf32>
    %mul3A_1616 = vector.broadcast %get3A_1589 : f32 to vector<384x128xf32>
    %mul3A_1617 = arith.mulf %mul3A_1616, %abs3A_1615 : vector<384x128xf32>
    %add3A_1618 = arith.addf %add3A_1577, %mul3A_1617 : vector<384x128xf32>
    %slice3A_1619 = vector.extract_strided_slice %slice3A_1591 {offsets = [0, 384], sizes = [1, 16], strides = [1, 1]} : vector<1x400xf32> to vector<1x16xf32>
    %add3A_1620 = vector.broadcast %slice3A_1590 : vector<400x1xf32> to vector<400x16xf32>
    %add3A_1621 = vector.broadcast %slice3A_1619 : vector<1x16xf32> to vector<400x16xf32>
    %add3A_1622 = arith.addf %add3A_1620, %add3A_1621 : vector<400x16xf32>
    %abs3A_1623 = math.absf %add3A_1622 : vector<400x16xf32>
    %mul3A_1624 = vector.broadcast %get3A_1589 : f32 to vector<400x16xf32>
    %mul3A_1625 = arith.mulf %mul3A_1624, %abs3A_1623 : vector<400x16xf32>
    %add3A_1626 = arith.addf %add3A_1585, %mul3A_1625 : vector<400x16xf32>
    %get3A_1627 = arith.constant 0 : index
    %get3A_1628 = arith.constant 37 : index
    %get3A_1629 = vector.load %arg6[%get3A_1627, %get3A_1628] : memref<1x64xf32, #tpu.memory_space<vmem>>, vector<1x1xf32>
    %get3A_1630 = vector.extract %get3A_1629[0, 0] : f32 from vector<1x1xf32>
    %slice3A_1631 = vector.extract_strided_slice %add3A_77 {offsets = [0, 37], sizes = [400, 1], strides = [1, 1]} : vector<400x64xf32> to vector<400x1xf32>
    %slice3A_1632 = vector.extract_strided_slice %transpose3A {offsets = [37, 0], sizes = [1, 400], strides = [1, 1]} : vector<64x400xf32> to vector<1x400xf32>
    %slice3A_1633 = vector.extract_strided_slice %slice3A_1631 {offsets = [0, 0], sizes = [128, 1], strides = [1, 1]} : vector<400x1xf32> to vector<128x1xf32>
    %slice3A_1634 = vector.extract_strided_slice %slice3A_1632 {offsets = [0, 0], sizes = [1, 128], strides = [1, 1]} : vector<1x400xf32> to vector<1x128xf32>
    %add3A_1635 = vector.broadcast %slice3A_1633 : vector<128x1xf32> to vector<128x128xf32>
    %add3A_1636 = vector.broadcast %slice3A_1634 : vector<1x128xf32> to vector<128x128xf32>
    %add3A_1637 = arith.addf %add3A_1635, %add3A_1636 : vector<128x128xf32>
    %abs3A_1638 = math.absf %add3A_1637 : vector<128x128xf32>
    %mul3A_1639 = vector.broadcast %get3A_1630 : f32 to vector<128x128xf32>
    %mul3A_1640 = arith.mulf %mul3A_1639, %abs3A_1638 : vector<128x128xf32>
    %add3A_1641 = arith.addf %add3A_1600, %mul3A_1640 : vector<128x128xf32>
    %slice3A_1642 = vector.extract_strided_slice %slice3A_1631 {offsets = [0, 0], sizes = [256, 1], strides = [1, 1]} : vector<400x1xf32> to vector<256x1xf32>
    %slice3A_1643 = vector.extract_strided_slice %slice3A_1632 {offsets = [0, 128], sizes = [1, 128], strides = [1, 1]} : vector<1x400xf32> to vector<1x128xf32>
    %add3A_1644 = vector.broadcast %slice3A_1642 : vector<256x1xf32> to vector<256x128xf32>
    %add3A_1645 = vector.broadcast %slice3A_1643 : vector<1x128xf32> to vector<256x128xf32>
    %add3A_1646 = arith.addf %add3A_1644, %add3A_1645 : vector<256x128xf32>
    %abs3A_1647 = math.absf %add3A_1646 : vector<256x128xf32>
    %mul3A_1648 = vector.broadcast %get3A_1630 : f32 to vector<256x128xf32>
    %mul3A_1649 = arith.mulf %mul3A_1648, %abs3A_1647 : vector<256x128xf32>
    %add3A_1650 = arith.addf %add3A_1609, %mul3A_1649 : vector<256x128xf32>
    %slice3A_1651 = vector.extract_strided_slice %slice3A_1631 {offsets = [0, 0], sizes = [384, 1], strides = [1, 1]} : vector<400x1xf32> to vector<384x1xf32>
    %slice3A_1652 = vector.extract_strided_slice %slice3A_1632 {offsets = [0, 256], sizes = [1, 128], strides = [1, 1]} : vector<1x400xf32> to vector<1x128xf32>
    %add3A_1653 = vector.broadcast %slice3A_1651 : vector<384x1xf32> to vector<384x128xf32>
    %add3A_1654 = vector.broadcast %slice3A_1652 : vector<1x128xf32> to vector<384x128xf32>
    %add3A_1655 = arith.addf %add3A_1653, %add3A_1654 : vector<384x128xf32>
    %abs3A_1656 = math.absf %add3A_1655 : vector<384x128xf32>
    %mul3A_1657 = vector.broadcast %get3A_1630 : f32 to vector<384x128xf32>
    %mul3A_1658 = arith.mulf %mul3A_1657, %abs3A_1656 : vector<384x128xf32>
    %add3A_1659 = arith.addf %add3A_1618, %mul3A_1658 : vector<384x128xf32>
    %slice3A_1660 = vector.extract_strided_slice %slice3A_1632 {offsets = [0, 384], sizes = [1, 16], strides = [1, 1]} : vector<1x400xf32> to vector<1x16xf32>
    %add3A_1661 = vector.broadcast %slice3A_1631 : vector<400x1xf32> to vector<400x16xf32>
    %add3A_1662 = vector.broadcast %slice3A_1660 : vector<1x16xf32> to vector<400x16xf32>
    %add3A_1663 = arith.addf %add3A_1661, %add3A_1662 : vector<400x16xf32>
    %abs3A_1664 = math.absf %add3A_1663 : vector<400x16xf32>
    %mul3A_1665 = vector.broadcast %get3A_1630 : f32 to vector<400x16xf32>
    %mul3A_1666 = arith.mulf %mul3A_1665, %abs3A_1664 : vector<400x16xf32>
    %add3A_1667 = arith.addf %add3A_1626, %mul3A_1666 : vector<400x16xf32>
    %get3A_1668 = arith.constant 0 : index
    %get3A_1669 = arith.constant 38 : index
    %get3A_1670 = vector.load %arg6[%get3A_1668, %get3A_1669] : memref<1x64xf32, #tpu.memory_space<vmem>>, vector<1x1xf32>
    %get3A_1671 = vector.extract %get3A_1670[0, 0] : f32 from vector<1x1xf32>
    %slice3A_1672 = vector.extract_strided_slice %add3A_77 {offsets = [0, 38], sizes = [400, 1], strides = [1, 1]} : vector<400x64xf32> to vector<400x1xf32>
    %slice3A_1673 = vector.extract_strided_slice %transpose3A {offsets = [38, 0], sizes = [1, 400], strides = [1, 1]} : vector<64x400xf32> to vector<1x400xf32>
    %slice3A_1674 = vector.extract_strided_slice %slice3A_1672 {offsets = [0, 0], sizes = [128, 1], strides = [1, 1]} : vector<400x1xf32> to vector<128x1xf32>
    %slice3A_1675 = vector.extract_strided_slice %slice3A_1673 {offsets = [0, 0], sizes = [1, 128], strides = [1, 1]} : vector<1x400xf32> to vector<1x128xf32>
    %add3A_1676 = vector.broadcast %slice3A_1674 : vector<128x1xf32> to vector<128x128xf32>
    %add3A_1677 = vector.broadcast %slice3A_1675 : vector<1x128xf32> to vector<128x128xf32>
    %add3A_1678 = arith.addf %add3A_1676, %add3A_1677 : vector<128x128xf32>
    %abs3A_1679 = math.absf %add3A_1678 : vector<128x128xf32>
    %mul3A_1680 = vector.broadcast %get3A_1671 : f32 to vector<128x128xf32>
    %mul3A_1681 = arith.mulf %mul3A_1680, %abs3A_1679 : vector<128x128xf32>
    %add3A_1682 = arith.addf %add3A_1641, %mul3A_1681 : vector<128x128xf32>
    %slice3A_1683 = vector.extract_strided_slice %slice3A_1672 {offsets = [0, 0], sizes = [256, 1], strides = [1, 1]} : vector<400x1xf32> to vector<256x1xf32>
    %slice3A_1684 = vector.extract_strided_slice %slice3A_1673 {offsets = [0, 128], sizes = [1, 128], strides = [1, 1]} : vector<1x400xf32> to vector<1x128xf32>
    %add3A_1685 = vector.broadcast %slice3A_1683 : vector<256x1xf32> to vector<256x128xf32>
    %add3A_1686 = vector.broadcast %slice3A_1684 : vector<1x128xf32> to vector<256x128xf32>
    %add3A_1687 = arith.addf %add3A_1685, %add3A_1686 : vector<256x128xf32>
    %abs3A_1688 = math.absf %add3A_1687 : vector<256x128xf32>
    %mul3A_1689 = vector.broadcast %get3A_1671 : f32 to vector<256x128xf32>
    %mul3A_1690 = arith.mulf %mul3A_1689, %abs3A_1688 : vector<256x128xf32>
    %add3A_1691 = arith.addf %add3A_1650, %mul3A_1690 : vector<256x128xf32>
    %slice3A_1692 = vector.extract_strided_slice %slice3A_1672 {offsets = [0, 0], sizes = [384, 1], strides = [1, 1]} : vector<400x1xf32> to vector<384x1xf32>
    %slice3A_1693 = vector.extract_strided_slice %slice3A_1673 {offsets = [0, 256], sizes = [1, 128], strides = [1, 1]} : vector<1x400xf32> to vector<1x128xf32>
    %add3A_1694 = vector.broadcast %slice3A_1692 : vector<384x1xf32> to vector<384x128xf32>
    %add3A_1695 = vector.broadcast %slice3A_1693 : vector<1x128xf32> to vector<384x128xf32>
    %add3A_1696 = arith.addf %add3A_1694, %add3A_1695 : vector<384x128xf32>
    %abs3A_1697 = math.absf %add3A_1696 : vector<384x128xf32>
    %mul3A_1698 = vector.broadcast %get3A_1671 : f32 to vector<384x128xf32>
    %mul3A_1699 = arith.mulf %mul3A_1698, %abs3A_1697 : vector<384x128xf32>
    %add3A_1700 = arith.addf %add3A_1659, %mul3A_1699 : vector<384x128xf32>
    %slice3A_1701 = vector.extract_strided_slice %slice3A_1673 {offsets = [0, 384], sizes = [1, 16], strides = [1, 1]} : vector<1x400xf32> to vector<1x16xf32>
    %add3A_1702 = vector.broadcast %slice3A_1672 : vector<400x1xf32> to vector<400x16xf32>
    %add3A_1703 = vector.broadcast %slice3A_1701 : vector<1x16xf32> to vector<400x16xf32>
    %add3A_1704 = arith.addf %add3A_1702, %add3A_1703 : vector<400x16xf32>
    %abs3A_1705 = math.absf %add3A_1704 : vector<400x16xf32>
    %mul3A_1706 = vector.broadcast %get3A_1671 : f32 to vector<400x16xf32>
    %mul3A_1707 = arith.mulf %mul3A_1706, %abs3A_1705 : vector<400x16xf32>
    %add3A_1708 = arith.addf %add3A_1667, %mul3A_1707 : vector<400x16xf32>
    %get3A_1709 = arith.constant 0 : index
    %get3A_1710 = arith.constant 39 : index
    %get3A_1711 = vector.load %arg6[%get3A_1709, %get3A_1710] : memref<1x64xf32, #tpu.memory_space<vmem>>, vector<1x1xf32>
    %get3A_1712 = vector.extract %get3A_1711[0, 0] : f32 from vector<1x1xf32>
    %slice3A_1713 = vector.extract_strided_slice %add3A_77 {offsets = [0, 39], sizes = [400, 1], strides = [1, 1]} : vector<400x64xf32> to vector<400x1xf32>
    %slice3A_1714 = vector.extract_strided_slice %transpose3A {offsets = [39, 0], sizes = [1, 400], strides = [1, 1]} : vector<64x400xf32> to vector<1x400xf32>
    %slice3A_1715 = vector.extract_strided_slice %slice3A_1713 {offsets = [0, 0], sizes = [128, 1], strides = [1, 1]} : vector<400x1xf32> to vector<128x1xf32>
    %slice3A_1716 = vector.extract_strided_slice %slice3A_1714 {offsets = [0, 0], sizes = [1, 128], strides = [1, 1]} : vector<1x400xf32> to vector<1x128xf32>
    %add3A_1717 = vector.broadcast %slice3A_1715 : vector<128x1xf32> to vector<128x128xf32>
    %add3A_1718 = vector.broadcast %slice3A_1716 : vector<1x128xf32> to vector<128x128xf32>
    %add3A_1719 = arith.addf %add3A_1717, %add3A_1718 : vector<128x128xf32>
    %abs3A_1720 = math.absf %add3A_1719 : vector<128x128xf32>
    %mul3A_1721 = vector.broadcast %get3A_1712 : f32 to vector<128x128xf32>
    %mul3A_1722 = arith.mulf %mul3A_1721, %abs3A_1720 : vector<128x128xf32>
    %add3A_1723 = arith.addf %add3A_1682, %mul3A_1722 : vector<128x128xf32>
    %slice3A_1724 = vector.extract_strided_slice %slice3A_1713 {offsets = [0, 0], sizes = [256, 1], strides = [1, 1]} : vector<400x1xf32> to vector<256x1xf32>
    %slice3A_1725 = vector.extract_strided_slice %slice3A_1714 {offsets = [0, 128], sizes = [1, 128], strides = [1, 1]} : vector<1x400xf32> to vector<1x128xf32>
    %add3A_1726 = vector.broadcast %slice3A_1724 : vector<256x1xf32> to vector<256x128xf32>
    %add3A_1727 = vector.broadcast %slice3A_1725 : vector<1x128xf32> to vector<256x128xf32>
    %add3A_1728 = arith.addf %add3A_1726, %add3A_1727 : vector<256x128xf32>
    %abs3A_1729 = math.absf %add3A_1728 : vector<256x128xf32>
    %mul3A_1730 = vector.broadcast %get3A_1712 : f32 to vector<256x128xf32>
    %mul3A_1731 = arith.mulf %mul3A_1730, %abs3A_1729 : vector<256x128xf32>
    %add3A_1732 = arith.addf %add3A_1691, %mul3A_1731 : vector<256x128xf32>
    %slice3A_1733 = vector.extract_strided_slice %slice3A_1713 {offsets = [0, 0], sizes = [384, 1], strides = [1, 1]} : vector<400x1xf32> to vector<384x1xf32>
    %slice3A_1734 = vector.extract_strided_slice %slice3A_1714 {offsets = [0, 256], sizes = [1, 128], strides = [1, 1]} : vector<1x400xf32> to vector<1x128xf32>
    %add3A_1735 = vector.broadcast %slice3A_1733 : vector<384x1xf32> to vector<384x128xf32>
    %add3A_1736 = vector.broadcast %slice3A_1734 : vector<1x128xf32> to vector<384x128xf32>
    %add3A_1737 = arith.addf %add3A_1735, %add3A_1736 : vector<384x128xf32>
    %abs3A_1738 = math.absf %add3A_1737 : vector<384x128xf32>
    %mul3A_1739 = vector.broadcast %get3A_1712 : f32 to vector<384x128xf32>
    %mul3A_1740 = arith.mulf %mul3A_1739, %abs3A_1738 : vector<384x128xf32>
    %add3A_1741 = arith.addf %add3A_1700, %mul3A_1740 : vector<384x128xf32>
    %slice3A_1742 = vector.extract_strided_slice %slice3A_1714 {offsets = [0, 384], sizes = [1, 16], strides = [1, 1]} : vector<1x400xf32> to vector<1x16xf32>
    %add3A_1743 = vector.broadcast %slice3A_1713 : vector<400x1xf32> to vector<400x16xf32>
    %add3A_1744 = vector.broadcast %slice3A_1742 : vector<1x16xf32> to vector<400x16xf32>
    %add3A_1745 = arith.addf %add3A_1743, %add3A_1744 : vector<400x16xf32>
    %abs3A_1746 = math.absf %add3A_1745 : vector<400x16xf32>
    %mul3A_1747 = vector.broadcast %get3A_1712 : f32 to vector<400x16xf32>
    %mul3A_1748 = arith.mulf %mul3A_1747, %abs3A_1746 : vector<400x16xf32>
    %add3A_1749 = arith.addf %add3A_1708, %mul3A_1748 : vector<400x16xf32>
    %get3A_1750 = arith.constant 0 : index
    %get3A_1751 = arith.constant 40 : index
    %get3A_1752 = vector.load %arg6[%get3A_1750, %get3A_1751] : memref<1x64xf32, #tpu.memory_space<vmem>>, vector<1x1xf32>
    %get3A_1753 = vector.extract %get3A_1752[0, 0] : f32 from vector<1x1xf32>
    %slice3A_1754 = vector.extract_strided_slice %add3A_77 {offsets = [0, 40], sizes = [400, 1], strides = [1, 1]} : vector<400x64xf32> to vector<400x1xf32>
    %slice3A_1755 = vector.extract_strided_slice %transpose3A {offsets = [40, 0], sizes = [1, 400], strides = [1, 1]} : vector<64x400xf32> to vector<1x400xf32>
    %slice3A_1756 = vector.extract_strided_slice %slice3A_1754 {offsets = [0, 0], sizes = [128, 1], strides = [1, 1]} : vector<400x1xf32> to vector<128x1xf32>
    %slice3A_1757 = vector.extract_strided_slice %slice3A_1755 {offsets = [0, 0], sizes = [1, 128], strides = [1, 1]} : vector<1x400xf32> to vector<1x128xf32>
    %add3A_1758 = vector.broadcast %slice3A_1756 : vector<128x1xf32> to vector<128x128xf32>
    %add3A_1759 = vector.broadcast %slice3A_1757 : vector<1x128xf32> to vector<128x128xf32>
    %add3A_1760 = arith.addf %add3A_1758, %add3A_1759 : vector<128x128xf32>
    %abs3A_1761 = math.absf %add3A_1760 : vector<128x128xf32>
    %mul3A_1762 = vector.broadcast %get3A_1753 : f32 to vector<128x128xf32>
    %mul3A_1763 = arith.mulf %mul3A_1762, %abs3A_1761 : vector<128x128xf32>
    %add3A_1764 = arith.addf %add3A_1723, %mul3A_1763 : vector<128x128xf32>
    %slice3A_1765 = vector.extract_strided_slice %slice3A_1754 {offsets = [0, 0], sizes = [256, 1], strides = [1, 1]} : vector<400x1xf32> to vector<256x1xf32>
    %slice3A_1766 = vector.extract_strided_slice %slice3A_1755 {offsets = [0, 128], sizes = [1, 128], strides = [1, 1]} : vector<1x400xf32> to vector<1x128xf32>
    %add3A_1767 = vector.broadcast %slice3A_1765 : vector<256x1xf32> to vector<256x128xf32>
    %add3A_1768 = vector.broadcast %slice3A_1766 : vector<1x128xf32> to vector<256x128xf32>
    %add3A_1769 = arith.addf %add3A_1767, %add3A_1768 : vector<256x128xf32>
    %abs3A_1770 = math.absf %add3A_1769 : vector<256x128xf32>
    %mul3A_1771 = vector.broadcast %get3A_1753 : f32 to vector<256x128xf32>
    %mul3A_1772 = arith.mulf %mul3A_1771, %abs3A_1770 : vector<256x128xf32>
    %add3A_1773 = arith.addf %add3A_1732, %mul3A_1772 : vector<256x128xf32>
    %slice3A_1774 = vector.extract_strided_slice %slice3A_1754 {offsets = [0, 0], sizes = [384, 1], strides = [1, 1]} : vector<400x1xf32> to vector<384x1xf32>
    %slice3A_1775 = vector.extract_strided_slice %slice3A_1755 {offsets = [0, 256], sizes = [1, 128], strides = [1, 1]} : vector<1x400xf32> to vector<1x128xf32>
    %add3A_1776 = vector.broadcast %slice3A_1774 : vector<384x1xf32> to vector<384x128xf32>
    %add3A_1777 = vector.broadcast %slice3A_1775 : vector<1x128xf32> to vector<384x128xf32>
    %add3A_1778 = arith.addf %add3A_1776, %add3A_1777 : vector<384x128xf32>
    %abs3A_1779 = math.absf %add3A_1778 : vector<384x128xf32>
    %mul3A_1780 = vector.broadcast %get3A_1753 : f32 to vector<384x128xf32>
    %mul3A_1781 = arith.mulf %mul3A_1780, %abs3A_1779 : vector<384x128xf32>
    %add3A_1782 = arith.addf %add3A_1741, %mul3A_1781 : vector<384x128xf32>
    %slice3A_1783 = vector.extract_strided_slice %slice3A_1755 {offsets = [0, 384], sizes = [1, 16], strides = [1, 1]} : vector<1x400xf32> to vector<1x16xf32>
    %add3A_1784 = vector.broadcast %slice3A_1754 : vector<400x1xf32> to vector<400x16xf32>
    %add3A_1785 = vector.broadcast %slice3A_1783 : vector<1x16xf32> to vector<400x16xf32>
    %add3A_1786 = arith.addf %add3A_1784, %add3A_1785 : vector<400x16xf32>
    %abs3A_1787 = math.absf %add3A_1786 : vector<400x16xf32>
    %mul3A_1788 = vector.broadcast %get3A_1753 : f32 to vector<400x16xf32>
    %mul3A_1789 = arith.mulf %mul3A_1788, %abs3A_1787 : vector<400x16xf32>
    %add3A_1790 = arith.addf %add3A_1749, %mul3A_1789 : vector<400x16xf32>
    %get3A_1791 = arith.constant 0 : index
    %get3A_1792 = arith.constant 41 : index
    %get3A_1793 = vector.load %arg6[%get3A_1791, %get3A_1792] : memref<1x64xf32, #tpu.memory_space<vmem>>, vector<1x1xf32>
    %get3A_1794 = vector.extract %get3A_1793[0, 0] : f32 from vector<1x1xf32>
    %slice3A_1795 = vector.extract_strided_slice %add3A_77 {offsets = [0, 41], sizes = [400, 1], strides = [1, 1]} : vector<400x64xf32> to vector<400x1xf32>
    %slice3A_1796 = vector.extract_strided_slice %transpose3A {offsets = [41, 0], sizes = [1, 400], strides = [1, 1]} : vector<64x400xf32> to vector<1x400xf32>
    %slice3A_1797 = vector.extract_strided_slice %slice3A_1795 {offsets = [0, 0], sizes = [128, 1], strides = [1, 1]} : vector<400x1xf32> to vector<128x1xf32>
    %slice3A_1798 = vector.extract_strided_slice %slice3A_1796 {offsets = [0, 0], sizes = [1, 128], strides = [1, 1]} : vector<1x400xf32> to vector<1x128xf32>
    %add3A_1799 = vector.broadcast %slice3A_1797 : vector<128x1xf32> to vector<128x128xf32>
    %add3A_1800 = vector.broadcast %slice3A_1798 : vector<1x128xf32> to vector<128x128xf32>
    %add3A_1801 = arith.addf %add3A_1799, %add3A_1800 : vector<128x128xf32>
    %abs3A_1802 = math.absf %add3A_1801 : vector<128x128xf32>
    %mul3A_1803 = vector.broadcast %get3A_1794 : f32 to vector<128x128xf32>
    %mul3A_1804 = arith.mulf %mul3A_1803, %abs3A_1802 : vector<128x128xf32>
    %add3A_1805 = arith.addf %add3A_1764, %mul3A_1804 : vector<128x128xf32>
    %slice3A_1806 = vector.extract_strided_slice %slice3A_1795 {offsets = [0, 0], sizes = [256, 1], strides = [1, 1]} : vector<400x1xf32> to vector<256x1xf32>
    %slice3A_1807 = vector.extract_strided_slice %slice3A_1796 {offsets = [0, 128], sizes = [1, 128], strides = [1, 1]} : vector<1x400xf32> to vector<1x128xf32>
    %add3A_1808 = vector.broadcast %slice3A_1806 : vector<256x1xf32> to vector<256x128xf32>
    %add3A_1809 = vector.broadcast %slice3A_1807 : vector<1x128xf32> to vector<256x128xf32>
    %add3A_1810 = arith.addf %add3A_1808, %add3A_1809 : vector<256x128xf32>
    %abs3A_1811 = math.absf %add3A_1810 : vector<256x128xf32>
    %mul3A_1812 = vector.broadcast %get3A_1794 : f32 to vector<256x128xf32>
    %mul3A_1813 = arith.mulf %mul3A_1812, %abs3A_1811 : vector<256x128xf32>
    %add3A_1814 = arith.addf %add3A_1773, %mul3A_1813 : vector<256x128xf32>
    %slice3A_1815 = vector.extract_strided_slice %slice3A_1795 {offsets = [0, 0], sizes = [384, 1], strides = [1, 1]} : vector<400x1xf32> to vector<384x1xf32>
    %slice3A_1816 = vector.extract_strided_slice %slice3A_1796 {offsets = [0, 256], sizes = [1, 128], strides = [1, 1]} : vector<1x400xf32> to vector<1x128xf32>
    %add3A_1817 = vector.broadcast %slice3A_1815 : vector<384x1xf32> to vector<384x128xf32>
    %add3A_1818 = vector.broadcast %slice3A_1816 : vector<1x128xf32> to vector<384x128xf32>
    %add3A_1819 = arith.addf %add3A_1817, %add3A_1818 : vector<384x128xf32>
    %abs3A_1820 = math.absf %add3A_1819 : vector<384x128xf32>
    %mul3A_1821 = vector.broadcast %get3A_1794 : f32 to vector<384x128xf32>
    %mul3A_1822 = arith.mulf %mul3A_1821, %abs3A_1820 : vector<384x128xf32>
    %add3A_1823 = arith.addf %add3A_1782, %mul3A_1822 : vector<384x128xf32>
    %slice3A_1824 = vector.extract_strided_slice %slice3A_1796 {offsets = [0, 384], sizes = [1, 16], strides = [1, 1]} : vector<1x400xf32> to vector<1x16xf32>
    %add3A_1825 = vector.broadcast %slice3A_1795 : vector<400x1xf32> to vector<400x16xf32>
    %add3A_1826 = vector.broadcast %slice3A_1824 : vector<1x16xf32> to vector<400x16xf32>
    %add3A_1827 = arith.addf %add3A_1825, %add3A_1826 : vector<400x16xf32>
    %abs3A_1828 = math.absf %add3A_1827 : vector<400x16xf32>
    %mul3A_1829 = vector.broadcast %get3A_1794 : f32 to vector<400x16xf32>
    %mul3A_1830 = arith.mulf %mul3A_1829, %abs3A_1828 : vector<400x16xf32>
    %add3A_1831 = arith.addf %add3A_1790, %mul3A_1830 : vector<400x16xf32>
    %get3A_1832 = arith.constant 0 : index
    %get3A_1833 = arith.constant 42 : index
    %get3A_1834 = vector.load %arg6[%get3A_1832, %get3A_1833] : memref<1x64xf32, #tpu.memory_space<vmem>>, vector<1x1xf32>
    %get3A_1835 = vector.extract %get3A_1834[0, 0] : f32 from vector<1x1xf32>
    %slice3A_1836 = vector.extract_strided_slice %add3A_77 {offsets = [0, 42], sizes = [400, 1], strides = [1, 1]} : vector<400x64xf32> to vector<400x1xf32>
    %slice3A_1837 = vector.extract_strided_slice %transpose3A {offsets = [42, 0], sizes = [1, 400], strides = [1, 1]} : vector<64x400xf32> to vector<1x400xf32>
    %slice3A_1838 = vector.extract_strided_slice %slice3A_1836 {offsets = [0, 0], sizes = [128, 1], strides = [1, 1]} : vector<400x1xf32> to vector<128x1xf32>
    %slice3A_1839 = vector.extract_strided_slice %slice3A_1837 {offsets = [0, 0], sizes = [1, 128], strides = [1, 1]} : vector<1x400xf32> to vector<1x128xf32>
    %add3A_1840 = vector.broadcast %slice3A_1838 : vector<128x1xf32> to vector<128x128xf32>
    %add3A_1841 = vector.broadcast %slice3A_1839 : vector<1x128xf32> to vector<128x128xf32>
    %add3A_1842 = arith.addf %add3A_1840, %add3A_1841 : vector<128x128xf32>
    %abs3A_1843 = math.absf %add3A_1842 : vector<128x128xf32>
    %mul3A_1844 = vector.broadcast %get3A_1835 : f32 to vector<128x128xf32>
    %mul3A_1845 = arith.mulf %mul3A_1844, %abs3A_1843 : vector<128x128xf32>
    %add3A_1846 = arith.addf %add3A_1805, %mul3A_1845 : vector<128x128xf32>
    %slice3A_1847 = vector.extract_strided_slice %slice3A_1836 {offsets = [0, 0], sizes = [256, 1], strides = [1, 1]} : vector<400x1xf32> to vector<256x1xf32>
    %slice3A_1848 = vector.extract_strided_slice %slice3A_1837 {offsets = [0, 128], sizes = [1, 128], strides = [1, 1]} : vector<1x400xf32> to vector<1x128xf32>
    %add3A_1849 = vector.broadcast %slice3A_1847 : vector<256x1xf32> to vector<256x128xf32>
    %add3A_1850 = vector.broadcast %slice3A_1848 : vector<1x128xf32> to vector<256x128xf32>
    %add3A_1851 = arith.addf %add3A_1849, %add3A_1850 : vector<256x128xf32>
    %abs3A_1852 = math.absf %add3A_1851 : vector<256x128xf32>
    %mul3A_1853 = vector.broadcast %get3A_1835 : f32 to vector<256x128xf32>
    %mul3A_1854 = arith.mulf %mul3A_1853, %abs3A_1852 : vector<256x128xf32>
    %add3A_1855 = arith.addf %add3A_1814, %mul3A_1854 : vector<256x128xf32>
    %slice3A_1856 = vector.extract_strided_slice %slice3A_1836 {offsets = [0, 0], sizes = [384, 1], strides = [1, 1]} : vector<400x1xf32> to vector<384x1xf32>
    %slice3A_1857 = vector.extract_strided_slice %slice3A_1837 {offsets = [0, 256], sizes = [1, 128], strides = [1, 1]} : vector<1x400xf32> to vector<1x128xf32>
    %add3A_1858 = vector.broadcast %slice3A_1856 : vector<384x1xf32> to vector<384x128xf32>
    %add3A_1859 = vector.broadcast %slice3A_1857 : vector<1x128xf32> to vector<384x128xf32>
    %add3A_1860 = arith.addf %add3A_1858, %add3A_1859 : vector<384x128xf32>
    %abs3A_1861 = math.absf %add3A_1860 : vector<384x128xf32>
    %mul3A_1862 = vector.broadcast %get3A_1835 : f32 to vector<384x128xf32>
    %mul3A_1863 = arith.mulf %mul3A_1862, %abs3A_1861 : vector<384x128xf32>
    %add3A_1864 = arith.addf %add3A_1823, %mul3A_1863 : vector<384x128xf32>
    %slice3A_1865 = vector.extract_strided_slice %slice3A_1837 {offsets = [0, 384], sizes = [1, 16], strides = [1, 1]} : vector<1x400xf32> to vector<1x16xf32>
    %add3A_1866 = vector.broadcast %slice3A_1836 : vector<400x1xf32> to vector<400x16xf32>
    %add3A_1867 = vector.broadcast %slice3A_1865 : vector<1x16xf32> to vector<400x16xf32>
    %add3A_1868 = arith.addf %add3A_1866, %add3A_1867 : vector<400x16xf32>
    %abs3A_1869 = math.absf %add3A_1868 : vector<400x16xf32>
    %mul3A_1870 = vector.broadcast %get3A_1835 : f32 to vector<400x16xf32>
    %mul3A_1871 = arith.mulf %mul3A_1870, %abs3A_1869 : vector<400x16xf32>
    %add3A_1872 = arith.addf %add3A_1831, %mul3A_1871 : vector<400x16xf32>
    %get3A_1873 = arith.constant 0 : index
    %get3A_1874 = arith.constant 43 : index
    %get3A_1875 = vector.load %arg6[%get3A_1873, %get3A_1874] : memref<1x64xf32, #tpu.memory_space<vmem>>, vector<1x1xf32>
    %get3A_1876 = vector.extract %get3A_1875[0, 0] : f32 from vector<1x1xf32>
    %slice3A_1877 = vector.extract_strided_slice %add3A_77 {offsets = [0, 43], sizes = [400, 1], strides = [1, 1]} : vector<400x64xf32> to vector<400x1xf32>
    %slice3A_1878 = vector.extract_strided_slice %transpose3A {offsets = [43, 0], sizes = [1, 400], strides = [1, 1]} : vector<64x400xf32> to vector<1x400xf32>
    %slice3A_1879 = vector.extract_strided_slice %slice3A_1877 {offsets = [0, 0], sizes = [128, 1], strides = [1, 1]} : vector<400x1xf32> to vector<128x1xf32>
    %slice3A_1880 = vector.extract_strided_slice %slice3A_1878 {offsets = [0, 0], sizes = [1, 128], strides = [1, 1]} : vector<1x400xf32> to vector<1x128xf32>
    %add3A_1881 = vector.broadcast %slice3A_1879 : vector<128x1xf32> to vector<128x128xf32>
    %add3A_1882 = vector.broadcast %slice3A_1880 : vector<1x128xf32> to vector<128x128xf32>
    %add3A_1883 = arith.addf %add3A_1881, %add3A_1882 : vector<128x128xf32>
    %abs3A_1884 = math.absf %add3A_1883 : vector<128x128xf32>
    %mul3A_1885 = vector.broadcast %get3A_1876 : f32 to vector<128x128xf32>
    %mul3A_1886 = arith.mulf %mul3A_1885, %abs3A_1884 : vector<128x128xf32>
    %add3A_1887 = arith.addf %add3A_1846, %mul3A_1886 : vector<128x128xf32>
    %slice3A_1888 = vector.extract_strided_slice %slice3A_1877 {offsets = [0, 0], sizes = [256, 1], strides = [1, 1]} : vector<400x1xf32> to vector<256x1xf32>
    %slice3A_1889 = vector.extract_strided_slice %slice3A_1878 {offsets = [0, 128], sizes = [1, 128], strides = [1, 1]} : vector<1x400xf32> to vector<1x128xf32>
    %add3A_1890 = vector.broadcast %slice3A_1888 : vector<256x1xf32> to vector<256x128xf32>
    %add3A_1891 = vector.broadcast %slice3A_1889 : vector<1x128xf32> to vector<256x128xf32>
    %add3A_1892 = arith.addf %add3A_1890, %add3A_1891 : vector<256x128xf32>
    %abs3A_1893 = math.absf %add3A_1892 : vector<256x128xf32>
    %mul3A_1894 = vector.broadcast %get3A_1876 : f32 to vector<256x128xf32>
    %mul3A_1895 = arith.mulf %mul3A_1894, %abs3A_1893 : vector<256x128xf32>
    %add3A_1896 = arith.addf %add3A_1855, %mul3A_1895 : vector<256x128xf32>
    %slice3A_1897 = vector.extract_strided_slice %slice3A_1877 {offsets = [0, 0], sizes = [384, 1], strides = [1, 1]} : vector<400x1xf32> to vector<384x1xf32>
    %slice3A_1898 = vector.extract_strided_slice %slice3A_1878 {offsets = [0, 256], sizes = [1, 128], strides = [1, 1]} : vector<1x400xf32> to vector<1x128xf32>
    %add3A_1899 = vector.broadcast %slice3A_1897 : vector<384x1xf32> to vector<384x128xf32>
    %add3A_1900 = vector.broadcast %slice3A_1898 : vector<1x128xf32> to vector<384x128xf32>
    %add3A_1901 = arith.addf %add3A_1899, %add3A_1900 : vector<384x128xf32>
    %abs3A_1902 = math.absf %add3A_1901 : vector<384x128xf32>
    %mul3A_1903 = vector.broadcast %get3A_1876 : f32 to vector<384x128xf32>
    %mul3A_1904 = arith.mulf %mul3A_1903, %abs3A_1902 : vector<384x128xf32>
    %add3A_1905 = arith.addf %add3A_1864, %mul3A_1904 : vector<384x128xf32>
    %slice3A_1906 = vector.extract_strided_slice %slice3A_1878 {offsets = [0, 384], sizes = [1, 16], strides = [1, 1]} : vector<1x400xf32> to vector<1x16xf32>
    %add3A_1907 = vector.broadcast %slice3A_1877 : vector<400x1xf32> to vector<400x16xf32>
    %add3A_1908 = vector.broadcast %slice3A_1906 : vector<1x16xf32> to vector<400x16xf32>
    %add3A_1909 = arith.addf %add3A_1907, %add3A_1908 : vector<400x16xf32>
    %abs3A_1910 = math.absf %add3A_1909 : vector<400x16xf32>
    %mul3A_1911 = vector.broadcast %get3A_1876 : f32 to vector<400x16xf32>
    %mul3A_1912 = arith.mulf %mul3A_1911, %abs3A_1910 : vector<400x16xf32>
    %add3A_1913 = arith.addf %add3A_1872, %mul3A_1912 : vector<400x16xf32>
    %get3A_1914 = arith.constant 0 : index
    %get3A_1915 = arith.constant 44 : index
    %get3A_1916 = vector.load %arg6[%get3A_1914, %get3A_1915] : memref<1x64xf32, #tpu.memory_space<vmem>>, vector<1x1xf32>
    %get3A_1917 = vector.extract %get3A_1916[0, 0] : f32 from vector<1x1xf32>
    %slice3A_1918 = vector.extract_strided_slice %add3A_77 {offsets = [0, 44], sizes = [400, 1], strides = [1, 1]} : vector<400x64xf32> to vector<400x1xf32>
    %slice3A_1919 = vector.extract_strided_slice %transpose3A {offsets = [44, 0], sizes = [1, 400], strides = [1, 1]} : vector<64x400xf32> to vector<1x400xf32>
    %slice3A_1920 = vector.extract_strided_slice %slice3A_1918 {offsets = [0, 0], sizes = [128, 1], strides = [1, 1]} : vector<400x1xf32> to vector<128x1xf32>
    %slice3A_1921 = vector.extract_strided_slice %slice3A_1919 {offsets = [0, 0], sizes = [1, 128], strides = [1, 1]} : vector<1x400xf32> to vector<1x128xf32>
    %add3A_1922 = vector.broadcast %slice3A_1920 : vector<128x1xf32> to vector<128x128xf32>
    %add3A_1923 = vector.broadcast %slice3A_1921 : vector<1x128xf32> to vector<128x128xf32>
    %add3A_1924 = arith.addf %add3A_1922, %add3A_1923 : vector<128x128xf32>
    %abs3A_1925 = math.absf %add3A_1924 : vector<128x128xf32>
    %mul3A_1926 = vector.broadcast %get3A_1917 : f32 to vector<128x128xf32>
    %mul3A_1927 = arith.mulf %mul3A_1926, %abs3A_1925 : vector<128x128xf32>
    %add3A_1928 = arith.addf %add3A_1887, %mul3A_1927 : vector<128x128xf32>
    %slice3A_1929 = vector.extract_strided_slice %slice3A_1918 {offsets = [0, 0], sizes = [256, 1], strides = [1, 1]} : vector<400x1xf32> to vector<256x1xf32>
    %slice3A_1930 = vector.extract_strided_slice %slice3A_1919 {offsets = [0, 128], sizes = [1, 128], strides = [1, 1]} : vector<1x400xf32> to vector<1x128xf32>
    %add3A_1931 = vector.broadcast %slice3A_1929 : vector<256x1xf32> to vector<256x128xf32>
    %add3A_1932 = vector.broadcast %slice3A_1930 : vector<1x128xf32> to vector<256x128xf32>
    %add3A_1933 = arith.addf %add3A_1931, %add3A_1932 : vector<256x128xf32>
    %abs3A_1934 = math.absf %add3A_1933 : vector<256x128xf32>
    %mul3A_1935 = vector.broadcast %get3A_1917 : f32 to vector<256x128xf32>
    %mul3A_1936 = arith.mulf %mul3A_1935, %abs3A_1934 : vector<256x128xf32>
    %add3A_1937 = arith.addf %add3A_1896, %mul3A_1936 : vector<256x128xf32>
    %slice3A_1938 = vector.extract_strided_slice %slice3A_1918 {offsets = [0, 0], sizes = [384, 1], strides = [1, 1]} : vector<400x1xf32> to vector<384x1xf32>
    %slice3A_1939 = vector.extract_strided_slice %slice3A_1919 {offsets = [0, 256], sizes = [1, 128], strides = [1, 1]} : vector<1x400xf32> to vector<1x128xf32>
    %add3A_1940 = vector.broadcast %slice3A_1938 : vector<384x1xf32> to vector<384x128xf32>
    %add3A_1941 = vector.broadcast %slice3A_1939 : vector<1x128xf32> to vector<384x128xf32>
    %add3A_1942 = arith.addf %add3A_1940, %add3A_1941 : vector<384x128xf32>
    %abs3A_1943 = math.absf %add3A_1942 : vector<384x128xf32>
    %mul3A_1944 = vector.broadcast %get3A_1917 : f32 to vector<384x128xf32>
    %mul3A_1945 = arith.mulf %mul3A_1944, %abs3A_1943 : vector<384x128xf32>
    %add3A_1946 = arith.addf %add3A_1905, %mul3A_1945 : vector<384x128xf32>
    %slice3A_1947 = vector.extract_strided_slice %slice3A_1919 {offsets = [0, 384], sizes = [1, 16], strides = [1, 1]} : vector<1x400xf32> to vector<1x16xf32>
    %add3A_1948 = vector.broadcast %slice3A_1918 : vector<400x1xf32> to vector<400x16xf32>
    %add3A_1949 = vector.broadcast %slice3A_1947 : vector<1x16xf32> to vector<400x16xf32>
    %add3A_1950 = arith.addf %add3A_1948, %add3A_1949 : vector<400x16xf32>
    %abs3A_1951 = math.absf %add3A_1950 : vector<400x16xf32>
    %mul3A_1952 = vector.broadcast %get3A_1917 : f32 to vector<400x16xf32>
    %mul3A_1953 = arith.mulf %mul3A_1952, %abs3A_1951 : vector<400x16xf32>
    %add3A_1954 = arith.addf %add3A_1913, %mul3A_1953 : vector<400x16xf32>
    %get3A_1955 = arith.constant 0 : index
    %get3A_1956 = arith.constant 45 : index
    %get3A_1957 = vector.load %arg6[%get3A_1955, %get3A_1956] : memref<1x64xf32, #tpu.memory_space<vmem>>, vector<1x1xf32>
    %get3A_1958 = vector.extract %get3A_1957[0, 0] : f32 from vector<1x1xf32>
    %slice3A_1959 = vector.extract_strided_slice %add3A_77 {offsets = [0, 45], sizes = [400, 1], strides = [1, 1]} : vector<400x64xf32> to vector<400x1xf32>
    %slice3A_1960 = vector.extract_strided_slice %transpose3A {offsets = [45, 0], sizes = [1, 400], strides = [1, 1]} : vector<64x400xf32> to vector<1x400xf32>
    %slice3A_1961 = vector.extract_strided_slice %slice3A_1959 {offsets = [0, 0], sizes = [128, 1], strides = [1, 1]} : vector<400x1xf32> to vector<128x1xf32>
    %slice3A_1962 = vector.extract_strided_slice %slice3A_1960 {offsets = [0, 0], sizes = [1, 128], strides = [1, 1]} : vector<1x400xf32> to vector<1x128xf32>
    %add3A_1963 = vector.broadcast %slice3A_1961 : vector<128x1xf32> to vector<128x128xf32>
    %add3A_1964 = vector.broadcast %slice3A_1962 : vector<1x128xf32> to vector<128x128xf32>
    %add3A_1965 = arith.addf %add3A_1963, %add3A_1964 : vector<128x128xf32>
    %abs3A_1966 = math.absf %add3A_1965 : vector<128x128xf32>
    %mul3A_1967 = vector.broadcast %get3A_1958 : f32 to vector<128x128xf32>
    %mul3A_1968 = arith.mulf %mul3A_1967, %abs3A_1966 : vector<128x128xf32>
    %add3A_1969 = arith.addf %add3A_1928, %mul3A_1968 : vector<128x128xf32>
    %slice3A_1970 = vector.extract_strided_slice %slice3A_1959 {offsets = [0, 0], sizes = [256, 1], strides = [1, 1]} : vector<400x1xf32> to vector<256x1xf32>
    %slice3A_1971 = vector.extract_strided_slice %slice3A_1960 {offsets = [0, 128], sizes = [1, 128], strides = [1, 1]} : vector<1x400xf32> to vector<1x128xf32>
    %add3A_1972 = vector.broadcast %slice3A_1970 : vector<256x1xf32> to vector<256x128xf32>
    %add3A_1973 = vector.broadcast %slice3A_1971 : vector<1x128xf32> to vector<256x128xf32>
    %add3A_1974 = arith.addf %add3A_1972, %add3A_1973 : vector<256x128xf32>
    %abs3A_1975 = math.absf %add3A_1974 : vector<256x128xf32>
    %mul3A_1976 = vector.broadcast %get3A_1958 : f32 to vector<256x128xf32>
    %mul3A_1977 = arith.mulf %mul3A_1976, %abs3A_1975 : vector<256x128xf32>
    %add3A_1978 = arith.addf %add3A_1937, %mul3A_1977 : vector<256x128xf32>
    %slice3A_1979 = vector.extract_strided_slice %slice3A_1959 {offsets = [0, 0], sizes = [384, 1], strides = [1, 1]} : vector<400x1xf32> to vector<384x1xf32>
    %slice3A_1980 = vector.extract_strided_slice %slice3A_1960 {offsets = [0, 256], sizes = [1, 128], strides = [1, 1]} : vector<1x400xf32> to vector<1x128xf32>
    %add3A_1981 = vector.broadcast %slice3A_1979 : vector<384x1xf32> to vector<384x128xf32>
    %add3A_1982 = vector.broadcast %slice3A_1980 : vector<1x128xf32> to vector<384x128xf32>
    %add3A_1983 = arith.addf %add3A_1981, %add3A_1982 : vector<384x128xf32>
    %abs3A_1984 = math.absf %add3A_1983 : vector<384x128xf32>
    %mul3A_1985 = vector.broadcast %get3A_1958 : f32 to vector<384x128xf32>
    %mul3A_1986 = arith.mulf %mul3A_1985, %abs3A_1984 : vector<384x128xf32>
    %add3A_1987 = arith.addf %add3A_1946, %mul3A_1986 : vector<384x128xf32>
    %slice3A_1988 = vector.extract_strided_slice %slice3A_1960 {offsets = [0, 384], sizes = [1, 16], strides = [1, 1]} : vector<1x400xf32> to vector<1x16xf32>
    %add3A_1989 = vector.broadcast %slice3A_1959 : vector<400x1xf32> to vector<400x16xf32>
    %add3A_1990 = vector.broadcast %slice3A_1988 : vector<1x16xf32> to vector<400x16xf32>
    %add3A_1991 = arith.addf %add3A_1989, %add3A_1990 : vector<400x16xf32>
    %abs3A_1992 = math.absf %add3A_1991 : vector<400x16xf32>
    %mul3A_1993 = vector.broadcast %get3A_1958 : f32 to vector<400x16xf32>
    %mul3A_1994 = arith.mulf %mul3A_1993, %abs3A_1992 : vector<400x16xf32>
    %add3A_1995 = arith.addf %add3A_1954, %mul3A_1994 : vector<400x16xf32>
    %get3A_1996 = arith.constant 0 : index
    %get3A_1997 = arith.constant 46 : index
    %get3A_1998 = vector.load %arg6[%get3A_1996, %get3A_1997] : memref<1x64xf32, #tpu.memory_space<vmem>>, vector<1x1xf32>
    %get3A_1999 = vector.extract %get3A_1998[0, 0] : f32 from vector<1x1xf32>
    %slice3A_2000 = vector.extract_strided_slice %add3A_77 {offsets = [0, 46], sizes = [400, 1], strides = [1, 1]} : vector<400x64xf32> to vector<400x1xf32>
    %slice3A_2001 = vector.extract_strided_slice %transpose3A {offsets = [46, 0], sizes = [1, 400], strides = [1, 1]} : vector<64x400xf32> to vector<1x400xf32>
    %slice3A_2002 = vector.extract_strided_slice %slice3A_2000 {offsets = [0, 0], sizes = [128, 1], strides = [1, 1]} : vector<400x1xf32> to vector<128x1xf32>
    %slice3A_2003 = vector.extract_strided_slice %slice3A_2001 {offsets = [0, 0], sizes = [1, 128], strides = [1, 1]} : vector<1x400xf32> to vector<1x128xf32>
    %add3A_2004 = vector.broadcast %slice3A_2002 : vector<128x1xf32> to vector<128x128xf32>
    %add3A_2005 = vector.broadcast %slice3A_2003 : vector<1x128xf32> to vector<128x128xf32>
    %add3A_2006 = arith.addf %add3A_2004, %add3A_2005 : vector<128x128xf32>
    %abs3A_2007 = math.absf %add3A_2006 : vector<128x128xf32>
    %mul3A_2008 = vector.broadcast %get3A_1999 : f32 to vector<128x128xf32>
    %mul3A_2009 = arith.mulf %mul3A_2008, %abs3A_2007 : vector<128x128xf32>
    %add3A_2010 = arith.addf %add3A_1969, %mul3A_2009 : vector<128x128xf32>
    %slice3A_2011 = vector.extract_strided_slice %slice3A_2000 {offsets = [0, 0], sizes = [256, 1], strides = [1, 1]} : vector<400x1xf32> to vector<256x1xf32>
    %slice3A_2012 = vector.extract_strided_slice %slice3A_2001 {offsets = [0, 128], sizes = [1, 128], strides = [1, 1]} : vector<1x400xf32> to vector<1x128xf32>
    %add3A_2013 = vector.broadcast %slice3A_2011 : vector<256x1xf32> to vector<256x128xf32>
    %add3A_2014 = vector.broadcast %slice3A_2012 : vector<1x128xf32> to vector<256x128xf32>
    %add3A_2015 = arith.addf %add3A_2013, %add3A_2014 : vector<256x128xf32>
    %abs3A_2016 = math.absf %add3A_2015 : vector<256x128xf32>
    %mul3A_2017 = vector.broadcast %get3A_1999 : f32 to vector<256x128xf32>
    %mul3A_2018 = arith.mulf %mul3A_2017, %abs3A_2016 : vector<256x128xf32>
    %add3A_2019 = arith.addf %add3A_1978, %mul3A_2018 : vector<256x128xf32>
    %slice3A_2020 = vector.extract_strided_slice %slice3A_2000 {offsets = [0, 0], sizes = [384, 1], strides = [1, 1]} : vector<400x1xf32> to vector<384x1xf32>
    %slice3A_2021 = vector.extract_strided_slice %slice3A_2001 {offsets = [0, 256], sizes = [1, 128], strides = [1, 1]} : vector<1x400xf32> to vector<1x128xf32>
    %add3A_2022 = vector.broadcast %slice3A_2020 : vector<384x1xf32> to vector<384x128xf32>
    %add3A_2023 = vector.broadcast %slice3A_2021 : vector<1x128xf32> to vector<384x128xf32>
    %add3A_2024 = arith.addf %add3A_2022, %add3A_2023 : vector<384x128xf32>
    %abs3A_2025 = math.absf %add3A_2024 : vector<384x128xf32>
    %mul3A_2026 = vector.broadcast %get3A_1999 : f32 to vector<384x128xf32>
    %mul3A_2027 = arith.mulf %mul3A_2026, %abs3A_2025 : vector<384x128xf32>
    %add3A_2028 = arith.addf %add3A_1987, %mul3A_2027 : vector<384x128xf32>
    %slice3A_2029 = vector.extract_strided_slice %slice3A_2001 {offsets = [0, 384], sizes = [1, 16], strides = [1, 1]} : vector<1x400xf32> to vector<1x16xf32>
    %add3A_2030 = vector.broadcast %slice3A_2000 : vector<400x1xf32> to vector<400x16xf32>
    %add3A_2031 = vector.broadcast %slice3A_2029 : vector<1x16xf32> to vector<400x16xf32>
    %add3A_2032 = arith.addf %add3A_2030, %add3A_2031 : vector<400x16xf32>
    %abs3A_2033 = math.absf %add3A_2032 : vector<400x16xf32>
    %mul3A_2034 = vector.broadcast %get3A_1999 : f32 to vector<400x16xf32>
    %mul3A_2035 = arith.mulf %mul3A_2034, %abs3A_2033 : vector<400x16xf32>
    %add3A_2036 = arith.addf %add3A_1995, %mul3A_2035 : vector<400x16xf32>
    %get3A_2037 = arith.constant 0 : index
    %get3A_2038 = arith.constant 47 : index
    %get3A_2039 = vector.load %arg6[%get3A_2037, %get3A_2038] : memref<1x64xf32, #tpu.memory_space<vmem>>, vector<1x1xf32>
    %get3A_2040 = vector.extract %get3A_2039[0, 0] : f32 from vector<1x1xf32>
    %slice3A_2041 = vector.extract_strided_slice %add3A_77 {offsets = [0, 47], sizes = [400, 1], strides = [1, 1]} : vector<400x64xf32> to vector<400x1xf32>
    %slice3A_2042 = vector.extract_strided_slice %transpose3A {offsets = [47, 0], sizes = [1, 400], strides = [1, 1]} : vector<64x400xf32> to vector<1x400xf32>
    %slice3A_2043 = vector.extract_strided_slice %slice3A_2041 {offsets = [0, 0], sizes = [128, 1], strides = [1, 1]} : vector<400x1xf32> to vector<128x1xf32>
    %slice3A_2044 = vector.extract_strided_slice %slice3A_2042 {offsets = [0, 0], sizes = [1, 128], strides = [1, 1]} : vector<1x400xf32> to vector<1x128xf32>
    %add3A_2045 = vector.broadcast %slice3A_2043 : vector<128x1xf32> to vector<128x128xf32>
    %add3A_2046 = vector.broadcast %slice3A_2044 : vector<1x128xf32> to vector<128x128xf32>
    %add3A_2047 = arith.addf %add3A_2045, %add3A_2046 : vector<128x128xf32>
    %abs3A_2048 = math.absf %add3A_2047 : vector<128x128xf32>
    %mul3A_2049 = vector.broadcast %get3A_2040 : f32 to vector<128x128xf32>
    %mul3A_2050 = arith.mulf %mul3A_2049, %abs3A_2048 : vector<128x128xf32>
    %add3A_2051 = arith.addf %add3A_2010, %mul3A_2050 : vector<128x128xf32>
    %slice3A_2052 = vector.extract_strided_slice %slice3A_2041 {offsets = [0, 0], sizes = [256, 1], strides = [1, 1]} : vector<400x1xf32> to vector<256x1xf32>
    %slice3A_2053 = vector.extract_strided_slice %slice3A_2042 {offsets = [0, 128], sizes = [1, 128], strides = [1, 1]} : vector<1x400xf32> to vector<1x128xf32>
    %add3A_2054 = vector.broadcast %slice3A_2052 : vector<256x1xf32> to vector<256x128xf32>
    %add3A_2055 = vector.broadcast %slice3A_2053 : vector<1x128xf32> to vector<256x128xf32>
    %add3A_2056 = arith.addf %add3A_2054, %add3A_2055 : vector<256x128xf32>
    %abs3A_2057 = math.absf %add3A_2056 : vector<256x128xf32>
    %mul3A_2058 = vector.broadcast %get3A_2040 : f32 to vector<256x128xf32>
    %mul3A_2059 = arith.mulf %mul3A_2058, %abs3A_2057 : vector<256x128xf32>
    %add3A_2060 = arith.addf %add3A_2019, %mul3A_2059 : vector<256x128xf32>
    %slice3A_2061 = vector.extract_strided_slice %slice3A_2041 {offsets = [0, 0], sizes = [384, 1], strides = [1, 1]} : vector<400x1xf32> to vector<384x1xf32>
    %slice3A_2062 = vector.extract_strided_slice %slice3A_2042 {offsets = [0, 256], sizes = [1, 128], strides = [1, 1]} : vector<1x400xf32> to vector<1x128xf32>
    %add3A_2063 = vector.broadcast %slice3A_2061 : vector<384x1xf32> to vector<384x128xf32>
    %add3A_2064 = vector.broadcast %slice3A_2062 : vector<1x128xf32> to vector<384x128xf32>
    %add3A_2065 = arith.addf %add3A_2063, %add3A_2064 : vector<384x128xf32>
    %abs3A_2066 = math.absf %add3A_2065 : vector<384x128xf32>
    %mul3A_2067 = vector.broadcast %get3A_2040 : f32 to vector<384x128xf32>
    %mul3A_2068 = arith.mulf %mul3A_2067, %abs3A_2066 : vector<384x128xf32>
    %add3A_2069 = arith.addf %add3A_2028, %mul3A_2068 : vector<384x128xf32>
    %slice3A_2070 = vector.extract_strided_slice %slice3A_2042 {offsets = [0, 384], sizes = [1, 16], strides = [1, 1]} : vector<1x400xf32> to vector<1x16xf32>
    %add3A_2071 = vector.broadcast %slice3A_2041 : vector<400x1xf32> to vector<400x16xf32>
    %add3A_2072 = vector.broadcast %slice3A_2070 : vector<1x16xf32> to vector<400x16xf32>
    %add3A_2073 = arith.addf %add3A_2071, %add3A_2072 : vector<400x16xf32>
    %abs3A_2074 = math.absf %add3A_2073 : vector<400x16xf32>
    %mul3A_2075 = vector.broadcast %get3A_2040 : f32 to vector<400x16xf32>
    %mul3A_2076 = arith.mulf %mul3A_2075, %abs3A_2074 : vector<400x16xf32>
    %add3A_2077 = arith.addf %add3A_2036, %mul3A_2076 : vector<400x16xf32>
    %get3A_2078 = arith.constant 0 : index
    %get3A_2079 = arith.constant 48 : index
    %get3A_2080 = vector.load %arg6[%get3A_2078, %get3A_2079] : memref<1x64xf32, #tpu.memory_space<vmem>>, vector<1x1xf32>
    %get3A_2081 = vector.extract %get3A_2080[0, 0] : f32 from vector<1x1xf32>
    %slice3A_2082 = vector.extract_strided_slice %add3A_77 {offsets = [0, 48], sizes = [400, 1], strides = [1, 1]} : vector<400x64xf32> to vector<400x1xf32>
    %slice3A_2083 = vector.extract_strided_slice %transpose3A {offsets = [48, 0], sizes = [1, 400], strides = [1, 1]} : vector<64x400xf32> to vector<1x400xf32>
    %slice3A_2084 = vector.extract_strided_slice %slice3A_2082 {offsets = [0, 0], sizes = [128, 1], strides = [1, 1]} : vector<400x1xf32> to vector<128x1xf32>
    %slice3A_2085 = vector.extract_strided_slice %slice3A_2083 {offsets = [0, 0], sizes = [1, 128], strides = [1, 1]} : vector<1x400xf32> to vector<1x128xf32>
    %add3A_2086 = vector.broadcast %slice3A_2084 : vector<128x1xf32> to vector<128x128xf32>
    %add3A_2087 = vector.broadcast %slice3A_2085 : vector<1x128xf32> to vector<128x128xf32>
    %add3A_2088 = arith.addf %add3A_2086, %add3A_2087 : vector<128x128xf32>
    %abs3A_2089 = math.absf %add3A_2088 : vector<128x128xf32>
    %mul3A_2090 = vector.broadcast %get3A_2081 : f32 to vector<128x128xf32>
    %mul3A_2091 = arith.mulf %mul3A_2090, %abs3A_2089 : vector<128x128xf32>
    %add3A_2092 = arith.addf %add3A_2051, %mul3A_2091 : vector<128x128xf32>
    %slice3A_2093 = vector.extract_strided_slice %slice3A_2082 {offsets = [0, 0], sizes = [256, 1], strides = [1, 1]} : vector<400x1xf32> to vector<256x1xf32>
    %slice3A_2094 = vector.extract_strided_slice %slice3A_2083 {offsets = [0, 128], sizes = [1, 128], strides = [1, 1]} : vector<1x400xf32> to vector<1x128xf32>
    %add3A_2095 = vector.broadcast %slice3A_2093 : vector<256x1xf32> to vector<256x128xf32>
    %add3A_2096 = vector.broadcast %slice3A_2094 : vector<1x128xf32> to vector<256x128xf32>
    %add3A_2097 = arith.addf %add3A_2095, %add3A_2096 : vector<256x128xf32>
    %abs3A_2098 = math.absf %add3A_2097 : vector<256x128xf32>
    %mul3A_2099 = vector.broadcast %get3A_2081 : f32 to vector<256x128xf32>
    %mul3A_2100 = arith.mulf %mul3A_2099, %abs3A_2098 : vector<256x128xf32>
    %add3A_2101 = arith.addf %add3A_2060, %mul3A_2100 : vector<256x128xf32>
    %slice3A_2102 = vector.extract_strided_slice %slice3A_2082 {offsets = [0, 0], sizes = [384, 1], strides = [1, 1]} : vector<400x1xf32> to vector<384x1xf32>
    %slice3A_2103 = vector.extract_strided_slice %slice3A_2083 {offsets = [0, 256], sizes = [1, 128], strides = [1, 1]} : vector<1x400xf32> to vector<1x128xf32>
    %add3A_2104 = vector.broadcast %slice3A_2102 : vector<384x1xf32> to vector<384x128xf32>
    %add3A_2105 = vector.broadcast %slice3A_2103 : vector<1x128xf32> to vector<384x128xf32>
    %add3A_2106 = arith.addf %add3A_2104, %add3A_2105 : vector<384x128xf32>
    %abs3A_2107 = math.absf %add3A_2106 : vector<384x128xf32>
    %mul3A_2108 = vector.broadcast %get3A_2081 : f32 to vector<384x128xf32>
    %mul3A_2109 = arith.mulf %mul3A_2108, %abs3A_2107 : vector<384x128xf32>
    %add3A_2110 = arith.addf %add3A_2069, %mul3A_2109 : vector<384x128xf32>
    %slice3A_2111 = vector.extract_strided_slice %slice3A_2083 {offsets = [0, 384], sizes = [1, 16], strides = [1, 1]} : vector<1x400xf32> to vector<1x16xf32>
    %add3A_2112 = vector.broadcast %slice3A_2082 : vector<400x1xf32> to vector<400x16xf32>
    %add3A_2113 = vector.broadcast %slice3A_2111 : vector<1x16xf32> to vector<400x16xf32>
    %add3A_2114 = arith.addf %add3A_2112, %add3A_2113 : vector<400x16xf32>
    %abs3A_2115 = math.absf %add3A_2114 : vector<400x16xf32>
    %mul3A_2116 = vector.broadcast %get3A_2081 : f32 to vector<400x16xf32>
    %mul3A_2117 = arith.mulf %mul3A_2116, %abs3A_2115 : vector<400x16xf32>
    %add3A_2118 = arith.addf %add3A_2077, %mul3A_2117 : vector<400x16xf32>
    %get3A_2119 = arith.constant 0 : index
    %get3A_2120 = arith.constant 49 : index
    %get3A_2121 = vector.load %arg6[%get3A_2119, %get3A_2120] : memref<1x64xf32, #tpu.memory_space<vmem>>, vector<1x1xf32>
    %get3A_2122 = vector.extract %get3A_2121[0, 0] : f32 from vector<1x1xf32>
    %slice3A_2123 = vector.extract_strided_slice %add3A_77 {offsets = [0, 49], sizes = [400, 1], strides = [1, 1]} : vector<400x64xf32> to vector<400x1xf32>
    %slice3A_2124 = vector.extract_strided_slice %transpose3A {offsets = [49, 0], sizes = [1, 400], strides = [1, 1]} : vector<64x400xf32> to vector<1x400xf32>
    %slice3A_2125 = vector.extract_strided_slice %slice3A_2123 {offsets = [0, 0], sizes = [128, 1], strides = [1, 1]} : vector<400x1xf32> to vector<128x1xf32>
    %slice3A_2126 = vector.extract_strided_slice %slice3A_2124 {offsets = [0, 0], sizes = [1, 128], strides = [1, 1]} : vector<1x400xf32> to vector<1x128xf32>
    %add3A_2127 = vector.broadcast %slice3A_2125 : vector<128x1xf32> to vector<128x128xf32>
    %add3A_2128 = vector.broadcast %slice3A_2126 : vector<1x128xf32> to vector<128x128xf32>
    %add3A_2129 = arith.addf %add3A_2127, %add3A_2128 : vector<128x128xf32>
    %abs3A_2130 = math.absf %add3A_2129 : vector<128x128xf32>
    %mul3A_2131 = vector.broadcast %get3A_2122 : f32 to vector<128x128xf32>
    %mul3A_2132 = arith.mulf %mul3A_2131, %abs3A_2130 : vector<128x128xf32>
    %add3A_2133 = arith.addf %add3A_2092, %mul3A_2132 : vector<128x128xf32>
    %slice3A_2134 = vector.extract_strided_slice %slice3A_2123 {offsets = [0, 0], sizes = [256, 1], strides = [1, 1]} : vector<400x1xf32> to vector<256x1xf32>
    %slice3A_2135 = vector.extract_strided_slice %slice3A_2124 {offsets = [0, 128], sizes = [1, 128], strides = [1, 1]} : vector<1x400xf32> to vector<1x128xf32>
    %add3A_2136 = vector.broadcast %slice3A_2134 : vector<256x1xf32> to vector<256x128xf32>
    %add3A_2137 = vector.broadcast %slice3A_2135 : vector<1x128xf32> to vector<256x128xf32>
    %add3A_2138 = arith.addf %add3A_2136, %add3A_2137 : vector<256x128xf32>
    %abs3A_2139 = math.absf %add3A_2138 : vector<256x128xf32>
    %mul3A_2140 = vector.broadcast %get3A_2122 : f32 to vector<256x128xf32>
    %mul3A_2141 = arith.mulf %mul3A_2140, %abs3A_2139 : vector<256x128xf32>
    %add3A_2142 = arith.addf %add3A_2101, %mul3A_2141 : vector<256x128xf32>
    %slice3A_2143 = vector.extract_strided_slice %slice3A_2123 {offsets = [0, 0], sizes = [384, 1], strides = [1, 1]} : vector<400x1xf32> to vector<384x1xf32>
    %slice3A_2144 = vector.extract_strided_slice %slice3A_2124 {offsets = [0, 256], sizes = [1, 128], strides = [1, 1]} : vector<1x400xf32> to vector<1x128xf32>
    %add3A_2145 = vector.broadcast %slice3A_2143 : vector<384x1xf32> to vector<384x128xf32>
    %add3A_2146 = vector.broadcast %slice3A_2144 : vector<1x128xf32> to vector<384x128xf32>
    %add3A_2147 = arith.addf %add3A_2145, %add3A_2146 : vector<384x128xf32>
    %abs3A_2148 = math.absf %add3A_2147 : vector<384x128xf32>
    %mul3A_2149 = vector.broadcast %get3A_2122 : f32 to vector<384x128xf32>
    %mul3A_2150 = arith.mulf %mul3A_2149, %abs3A_2148 : vector<384x128xf32>
    %add3A_2151 = arith.addf %add3A_2110, %mul3A_2150 : vector<384x128xf32>
    %slice3A_2152 = vector.extract_strided_slice %slice3A_2124 {offsets = [0, 384], sizes = [1, 16], strides = [1, 1]} : vector<1x400xf32> to vector<1x16xf32>
    %add3A_2153 = vector.broadcast %slice3A_2123 : vector<400x1xf32> to vector<400x16xf32>
    %add3A_2154 = vector.broadcast %slice3A_2152 : vector<1x16xf32> to vector<400x16xf32>
    %add3A_2155 = arith.addf %add3A_2153, %add3A_2154 : vector<400x16xf32>
    %abs3A_2156 = math.absf %add3A_2155 : vector<400x16xf32>
    %mul3A_2157 = vector.broadcast %get3A_2122 : f32 to vector<400x16xf32>
    %mul3A_2158 = arith.mulf %mul3A_2157, %abs3A_2156 : vector<400x16xf32>
    %add3A_2159 = arith.addf %add3A_2118, %mul3A_2158 : vector<400x16xf32>
    %get3A_2160 = arith.constant 0 : index
    %get3A_2161 = arith.constant 50 : index
    %get3A_2162 = vector.load %arg6[%get3A_2160, %get3A_2161] : memref<1x64xf32, #tpu.memory_space<vmem>>, vector<1x1xf32>
    %get3A_2163 = vector.extract %get3A_2162[0, 0] : f32 from vector<1x1xf32>
    %slice3A_2164 = vector.extract_strided_slice %add3A_77 {offsets = [0, 50], sizes = [400, 1], strides = [1, 1]} : vector<400x64xf32> to vector<400x1xf32>
    %slice3A_2165 = vector.extract_strided_slice %transpose3A {offsets = [50, 0], sizes = [1, 400], strides = [1, 1]} : vector<64x400xf32> to vector<1x400xf32>
    %slice3A_2166 = vector.extract_strided_slice %slice3A_2164 {offsets = [0, 0], sizes = [128, 1], strides = [1, 1]} : vector<400x1xf32> to vector<128x1xf32>
    %slice3A_2167 = vector.extract_strided_slice %slice3A_2165 {offsets = [0, 0], sizes = [1, 128], strides = [1, 1]} : vector<1x400xf32> to vector<1x128xf32>
    %add3A_2168 = vector.broadcast %slice3A_2166 : vector<128x1xf32> to vector<128x128xf32>
    %add3A_2169 = vector.broadcast %slice3A_2167 : vector<1x128xf32> to vector<128x128xf32>
    %add3A_2170 = arith.addf %add3A_2168, %add3A_2169 : vector<128x128xf32>
    %abs3A_2171 = math.absf %add3A_2170 : vector<128x128xf32>
    %mul3A_2172 = vector.broadcast %get3A_2163 : f32 to vector<128x128xf32>
    %mul3A_2173 = arith.mulf %mul3A_2172, %abs3A_2171 : vector<128x128xf32>
    %add3A_2174 = arith.addf %add3A_2133, %mul3A_2173 : vector<128x128xf32>
    %slice3A_2175 = vector.extract_strided_slice %slice3A_2164 {offsets = [0, 0], sizes = [256, 1], strides = [1, 1]} : vector<400x1xf32> to vector<256x1xf32>
    %slice3A_2176 = vector.extract_strided_slice %slice3A_2165 {offsets = [0, 128], sizes = [1, 128], strides = [1, 1]} : vector<1x400xf32> to vector<1x128xf32>
    %add3A_2177 = vector.broadcast %slice3A_2175 : vector<256x1xf32> to vector<256x128xf32>
    %add3A_2178 = vector.broadcast %slice3A_2176 : vector<1x128xf32> to vector<256x128xf32>
    %add3A_2179 = arith.addf %add3A_2177, %add3A_2178 : vector<256x128xf32>
    %abs3A_2180 = math.absf %add3A_2179 : vector<256x128xf32>
    %mul3A_2181 = vector.broadcast %get3A_2163 : f32 to vector<256x128xf32>
    %mul3A_2182 = arith.mulf %mul3A_2181, %abs3A_2180 : vector<256x128xf32>
    %add3A_2183 = arith.addf %add3A_2142, %mul3A_2182 : vector<256x128xf32>
    %slice3A_2184 = vector.extract_strided_slice %slice3A_2164 {offsets = [0, 0], sizes = [384, 1], strides = [1, 1]} : vector<400x1xf32> to vector<384x1xf32>
    %slice3A_2185 = vector.extract_strided_slice %slice3A_2165 {offsets = [0, 256], sizes = [1, 128], strides = [1, 1]} : vector<1x400xf32> to vector<1x128xf32>
    %add3A_2186 = vector.broadcast %slice3A_2184 : vector<384x1xf32> to vector<384x128xf32>
    %add3A_2187 = vector.broadcast %slice3A_2185 : vector<1x128xf32> to vector<384x128xf32>
    %add3A_2188 = arith.addf %add3A_2186, %add3A_2187 : vector<384x128xf32>
    %abs3A_2189 = math.absf %add3A_2188 : vector<384x128xf32>
    %mul3A_2190 = vector.broadcast %get3A_2163 : f32 to vector<384x128xf32>
    %mul3A_2191 = arith.mulf %mul3A_2190, %abs3A_2189 : vector<384x128xf32>
    %add3A_2192 = arith.addf %add3A_2151, %mul3A_2191 : vector<384x128xf32>
    %slice3A_2193 = vector.extract_strided_slice %slice3A_2165 {offsets = [0, 384], sizes = [1, 16], strides = [1, 1]} : vector<1x400xf32> to vector<1x16xf32>
    %add3A_2194 = vector.broadcast %slice3A_2164 : vector<400x1xf32> to vector<400x16xf32>
    %add3A_2195 = vector.broadcast %slice3A_2193 : vector<1x16xf32> to vector<400x16xf32>
    %add3A_2196 = arith.addf %add3A_2194, %add3A_2195 : vector<400x16xf32>
    %abs3A_2197 = math.absf %add3A_2196 : vector<400x16xf32>
    %mul3A_2198 = vector.broadcast %get3A_2163 : f32 to vector<400x16xf32>
    %mul3A_2199 = arith.mulf %mul3A_2198, %abs3A_2197 : vector<400x16xf32>
    %add3A_2200 = arith.addf %add3A_2159, %mul3A_2199 : vector<400x16xf32>
    %get3A_2201 = arith.constant 0 : index
    %get3A_2202 = arith.constant 51 : index
    %get3A_2203 = vector.load %arg6[%get3A_2201, %get3A_2202] : memref<1x64xf32, #tpu.memory_space<vmem>>, vector<1x1xf32>
    %get3A_2204 = vector.extract %get3A_2203[0, 0] : f32 from vector<1x1xf32>
    %slice3A_2205 = vector.extract_strided_slice %add3A_77 {offsets = [0, 51], sizes = [400, 1], strides = [1, 1]} : vector<400x64xf32> to vector<400x1xf32>
    %slice3A_2206 = vector.extract_strided_slice %transpose3A {offsets = [51, 0], sizes = [1, 400], strides = [1, 1]} : vector<64x400xf32> to vector<1x400xf32>
    %slice3A_2207 = vector.extract_strided_slice %slice3A_2205 {offsets = [0, 0], sizes = [128, 1], strides = [1, 1]} : vector<400x1xf32> to vector<128x1xf32>
    %slice3A_2208 = vector.extract_strided_slice %slice3A_2206 {offsets = [0, 0], sizes = [1, 128], strides = [1, 1]} : vector<1x400xf32> to vector<1x128xf32>
    %add3A_2209 = vector.broadcast %slice3A_2207 : vector<128x1xf32> to vector<128x128xf32>
    %add3A_2210 = vector.broadcast %slice3A_2208 : vector<1x128xf32> to vector<128x128xf32>
    %add3A_2211 = arith.addf %add3A_2209, %add3A_2210 : vector<128x128xf32>
    %abs3A_2212 = math.absf %add3A_2211 : vector<128x128xf32>
    %mul3A_2213 = vector.broadcast %get3A_2204 : f32 to vector<128x128xf32>
    %mul3A_2214 = arith.mulf %mul3A_2213, %abs3A_2212 : vector<128x128xf32>
    %add3A_2215 = arith.addf %add3A_2174, %mul3A_2214 : vector<128x128xf32>
    %slice3A_2216 = vector.extract_strided_slice %slice3A_2205 {offsets = [0, 0], sizes = [256, 1], strides = [1, 1]} : vector<400x1xf32> to vector<256x1xf32>
    %slice3A_2217 = vector.extract_strided_slice %slice3A_2206 {offsets = [0, 128], sizes = [1, 128], strides = [1, 1]} : vector<1x400xf32> to vector<1x128xf32>
    %add3A_2218 = vector.broadcast %slice3A_2216 : vector<256x1xf32> to vector<256x128xf32>
    %add3A_2219 = vector.broadcast %slice3A_2217 : vector<1x128xf32> to vector<256x128xf32>
    %add3A_2220 = arith.addf %add3A_2218, %add3A_2219 : vector<256x128xf32>
    %abs3A_2221 = math.absf %add3A_2220 : vector<256x128xf32>
    %mul3A_2222 = vector.broadcast %get3A_2204 : f32 to vector<256x128xf32>
    %mul3A_2223 = arith.mulf %mul3A_2222, %abs3A_2221 : vector<256x128xf32>
    %add3A_2224 = arith.addf %add3A_2183, %mul3A_2223 : vector<256x128xf32>
    %slice3A_2225 = vector.extract_strided_slice %slice3A_2205 {offsets = [0, 0], sizes = [384, 1], strides = [1, 1]} : vector<400x1xf32> to vector<384x1xf32>
    %slice3A_2226 = vector.extract_strided_slice %slice3A_2206 {offsets = [0, 256], sizes = [1, 128], strides = [1, 1]} : vector<1x400xf32> to vector<1x128xf32>
    %add3A_2227 = vector.broadcast %slice3A_2225 : vector<384x1xf32> to vector<384x128xf32>
    %add3A_2228 = vector.broadcast %slice3A_2226 : vector<1x128xf32> to vector<384x128xf32>
    %add3A_2229 = arith.addf %add3A_2227, %add3A_2228 : vector<384x128xf32>
    %abs3A_2230 = math.absf %add3A_2229 : vector<384x128xf32>
    %mul3A_2231 = vector.broadcast %get3A_2204 : f32 to vector<384x128xf32>
    %mul3A_2232 = arith.mulf %mul3A_2231, %abs3A_2230 : vector<384x128xf32>
    %add3A_2233 = arith.addf %add3A_2192, %mul3A_2232 : vector<384x128xf32>
    %slice3A_2234 = vector.extract_strided_slice %slice3A_2206 {offsets = [0, 384], sizes = [1, 16], strides = [1, 1]} : vector<1x400xf32> to vector<1x16xf32>
    %add3A_2235 = vector.broadcast %slice3A_2205 : vector<400x1xf32> to vector<400x16xf32>
    %add3A_2236 = vector.broadcast %slice3A_2234 : vector<1x16xf32> to vector<400x16xf32>
    %add3A_2237 = arith.addf %add3A_2235, %add3A_2236 : vector<400x16xf32>
    %abs3A_2238 = math.absf %add3A_2237 : vector<400x16xf32>
    %mul3A_2239 = vector.broadcast %get3A_2204 : f32 to vector<400x16xf32>
    %mul3A_2240 = arith.mulf %mul3A_2239, %abs3A_2238 : vector<400x16xf32>
    %add3A_2241 = arith.addf %add3A_2200, %mul3A_2240 : vector<400x16xf32>
    %get3A_2242 = arith.constant 0 : index
    %get3A_2243 = arith.constant 52 : index
    %get3A_2244 = vector.load %arg6[%get3A_2242, %get3A_2243] : memref<1x64xf32, #tpu.memory_space<vmem>>, vector<1x1xf32>
    %get3A_2245 = vector.extract %get3A_2244[0, 0] : f32 from vector<1x1xf32>
    %slice3A_2246 = vector.extract_strided_slice %add3A_77 {offsets = [0, 52], sizes = [400, 1], strides = [1, 1]} : vector<400x64xf32> to vector<400x1xf32>
    %slice3A_2247 = vector.extract_strided_slice %transpose3A {offsets = [52, 0], sizes = [1, 400], strides = [1, 1]} : vector<64x400xf32> to vector<1x400xf32>
    %slice3A_2248 = vector.extract_strided_slice %slice3A_2246 {offsets = [0, 0], sizes = [128, 1], strides = [1, 1]} : vector<400x1xf32> to vector<128x1xf32>
    %slice3A_2249 = vector.extract_strided_slice %slice3A_2247 {offsets = [0, 0], sizes = [1, 128], strides = [1, 1]} : vector<1x400xf32> to vector<1x128xf32>
    %add3A_2250 = vector.broadcast %slice3A_2248 : vector<128x1xf32> to vector<128x128xf32>
    %add3A_2251 = vector.broadcast %slice3A_2249 : vector<1x128xf32> to vector<128x128xf32>
    %add3A_2252 = arith.addf %add3A_2250, %add3A_2251 : vector<128x128xf32>
    %abs3A_2253 = math.absf %add3A_2252 : vector<128x128xf32>
    %mul3A_2254 = vector.broadcast %get3A_2245 : f32 to vector<128x128xf32>
    %mul3A_2255 = arith.mulf %mul3A_2254, %abs3A_2253 : vector<128x128xf32>
    %add3A_2256 = arith.addf %add3A_2215, %mul3A_2255 : vector<128x128xf32>
    %slice3A_2257 = vector.extract_strided_slice %slice3A_2246 {offsets = [0, 0], sizes = [256, 1], strides = [1, 1]} : vector<400x1xf32> to vector<256x1xf32>
    %slice3A_2258 = vector.extract_strided_slice %slice3A_2247 {offsets = [0, 128], sizes = [1, 128], strides = [1, 1]} : vector<1x400xf32> to vector<1x128xf32>
    %add3A_2259 = vector.broadcast %slice3A_2257 : vector<256x1xf32> to vector<256x128xf32>
    %add3A_2260 = vector.broadcast %slice3A_2258 : vector<1x128xf32> to vector<256x128xf32>
    %add3A_2261 = arith.addf %add3A_2259, %add3A_2260 : vector<256x128xf32>
    %abs3A_2262 = math.absf %add3A_2261 : vector<256x128xf32>
    %mul3A_2263 = vector.broadcast %get3A_2245 : f32 to vector<256x128xf32>
    %mul3A_2264 = arith.mulf %mul3A_2263, %abs3A_2262 : vector<256x128xf32>
    %add3A_2265 = arith.addf %add3A_2224, %mul3A_2264 : vector<256x128xf32>
    %slice3A_2266 = vector.extract_strided_slice %slice3A_2246 {offsets = [0, 0], sizes = [384, 1], strides = [1, 1]} : vector<400x1xf32> to vector<384x1xf32>
    %slice3A_2267 = vector.extract_strided_slice %slice3A_2247 {offsets = [0, 256], sizes = [1, 128], strides = [1, 1]} : vector<1x400xf32> to vector<1x128xf32>
    %add3A_2268 = vector.broadcast %slice3A_2266 : vector<384x1xf32> to vector<384x128xf32>
    %add3A_2269 = vector.broadcast %slice3A_2267 : vector<1x128xf32> to vector<384x128xf32>
    %add3A_2270 = arith.addf %add3A_2268, %add3A_2269 : vector<384x128xf32>
    %abs3A_2271 = math.absf %add3A_2270 : vector<384x128xf32>
    %mul3A_2272 = vector.broadcast %get3A_2245 : f32 to vector<384x128xf32>
    %mul3A_2273 = arith.mulf %mul3A_2272, %abs3A_2271 : vector<384x128xf32>
    %add3A_2274 = arith.addf %add3A_2233, %mul3A_2273 : vector<384x128xf32>
    %slice3A_2275 = vector.extract_strided_slice %slice3A_2247 {offsets = [0, 384], sizes = [1, 16], strides = [1, 1]} : vector<1x400xf32> to vector<1x16xf32>
    %add3A_2276 = vector.broadcast %slice3A_2246 : vector<400x1xf32> to vector<400x16xf32>
    %add3A_2277 = vector.broadcast %slice3A_2275 : vector<1x16xf32> to vector<400x16xf32>
    %add3A_2278 = arith.addf %add3A_2276, %add3A_2277 : vector<400x16xf32>
    %abs3A_2279 = math.absf %add3A_2278 : vector<400x16xf32>
    %mul3A_2280 = vector.broadcast %get3A_2245 : f32 to vector<400x16xf32>
    %mul3A_2281 = arith.mulf %mul3A_2280, %abs3A_2279 : vector<400x16xf32>
    %add3A_2282 = arith.addf %add3A_2241, %mul3A_2281 : vector<400x16xf32>
    %get3A_2283 = arith.constant 0 : index
    %get3A_2284 = arith.constant 53 : index
    %get3A_2285 = vector.load %arg6[%get3A_2283, %get3A_2284] : memref<1x64xf32, #tpu.memory_space<vmem>>, vector<1x1xf32>
    %get3A_2286 = vector.extract %get3A_2285[0, 0] : f32 from vector<1x1xf32>
    %slice3A_2287 = vector.extract_strided_slice %add3A_77 {offsets = [0, 53], sizes = [400, 1], strides = [1, 1]} : vector<400x64xf32> to vector<400x1xf32>
    %slice3A_2288 = vector.extract_strided_slice %transpose3A {offsets = [53, 0], sizes = [1, 400], strides = [1, 1]} : vector<64x400xf32> to vector<1x400xf32>
    %slice3A_2289 = vector.extract_strided_slice %slice3A_2287 {offsets = [0, 0], sizes = [128, 1], strides = [1, 1]} : vector<400x1xf32> to vector<128x1xf32>
    %slice3A_2290 = vector.extract_strided_slice %slice3A_2288 {offsets = [0, 0], sizes = [1, 128], strides = [1, 1]} : vector<1x400xf32> to vector<1x128xf32>
    %add3A_2291 = vector.broadcast %slice3A_2289 : vector<128x1xf32> to vector<128x128xf32>
    %add3A_2292 = vector.broadcast %slice3A_2290 : vector<1x128xf32> to vector<128x128xf32>
    %add3A_2293 = arith.addf %add3A_2291, %add3A_2292 : vector<128x128xf32>
    %abs3A_2294 = math.absf %add3A_2293 : vector<128x128xf32>
    %mul3A_2295 = vector.broadcast %get3A_2286 : f32 to vector<128x128xf32>
    %mul3A_2296 = arith.mulf %mul3A_2295, %abs3A_2294 : vector<128x128xf32>
    %add3A_2297 = arith.addf %add3A_2256, %mul3A_2296 : vector<128x128xf32>
    %slice3A_2298 = vector.extract_strided_slice %slice3A_2287 {offsets = [0, 0], sizes = [256, 1], strides = [1, 1]} : vector<400x1xf32> to vector<256x1xf32>
    %slice3A_2299 = vector.extract_strided_slice %slice3A_2288 {offsets = [0, 128], sizes = [1, 128], strides = [1, 1]} : vector<1x400xf32> to vector<1x128xf32>
    %add3A_2300 = vector.broadcast %slice3A_2298 : vector<256x1xf32> to vector<256x128xf32>
    %add3A_2301 = vector.broadcast %slice3A_2299 : vector<1x128xf32> to vector<256x128xf32>
    %add3A_2302 = arith.addf %add3A_2300, %add3A_2301 : vector<256x128xf32>
    %abs3A_2303 = math.absf %add3A_2302 : vector<256x128xf32>
    %mul3A_2304 = vector.broadcast %get3A_2286 : f32 to vector<256x128xf32>
    %mul3A_2305 = arith.mulf %mul3A_2304, %abs3A_2303 : vector<256x128xf32>
    %add3A_2306 = arith.addf %add3A_2265, %mul3A_2305 : vector<256x128xf32>
    %slice3A_2307 = vector.extract_strided_slice %slice3A_2287 {offsets = [0, 0], sizes = [384, 1], strides = [1, 1]} : vector<400x1xf32> to vector<384x1xf32>
    %slice3A_2308 = vector.extract_strided_slice %slice3A_2288 {offsets = [0, 256], sizes = [1, 128], strides = [1, 1]} : vector<1x400xf32> to vector<1x128xf32>
    %add3A_2309 = vector.broadcast %slice3A_2307 : vector<384x1xf32> to vector<384x128xf32>
    %add3A_2310 = vector.broadcast %slice3A_2308 : vector<1x128xf32> to vector<384x128xf32>
    %add3A_2311 = arith.addf %add3A_2309, %add3A_2310 : vector<384x128xf32>
    %abs3A_2312 = math.absf %add3A_2311 : vector<384x128xf32>
    %mul3A_2313 = vector.broadcast %get3A_2286 : f32 to vector<384x128xf32>
    %mul3A_2314 = arith.mulf %mul3A_2313, %abs3A_2312 : vector<384x128xf32>
    %add3A_2315 = arith.addf %add3A_2274, %mul3A_2314 : vector<384x128xf32>
    %slice3A_2316 = vector.extract_strided_slice %slice3A_2288 {offsets = [0, 384], sizes = [1, 16], strides = [1, 1]} : vector<1x400xf32> to vector<1x16xf32>
    %add3A_2317 = vector.broadcast %slice3A_2287 : vector<400x1xf32> to vector<400x16xf32>
    %add3A_2318 = vector.broadcast %slice3A_2316 : vector<1x16xf32> to vector<400x16xf32>
    %add3A_2319 = arith.addf %add3A_2317, %add3A_2318 : vector<400x16xf32>
    %abs3A_2320 = math.absf %add3A_2319 : vector<400x16xf32>
    %mul3A_2321 = vector.broadcast %get3A_2286 : f32 to vector<400x16xf32>
    %mul3A_2322 = arith.mulf %mul3A_2321, %abs3A_2320 : vector<400x16xf32>
    %add3A_2323 = arith.addf %add3A_2282, %mul3A_2322 : vector<400x16xf32>
    %get3A_2324 = arith.constant 0 : index
    %get3A_2325 = arith.constant 54 : index
    %get3A_2326 = vector.load %arg6[%get3A_2324, %get3A_2325] : memref<1x64xf32, #tpu.memory_space<vmem>>, vector<1x1xf32>
    %get3A_2327 = vector.extract %get3A_2326[0, 0] : f32 from vector<1x1xf32>
    %slice3A_2328 = vector.extract_strided_slice %add3A_77 {offsets = [0, 54], sizes = [400, 1], strides = [1, 1]} : vector<400x64xf32> to vector<400x1xf32>
    %slice3A_2329 = vector.extract_strided_slice %transpose3A {offsets = [54, 0], sizes = [1, 400], strides = [1, 1]} : vector<64x400xf32> to vector<1x400xf32>
    %slice3A_2330 = vector.extract_strided_slice %slice3A_2328 {offsets = [0, 0], sizes = [128, 1], strides = [1, 1]} : vector<400x1xf32> to vector<128x1xf32>
    %slice3A_2331 = vector.extract_strided_slice %slice3A_2329 {offsets = [0, 0], sizes = [1, 128], strides = [1, 1]} : vector<1x400xf32> to vector<1x128xf32>
    %add3A_2332 = vector.broadcast %slice3A_2330 : vector<128x1xf32> to vector<128x128xf32>
    %add3A_2333 = vector.broadcast %slice3A_2331 : vector<1x128xf32> to vector<128x128xf32>
    %add3A_2334 = arith.addf %add3A_2332, %add3A_2333 : vector<128x128xf32>
    %abs3A_2335 = math.absf %add3A_2334 : vector<128x128xf32>
    %mul3A_2336 = vector.broadcast %get3A_2327 : f32 to vector<128x128xf32>
    %mul3A_2337 = arith.mulf %mul3A_2336, %abs3A_2335 : vector<128x128xf32>
    %add3A_2338 = arith.addf %add3A_2297, %mul3A_2337 : vector<128x128xf32>
    %slice3A_2339 = vector.extract_strided_slice %slice3A_2328 {offsets = [0, 0], sizes = [256, 1], strides = [1, 1]} : vector<400x1xf32> to vector<256x1xf32>
    %slice3A_2340 = vector.extract_strided_slice %slice3A_2329 {offsets = [0, 128], sizes = [1, 128], strides = [1, 1]} : vector<1x400xf32> to vector<1x128xf32>
    %add3A_2341 = vector.broadcast %slice3A_2339 : vector<256x1xf32> to vector<256x128xf32>
    %add3A_2342 = vector.broadcast %slice3A_2340 : vector<1x128xf32> to vector<256x128xf32>
    %add3A_2343 = arith.addf %add3A_2341, %add3A_2342 : vector<256x128xf32>
    %abs3A_2344 = math.absf %add3A_2343 : vector<256x128xf32>
    %mul3A_2345 = vector.broadcast %get3A_2327 : f32 to vector<256x128xf32>
    %mul3A_2346 = arith.mulf %mul3A_2345, %abs3A_2344 : vector<256x128xf32>
    %add3A_2347 = arith.addf %add3A_2306, %mul3A_2346 : vector<256x128xf32>
    %slice3A_2348 = vector.extract_strided_slice %slice3A_2328 {offsets = [0, 0], sizes = [384, 1], strides = [1, 1]} : vector<400x1xf32> to vector<384x1xf32>
    %slice3A_2349 = vector.extract_strided_slice %slice3A_2329 {offsets = [0, 256], sizes = [1, 128], strides = [1, 1]} : vector<1x400xf32> to vector<1x128xf32>
    %add3A_2350 = vector.broadcast %slice3A_2348 : vector<384x1xf32> to vector<384x128xf32>
    %add3A_2351 = vector.broadcast %slice3A_2349 : vector<1x128xf32> to vector<384x128xf32>
    %add3A_2352 = arith.addf %add3A_2350, %add3A_2351 : vector<384x128xf32>
    %abs3A_2353 = math.absf %add3A_2352 : vector<384x128xf32>
    %mul3A_2354 = vector.broadcast %get3A_2327 : f32 to vector<384x128xf32>
    %mul3A_2355 = arith.mulf %mul3A_2354, %abs3A_2353 : vector<384x128xf32>
    %add3A_2356 = arith.addf %add3A_2315, %mul3A_2355 : vector<384x128xf32>
    %slice3A_2357 = vector.extract_strided_slice %slice3A_2329 {offsets = [0, 384], sizes = [1, 16], strides = [1, 1]} : vector<1x400xf32> to vector<1x16xf32>
    %add3A_2358 = vector.broadcast %slice3A_2328 : vector<400x1xf32> to vector<400x16xf32>
    %add3A_2359 = vector.broadcast %slice3A_2357 : vector<1x16xf32> to vector<400x16xf32>
    %add3A_2360 = arith.addf %add3A_2358, %add3A_2359 : vector<400x16xf32>
    %abs3A_2361 = math.absf %add3A_2360 : vector<400x16xf32>
    %mul3A_2362 = vector.broadcast %get3A_2327 : f32 to vector<400x16xf32>
    %mul3A_2363 = arith.mulf %mul3A_2362, %abs3A_2361 : vector<400x16xf32>
    %add3A_2364 = arith.addf %add3A_2323, %mul3A_2363 : vector<400x16xf32>
    %get3A_2365 = arith.constant 0 : index
    %get3A_2366 = arith.constant 55 : index
    %get3A_2367 = vector.load %arg6[%get3A_2365, %get3A_2366] : memref<1x64xf32, #tpu.memory_space<vmem>>, vector<1x1xf32>
    %get3A_2368 = vector.extract %get3A_2367[0, 0] : f32 from vector<1x1xf32>
    %slice3A_2369 = vector.extract_strided_slice %add3A_77 {offsets = [0, 55], sizes = [400, 1], strides = [1, 1]} : vector<400x64xf32> to vector<400x1xf32>
    %slice3A_2370 = vector.extract_strided_slice %transpose3A {offsets = [55, 0], sizes = [1, 400], strides = [1, 1]} : vector<64x400xf32> to vector<1x400xf32>
    %slice3A_2371 = vector.extract_strided_slice %slice3A_2369 {offsets = [0, 0], sizes = [128, 1], strides = [1, 1]} : vector<400x1xf32> to vector<128x1xf32>
    %slice3A_2372 = vector.extract_strided_slice %slice3A_2370 {offsets = [0, 0], sizes = [1, 128], strides = [1, 1]} : vector<1x400xf32> to vector<1x128xf32>
    %add3A_2373 = vector.broadcast %slice3A_2371 : vector<128x1xf32> to vector<128x128xf32>
    %add3A_2374 = vector.broadcast %slice3A_2372 : vector<1x128xf32> to vector<128x128xf32>
    %add3A_2375 = arith.addf %add3A_2373, %add3A_2374 : vector<128x128xf32>
    %abs3A_2376 = math.absf %add3A_2375 : vector<128x128xf32>
    %mul3A_2377 = vector.broadcast %get3A_2368 : f32 to vector<128x128xf32>
    %mul3A_2378 = arith.mulf %mul3A_2377, %abs3A_2376 : vector<128x128xf32>
    %add3A_2379 = arith.addf %add3A_2338, %mul3A_2378 : vector<128x128xf32>
    %slice3A_2380 = vector.extract_strided_slice %slice3A_2369 {offsets = [0, 0], sizes = [256, 1], strides = [1, 1]} : vector<400x1xf32> to vector<256x1xf32>
    %slice3A_2381 = vector.extract_strided_slice %slice3A_2370 {offsets = [0, 128], sizes = [1, 128], strides = [1, 1]} : vector<1x400xf32> to vector<1x128xf32>
    %add3A_2382 = vector.broadcast %slice3A_2380 : vector<256x1xf32> to vector<256x128xf32>
    %add3A_2383 = vector.broadcast %slice3A_2381 : vector<1x128xf32> to vector<256x128xf32>
    %add3A_2384 = arith.addf %add3A_2382, %add3A_2383 : vector<256x128xf32>
    %abs3A_2385 = math.absf %add3A_2384 : vector<256x128xf32>
    %mul3A_2386 = vector.broadcast %get3A_2368 : f32 to vector<256x128xf32>
    %mul3A_2387 = arith.mulf %mul3A_2386, %abs3A_2385 : vector<256x128xf32>
    %add3A_2388 = arith.addf %add3A_2347, %mul3A_2387 : vector<256x128xf32>
    %slice3A_2389 = vector.extract_strided_slice %slice3A_2369 {offsets = [0, 0], sizes = [384, 1], strides = [1, 1]} : vector<400x1xf32> to vector<384x1xf32>
    %slice3A_2390 = vector.extract_strided_slice %slice3A_2370 {offsets = [0, 256], sizes = [1, 128], strides = [1, 1]} : vector<1x400xf32> to vector<1x128xf32>
    %add3A_2391 = vector.broadcast %slice3A_2389 : vector<384x1xf32> to vector<384x128xf32>
    %add3A_2392 = vector.broadcast %slice3A_2390 : vector<1x128xf32> to vector<384x128xf32>
    %add3A_2393 = arith.addf %add3A_2391, %add3A_2392 : vector<384x128xf32>
    %abs3A_2394 = math.absf %add3A_2393 : vector<384x128xf32>
    %mul3A_2395 = vector.broadcast %get3A_2368 : f32 to vector<384x128xf32>
    %mul3A_2396 = arith.mulf %mul3A_2395, %abs3A_2394 : vector<384x128xf32>
    %add3A_2397 = arith.addf %add3A_2356, %mul3A_2396 : vector<384x128xf32>
    %slice3A_2398 = vector.extract_strided_slice %slice3A_2370 {offsets = [0, 384], sizes = [1, 16], strides = [1, 1]} : vector<1x400xf32> to vector<1x16xf32>
    %add3A_2399 = vector.broadcast %slice3A_2369 : vector<400x1xf32> to vector<400x16xf32>
    %add3A_2400 = vector.broadcast %slice3A_2398 : vector<1x16xf32> to vector<400x16xf32>
    %add3A_2401 = arith.addf %add3A_2399, %add3A_2400 : vector<400x16xf32>
    %abs3A_2402 = math.absf %add3A_2401 : vector<400x16xf32>
    %mul3A_2403 = vector.broadcast %get3A_2368 : f32 to vector<400x16xf32>
    %mul3A_2404 = arith.mulf %mul3A_2403, %abs3A_2402 : vector<400x16xf32>
    %add3A_2405 = arith.addf %add3A_2364, %mul3A_2404 : vector<400x16xf32>
    %get3A_2406 = arith.constant 0 : index
    %get3A_2407 = arith.constant 56 : index
    %get3A_2408 = vector.load %arg6[%get3A_2406, %get3A_2407] : memref<1x64xf32, #tpu.memory_space<vmem>>, vector<1x1xf32>
    %get3A_2409 = vector.extract %get3A_2408[0, 0] : f32 from vector<1x1xf32>
    %slice3A_2410 = vector.extract_strided_slice %add3A_77 {offsets = [0, 56], sizes = [400, 1], strides = [1, 1]} : vector<400x64xf32> to vector<400x1xf32>
    %slice3A_2411 = vector.extract_strided_slice %transpose3A {offsets = [56, 0], sizes = [1, 400], strides = [1, 1]} : vector<64x400xf32> to vector<1x400xf32>
    %slice3A_2412 = vector.extract_strided_slice %slice3A_2410 {offsets = [0, 0], sizes = [128, 1], strides = [1, 1]} : vector<400x1xf32> to vector<128x1xf32>
    %slice3A_2413 = vector.extract_strided_slice %slice3A_2411 {offsets = [0, 0], sizes = [1, 128], strides = [1, 1]} : vector<1x400xf32> to vector<1x128xf32>
    %add3A_2414 = vector.broadcast %slice3A_2412 : vector<128x1xf32> to vector<128x128xf32>
    %add3A_2415 = vector.broadcast %slice3A_2413 : vector<1x128xf32> to vector<128x128xf32>
    %add3A_2416 = arith.addf %add3A_2414, %add3A_2415 : vector<128x128xf32>
    %abs3A_2417 = math.absf %add3A_2416 : vector<128x128xf32>
    %mul3A_2418 = vector.broadcast %get3A_2409 : f32 to vector<128x128xf32>
    %mul3A_2419 = arith.mulf %mul3A_2418, %abs3A_2417 : vector<128x128xf32>
    %add3A_2420 = arith.addf %add3A_2379, %mul3A_2419 : vector<128x128xf32>
    %slice3A_2421 = vector.extract_strided_slice %slice3A_2410 {offsets = [0, 0], sizes = [256, 1], strides = [1, 1]} : vector<400x1xf32> to vector<256x1xf32>
    %slice3A_2422 = vector.extract_strided_slice %slice3A_2411 {offsets = [0, 128], sizes = [1, 128], strides = [1, 1]} : vector<1x400xf32> to vector<1x128xf32>
    %add3A_2423 = vector.broadcast %slice3A_2421 : vector<256x1xf32> to vector<256x128xf32>
    %add3A_2424 = vector.broadcast %slice3A_2422 : vector<1x128xf32> to vector<256x128xf32>
    %add3A_2425 = arith.addf %add3A_2423, %add3A_2424 : vector<256x128xf32>
    %abs3A_2426 = math.absf %add3A_2425 : vector<256x128xf32>
    %mul3A_2427 = vector.broadcast %get3A_2409 : f32 to vector<256x128xf32>
    %mul3A_2428 = arith.mulf %mul3A_2427, %abs3A_2426 : vector<256x128xf32>
    %add3A_2429 = arith.addf %add3A_2388, %mul3A_2428 : vector<256x128xf32>
    %slice3A_2430 = vector.extract_strided_slice %slice3A_2410 {offsets = [0, 0], sizes = [384, 1], strides = [1, 1]} : vector<400x1xf32> to vector<384x1xf32>
    %slice3A_2431 = vector.extract_strided_slice %slice3A_2411 {offsets = [0, 256], sizes = [1, 128], strides = [1, 1]} : vector<1x400xf32> to vector<1x128xf32>
    %add3A_2432 = vector.broadcast %slice3A_2430 : vector<384x1xf32> to vector<384x128xf32>
    %add3A_2433 = vector.broadcast %slice3A_2431 : vector<1x128xf32> to vector<384x128xf32>
    %add3A_2434 = arith.addf %add3A_2432, %add3A_2433 : vector<384x128xf32>
    %abs3A_2435 = math.absf %add3A_2434 : vector<384x128xf32>
    %mul3A_2436 = vector.broadcast %get3A_2409 : f32 to vector<384x128xf32>
    %mul3A_2437 = arith.mulf %mul3A_2436, %abs3A_2435 : vector<384x128xf32>
    %add3A_2438 = arith.addf %add3A_2397, %mul3A_2437 : vector<384x128xf32>
    %slice3A_2439 = vector.extract_strided_slice %slice3A_2411 {offsets = [0, 384], sizes = [1, 16], strides = [1, 1]} : vector<1x400xf32> to vector<1x16xf32>
    %add3A_2440 = vector.broadcast %slice3A_2410 : vector<400x1xf32> to vector<400x16xf32>
    %add3A_2441 = vector.broadcast %slice3A_2439 : vector<1x16xf32> to vector<400x16xf32>
    %add3A_2442 = arith.addf %add3A_2440, %add3A_2441 : vector<400x16xf32>
    %abs3A_2443 = math.absf %add3A_2442 : vector<400x16xf32>
    %mul3A_2444 = vector.broadcast %get3A_2409 : f32 to vector<400x16xf32>
    %mul3A_2445 = arith.mulf %mul3A_2444, %abs3A_2443 : vector<400x16xf32>
    %add3A_2446 = arith.addf %add3A_2405, %mul3A_2445 : vector<400x16xf32>
    %get3A_2447 = arith.constant 0 : index
    %get3A_2448 = arith.constant 57 : index
    %get3A_2449 = vector.load %arg6[%get3A_2447, %get3A_2448] : memref<1x64xf32, #tpu.memory_space<vmem>>, vector<1x1xf32>
    %get3A_2450 = vector.extract %get3A_2449[0, 0] : f32 from vector<1x1xf32>
    %slice3A_2451 = vector.extract_strided_slice %add3A_77 {offsets = [0, 57], sizes = [400, 1], strides = [1, 1]} : vector<400x64xf32> to vector<400x1xf32>
    %slice3A_2452 = vector.extract_strided_slice %transpose3A {offsets = [57, 0], sizes = [1, 400], strides = [1, 1]} : vector<64x400xf32> to vector<1x400xf32>
    %slice3A_2453 = vector.extract_strided_slice %slice3A_2451 {offsets = [0, 0], sizes = [128, 1], strides = [1, 1]} : vector<400x1xf32> to vector<128x1xf32>
    %slice3A_2454 = vector.extract_strided_slice %slice3A_2452 {offsets = [0, 0], sizes = [1, 128], strides = [1, 1]} : vector<1x400xf32> to vector<1x128xf32>
    %add3A_2455 = vector.broadcast %slice3A_2453 : vector<128x1xf32> to vector<128x128xf32>
    %add3A_2456 = vector.broadcast %slice3A_2454 : vector<1x128xf32> to vector<128x128xf32>
    %add3A_2457 = arith.addf %add3A_2455, %add3A_2456 : vector<128x128xf32>
    %abs3A_2458 = math.absf %add3A_2457 : vector<128x128xf32>
    %mul3A_2459 = vector.broadcast %get3A_2450 : f32 to vector<128x128xf32>
    %mul3A_2460 = arith.mulf %mul3A_2459, %abs3A_2458 : vector<128x128xf32>
    %add3A_2461 = arith.addf %add3A_2420, %mul3A_2460 : vector<128x128xf32>
    %slice3A_2462 = vector.extract_strided_slice %slice3A_2451 {offsets = [0, 0], sizes = [256, 1], strides = [1, 1]} : vector<400x1xf32> to vector<256x1xf32>
    %slice3A_2463 = vector.extract_strided_slice %slice3A_2452 {offsets = [0, 128], sizes = [1, 128], strides = [1, 1]} : vector<1x400xf32> to vector<1x128xf32>
    %add3A_2464 = vector.broadcast %slice3A_2462 : vector<256x1xf32> to vector<256x128xf32>
    %add3A_2465 = vector.broadcast %slice3A_2463 : vector<1x128xf32> to vector<256x128xf32>
    %add3A_2466 = arith.addf %add3A_2464, %add3A_2465 : vector<256x128xf32>
    %abs3A_2467 = math.absf %add3A_2466 : vector<256x128xf32>
    %mul3A_2468 = vector.broadcast %get3A_2450 : f32 to vector<256x128xf32>
    %mul3A_2469 = arith.mulf %mul3A_2468, %abs3A_2467 : vector<256x128xf32>
    %add3A_2470 = arith.addf %add3A_2429, %mul3A_2469 : vector<256x128xf32>
    %slice3A_2471 = vector.extract_strided_slice %slice3A_2451 {offsets = [0, 0], sizes = [384, 1], strides = [1, 1]} : vector<400x1xf32> to vector<384x1xf32>
    %slice3A_2472 = vector.extract_strided_slice %slice3A_2452 {offsets = [0, 256], sizes = [1, 128], strides = [1, 1]} : vector<1x400xf32> to vector<1x128xf32>
    %add3A_2473 = vector.broadcast %slice3A_2471 : vector<384x1xf32> to vector<384x128xf32>
    %add3A_2474 = vector.broadcast %slice3A_2472 : vector<1x128xf32> to vector<384x128xf32>
    %add3A_2475 = arith.addf %add3A_2473, %add3A_2474 : vector<384x128xf32>
    %abs3A_2476 = math.absf %add3A_2475 : vector<384x128xf32>
    %mul3A_2477 = vector.broadcast %get3A_2450 : f32 to vector<384x128xf32>
    %mul3A_2478 = arith.mulf %mul3A_2477, %abs3A_2476 : vector<384x128xf32>
    %add3A_2479 = arith.addf %add3A_2438, %mul3A_2478 : vector<384x128xf32>
    %slice3A_2480 = vector.extract_strided_slice %slice3A_2452 {offsets = [0, 384], sizes = [1, 16], strides = [1, 1]} : vector<1x400xf32> to vector<1x16xf32>
    %add3A_2481 = vector.broadcast %slice3A_2451 : vector<400x1xf32> to vector<400x16xf32>
    %add3A_2482 = vector.broadcast %slice3A_2480 : vector<1x16xf32> to vector<400x16xf32>
    %add3A_2483 = arith.addf %add3A_2481, %add3A_2482 : vector<400x16xf32>
    %abs3A_2484 = math.absf %add3A_2483 : vector<400x16xf32>
    %mul3A_2485 = vector.broadcast %get3A_2450 : f32 to vector<400x16xf32>
    %mul3A_2486 = arith.mulf %mul3A_2485, %abs3A_2484 : vector<400x16xf32>
    %add3A_2487 = arith.addf %add3A_2446, %mul3A_2486 : vector<400x16xf32>
    %get3A_2488 = arith.constant 0 : index
    %get3A_2489 = arith.constant 58 : index
    %get3A_2490 = vector.load %arg6[%get3A_2488, %get3A_2489] : memref<1x64xf32, #tpu.memory_space<vmem>>, vector<1x1xf32>
    %get3A_2491 = vector.extract %get3A_2490[0, 0] : f32 from vector<1x1xf32>
    %slice3A_2492 = vector.extract_strided_slice %add3A_77 {offsets = [0, 58], sizes = [400, 1], strides = [1, 1]} : vector<400x64xf32> to vector<400x1xf32>
    %slice3A_2493 = vector.extract_strided_slice %transpose3A {offsets = [58, 0], sizes = [1, 400], strides = [1, 1]} : vector<64x400xf32> to vector<1x400xf32>
    %slice3A_2494 = vector.extract_strided_slice %slice3A_2492 {offsets = [0, 0], sizes = [128, 1], strides = [1, 1]} : vector<400x1xf32> to vector<128x1xf32>
    %slice3A_2495 = vector.extract_strided_slice %slice3A_2493 {offsets = [0, 0], sizes = [1, 128], strides = [1, 1]} : vector<1x400xf32> to vector<1x128xf32>
    %add3A_2496 = vector.broadcast %slice3A_2494 : vector<128x1xf32> to vector<128x128xf32>
    %add3A_2497 = vector.broadcast %slice3A_2495 : vector<1x128xf32> to vector<128x128xf32>
    %add3A_2498 = arith.addf %add3A_2496, %add3A_2497 : vector<128x128xf32>
    %abs3A_2499 = math.absf %add3A_2498 : vector<128x128xf32>
    %mul3A_2500 = vector.broadcast %get3A_2491 : f32 to vector<128x128xf32>
    %mul3A_2501 = arith.mulf %mul3A_2500, %abs3A_2499 : vector<128x128xf32>
    %add3A_2502 = arith.addf %add3A_2461, %mul3A_2501 : vector<128x128xf32>
    %slice3A_2503 = vector.extract_strided_slice %slice3A_2492 {offsets = [0, 0], sizes = [256, 1], strides = [1, 1]} : vector<400x1xf32> to vector<256x1xf32>
    %slice3A_2504 = vector.extract_strided_slice %slice3A_2493 {offsets = [0, 128], sizes = [1, 128], strides = [1, 1]} : vector<1x400xf32> to vector<1x128xf32>
    %add3A_2505 = vector.broadcast %slice3A_2503 : vector<256x1xf32> to vector<256x128xf32>
    %add3A_2506 = vector.broadcast %slice3A_2504 : vector<1x128xf32> to vector<256x128xf32>
    %add3A_2507 = arith.addf %add3A_2505, %add3A_2506 : vector<256x128xf32>
    %abs3A_2508 = math.absf %add3A_2507 : vector<256x128xf32>
    %mul3A_2509 = vector.broadcast %get3A_2491 : f32 to vector<256x128xf32>
    %mul3A_2510 = arith.mulf %mul3A_2509, %abs3A_2508 : vector<256x128xf32>
    %add3A_2511 = arith.addf %add3A_2470, %mul3A_2510 : vector<256x128xf32>
    %slice3A_2512 = vector.extract_strided_slice %slice3A_2492 {offsets = [0, 0], sizes = [384, 1], strides = [1, 1]} : vector<400x1xf32> to vector<384x1xf32>
    %slice3A_2513 = vector.extract_strided_slice %slice3A_2493 {offsets = [0, 256], sizes = [1, 128], strides = [1, 1]} : vector<1x400xf32> to vector<1x128xf32>
    %add3A_2514 = vector.broadcast %slice3A_2512 : vector<384x1xf32> to vector<384x128xf32>
    %add3A_2515 = vector.broadcast %slice3A_2513 : vector<1x128xf32> to vector<384x128xf32>
    %add3A_2516 = arith.addf %add3A_2514, %add3A_2515 : vector<384x128xf32>
    %abs3A_2517 = math.absf %add3A_2516 : vector<384x128xf32>
    %mul3A_2518 = vector.broadcast %get3A_2491 : f32 to vector<384x128xf32>
    %mul3A_2519 = arith.mulf %mul3A_2518, %abs3A_2517 : vector<384x128xf32>
    %add3A_2520 = arith.addf %add3A_2479, %mul3A_2519 : vector<384x128xf32>
    %slice3A_2521 = vector.extract_strided_slice %slice3A_2493 {offsets = [0, 384], sizes = [1, 16], strides = [1, 1]} : vector<1x400xf32> to vector<1x16xf32>
    %add3A_2522 = vector.broadcast %slice3A_2492 : vector<400x1xf32> to vector<400x16xf32>
    %add3A_2523 = vector.broadcast %slice3A_2521 : vector<1x16xf32> to vector<400x16xf32>
    %add3A_2524 = arith.addf %add3A_2522, %add3A_2523 : vector<400x16xf32>
    %abs3A_2525 = math.absf %add3A_2524 : vector<400x16xf32>
    %mul3A_2526 = vector.broadcast %get3A_2491 : f32 to vector<400x16xf32>
    %mul3A_2527 = arith.mulf %mul3A_2526, %abs3A_2525 : vector<400x16xf32>
    %add3A_2528 = arith.addf %add3A_2487, %mul3A_2527 : vector<400x16xf32>
    %get3A_2529 = arith.constant 0 : index
    %get3A_2530 = arith.constant 59 : index
    %get3A_2531 = vector.load %arg6[%get3A_2529, %get3A_2530] : memref<1x64xf32, #tpu.memory_space<vmem>>, vector<1x1xf32>
    %get3A_2532 = vector.extract %get3A_2531[0, 0] : f32 from vector<1x1xf32>
    %slice3A_2533 = vector.extract_strided_slice %add3A_77 {offsets = [0, 59], sizes = [400, 1], strides = [1, 1]} : vector<400x64xf32> to vector<400x1xf32>
    %slice3A_2534 = vector.extract_strided_slice %transpose3A {offsets = [59, 0], sizes = [1, 400], strides = [1, 1]} : vector<64x400xf32> to vector<1x400xf32>
    %slice3A_2535 = vector.extract_strided_slice %slice3A_2533 {offsets = [0, 0], sizes = [128, 1], strides = [1, 1]} : vector<400x1xf32> to vector<128x1xf32>
    %slice3A_2536 = vector.extract_strided_slice %slice3A_2534 {offsets = [0, 0], sizes = [1, 128], strides = [1, 1]} : vector<1x400xf32> to vector<1x128xf32>
    %add3A_2537 = vector.broadcast %slice3A_2535 : vector<128x1xf32> to vector<128x128xf32>
    %add3A_2538 = vector.broadcast %slice3A_2536 : vector<1x128xf32> to vector<128x128xf32>
    %add3A_2539 = arith.addf %add3A_2537, %add3A_2538 : vector<128x128xf32>
    %abs3A_2540 = math.absf %add3A_2539 : vector<128x128xf32>
    %mul3A_2541 = vector.broadcast %get3A_2532 : f32 to vector<128x128xf32>
    %mul3A_2542 = arith.mulf %mul3A_2541, %abs3A_2540 : vector<128x128xf32>
    %add3A_2543 = arith.addf %add3A_2502, %mul3A_2542 : vector<128x128xf32>
    %slice3A_2544 = vector.extract_strided_slice %slice3A_2533 {offsets = [0, 0], sizes = [256, 1], strides = [1, 1]} : vector<400x1xf32> to vector<256x1xf32>
    %slice3A_2545 = vector.extract_strided_slice %slice3A_2534 {offsets = [0, 128], sizes = [1, 128], strides = [1, 1]} : vector<1x400xf32> to vector<1x128xf32>
    %add3A_2546 = vector.broadcast %slice3A_2544 : vector<256x1xf32> to vector<256x128xf32>
    %add3A_2547 = vector.broadcast %slice3A_2545 : vector<1x128xf32> to vector<256x128xf32>
    %add3A_2548 = arith.addf %add3A_2546, %add3A_2547 : vector<256x128xf32>
    %abs3A_2549 = math.absf %add3A_2548 : vector<256x128xf32>
    %mul3A_2550 = vector.broadcast %get3A_2532 : f32 to vector<256x128xf32>
    %mul3A_2551 = arith.mulf %mul3A_2550, %abs3A_2549 : vector<256x128xf32>
    %add3A_2552 = arith.addf %add3A_2511, %mul3A_2551 : vector<256x128xf32>
    %slice3A_2553 = vector.extract_strided_slice %slice3A_2533 {offsets = [0, 0], sizes = [384, 1], strides = [1, 1]} : vector<400x1xf32> to vector<384x1xf32>
    %slice3A_2554 = vector.extract_strided_slice %slice3A_2534 {offsets = [0, 256], sizes = [1, 128], strides = [1, 1]} : vector<1x400xf32> to vector<1x128xf32>
    %add3A_2555 = vector.broadcast %slice3A_2553 : vector<384x1xf32> to vector<384x128xf32>
    %add3A_2556 = vector.broadcast %slice3A_2554 : vector<1x128xf32> to vector<384x128xf32>
    %add3A_2557 = arith.addf %add3A_2555, %add3A_2556 : vector<384x128xf32>
    %abs3A_2558 = math.absf %add3A_2557 : vector<384x128xf32>
    %mul3A_2559 = vector.broadcast %get3A_2532 : f32 to vector<384x128xf32>
    %mul3A_2560 = arith.mulf %mul3A_2559, %abs3A_2558 : vector<384x128xf32>
    %add3A_2561 = arith.addf %add3A_2520, %mul3A_2560 : vector<384x128xf32>
    %slice3A_2562 = vector.extract_strided_slice %slice3A_2534 {offsets = [0, 384], sizes = [1, 16], strides = [1, 1]} : vector<1x400xf32> to vector<1x16xf32>
    %add3A_2563 = vector.broadcast %slice3A_2533 : vector<400x1xf32> to vector<400x16xf32>
    %add3A_2564 = vector.broadcast %slice3A_2562 : vector<1x16xf32> to vector<400x16xf32>
    %add3A_2565 = arith.addf %add3A_2563, %add3A_2564 : vector<400x16xf32>
    %abs3A_2566 = math.absf %add3A_2565 : vector<400x16xf32>
    %mul3A_2567 = vector.broadcast %get3A_2532 : f32 to vector<400x16xf32>
    %mul3A_2568 = arith.mulf %mul3A_2567, %abs3A_2566 : vector<400x16xf32>
    %add3A_2569 = arith.addf %add3A_2528, %mul3A_2568 : vector<400x16xf32>
    %get3A_2570 = arith.constant 0 : index
    %get3A_2571 = arith.constant 60 : index
    %get3A_2572 = vector.load %arg6[%get3A_2570, %get3A_2571] : memref<1x64xf32, #tpu.memory_space<vmem>>, vector<1x1xf32>
    %get3A_2573 = vector.extract %get3A_2572[0, 0] : f32 from vector<1x1xf32>
    %slice3A_2574 = vector.extract_strided_slice %add3A_77 {offsets = [0, 60], sizes = [400, 1], strides = [1, 1]} : vector<400x64xf32> to vector<400x1xf32>
    %slice3A_2575 = vector.extract_strided_slice %transpose3A {offsets = [60, 0], sizes = [1, 400], strides = [1, 1]} : vector<64x400xf32> to vector<1x400xf32>
    %slice3A_2576 = vector.extract_strided_slice %slice3A_2574 {offsets = [0, 0], sizes = [128, 1], strides = [1, 1]} : vector<400x1xf32> to vector<128x1xf32>
    %slice3A_2577 = vector.extract_strided_slice %slice3A_2575 {offsets = [0, 0], sizes = [1, 128], strides = [1, 1]} : vector<1x400xf32> to vector<1x128xf32>
    %add3A_2578 = vector.broadcast %slice3A_2576 : vector<128x1xf32> to vector<128x128xf32>
    %add3A_2579 = vector.broadcast %slice3A_2577 : vector<1x128xf32> to vector<128x128xf32>
    %add3A_2580 = arith.addf %add3A_2578, %add3A_2579 : vector<128x128xf32>
    %abs3A_2581 = math.absf %add3A_2580 : vector<128x128xf32>
    %mul3A_2582 = vector.broadcast %get3A_2573 : f32 to vector<128x128xf32>
    %mul3A_2583 = arith.mulf %mul3A_2582, %abs3A_2581 : vector<128x128xf32>
    %add3A_2584 = arith.addf %add3A_2543, %mul3A_2583 : vector<128x128xf32>
    %slice3A_2585 = vector.extract_strided_slice %slice3A_2574 {offsets = [0, 0], sizes = [256, 1], strides = [1, 1]} : vector<400x1xf32> to vector<256x1xf32>
    %slice3A_2586 = vector.extract_strided_slice %slice3A_2575 {offsets = [0, 128], sizes = [1, 128], strides = [1, 1]} : vector<1x400xf32> to vector<1x128xf32>
    %add3A_2587 = vector.broadcast %slice3A_2585 : vector<256x1xf32> to vector<256x128xf32>
    %add3A_2588 = vector.broadcast %slice3A_2586 : vector<1x128xf32> to vector<256x128xf32>
    %add3A_2589 = arith.addf %add3A_2587, %add3A_2588 : vector<256x128xf32>
    %abs3A_2590 = math.absf %add3A_2589 : vector<256x128xf32>
    %mul3A_2591 = vector.broadcast %get3A_2573 : f32 to vector<256x128xf32>
    %mul3A_2592 = arith.mulf %mul3A_2591, %abs3A_2590 : vector<256x128xf32>
    %add3A_2593 = arith.addf %add3A_2552, %mul3A_2592 : vector<256x128xf32>
    %slice3A_2594 = vector.extract_strided_slice %slice3A_2574 {offsets = [0, 0], sizes = [384, 1], strides = [1, 1]} : vector<400x1xf32> to vector<384x1xf32>
    %slice3A_2595 = vector.extract_strided_slice %slice3A_2575 {offsets = [0, 256], sizes = [1, 128], strides = [1, 1]} : vector<1x400xf32> to vector<1x128xf32>
    %add3A_2596 = vector.broadcast %slice3A_2594 : vector<384x1xf32> to vector<384x128xf32>
    %add3A_2597 = vector.broadcast %slice3A_2595 : vector<1x128xf32> to vector<384x128xf32>
    %add3A_2598 = arith.addf %add3A_2596, %add3A_2597 : vector<384x128xf32>
    %abs3A_2599 = math.absf %add3A_2598 : vector<384x128xf32>
    %mul3A_2600 = vector.broadcast %get3A_2573 : f32 to vector<384x128xf32>
    %mul3A_2601 = arith.mulf %mul3A_2600, %abs3A_2599 : vector<384x128xf32>
    %add3A_2602 = arith.addf %add3A_2561, %mul3A_2601 : vector<384x128xf32>
    %slice3A_2603 = vector.extract_strided_slice %slice3A_2575 {offsets = [0, 384], sizes = [1, 16], strides = [1, 1]} : vector<1x400xf32> to vector<1x16xf32>
    %add3A_2604 = vector.broadcast %slice3A_2574 : vector<400x1xf32> to vector<400x16xf32>
    %add3A_2605 = vector.broadcast %slice3A_2603 : vector<1x16xf32> to vector<400x16xf32>
    %add3A_2606 = arith.addf %add3A_2604, %add3A_2605 : vector<400x16xf32>
    %abs3A_2607 = math.absf %add3A_2606 : vector<400x16xf32>
    %mul3A_2608 = vector.broadcast %get3A_2573 : f32 to vector<400x16xf32>
    %mul3A_2609 = arith.mulf %mul3A_2608, %abs3A_2607 : vector<400x16xf32>
    %add3A_2610 = arith.addf %add3A_2569, %mul3A_2609 : vector<400x16xf32>
    %get3A_2611 = arith.constant 0 : index
    %get3A_2612 = arith.constant 61 : index
    %get3A_2613 = vector.load %arg6[%get3A_2611, %get3A_2612] : memref<1x64xf32, #tpu.memory_space<vmem>>, vector<1x1xf32>
    %get3A_2614 = vector.extract %get3A_2613[0, 0] : f32 from vector<1x1xf32>
    %slice3A_2615 = vector.extract_strided_slice %add3A_77 {offsets = [0, 61], sizes = [400, 1], strides = [1, 1]} : vector<400x64xf32> to vector<400x1xf32>
    %slice3A_2616 = vector.extract_strided_slice %transpose3A {offsets = [61, 0], sizes = [1, 400], strides = [1, 1]} : vector<64x400xf32> to vector<1x400xf32>
    %slice3A_2617 = vector.extract_strided_slice %slice3A_2615 {offsets = [0, 0], sizes = [128, 1], strides = [1, 1]} : vector<400x1xf32> to vector<128x1xf32>
    %slice3A_2618 = vector.extract_strided_slice %slice3A_2616 {offsets = [0, 0], sizes = [1, 128], strides = [1, 1]} : vector<1x400xf32> to vector<1x128xf32>
    %add3A_2619 = vector.broadcast %slice3A_2617 : vector<128x1xf32> to vector<128x128xf32>
    %add3A_2620 = vector.broadcast %slice3A_2618 : vector<1x128xf32> to vector<128x128xf32>
    %add3A_2621 = arith.addf %add3A_2619, %add3A_2620 : vector<128x128xf32>
    %abs3A_2622 = math.absf %add3A_2621 : vector<128x128xf32>
    %mul3A_2623 = vector.broadcast %get3A_2614 : f32 to vector<128x128xf32>
    %mul3A_2624 = arith.mulf %mul3A_2623, %abs3A_2622 : vector<128x128xf32>
    %add3A_2625 = arith.addf %add3A_2584, %mul3A_2624 : vector<128x128xf32>
    %slice3A_2626 = vector.extract_strided_slice %slice3A_2615 {offsets = [0, 0], sizes = [256, 1], strides = [1, 1]} : vector<400x1xf32> to vector<256x1xf32>
    %slice3A_2627 = vector.extract_strided_slice %slice3A_2616 {offsets = [0, 128], sizes = [1, 128], strides = [1, 1]} : vector<1x400xf32> to vector<1x128xf32>
    %add3A_2628 = vector.broadcast %slice3A_2626 : vector<256x1xf32> to vector<256x128xf32>
    %add3A_2629 = vector.broadcast %slice3A_2627 : vector<1x128xf32> to vector<256x128xf32>
    %add3A_2630 = arith.addf %add3A_2628, %add3A_2629 : vector<256x128xf32>
    %abs3A_2631 = math.absf %add3A_2630 : vector<256x128xf32>
    %mul3A_2632 = vector.broadcast %get3A_2614 : f32 to vector<256x128xf32>
    %mul3A_2633 = arith.mulf %mul3A_2632, %abs3A_2631 : vector<256x128xf32>
    %add3A_2634 = arith.addf %add3A_2593, %mul3A_2633 : vector<256x128xf32>
    %slice3A_2635 = vector.extract_strided_slice %slice3A_2615 {offsets = [0, 0], sizes = [384, 1], strides = [1, 1]} : vector<400x1xf32> to vector<384x1xf32>
    %slice3A_2636 = vector.extract_strided_slice %slice3A_2616 {offsets = [0, 256], sizes = [1, 128], strides = [1, 1]} : vector<1x400xf32> to vector<1x128xf32>
    %add3A_2637 = vector.broadcast %slice3A_2635 : vector<384x1xf32> to vector<384x128xf32>
    %add3A_2638 = vector.broadcast %slice3A_2636 : vector<1x128xf32> to vector<384x128xf32>
    %add3A_2639 = arith.addf %add3A_2637, %add3A_2638 : vector<384x128xf32>
    %abs3A_2640 = math.absf %add3A_2639 : vector<384x128xf32>
    %mul3A_2641 = vector.broadcast %get3A_2614 : f32 to vector<384x128xf32>
    %mul3A_2642 = arith.mulf %mul3A_2641, %abs3A_2640 : vector<384x128xf32>
    %add3A_2643 = arith.addf %add3A_2602, %mul3A_2642 : vector<384x128xf32>
    %slice3A_2644 = vector.extract_strided_slice %slice3A_2616 {offsets = [0, 384], sizes = [1, 16], strides = [1, 1]} : vector<1x400xf32> to vector<1x16xf32>
    %add3A_2645 = vector.broadcast %slice3A_2615 : vector<400x1xf32> to vector<400x16xf32>
    %add3A_2646 = vector.broadcast %slice3A_2644 : vector<1x16xf32> to vector<400x16xf32>
    %add3A_2647 = arith.addf %add3A_2645, %add3A_2646 : vector<400x16xf32>
    %abs3A_2648 = math.absf %add3A_2647 : vector<400x16xf32>
    %mul3A_2649 = vector.broadcast %get3A_2614 : f32 to vector<400x16xf32>
    %mul3A_2650 = arith.mulf %mul3A_2649, %abs3A_2648 : vector<400x16xf32>
    %add3A_2651 = arith.addf %add3A_2610, %mul3A_2650 : vector<400x16xf32>
    %get3A_2652 = arith.constant 0 : index
    %get3A_2653 = arith.constant 62 : index
    %get3A_2654 = vector.load %arg6[%get3A_2652, %get3A_2653] : memref<1x64xf32, #tpu.memory_space<vmem>>, vector<1x1xf32>
    %get3A_2655 = vector.extract %get3A_2654[0, 0] : f32 from vector<1x1xf32>
    %slice3A_2656 = vector.extract_strided_slice %add3A_77 {offsets = [0, 62], sizes = [400, 1], strides = [1, 1]} : vector<400x64xf32> to vector<400x1xf32>
    %slice3A_2657 = vector.extract_strided_slice %transpose3A {offsets = [62, 0], sizes = [1, 400], strides = [1, 1]} : vector<64x400xf32> to vector<1x400xf32>
    %slice3A_2658 = vector.extract_strided_slice %slice3A_2656 {offsets = [0, 0], sizes = [128, 1], strides = [1, 1]} : vector<400x1xf32> to vector<128x1xf32>
    %slice3A_2659 = vector.extract_strided_slice %slice3A_2657 {offsets = [0, 0], sizes = [1, 128], strides = [1, 1]} : vector<1x400xf32> to vector<1x128xf32>
    %add3A_2660 = vector.broadcast %slice3A_2658 : vector<128x1xf32> to vector<128x128xf32>
    %add3A_2661 = vector.broadcast %slice3A_2659 : vector<1x128xf32> to vector<128x128xf32>
    %add3A_2662 = arith.addf %add3A_2660, %add3A_2661 : vector<128x128xf32>
    %abs3A_2663 = math.absf %add3A_2662 : vector<128x128xf32>
    %mul3A_2664 = vector.broadcast %get3A_2655 : f32 to vector<128x128xf32>
    %mul3A_2665 = arith.mulf %mul3A_2664, %abs3A_2663 : vector<128x128xf32>
    %add3A_2666 = arith.addf %add3A_2625, %mul3A_2665 : vector<128x128xf32>
    %slice3A_2667 = vector.extract_strided_slice %slice3A_2656 {offsets = [0, 0], sizes = [256, 1], strides = [1, 1]} : vector<400x1xf32> to vector<256x1xf32>
    %slice3A_2668 = vector.extract_strided_slice %slice3A_2657 {offsets = [0, 128], sizes = [1, 128], strides = [1, 1]} : vector<1x400xf32> to vector<1x128xf32>
    %add3A_2669 = vector.broadcast %slice3A_2667 : vector<256x1xf32> to vector<256x128xf32>
    %add3A_2670 = vector.broadcast %slice3A_2668 : vector<1x128xf32> to vector<256x128xf32>
    %add3A_2671 = arith.addf %add3A_2669, %add3A_2670 : vector<256x128xf32>
    %abs3A_2672 = math.absf %add3A_2671 : vector<256x128xf32>
    %mul3A_2673 = vector.broadcast %get3A_2655 : f32 to vector<256x128xf32>
    %mul3A_2674 = arith.mulf %mul3A_2673, %abs3A_2672 : vector<256x128xf32>
    %add3A_2675 = arith.addf %add3A_2634, %mul3A_2674 : vector<256x128xf32>
    %slice3A_2676 = vector.extract_strided_slice %slice3A_2656 {offsets = [0, 0], sizes = [384, 1], strides = [1, 1]} : vector<400x1xf32> to vector<384x1xf32>
    %slice3A_2677 = vector.extract_strided_slice %slice3A_2657 {offsets = [0, 256], sizes = [1, 128], strides = [1, 1]} : vector<1x400xf32> to vector<1x128xf32>
    %add3A_2678 = vector.broadcast %slice3A_2676 : vector<384x1xf32> to vector<384x128xf32>
    %add3A_2679 = vector.broadcast %slice3A_2677 : vector<1x128xf32> to vector<384x128xf32>
    %add3A_2680 = arith.addf %add3A_2678, %add3A_2679 : vector<384x128xf32>
    %abs3A_2681 = math.absf %add3A_2680 : vector<384x128xf32>
    %mul3A_2682 = vector.broadcast %get3A_2655 : f32 to vector<384x128xf32>
    %mul3A_2683 = arith.mulf %mul3A_2682, %abs3A_2681 : vector<384x128xf32>
    %add3A_2684 = arith.addf %add3A_2643, %mul3A_2683 : vector<384x128xf32>
    %slice3A_2685 = vector.extract_strided_slice %slice3A_2657 {offsets = [0, 384], sizes = [1, 16], strides = [1, 1]} : vector<1x400xf32> to vector<1x16xf32>
    %add3A_2686 = vector.broadcast %slice3A_2656 : vector<400x1xf32> to vector<400x16xf32>
    %add3A_2687 = vector.broadcast %slice3A_2685 : vector<1x16xf32> to vector<400x16xf32>
    %add3A_2688 = arith.addf %add3A_2686, %add3A_2687 : vector<400x16xf32>
    %abs3A_2689 = math.absf %add3A_2688 : vector<400x16xf32>
    %mul3A_2690 = vector.broadcast %get3A_2655 : f32 to vector<400x16xf32>
    %mul3A_2691 = arith.mulf %mul3A_2690, %abs3A_2689 : vector<400x16xf32>
    %add3A_2692 = arith.addf %add3A_2651, %mul3A_2691 : vector<400x16xf32>
    %get3A_2693 = arith.constant 0 : index
    %get3A_2694 = arith.constant 63 : index
    %get3A_2695 = vector.load %arg6[%get3A_2693, %get3A_2694] : memref<1x64xf32, #tpu.memory_space<vmem>>, vector<1x1xf32>
    %get3A_2696 = vector.extract %get3A_2695[0, 0] : f32 from vector<1x1xf32>
    %slice3A_2697 = vector.extract_strided_slice %add3A_77 {offsets = [0, 63], sizes = [400, 1], strides = [1, 1]} : vector<400x64xf32> to vector<400x1xf32>
    %slice3A_2698 = vector.extract_strided_slice %transpose3A {offsets = [63, 0], sizes = [1, 400], strides = [1, 1]} : vector<64x400xf32> to vector<1x400xf32>
    %slice3A_2699 = vector.extract_strided_slice %slice3A_2697 {offsets = [0, 0], sizes = [128, 1], strides = [1, 1]} : vector<400x1xf32> to vector<128x1xf32>
    %slice3A_2700 = vector.extract_strided_slice %slice3A_2698 {offsets = [0, 0], sizes = [1, 128], strides = [1, 1]} : vector<1x400xf32> to vector<1x128xf32>
    %add3A_2701 = vector.broadcast %slice3A_2699 : vector<128x1xf32> to vector<128x128xf32>
    %add3A_2702 = vector.broadcast %slice3A_2700 : vector<1x128xf32> to vector<128x128xf32>
    %add3A_2703 = arith.addf %add3A_2701, %add3A_2702 : vector<128x128xf32>
    %abs3A_2704 = math.absf %add3A_2703 : vector<128x128xf32>
    %mul3A_2705 = vector.broadcast %get3A_2696 : f32 to vector<128x128xf32>
    %mul3A_2706 = arith.mulf %mul3A_2705, %abs3A_2704 : vector<128x128xf32>
    %add3A_2707 = arith.addf %add3A_2666, %mul3A_2706 : vector<128x128xf32>
    %slice3A_2708 = vector.extract_strided_slice %slice3A_2697 {offsets = [0, 0], sizes = [256, 1], strides = [1, 1]} : vector<400x1xf32> to vector<256x1xf32>
    %slice3A_2709 = vector.extract_strided_slice %slice3A_2698 {offsets = [0, 128], sizes = [1, 128], strides = [1, 1]} : vector<1x400xf32> to vector<1x128xf32>
    %add3A_2710 = vector.broadcast %slice3A_2708 : vector<256x1xf32> to vector<256x128xf32>
    %add3A_2711 = vector.broadcast %slice3A_2709 : vector<1x128xf32> to vector<256x128xf32>
    %add3A_2712 = arith.addf %add3A_2710, %add3A_2711 : vector<256x128xf32>
    %abs3A_2713 = math.absf %add3A_2712 : vector<256x128xf32>
    %mul3A_2714 = vector.broadcast %get3A_2696 : f32 to vector<256x128xf32>
    %mul3A_2715 = arith.mulf %mul3A_2714, %abs3A_2713 : vector<256x128xf32>
    %add3A_2716 = arith.addf %add3A_2675, %mul3A_2715 : vector<256x128xf32>
    %slice3A_2717 = vector.extract_strided_slice %slice3A_2697 {offsets = [0, 0], sizes = [384, 1], strides = [1, 1]} : vector<400x1xf32> to vector<384x1xf32>
    %slice3A_2718 = vector.extract_strided_slice %slice3A_2698 {offsets = [0, 256], sizes = [1, 128], strides = [1, 1]} : vector<1x400xf32> to vector<1x128xf32>
    %add3A_2719 = vector.broadcast %slice3A_2717 : vector<384x1xf32> to vector<384x128xf32>
    %add3A_2720 = vector.broadcast %slice3A_2718 : vector<1x128xf32> to vector<384x128xf32>
    %add3A_2721 = arith.addf %add3A_2719, %add3A_2720 : vector<384x128xf32>
    %abs3A_2722 = math.absf %add3A_2721 : vector<384x128xf32>
    %mul3A_2723 = vector.broadcast %get3A_2696 : f32 to vector<384x128xf32>
    %mul3A_2724 = arith.mulf %mul3A_2723, %abs3A_2722 : vector<384x128xf32>
    %add3A_2725 = arith.addf %add3A_2684, %mul3A_2724 : vector<384x128xf32>
    %slice3A_2726 = vector.extract_strided_slice %slice3A_2698 {offsets = [0, 384], sizes = [1, 16], strides = [1, 1]} : vector<1x400xf32> to vector<1x16xf32>
    %add3A_2727 = vector.broadcast %slice3A_2697 : vector<400x1xf32> to vector<400x16xf32>
    %add3A_2728 = vector.broadcast %slice3A_2726 : vector<1x16xf32> to vector<400x16xf32>
    %add3A_2729 = arith.addf %add3A_2727, %add3A_2728 : vector<400x16xf32>
    %abs3A_2730 = math.absf %add3A_2729 : vector<400x16xf32>
    %mul3A_2731 = vector.broadcast %get3A_2696 : f32 to vector<400x16xf32>
    %mul3A_2732 = arith.mulf %mul3A_2731, %abs3A_2730 : vector<400x16xf32>
    %add3A_2733 = arith.addf %add3A_2692, %mul3A_2732 : vector<400x16xf32>
    %slice3A_2734 = vector.extract_strided_slice %add3A_103 {offsets = [0, 0], sizes = [128, 128], strides = [1, 1]} : vector<400x400xf32> to vector<128x128xf32>
    %mul3A_2735 = vector.broadcast %mul3A_89 : f32 to vector<128x128xf32>
    %mul3A_2736 = arith.mulf %mul3A_2735, %add3A_2707 : vector<128x128xf32>
    %add3A_2737 = arith.addf %slice3A_2734, %mul3A_2736 : vector<128x128xf32>
    %swap3A = arith.constant 0 : index
    %swap3A_2738 = arith.constant 0 : index
    %swap3A_2739 = arith.constant 0 : index
    %swap3A_2740 = vector.load %arg11[%swap3A, %swap3A_2738, %swap3A_2739] : memref<1x400x400xf32, #tpu.memory_space<vmem>>, vector<1x128x128xf32>
    %swap3A_2741 = vector.shape_cast %swap3A_2740 : vector<1x128x128xf32> to vector<128x128xf32>
    %swap3A_2742 = vector.shape_cast %add3A_2737 : vector<128x128xf32> to vector<1x128x128xf32>
    tpu.vector_store %arg11[%swap3A, %swap3A_2738, %swap3A_2739], %swap3A_2742 {strides = array<i32>} : memref<1x400x400xf32, #tpu.memory_space<vmem>>, vector<1x128x128xf32>,
    %slice3A_2743 = vector.extract_strided_slice %add3A_103 {offsets = [0, 128], sizes = [256, 128], strides = [1, 1]} : vector<400x400xf32> to vector<256x128xf32>
    %mul3A_2744 = vector.broadcast %mul3A_89 : f32 to vector<256x128xf32>
    %mul3A_2745 = arith.mulf %mul3A_2744, %add3A_2716 : vector<256x128xf32>
    %add3A_2746 = arith.addf %slice3A_2743, %mul3A_2745 : vector<256x128xf32>
    %swap3A_2747 = arith.constant 0 : index
    %swap3A_2748 = arith.constant 0 : index
    %swap3A_2749 = arith.constant 128 : index
    %swap3A_2750 = vector.load %arg11[%swap3A_2747, %swap3A_2748, %swap3A_2749] : memref<1x400x400xf32, #tpu.memory_space<vmem>>, vector<1x256x128xf32>
    %swap3A_2751 = vector.shape_cast %swap3A_2750 : vector<1x256x128xf32> to vector<256x128xf32>
    %swap3A_2752 = vector.shape_cast %add3A_2746 : vector<256x128xf32> to vector<1x256x128xf32>
    tpu.vector_store %arg11[%swap3A_2747, %swap3A_2748, %swap3A_2749], %swap3A_2752 {strides = array<i32>} : memref<1x400x400xf32, #tpu.memory_space<vmem>>, vector<1x256x128xf32>,
    %slice3A_2753 = vector.extract_strided_slice %add3A_103 {offsets = [0, 256], sizes = [384, 128], strides = [1, 1]} : vector<400x400xf32> to vector<384x128xf32>
    %mul3A_2754 = vector.broadcast %mul3A_89 : f32 to vector<384x128xf32>
    %mul3A_2755 = arith.mulf %mul3A_2754, %add3A_2725 : vector<384x128xf32>
    %add3A_2756 = arith.addf %slice3A_2753, %mul3A_2755 : vector<384x128xf32>
    %swap3A_2757 = arith.constant 0 : index
    %swap3A_2758 = arith.constant 0 : index
    %swap3A_2759 = arith.constant 256 : index
    %swap3A_2760 = vector.load %arg11[%swap3A_2757, %swap3A_2758, %swap3A_2759] : memref<1x400x400xf32, #tpu.memory_space<vmem>>, vector<1x384x128xf32>
    %swap3A_2761 = vector.shape_cast %swap3A_2760 : vector<1x384x128xf32> to vector<384x128xf32>
    %swap3A_2762 = vector.shape_cast %add3A_2756 : vector<384x128xf32> to vector<1x384x128xf32>
    tpu.vector_store %arg11[%swap3A_2757, %swap3A_2758, %swap3A_2759], %swap3A_2762 {strides = array<i32>} : memref<1x400x400xf32, #tpu.memory_space<vmem>>, vector<1x384x128xf32>,
    %slice3A_2763 = vector.extract_strided_slice %add3A_103 {offsets = [0, 384], sizes = [400, 16], strides = [1, 1]} : vector<400x400xf32> to vector<400x16xf32>
    %mul3A_2764 = vector.broadcast %mul3A_89 : f32 to vector<400x16xf32>
    %mul3A_2765 = arith.mulf %mul3A_2764, %add3A_2733 : vector<400x16xf32>
    %add3A_2766 = arith.addf %slice3A_2763, %mul3A_2765 : vector<400x16xf32>
    %swap3A_2767 = arith.constant 0 : index
    %swap3A_2768 = arith.constant 0 : index
    %swap3A_2769 = arith.constant 384 : index
    %swap3A_2770 = vector.load %arg11[%swap3A_2767, %swap3A_2768, %swap3A_2769] : memref<1x400x400xf32, #tpu.memory_space<vmem>>, vector<1x400x16xf32>
    %swap3A_2771 = vector.shape_cast %swap3A_2770 : vector<1x400x16xf32> to vector<400x16xf32>
    %swap3A_2772 = vector.shape_cast %add3A_2766 : vector<400x16xf32> to vector<1x400x16xf32>
    tpu.vector_store %arg11[%swap3A_2767, %swap3A_2768, %swap3A_2769], %swap3A_2772 {strides = array<i32>} : memref<1x400x400xf32, #tpu.memory_space<vmem>>, vector<1x400x16xf32>,
    return
  }
  func.func @transform_0(%arg0: i32) -> (i32, i32, i32) {
    %c0_i32 = arith.constant 0 : i32
    %c0_i32_0 = arith.constant 0 : i32
    %c0_i32_1 = arith.constant 0 : i32
    return %arg0, %c0_i32, %c0_i32_0 : i32, i32, i32
  }
  func.func @transform_1(%arg0: i32) -> (i32, i32) {
    %c0_i32 = arith.constant 0 : i32
    %c0_i32_0 = arith.constant 0 : i32
    %c0_i32_1 = arith.constant 0 : i32
    return %c0_i32, %c0_i32_0 : i32, i32
  }
  func.func @transform_2(%arg0: i32) -> (i32, i32) {
    %c0_i32 = arith.constant 0 : i32
    %c0_i32_0 = arith.constant 0 : i32
    %c0_i32_1 = arith.constant 0 : i32
    return %c0_i32, %c0_i32_0 : i32, i32
  }
  func.func @transform_3(%arg0: i32) -> (i32, i32) {
    %c0_i32 = arith.constant 0 : i32
    %c0_i32_0 = arith.constant 0 : i32
    %c0_i32_1 = arith.constant 0 : i32
    return %c0_i32, %c0_i32_0 : i32, i32
  }
  func.func @transform_4(%arg0: i32) -> (i32, i32) {
    %c0_i32 = arith.constant 0 : i32
    %c0_i32_0 = arith.constant 0 : i32
    %c0_i32_1 = arith.constant 0 : i32
    return %c0_i32, %c0_i32_0 : i32, i32
  }
  func.func @transform_5(%arg0: i32) -> (i32, i32) {
    %c0_i32 = arith.constant 0 : i32
    %c0_i32_0 = arith.constant 0 : i32
    %c0_i32_1 = arith.constant 0 : i32
    return %c0_i32, %c0_i32_0 : i32, i32
  }
  func.func @transform_6(%arg0: i32) -> (i32, i32) {
    %c0_i32 = arith.constant 0 : i32
    %c0_i32_0 = arith.constant 0 : i32
    %c0_i32_1 = arith.constant 0 : i32
    return %c0_i32, %c0_i32_0 : i32, i32
  }
  func.func @transform_7(%arg0: i32) -> (i32, i32) {
    %c0_i32 = arith.constant 0 : i32
    %c0_i32_0 = arith.constant 0 : i32
    %c0_i32_1 = arith.constant 0 : i32
    return %c0_i32, %c0_i32_0 : i32, i32
  }
  func.func @transform_8(%arg0: i32) -> (i32, i32) {
    %c0_i32 = arith.constant 0 : i32
    %c0_i32_0 = arith.constant 0 : i32
    %c0_i32_1 = arith.constant 0 : i32
    return %c0_i32, %c0_i32_0 : i32, i32
  }
  func.func @transform_9(%arg0: i32) -> (i32, i32) {
    %c0_i32 = arith.constant 0 : i32
    %c0_i32_0 = arith.constant 0 : i32
    %c0_i32_1 = arith.constant 0 : i32
    return %c0_i32, %c0_i32_0 : i32, i32
  }
  func.func @transform_10(%arg0: i32) -> (i32, i32, i32) {
    %c0_i32 = arith.constant 0 : i32
    %c0_i32_0 = arith.constant 0 : i32
    %c0_i32_1 = arith.constant 0 : i32
    return %arg0, %c0_i32, %c0_i32_0 : i32, i32, i32
  }
}

</mosaic_0001>

<sc_bundles>
// kernel: kernel.5.cloned.1.call-start
scs
__scs_entry_jumppad:
0x0: {  	(pc) =	sbr.rel $0x88, $3  }
0x1: {  	(tag) =	ssettag $0x0;
	lr =	simm.s32 $0x1  }
0x2: {  	[smem:$0x3F95] =	sst lr;
	_ =	strace $0xD0000000  }
0x3: {  	_ = 	snop  }
0x4: {  	_ = 	snop  }
0x5: {  	_ = 	snop  }
0x6: {  	_ = 	snop  }
0x7: {  	_ = 	snop  }
__scs_overlays_trampoline_lowered:
0x8: {  	[smem:$0x3FA4] =	sst s0  }
0x9: {  	[smem:$0x3FA5] =	sst s1  }
0xa: {  	[smem:$0x3FA6] =	sst s2  }
0xb: {  	[smem:$0x3FA7] =	sst s3  }
0xc: {  	[smem:$0x3FA8] =	sst s4  }
0xd: {  	[smem:$0x3FA9] =	sst s5  }
0xe: {  	[smem:$0x3FAA] =	sst s6  }
0xf: {  	[smem:$0x3FAB] =	sst s7  }
0x10: {  	[smem:$0x3FAC] =	sst s8  }
0x11: {  	[smem:$0x3FAD] =	sst s9;
	s0 =	simm.s32 @!p0 $0x0  }
0x12: {  	s1 =	sld [smem:$0x3F93];
	s0 =	simm.s32 @p0 $0x1  }
0x13: {  	[smem:$0x3FAE] =	sst s0;
	s0 =	simm.s32 @!p1 $0x0  }
0x14: {  	s2 =	sld [smem:$0x3F92];
	s0 =	simm.s32 @p1 $0x1  }
0x15: {  	[smem:$0x3FAF] =	sst s0;
	s0 =	simm.s32 @!p2 $0x0  }
0x16: {  	s3 =	sld [smem:$0x3FDB];
	s0 =	simm.s32 @p2 $0x1  }
0x17: {  	s4 =	simm.s32 $0x1BF5;
	[smem:$0x3FB1] =	sst s0  }
0x18: {  	s0 =	sld [smem:$0x3F94];
	_ =	swait.ge [sflag:s4], $0x0  }
0x19: {  	s7 =	sld [smem:$0x3F95]  }
0x1a: {  	s8 =	sadd.s32 $0xFFFFE003, lr  }
0x1b: {  	s9 =	sadd.s32 $0xFFFFFEF7, lr;
	s5 =	simm.s32 $0xFFFFFFFF;
	p2 =	slt.u32 s8, $0xFFFFF086  }
0x1c: {  	p1 =	slt.u32 s9, $0xF7A;
	s5 =	simm.s32 @!p2 $0x0  }
0x1d: {  	s5 =	simm.s32 @p1 $0x1;
	p0 =	seq.s32 s7, s2  }
0x1e: {  	s7 =	smul.u32 @!p0 $0xF7A, s2;
	p2 =	seq.s32 @!p0 s5, $0x0  }
0x1f: {  	s9 =	smul.u32 $0xF7A, s1;
	s8 =	simm.s32 @!p0 $0x1BF5;
	p2 =	por !p2, p0  }
0x20: {  	[sflag:s8] =	ssyncset.s32 @!p0 $0xFFFFF086;
	s6 =	sadd.s32 @!p0 s3, s7;
	s7 =	simm.s32 @!p0 $0x108  }
0x21: {  	s3 =	sadd.s32 s3, s9;
	s6 =	sadd.s32 @!p0 $0x88, s6;
	s7 =	simm.s32 @p2 $0x1082  }
0x22: {  	[simem:s7], [sflag:s8] =	dma.local @!p0 [hbm:s6], $0xF7A  }
0x23: {  	s9 =	sor.u32 $0xD0000000, s2;
	s6 =	simm.s32 $0x108;
	_ =	swait.ge @!p0 [sflag:s8], $0x0  }
0x24: {  	s3 =	sadd.s32 $0x88, s3;
	s6 =	simm.s32 @!p1 $0x1082;
	[sflag:s4] =	ssyncset.s32 $0xFFFFF086  }
0x25: {  	[simem:s6], [sflag:s4] =	dma.local [hbm:s3], $0xF7A  }
0x26: {  	[smem:$0x3F95] =	sst s1;
	(tag) =	ssettag s2;
	_ =	strace s9  }
0x27: {  	s1 =	sld [smem:$0x3FA5]  }
0x28: {  	s2 =	sld [smem:$0x3FA6]  }
0x29: {  	s4 =	sld [smem:$0x3FA8]  }
0x2a: {  	p0 =	seq.s32 s5, $0x0;
	s5 =	sld [smem:$0x3FA9]  }
0x2b: {  	s6 =	sld [smem:$0x3FAA]  }
0x2c: {  	s7 =	sld [smem:$0x3FAB]  }
0x2d: {  	s3 =	simm.s32 $0x108;
	s8 =	sld [smem:$0x3FAC]  }
0x2e: {  	s3 =	simm.s32 @!p0 $0x1082;
	s9 =	sld [smem:$0x3FAD]  }
0x2f: {  	lr =	sadd.s32 s0, s3;
	s0 =	sld [smem:$0x3FA4]  }
0x30: {  	s3 =	sld [smem:$0x3FA7]  }
0x31: {  	[smem:$0x3FB0] =	sst s10  }
0x32: {  	s10 =	sld [smem:$0x3FAE];
	_ =	sdelay $0x3  }
0x33: {  	p0 =	seq.s32 s10, $0x1;
	s10 =	sld [smem:$0x3FB0];
	_ =	sdelay $0x3  }
0x34: {  	[smem:$0x3FB0] =	sst s10  }
0x35: {  	s10 =	sld [smem:$0x3FAF];
	_ =	sdelay $0x3  }
0x36: {  	p1 =	seq.s32 s10, $0x1;
	s10 =	sld [smem:$0x3FB0];
	_ =	sdelay $0x3  }
0x37: {  	[smem:$0x3FB0] =	sst s10  }
0x38: {  	s10 =	sld [smem:$0x3FB1]  }
0x39: {  	_ = 	snop;
	(pc) =	sbr.ind lr, $3  }
0x3a: {  	_ = 	snop  }
0x3b: {  	_ = 	snop  }
0x3c: {  	p2 =	seq.s32 s10, $0x1;
	s10 =	sld [smem:$0x3FB0]  }
0x3d: {  	_ =	shalt  }
0x3e: {  	_ =	shalt  }
0x3f: {  	_ =	shalt  }
0x40: {  	_ =	shalt  }
0x41: {  	_ =	shalt  }
0x42: {  	_ =	shalt  }
0x43: {  	_ =	shalt  }
0x44: {  	_ =	shalt  }
0x45: {  	_ =	shalt  }
0x46: {  	_ =	shalt  }
0x47: {  	_ =	shalt  }
0x48: {  	_ =	shalt  }
0x49: {  	_ =	shalt  }
0x4a: {  	_ =	shalt  }
0x4b: {  	_ =	shalt  }
0x4c: {  	_ =	shalt  }
0x4d: {  	_ =	shalt  }
0x4e: {  	_ =	shalt  }
0x4f: {  	_ =	shalt  }
0x50: {  	_ =	shalt  }
0x51: {  	_ =	shalt  }
0x52: {  	_ =	shalt  }
0x53: {  	_ =	shalt  }
0x54: {  	_ =	shalt  }
0x55: {  	_ =	shalt  }
0x56: {  	_ =	shalt  }
0x57: {  	_ =	shalt  }
0x58: {  	_ =	shalt  }
0x59: {  	_ =	shalt  }
0x5a: {  	_ =	shalt  }
0x5b: {  	_ =	shalt  }
0x5c: {  	_ =	shalt  }
0x5d: {  	_ =	shalt  }
0x5e: {  	_ =	shalt  }
0x5f: {  	_ =	shalt  }
0x60: {  	_ =	shalt  }
0x61: {  	_ =	shalt  }
0x62: {  	_ =	shalt  }
0x63: {  	_ =	shalt  }
0x64: {  	_ =	shalt  }
0x65: {  	_ =	shalt  }
0x66: {  	_ =	shalt  }
0x67: {  	_ =	shalt  }
0x68: {  	_ =	shalt  }
0x69: {  	_ =	shalt  }
0x6a: {  	_ =	shalt  }
0x6b: {  	_ =	shalt  }
0x6c: {  	_ =	shalt  }
0x6d: {  	_ =	shalt  }
0x6e: {  	_ =	shalt  }
0x6f: {  	_ =	shalt  }
0x70: {  	_ =	shalt  }
0x71: {  	_ =	shalt  }
0x72: {  	_ =	shalt  }
0x73: {  	_ =	shalt  }
0x74: {  	_ =	shalt  }
0x75: {  	_ =	shalt  }
0x76: {  	_ =	shalt  }
0x77: {  	_ =	shalt  }
0x78: {  	_ =	shalt  }
0x79: {  	_ =	shalt  }
0x7a: {  	_ =	shalt  }
0x7b: {  	_ =	shalt  }
0x7c: {  	_ =	shalt  }
0x7d: {  	_ =	shalt  }
0x7e: {  	_ =	shalt  }
0x7f: {  	_ =	shalt  }
0x80: {  	_ =	shalt  }
0x81: {  	_ =	shalt  }
0x82: {  	_ =	shalt  }
0x83: {  	_ =	shalt  }
0x84: {  	_ =	shalt  }
0x85: {  	_ =	shalt  }
0x86: {  	_ =	shalt  }
0x87: {  	_ =	shalt  }
.Lfunc_end0:
.L_simem_size_0:
called_computation_lowered:
.L_overlay_start_0:
0x88: {  	s2 =	sld [smem:$0x3FD9]  }
0x89: {  	s3 =	sld [smem:$0x3FFE];
	_ =	sdelay $0x1  }
0x8a: {  	s1 =	srdreg.scid  }
0x8b: {  	s0 =	sand.u32 $0x1, s1  }
0x8c: {  	s17 =	sshll.u32 s0, $0xA;
	s2 =	sadd.s32 s3, s2  }
0x8d: {  	s2 =	sadd.s32 s2, s17  }
0x8e: {  	[smem:$0x3FBC] =	sst s2  }
0x8f: {  	_ = 	snop  }
0x90: {  	s2 =	sld [smem:$0x3FD0];
	(tm) =	ssettm $0x1  }
0x91: {  	s18 =	sld [smem:$0x3FFB];
	_ =	sdelay $0x3  }
0x92: {  	_ =	strace s18  }
0x93: {  	s3 =	sld [smem:$0x3FFC];
	_ =	sdelay $0x3  }
0x94: {  	_ =	strace s3  }
0x95: {  	s3 =	sld [smem:$0x3FFD];
	_ =	sdelay $0x3  }
0x96: {  	_ =	strace s3  }
0x97: {  	_ =	strace $0x8FFFFFFF  }
0x98: {  	s19 =	sld [smem:$0x3FDB];
	_ =	sdelay $0x1  }
0x99: {  	s4 =	simm.s32 $_scs_section_size  }
0x9a: {  	s5 =	simm.s32 $_size__tile_overlayer_lowered;
	s6 =	simm.s32 $_tile_overlayer_lowered  }
0x9b: {  	s22 =	simm.s32 $0x1BFF;
	s21 =	sshll.u32 s6, $0x1;
	s3 =	sadd.s32 s4, s19  }
0x9c: {  	s7 =	simm.s32 $0x0;
	s20 =	sshll.u32 s5, $0x1;
	s5 =	sadd.s32 s21, s3  }
0x9d: {  	[timem:s7], [sflag:s22] =	dma.local [hbm:s5], s20  }
0x9e: {  	_ =	swait.ge [sflag:s22], s20  }
0x9f: {  	s4 =	ssub.s32 $0x0, s20;
	[sflag:s22] =	ssyncset.done $0x0  }
0xa0: {  	[sflag:s22] =	ssyncadd.s32 s4;
	_ =	sdelay $0x1  }
0xa1: {  	s23 =	simm.s32 $0x1B8B  }
0xa2: {  	_ =	swait.ge [sflag:s23], $0x1  }
0xa3: {  	[sflag:s23] =	ssyncset.done $0x0  }
0xa4: {  	s25 =	simm.s32 $0x1B8E;
	s24 =	sld [smem:$0x3FFE];
	[sflag:s23] =	ssyncadd.s32 $0xFFFFFFFF  }
0xa5: {  	s26 =	simm.s32 $execute0_lowered;
	[smem:$0x3FD2] =	sst s25  }
0xa6: {  	s5 =	sshll.u32 s26, $0x1;
	_ =	strace $0x80000046;
	[dreg:$0x1] =	wrdreg $0xFFFFFFFF  }
0xa7: {  	s28 =	simm.s32 $_size_execute0_lowered;
	s3 =	sadd.s32 s3, s5;
	[dreg:$0x0] =	wrdreg $0x0  }
0xa8: {  	s5 =	sshll.u32 s28, $0x1;
	[dreg:$0x2] =	wrdreg s3  }
0xa9: {  	[dreg:$0x3] =	wrdreg s5  }
0xaa: {  	[dreg:$0x4] =	wrdreg $0xC0  }
0xab: {  	_ =	task [dreg:s7], $0x5FFFF  }
0xac: {  	[dreg:$0x1] =	wrdreg $0xFFFFFFFF  }
0xad: {  	[dreg:$0x0] =	wrdreg $0x60  }
0xae: {  	[dreg:$0x2] =	wrdreg s2  }
0xaf: {  	[dreg:$0x3] =	wrdreg s24  }
0xb0: {  	[dreg:$0x4] =	wrdreg $0x9  }
0xb1: {  	_ =	task.clear_ibuf [dreg:s7], $0x5FFFF;
	_ =	strace $0x90000046  }
0xb2: {  	s29 =	simm.s32 $0x9;
	_ =	strace $0x80000048  }
0xb3: {  	_ =	swait.ge [sflag:s29], $0x1  }
0xb4: {  	[sflag:s29] =	ssyncadd.s32 $0xFFFFFFFF  }
0xb5: {  	_ =	strace $0x90000048  }
0xb6: {  	_ =	sfence  }
0xb7: {  	s30 =	sld [smem:$0x0];
	_ =	sdelay $0x2  }
0xb8: {  	s31 =	sshll.u32 s1, $0xD;
	s1 =	sshrl.u32 s1, $0x2  }
0xb9: {  	s3 =	sand.u32 $0x4000, s31;
	s1 =	sadd.s32 s1, s30  }
0xba: {  	s0 =	sor.u32 s3, s0;
	s1 =	sshll.u32 s1, $0x11  }
0xbb: {  	s0 =	sor.u32 s1, s0  }
0xbc: {  	s0 =	sadd.s32 $0x8F2B, s0  }
0xbd: {  	[sflag:s0] =	ssyncadd.remote.s32 $0x1  }
0xbe: {  	_ =	sfence.sel $0xFFFF  }
0xbf: {  	[dreg:$0x0] =	wrdreg $0xFFFFFFFF;
	(pc) =	sbr.abs _section_cstart, $3  }
0xc0: {  	[dreg:$0x1] =	wrdreg $0xFFFFFFFF  }
0xc1: {  	_ =	task.clear_ibuf [dreg:s7], $0x2FFFF;
	_ =	strace $0x9FFFFFFF  }
0xc2: {  	(tm) =	ssettm $0x7FFFFFFF  }
0xc3: {  	_ =	shalt  }
tec
execute0_lowered:
.L_overlay_start_1:
0x0: {  	(tag) =	ssettag $0x1  }
0x1: {  	s5 =	rddreg [dreg:$0x0]  }
0x2: {  	s3 =	rddreg [dreg:$0x1]  }
0x3: {  	s0 =	rddreg [dreg:$0x2];
	s2 =	simm.s32 $0x0;
	s4 =	srdreg.scid  }
0x4: {  	s1 =	stileid.u32;
	s15 =	simm.s32 $0x1;
	s16 =	simm.s32 $0x13800  }
0x5: {  	s17 =	simm.s32 $0x0;
	[smem:$0x7FF] =	sst s2;
	s4 =	sand.u32 $0x1, s4  }
0x6: {  	s6 =	sshrl.u32 s1, $0x1;
	s3 =	sadd.s32 $0x1C00, s3;
	s9 =	sshll.u32 s1, $0x1  }
0x7: {  	_ =	strace $0x80000047;
	s7 =	ssub.s32 $0x2, s4;
	s13 =	smul.u32 $0x32000, s6  }
0x8: {  	s6 =	smul.u32 $0x2700, s6;
	s30 =	sand.u32 $0x2, s9;
	s8 =	sshrl.u32 s7, $0x1  }
0x9: {  	s4 =	sor.u32 s4, s30;
	s14 =	ssub.s32 s7, s8;
	s31 =	sshrl.u32 s13, $0x3  }
.Ltmp0:
0xa: {  	s5 =	sadd.s32 s5, s6;
	s8 =	sadd.s32 $0x14000, s13;
	(pc) =	sbr.rel .LBB2_1-.Ltmp0, $4  }
0xb: {  	s12 =	sadd.s32 $0x2C000, s13;
	s13 =	sadd.s32 $0x7000, s13;
	p0 =	sgt.s32 s4, $0x1  }
0xc: {  	p1 =	seq.s32 s4, $0x0;
	p2 =	seq.s32 s4, $0x2;
	s6 =	sadd.s32 s3, s31  }
0xd: {  	p3 =	sne.s32 s4, $0x3;
	s14 =	smax.u32 s14, $0x1;
	s7 =	sadd.s32 $0x1A00, s6  }
0xe: {  	v0 =	vlaneseq.u32;
	s9 =	sadd.s32 $0x3400, s6;
	s10 =	sadd.s32 $0x4000, s6;
	s11 =	sadd.s32 $0x4C00, s6  }
.LBB2_37:
0xf: {  	s18 =	sshrl.u32 s18, $0x3  }
0x10: {  	s18 =	sadd.s32 s3, s18  }
0x11: {  	[hbm4b:s18+s2] =	stream.linear.scatter [tilespmem:s16], [sflag:$0x1], $0x6000, $0x38;
	[tilespmem:$0x1A800] =	vst v63  }
0x12: {  	_ =	swait.ge [sflag:s15], $0x6000  }
0x13: {  	[sflag:s15] =	ssyncset.done $0x0  }
0x14: {  	[sflag:s15] =	ssyncadd.s32 $0xFFFFA000  }
.LBB2_38:
0x15: {  	s17 =	sadd.s32 $0x1, s17  }
0x16: {  	p4 =	sne.s32 s17, s14  }
.Ltmp1:
0x17: {  	_ = 	snop;
	(pc) =	sbr.rel @!p4 .LBB2_39-.Ltmp1, $1  }
0x18: {  	_ =	sdelay $0x3  }
.LBB2_1:
.Ltmp2:
0x19: {  	(pc) =	sbr.rel @p0 .LBB2_19-.Ltmp2, $4  }
0x1a: {  	[tilespmem:s2], [sflag:$0x1] =	stream.linear.gather [hbm4b:s5+s2], $0x13800, $0x38;
	[tilespmem:$0x1A800] =	vst v63  }
0x1b: {  	_ =	swait.ge [sflag:s15], $0x13800  }
0x1c: {  	[sflag:s15] =	ssyncset.done $0x0  }
0x1d: {  	[sflag:s15] =	ssyncadd.s32 $0xFFFEC800  }
.Ltmp3:
0x1e: {  	(pc) =	sbr.rel @!p1 .LBB2_11-.Ltmp3, $2  }
0x1f: {  	_ =	sdelay $0x2  }
0x20: {  	s18 =	smov.u32 s4;
	s19 =	simm.s32 $0x0  }
.LBB2_3:
0x21: {  	s19 =	simm.s32 $0x0  }
0x22: {  	v1 =	vmov s18;
	v2 =	vor.u32 s19, v0  }
0x23: {  	vm0 =	vgt.s32 v1, v2  }
0x24: {  	v3 =	vsel vm0, v2, v1  }
0x25: {  	v4 =	vadd.s32 $0xFFFFFFFF, v3  }
0x26: {  	v4 =	vmul.u32 v3, v4;
	_ =	sdelay $0x1  }
0x27: {  	v5 =	vmul.u32 $0x18F, v3;
	v4 =	vshra.s32 v4, $0x1  }
0x28: {  	s21 =	simm.s32 $0x10;
	v6 =	vsel vm0, v1, v2;
	v3 =	vadd.s32 v3, v4  }
0x29: {  	v4 =	vadd.s32 v6, v5;
	v5 =	vor.u32 s21, v0;
	v3 =	vxor.u32 $0xFFFFFFFF, v3  }
0x2a: {  	vm13 =	veq.s32 v1, v2;
	vm1 =	vgt.s32 v1, v5;
	v3 =	vadd.s32 v3, v4  }
0x2b: {  	v4 =	vsel vm1, v5, v1;
	v3 =	vsel vm13, $0x137B8, v3  }
0x2c: {  	v2 =	vadd.s32 $0xFFFFFFFF, v4  }
0x2d: {  	v6 =	vmul.u32 v4, v2;
	_ =	sdelay $0x1  }
0x2e: {  	s20 =	simm.s32 $0x20;
	v7 =	vmul.u32 $0x18F, v4;
	v6 =	vshra.s32 v6, $0x1  }
0x2f: {  	v2 =	vor.u32 s20, v0;
	v4 =	vadd.s32 v4, v6;
	v8 =	vld.idx.msk [tilespmem:v3+s2+$0x0], $0xffff;
	v3 =	vsel vm1, v1, v5  }
0x30: {  	s22 =	sshll.u32 s18, $0x9;
	s23 =	sshll.u32 s18, $0x7;
	vm14 =	vgt.s32 v1, v2;
	v4 =	vxor.u32 $0xFFFFFFFF, v4;
	v3 =	vadd.s32 v3, v7  }
0x31: {  	s22 =	sand.u32 $0x7000, s22;
	s23 =	sand.u32 $0x380, s23;
	vm15 =	veq.s32 v1, v5;
	v9 =	vsel vm14, v2, v1;
	v3 =	vadd.s32 v4, v3  }
0x32: {  	s22 =	sor.u32 s23, s22;
	v6 =	vadd.s32 $0xFFFFFFFF, v9;
	v4 =	vsel vm15, $0x137B8, v3  }
0x33: {  	s31 =	sand.u32 $0xC00, s19;
	s22 =	sadd.s32 $0x13800, s22;
	v6 =	vmul.u32 v9, v6  }
0x34: {  	s24 =	sand.u32 $0x70, s19;
	s25 =	sadd.s32 s31, s22  }
0x35: {  	s23 =	simm.s32 $0x30;
	s25 =	sadd.s32 s24, s25;
	v5 =	vmul.u32 $0x18F, v9;
	v7 =	vshra.s32 v6, $0x1  }
0x36: {  	s24 =	simm.s32 $0x40;
	v6 =	vsel vm14, v1, v2;
	v3 =	vor.u32 s23, v0;
	v7 =	vadd.s32 v9, v7;
	[tilespmem:s25+$0x0] =	vst v8  }
.LBB2_4:
0x37: {  	p4 =	sne.s32 s24, $0x180;
	vm0 =	vgt.s32 v1, v3;
	v5 =	vadd.s32 v6, v5;
	v6 =	vxor.u32 $0xFFFFFFFF, v7;
	v8 =	vld.idx.msk [tilespmem:v4+s2+$0x0], $0xffff  }
0x38: {  	vm1 =	veq.s32 v1, v2;
	v2 =	vmovc v3;
	v7 =	vsel vm0, v3, v1;
	v4 =	vadd.s32 v6, v5  }
.Ltmp4:
0x39: {  	s19 =	sadd.s32 $0x80, s19;
	v3 =	vadd.s32 $0xFFFFFFFF, v7;
	v4 =	vsel vm1, $0x137B8, v4;
	(pc) =	sbr.rel @p4 .LBB2_4-.Ltmp4, $4  }
0x3a: {  	s25 =	sand.u32 $0xC00, s19;
	v3 =	vmul.u32 v7, v3  }
0x3b: {  	s26 =	sand.u32 $0x70, s21;
	s21 =	smov.u32 s20;
	s25 =	sadd.s32 s25, s22  }
0x3c: {  	s20 =	smov.u32 s23;
	s23 =	smov.u32 s24;
	v5 =	vmul.u32 $0x18F, v7;
	s25 =	sadd.s32 s26, s25;
	v9 =	vshra.s32 v3, $0x1  }
0x3d: {  	s24 =	sadd.s32 $0x10, s24;
	v6 =	vsel vm0, v1, v2;
	v3 =	vor.u32 s23, v0;
	v7 =	vadd.s32 v7, v9;
	[tilespmem:s25+$0x0] =	vst v8  }
0x3e: {  	_ =	sdelay $0x1  }
0x3f: {  	vm0 =	vgt.s32 v1, v3  }
0x40: {  	v5 =	vadd.s32 v6, v5;
	v60 =	vxor.u32 $0xFFFFFFFF, v7;
	v61 =	vsel vm0, v3, v1  }
0x41: {  	v4 =	vld.idx.msk [tilespmem:v4+s2+$0x0], $0xffff;
	vm1 =	veq.s32 v1, v2;
	v5 =	vadd.s32 v60, v5;
	v2 =	vadd.s32 $0xFFFFFFFF, v61  }
0x42: {  	s19 =	sadd.s32 $0x80, s19;
	v5 =	vsel vm1, $0x137B8, v5;
	v2 =	vmul.u32 v61, v2  }
0x43: {  	s24 =	sand.u32 $0xC00, s19  }
0x44: {  	s21 =	sand.u32 $0x70, s21;
	s24 =	sadd.s32 s24, s22;
	v62 =	vmul.u32 $0x18F, v61;
	v2 =	vshra.s32 v2, $0x1  }
0x45: {  	v8 =	vsel vm0, v1, v3;
	s21 =	sadd.s32 s21, s24;
	v2 =	vadd.s32 v61, v2  }
0x46: {  	v63 =	vadd.s32 v8, v62;
	[tilespmem:s21+$0x0] =	vst v4;
	v2 =	vxor.u32 $0xFFFFFFFF, v2  }
0x47: {  	vm15 =	veq.s32 v1, v3;
	v5 =	vld.idx.msk [tilespmem:v5+s2+$0x0], $0xffff;
	v2 =	vadd.s32 v2, v63  }
0x48: {  	s19 =	sadd.s32 $0x80, s19;
	v1 =	vsel vm15, $0x137B8, v2  }
0x49: {  	s30 =	sand.u32 $0xC00, s19  }
0x4a: {  	s20 =	sand.u32 $0x70, s20;
	s21 =	sadd.s32 s30, s22  }
0x4b: {  	s20 =	sadd.s32 s20, s21  }
0x4c: {  	s18 =	sadd.s32 $0x1, s18;
	[tilespmem:s20+$0x0] =	vst v5  }
0x4d: {  	p4 =	sne.s32 s18, $0x38;
	v1 =	vld.idx.msk [tilespmem:v1+s2+$0x0], $0xffff  }
.Ltmp5:
0x4e: {  	s19 =	sadd.s32 $0x80, s19;
	(pc) =	sbr.rel @p4 .LBB2_3-.Ltmp5, $4  }
0x4f: {  	s19 =	sand.u32 $0xC00, s19  }
0x50: {  	s31 =	sand.u32 $0x70, s23;
	s19 =	sadd.s32 s19, s22  }
0x51: {  	s19 =	sadd.s32 s31, s19  }
0x52: {  	[tilespmem:s19+$0x0] =	vst v1  }
0x53: {  	s18 =	simm.s32 $0x0  }
0x54: {  	[hbm4b:s6+s18] =	stream.linear.scatter [tilespmem:s16], [sflag:$0x1], $0x7000, $0x38;
	[tilespmem:$0x1A800] =	vst v63  }
0x55: {  	_ =	swait.ge [sflag:s15], $0x7000  }
0x56: {  	[sflag:s15] =	ssyncset.done $0x0  }
0x57: {  	s19 =	simm.s32 $0x0;
	[sflag:s15] =	ssyncadd.s32 $0xFFFF9000  }
.LBB2_7:
0x58: {  	s20 =	sadd.s32 $0x38, s19  }
0x59: {  	v2 =	vor.u32 s18, v0;
	v1 =	vmov s20  }
0x5a: {  	vm0 =	vgt.s32 v1, v2  }
0x5b: {  	v3 =	vsel vm0, v2, v1  }
0x5c: {  	v4 =	vadd.s32 $0xFFFFFFFF, v3  }
0x5d: {  	v4 =	vmul.u32 v3, v4;
	_ =	sdelay $0x1  }
0x5e: {  	v5 =	vmul.u32 $0x18F, v3;
	v4 =	vshra.s32 v4, $0x1  }
0x5f: {  	s21 =	simm.s32 $0x10;
	v6 =	vsel vm0, v1, v2;
	v3 =	vadd.s32 v3, v4  }
0x60: {  	v4 =	vadd.s32 v6, v5;
	v5 =	vor.u32 s21, v0;
	v3 =	vxor.u32 $0xFFFFFFFF, v3  }
0x61: {  	vm13 =	veq.s32 v1, v2;
	vm1 =	vgt.s32 v1, v5;
	v3 =	vadd.s32 v3, v4  }
0x62: {  	v4 =	vsel vm1, v5, v1;
	v3 =	vsel vm13, $0x137B8, v3  }
0x63: {  	v2 =	vadd.s32 $0xFFFFFFFF, v4  }
0x64: {  	v6 =	vmul.u32 v4, v2;
	_ =	sdelay $0x1  }
0x65: {  	s20 =	simm.s32 $0x20;
	v7 =	vmul.u32 $0x18F, v4;
	v6 =	vshra.s32 v6, $0x1  }
0x66: {  	v2 =	vor.u32 s20, v0;
	v4 =	vadd.s32 v4, v6;
	v8 =	vld.idx.msk [tilespmem:v3+s2+$0x0], $0xffff;
	v3 =	vsel vm1, v1, v5  }
0x67: {  	s22 =	sshll.u32 s19, $0x9;
	s23 =	sshll.u32 s19, $0x7;
	vm14 =	vgt.s32 v1, v2;
	v4 =	vxor.u32 $0xFFFFFFFF, v4;
	v3 =	vadd.s32 v3, v7  }
0x68: {  	s22 =	sand.u32 $0x7000, s22;
	s23 =	sand.u32 $0x380, s23;
	vm15 =	veq.s32 v1, v5;
	v9 =	vsel vm14, v2, v1;
	v3 =	vadd.s32 v4, v3  }
0x69: {  	s22 =	sor.u32 s23, s22;
	v6 =	vadd.s32 $0xFFFFFFFF, v9;
	v4 =	vsel vm15, $0x137B8, v3  }
0x6a: {  	s31 =	sand.u32 $0xC00, s18;
	s22 =	sadd.s32 $0x13800, s22;
	v6 =	vmul.u32 v9, v6  }
0x6b: {  	s24 =	sand.u32 $0x70, s18;
	s25 =	sadd.s32 s31, s22  }
0x6c: {  	s23 =	simm.s32 $0x30;
	s24 =	sadd.s32 s24, s25;
	v5 =	vmul.u32 $0x18F, v9;
	v7 =	vshra.s32 v6, $0x1  }
0x6d: {  	s25 =	simm.s32 $0x40;
	v6 =	vsel vm14, v1, v2;
	v3 =	vor.u32 s23, v0;
	v7 =	vadd.s32 v9, v7;
	[tilespmem:s24+$0x0] =	vst v8;
	s24 =	simm.s32 $0x0  }
.LBB2_8:
0x6e: {  	p4 =	sne.s32 s25, $0x180;
	vm0 =	vgt.s32 v1, v3;
	v5 =	vadd.s32 v6, v5;
	v6 =	vxor.u32 $0xFFFFFFFF, v7;
	v8 =	vld.idx.msk [tilespmem:v4+s2+$0x0], $0xffff  }
0x6f: {  	vm1 =	veq.s32 v1, v2;
	v2 =	vmovc v3;
	v7 =	vsel vm0, v3, v1;
	v4 =	vadd.s32 v6, v5  }
.Ltmp6:
0x70: {  	s24 =	sadd.s32 $0x80, s24;
	v3 =	vadd.s32 $0xFFFFFFFF, v7;
	v4 =	vsel vm1, $0x137B8, v4;
	(pc) =	sbr.rel @p4 .LBB2_8-.Ltmp6, $4  }
0x71: {  	s26 =	sand.u32 $0xC00, s24;
	v3 =	vmul.u32 v7, v3  }
0x72: {  	s28 =	sand.u32 $0x70, s21;
	s21 =	smov.u32 s20;
	s26 =	sadd.s32 s26, s22  }
0x73: {  	s20 =	smov.u32 s23;
	s23 =	smov.u32 s25;
	v5 =	vmul.u32 $0x18F, v7;
	s26 =	sadd.s32 s28, s26;
	v9 =	vshra.s32 v3, $0x1  }
0x74: {  	s25 =	sadd.s32 $0x10, s25;
	v6 =	vsel vm0, v1, v2;
	v3 =	vor.u32 s23, v0;
	v7 =	vadd.s32 v7, v9;
	[tilespmem:s26+$0x0] =	vst v8  }
0x75: {  	_ =	sdelay $0x1  }
0x76: {  	vm0 =	vgt.s32 v1, v3  }
0x77: {  	v5 =	vadd.s32 v6, v5;
	v60 =	vxor.u32 $0xFFFFFFFF, v7;
	v61 =	vsel vm0, v3, v1  }
0x78: {  	v4 =	vld.idx.msk [tilespmem:v4+s2+$0x0], $0xffff;
	vm1 =	veq.s32 v1, v2;
	v5 =	vadd.s32 v60, v5;
	v2 =	vadd.s32 $0xFFFFFFFF, v61  }
0x79: {  	s24 =	sadd.s32 $0x80, s24;
	v5 =	vsel vm1, $0x137B8, v5;
	v2 =	vmul.u32 v61, v2  }
0x7a: {  	s25 =	sand.u32 $0xC00, s24  }
0x7b: {  	s21 =	sand.u32 $0x70, s21;
	s25 =	sadd.s32 s25, s22;
	v62 =	vmul.u32 $0x18F, v61;
	v2 =	vshra.s32 v2, $0x1  }
0x7c: {  	v8 =	vsel vm0, v1, v3;
	s21 =	sadd.s32 s21, s25;
	v2 =	vadd.s32 v61, v2  }
0x7d: {  	v63 =	vadd.s32 v8, v62;
	[tilespmem:s21+$0x0] =	vst v4;
	v2 =	vxor.u32 $0xFFFFFFFF, v2  }
0x7e: {  	vm15 =	veq.s32 v1, v3;
	v5 =	vld.idx.msk [tilespmem:v5+s2+$0x0], $0xffff;
	v2 =	vadd.s32 v2, v63  }
0x7f: {  	s29 =	sadd.s32 $0x80, s24;
	v1 =	vsel vm15, $0x137B8, v2  }
0x80: {  	s24 =	sand.u32 $0xC00, s29  }
0x81: {  	s20 =	sand.u32 $0x70, s20;
	s24 =	sadd.s32 s24, s22  }
0x82: {  	s20 =	sadd.s32 s20, s24  }
0x83: {  	s19 =	sadd.s32 $0x1, s19;
	[tilespmem:s20+$0x0] =	vst v5  }
0x84: {  	p4 =	seq.s32 s19, $0x30;
	v1 =	vld.idx.msk [tilespmem:v1+s2+$0x0], $0xffff  }
.Ltmp7:
0x85: {  	s30 =	sadd.s32 $0x80, s29;
	(pc) =	sbr.rel @!p4 .LBB2_7-.Ltmp7, $4  }
0x86: {  	s20 =	sand.u32 $0xC00, s30  }
0x87: {  	s31 =	sand.u32 $0x70, s23;
	s20 =	sadd.s32 s20, s22  }
0x88: {  	s20 =	sadd.s32 s31, s20  }
0x89: {  	[tilespmem:s20+$0x0] =	vst v1  }
.Ltmp8:
0x8a: {  	(pc) =	sbr.rel .LBB2_37-.Ltmp8, $2  }
0x8b: {  	_ =	sdelay $0x2  }
0x8c: {  	s18 =	smov.u32 s13  }
.LBB2_11:
0x8d: {  	s20 =	sadd.s32 $0x68, s19;
	s18 =	simm.s32 $0x0  }
0x8e: {  	v1 =	vmov s20;
	v2 =	vor.u32 s18, v0  }
0x8f: {  	vm0 =	vgt.s32 v1, v2  }
0x90: {  	v3 =	vsel vm0, v2, v1  }
0x91: {  	v4 =	vadd.s32 $0xFFFFFFFF, v3  }
0x92: {  	v4 =	vmul.u32 v3, v4;
	_ =	sdelay $0x1  }
0x93: {  	v5 =	vmul.u32 $0x18F, v3;
	v4 =	vshra.s32 v4, $0x1  }
0x94: {  	s21 =	simm.s32 $0x10;
	v6 =	vsel vm0, v1, v2;
	v3 =	vadd.s32 v3, v4  }
0x95: {  	v4 =	vadd.s32 v6, v5;
	v5 =	vor.u32 s21, v0;
	v3 =	vxor.u32 $0xFFFFFFFF, v3  }
0x96: {  	vm13 =	veq.s32 v1, v2;
	vm1 =	vgt.s32 v1, v5;
	v3 =	vadd.s32 v3, v4  }
0x97: {  	v4 =	vsel vm1, v5, v1;
	v3 =	vsel vm13, $0x137B8, v3  }
0x98: {  	v2 =	vadd.s32 $0xFFFFFFFF, v4  }
0x99: {  	v6 =	vmul.u32 v4, v2;
	_ =	sdelay $0x1  }
0x9a: {  	s20 =	simm.s32 $0x20;
	v7 =	vmul.u32 $0x18F, v4;
	v6 =	vshra.s32 v6, $0x1  }
0x9b: {  	v2 =	vor.u32 s20, v0;
	v4 =	vadd.s32 v4, v6;
	v8 =	vld.idx.msk [tilespmem:v3+s2+$0x0], $0xffff;
	v3 =	vsel vm1, v1, v5  }
0x9c: {  	s22 =	sshll.u32 s19, $0x9;
	s23 =	sshll.u32 s19, $0x7;
	vm14 =	vgt.s32 v1, v2;
	v4 =	vxor.u32 $0xFFFFFFFF, v4;
	v3 =	vadd.s32 v3, v7  }
0x9d: {  	s22 =	sand.u32 $0x7000, s22;
	s23 =	sand.u32 $0x380, s23;
	vm15 =	veq.s32 v1, v5;
	v9 =	vsel vm14, v2, v1;
	v3 =	vadd.s32 v4, v3  }
0x9e: {  	s22 =	sor.u32 s23, s22;
	v6 =	vadd.s32 $0xFFFFFFFF, v9;
	v4 =	vsel vm15, $0x137B8, v3  }
0x9f: {  	s31 =	sand.u32 $0xC00, s18;
	s22 =	sadd.s32 $0x13800, s22;
	v6 =	vmul.u32 v9, v6  }
0xa0: {  	s24 =	sand.u32 $0x70, s18;
	s25 =	sadd.s32 s31, s22  }
0xa1: {  	s23 =	simm.s32 $0x30;
	s25 =	sadd.s32 s24, s25;
	v5 =	vmul.u32 $0x18F, v9;
	v7 =	vshra.s32 v6, $0x1  }
0xa2: {  	s24 =	simm.s32 $0x40;
	v6 =	vsel vm14, v1, v2;
	v3 =	vor.u32 s23, v0;
	v7 =	vadd.s32 v9, v7;
	[tilespmem:s25+$0x0] =	vst v8  }
.LBB2_12:
0xa3: {  	p4 =	sne.s32 s24, $0x180;
	vm0 =	vgt.s32 v1, v3;
	v5 =	vadd.s32 v6, v5;
	v6 =	vxor.u32 $0xFFFFFFFF, v7;
	v8 =	vld.idx.msk [tilespmem:v4+s2+$0x0], $0xffff  }
0xa4: {  	vm1 =	veq.s32 v1, v2;
	v2 =	vmovc v3;
	v7 =	vsel vm0, v3, v1;
	v4 =	vadd.s32 v6, v5  }
.Ltmp9:
0xa5: {  	s18 =	sadd.s32 $0x80, s18;
	v3 =	vadd.s32 $0xFFFFFFFF, v7;
	v4 =	vsel vm1, $0x137B8, v4;
	(pc) =	sbr.rel @p4 .LBB2_12-.Ltmp9, $4  }
0xa6: {  	s25 =	sand.u32 $0xC00, s18;
	v3 =	vmul.u32 v7, v3  }
0xa7: {  	s26 =	sand.u32 $0x70, s21;
	s21 =	smov.u32 s20;
	s25 =	sadd.s32 s25, s22  }
0xa8: {  	s20 =	smov.u32 s23;
	s23 =	smov.u32 s24;
	v5 =	vmul.u32 $0x18F, v7;
	s25 =	sadd.s32 s26, s25;
	v9 =	vshra.s32 v3, $0x1  }
0xa9: {  	s24 =	sadd.s32 $0x10, s24;
	v6 =	vsel vm0, v1, v2;
	v3 =	vor.u32 s23, v0;
	v7 =	vadd.s32 v7, v9;
	[tilespmem:s25+$0x0] =	vst v8  }
0xaa: {  	_ =	sdelay $0x1  }
0xab: {  	vm0 =	vgt.s32 v1, v3  }
0xac: {  	v5 =	vadd.s32 v6, v5;
	v60 =	vxor.u32 $0xFFFFFFFF, v7;
	v61 =	vsel vm0, v3, v1  }
0xad: {  	v4 =	vld.idx.msk [tilespmem:v4+s2+$0x0], $0xffff;
	vm1 =	veq.s32 v1, v2;
	v5 =	vadd.s32 v60, v5;
	v2 =	vadd.s32 $0xFFFFFFFF, v61  }
0xae: {  	s18 =	sadd.s32 $0x80, s18;
	v5 =	vsel vm1, $0x137B8, v5;
	v2 =	vmul.u32 v61, v2  }
0xaf: {  	s24 =	sand.u32 $0xC00, s18  }
0xb0: {  	s21 =	sand.u32 $0x70, s21;
	s24 =	sadd.s32 s24, s22;
	v62 =	vmul.u32 $0x18F, v61;
	v2 =	vshra.s32 v2, $0x1  }
0xb1: {  	v8 =	vsel vm0, v1, v3;
	s21 =	sadd.s32 s21, s24;
	v2 =	vadd.s32 v61, v2  }
0xb2: {  	v63 =	vadd.s32 v8, v62;
	[tilespmem:s21+$0x0] =	vst v4;
	v2 =	vxor.u32 $0xFFFFFFFF, v2  }
0xb3: {  	vm15 =	veq.s32 v1, v3;
	v5 =	vld.idx.msk [tilespmem:v5+s2+$0x0], $0xffff;
	v2 =	vadd.s32 v2, v63  }
0xb4: {  	s18 =	sadd.s32 $0x80, s18;
	v1 =	vsel vm15, $0x137B8, v2  }
0xb5: {  	s30 =	sand.u32 $0xC00, s18  }
0xb6: {  	s20 =	sand.u32 $0x70, s20;
	s21 =	sadd.s32 s30, s22  }
0xb7: {  	s20 =	sadd.s32 s20, s21  }
0xb8: {  	s19 =	sadd.s32 $0x1, s19;
	[tilespmem:s20+$0x0] =	vst v5  }
0xb9: {  	p4 =	sne.s32 s19, $0x38;
	v1 =	vld.idx.msk [tilespmem:v1+s2+$0x0], $0xffff  }
.Ltmp10:
0xba: {  	s18 =	sadd.s32 $0x80, s18;
	(pc) =	sbr.rel @p4 .LBB2_11-.Ltmp10, $4  }
0xbb: {  	s18 =	sand.u32 $0xC00, s18  }
0xbc: {  	s31 =	sand.u32 $0x70, s23;
	s18 =	sadd.s32 s18, s22  }
0xbd: {  	s18 =	sadd.s32 s31, s18  }
0xbe: {  	[tilespmem:s18+$0x0] =	vst v1  }
0xbf: {  	s18 =	simm.s32 $0x0  }
0xc0: {  	[hbm4b:s7+s18] =	stream.linear.scatter [tilespmem:s16], [sflag:$0x1], $0x7000, $0x38;
	[tilespmem:$0x1A800] =	vst v63  }
0xc1: {  	_ =	swait.ge [sflag:s15], $0x7000  }
0xc2: {  	[sflag:s15] =	ssyncset.done $0x0  }
0xc3: {  	s19 =	simm.s32 $0x0;
	[sflag:s15] =	ssyncadd.s32 $0xFFFF9000  }
.LBB2_15:
0xc4: {  	s20 =	sadd.s32 $0xA0, s19  }
0xc5: {  	v2 =	vor.u32 s18, v0;
	v1 =	vmov s20  }
0xc6: {  	vm0 =	vgt.s32 v1, v2  }
0xc7: {  	v3 =	vsel vm0, v2, v1  }
0xc8: {  	v4 =	vadd.s32 $0xFFFFFFFF, v3  }
0xc9: {  	v4 =	vmul.u32 v3, v4;
	_ =	sdelay $0x1  }
0xca: {  	v5 =	vmul.u32 $0x18F, v3;
	v4 =	vshra.s32 v4, $0x1  }
0xcb: {  	s21 =	simm.s32 $0x10;
	v6 =	vsel vm0, v1, v2;
	v3 =	vadd.s32 v3, v4  }
0xcc: {  	v4 =	vadd.s32 v6, v5;
	v5 =	vor.u32 s21, v0;
	v3 =	vxor.u32 $0xFFFFFFFF, v3  }
0xcd: {  	vm13 =	veq.s32 v1, v2;
	vm1 =	vgt.s32 v1, v5;
	v3 =	vadd.s32 v3, v4  }
0xce: {  	v4 =	vsel vm1, v5, v1;
	v3 =	vsel vm13, $0x137B8, v3  }
0xcf: {  	v2 =	vadd.s32 $0xFFFFFFFF, v4  }
0xd0: {  	v6 =	vmul.u32 v4, v2;
	_ =	sdelay $0x1  }
0xd1: {  	s20 =	simm.s32 $0x20;
	v7 =	vmul.u32 $0x18F, v4;
	v6 =	vshra.s32 v6, $0x1  }
0xd2: {  	v2 =	vor.u32 s20, v0;
	v4 =	vadd.s32 v4, v6;
	v8 =	vld.idx.msk [tilespmem:v3+s2+$0x0], $0xffff;
	v3 =	vsel vm1, v1, v5  }
0xd3: {  	s22 =	sshll.u32 s19, $0x9;
	s23 =	sshll.u32 s19, $0x7;
	vm14 =	vgt.s32 v1, v2;
	v4 =	vxor.u32 $0xFFFFFFFF, v4;
	v3 =	vadd.s32 v3, v7  }
0xd4: {  	s22 =	sand.u32 $0x7000, s22;
	s23 =	sand.u32 $0x380, s23;
	vm15 =	veq.s32 v1, v5;
	v9 =	vsel vm14, v2, v1;
	v3 =	vadd.s32 v4, v3  }
0xd5: {  	s22 =	sor.u32 s23, s22;
	v6 =	vadd.s32 $0xFFFFFFFF, v9;
	v4 =	vsel vm15, $0x137B8, v3  }
0xd6: {  	s31 =	sand.u32 $0xC00, s18;
	s22 =	sadd.s32 $0x13800, s22;
	v6 =	vmul.u32 v9, v6  }
0xd7: {  	s24 =	sand.u32 $0x70, s18;
	s25 =	sadd.s32 s31, s22  }
0xd8: {  	s23 =	simm.s32 $0x30;
	s24 =	sadd.s32 s24, s25;
	v5 =	vmul.u32 $0x18F, v9;
	v7 =	vshra.s32 v6, $0x1  }
0xd9: {  	s25 =	simm.s32 $0x40;
	v6 =	vsel vm14, v1, v2;
	v3 =	vor.u32 s23, v0;
	v7 =	vadd.s32 v9, v7;
	[tilespmem:s24+$0x0] =	vst v8;
	s24 =	simm.s32 $0x0  }
.LBB2_16:
0xda: {  	p4 =	sne.s32 s25, $0x180;
	vm0 =	vgt.s32 v1, v3;
	v5 =	vadd.s32 v6, v5;
	v6 =	vxor.u32 $0xFFFFFFFF, v7;
	v8 =	vld.idx.msk [tilespmem:v4+s2+$0x0], $0xffff  }
0xdb: {  	vm1 =	veq.s32 v1, v2;
	v2 =	vmovc v3;
	v7 =	vsel vm0, v3, v1;
	v4 =	vadd.s32 v6, v5  }
.Ltmp11:
0xdc: {  	s24 =	sadd.s32 $0x80, s24;
	v3 =	vadd.s32 $0xFFFFFFFF, v7;
	v4 =	vsel vm1, $0x137B8, v4;
	(pc) =	sbr.rel @p4 .LBB2_16-.Ltmp11, $4  }
0xdd: {  	s26 =	sand.u32 $0xC00, s24;
	v3 =	vmul.u32 v7, v3  }
0xde: {  	s28 =	sand.u32 $0x70, s21;
	s21 =	smov.u32 s20;
	s26 =	sadd.s32 s26, s22  }
0xdf: {  	s20 =	smov.u32 s23;
	s23 =	smov.u32 s25;
	v5 =	vmul.u32 $0x18F, v7;
	s26 =	sadd.s32 s28, s26;
	v9 =	vshra.s32 v3, $0x1  }
0xe0: {  	s25 =	sadd.s32 $0x10, s25;
	v6 =	vsel vm0, v1, v2;
	v3 =	vor.u32 s23, v0;
	v7 =	vadd.s32 v7, v9;
	[tilespmem:s26+$0x0] =	vst v8  }
0xe1: {  	_ =	sdelay $0x1  }
0xe2: {  	vm0 =	vgt.s32 v1, v3  }
0xe3: {  	v5 =	vadd.s32 v6, v5;
	v60 =	vxor.u32 $0xFFFFFFFF, v7;
	v61 =	vsel vm0, v3, v1  }
0xe4: {  	v4 =	vld.idx.msk [tilespmem:v4+s2+$0x0], $0xffff;
	vm1 =	veq.s32 v1, v2;
	v5 =	vadd.s32 v60, v5;
	v2 =	vadd.s32 $0xFFFFFFFF, v61  }
0xe5: {  	s24 =	sadd.s32 $0x80, s24;
	v5 =	vsel vm1, $0x137B8, v5;
	v2 =	vmul.u32 v61, v2  }
0xe6: {  	s25 =	sand.u32 $0xC00, s24  }
0xe7: {  	s21 =	sand.u32 $0x70, s21;
	s25 =	sadd.s32 s25, s22;
	v62 =	vmul.u32 $0x18F, v61;
	v2 =	vshra.s32 v2, $0x1  }
0xe8: {  	v8 =	vsel vm0, v1, v3;
	s21 =	sadd.s32 s21, s25;
	v2 =	vadd.s32 v61, v2  }
0xe9: {  	v63 =	vadd.s32 v8, v62;
	[tilespmem:s21+$0x0] =	vst v4;
	v2 =	vxor.u32 $0xFFFFFFFF, v2  }
0xea: {  	vm15 =	veq.s32 v1, v3;
	v5 =	vld.idx.msk [tilespmem:v5+s2+$0x0], $0xffff;
	v2 =	vadd.s32 v2, v63  }
0xeb: {  	s29 =	sadd.s32 $0x80, s24;
	v1 =	vsel vm15, $0x137B8, v2  }
0xec: {  	s24 =	sand.u32 $0xC00, s29  }
0xed: {  	s20 =	sand.u32 $0x70, s20;
	s24 =	sadd.s32 s24, s22  }
0xee: {  	s20 =	sadd.s32 s20, s24  }
0xef: {  	s19 =	sadd.s32 $0x1, s19;
	[tilespmem:s20+$0x0] =	vst v5  }
0xf0: {  	p4 =	seq.s32 s19, $0x30;
	v1 =	vld.idx.msk [tilespmem:v1+s2+$0x0], $0xffff  }
.Ltmp12:
0xf1: {  	s30 =	sadd.s32 $0x80, s29;
	(pc) =	sbr.rel @!p4 .LBB2_15-.Ltmp12, $4  }
0xf2: {  	s20 =	sand.u32 $0xC00, s30  }
0xf3: {  	s31 =	sand.u32 $0x70, s23;
	s20 =	sadd.s32 s20, s22  }
0xf4: {  	s20 =	sadd.s32 s31, s20  }
0xf5: {  	[tilespmem:s20+$0x0] =	vst v1  }
.Ltmp13:
0xf6: {  	(pc) =	sbr.rel .LBB2_37-.Ltmp13, $2  }
0xf7: {  	_ =	sdelay $0x2  }
0xf8: {  	s18 =	smov.u32 s8  }
.LBB2_19:
.Ltmp14:
0xf9: {  	(pc) =	sbr.rel @!p2 .LBB2_28-.Ltmp14, $2  }
0xfa: {  	_ =	sdelay $0x2  }
0xfb: {  	s18 =	simm.s32 $0x0  }
.LBB2_20:
0xfc: {  	s20 =	sadd.s32 $0xD0, s18;
	s19 =	simm.s32 $0x0  }
0xfd: {  	v1 =	vmov s20;
	v2 =	vor.u32 s19, v0  }
0xfe: {  	vm0 =	vgt.s32 v1, v2  }
0xff: {  	v3 =	vsel vm0, v2, v1  }
0x100: {  	v4 =	vadd.s32 $0xFFFFFFFF, v3  }
0x101: {  	v4 =	vmul.u32 v3, v4;
	_ =	sdelay $0x1  }
0x102: {  	v5 =	vmul.u32 $0x18F, v3;
	v4 =	vshra.s32 v4, $0x1  }
0x103: {  	s21 =	simm.s32 $0x10;
	v6 =	vsel vm0, v1, v2;
	v3 =	vadd.s32 v3, v4  }
0x104: {  	v4 =	vadd.s32 v6, v5;
	v5 =	vor.u32 s21, v0;
	v3 =	vxor.u32 $0xFFFFFFFF, v3  }
0x105: {  	vm13 =	veq.s32 v1, v2;
	vm1 =	vgt.s32 v1, v5;
	v3 =	vadd.s32 v3, v4  }
0x106: {  	v4 =	vsel vm1, v5, v1;
	v3 =	vsel vm13, $0x137B8, v3  }
0x107: {  	v2 =	vadd.s32 $0xFFFFFFFF, v4  }
0x108: {  	v6 =	vmul.u32 v4, v2;
	_ =	sdelay $0x1  }
0x109: {  	s20 =	simm.s32 $0x20;
	v7 =	vmul.u32 $0x18F, v4;
	v6 =	vshra.s32 v6, $0x1  }
0x10a: {  	v2 =	vor.u32 s20, v0;
	v4 =	vadd.s32 v4, v6;
	v8 =	vld.idx.msk [tilespmem:v3+s2+$0x0], $0xffff;
	v3 =	vsel vm1, v1, v5  }
0x10b: {  	s22 =	sshll.u32 s18, $0x9;
	s23 =	sshll.u32 s18, $0x7;
	vm14 =	vgt.s32 v1, v2;
	v4 =	vxor.u32 $0xFFFFFFFF, v4;
	v3 =	vadd.s32 v3, v7  }
0x10c: {  	s22 =	sand.u32 $0x7000, s22;
	s23 =	sand.u32 $0x380, s23;
	vm15 =	veq.s32 v1, v5;
	v9 =	vsel vm14, v2, v1;
	v3 =	vadd.s32 v4, v3  }
0x10d: {  	s22 =	sor.u32 s23, s22;
	v6 =	vadd.s32 $0xFFFFFFFF, v9;
	v4 =	vsel vm15, $0x137B8, v3  }
0x10e: {  	s31 =	sand.u32 $0xC00, s19;
	s22 =	sadd.s32 $0x13800, s22;
	v6 =	vmul.u32 v9, v6  }
0x10f: {  	s24 =	sand.u32 $0x70, s19;
	s25 =	sadd.s32 s31, s22  }
0x110: {  	s23 =	simm.s32 $0x30;
	s25 =	sadd.s32 s24, s25;
	v5 =	vmul.u32 $0x18F, v9;
	v7 =	vshra.s32 v6, $0x1  }
0x111: {  	s24 =	simm.s32 $0x40;
	v6 =	vsel vm14, v1, v2;
	v3 =	vor.u32 s23, v0;
	v7 =	vadd.s32 v9, v7;
	[tilespmem:s25+$0x0] =	vst v8  }
.LBB2_21:
0x112: {  	p4 =	sne.s32 s24, $0x180;
	vm0 =	vgt.s32 v1, v3;
	v5 =	vadd.s32 v6, v5;
	v6 =	vxor.u32 $0xFFFFFFFF, v7;
	v8 =	vld.idx.msk [tilespmem:v4+s2+$0x0], $0xffff  }
0x113: {  	vm1 =	veq.s32 v1, v2;
	v2 =	vmovc v3;
	v7 =	vsel vm0, v3, v1;
	v4 =	vadd.s32 v6, v5  }
.Ltmp15:
0x114: {  	s19 =	sadd.s32 $0x80, s19;
	v3 =	vadd.s32 $0xFFFFFFFF, v7;
	v4 =	vsel vm1, $0x137B8, v4;
	(pc) =	sbr.rel @p4 .LBB2_21-.Ltmp15, $4  }
0x115: {  	s25 =	sand.u32 $0xC00, s19;
	v3 =	vmul.u32 v7, v3  }
0x116: {  	s26 =	sand.u32 $0x70, s21;
	s21 =	smov.u32 s20;
	s25 =	sadd.s32 s25, s22  }
0x117: {  	s20 =	smov.u32 s23;
	s23 =	smov.u32 s24;
	v5 =	vmul.u32 $0x18F, v7;
	s25 =	sadd.s32 s26, s25;
	v9 =	vshra.s32 v3, $0x1  }
0x118: {  	s24 =	sadd.s32 $0x10, s24;
	v6 =	vsel vm0, v1, v2;
	v3 =	vor.u32 s23, v0;
	v7 =	vadd.s32 v7, v9;
	[tilespmem:s25+$0x0] =	vst v8  }
0x119: {  	_ =	sdelay $0x1  }
0x11a: {  	vm0 =	vgt.s32 v1, v3  }
0x11b: {  	v5 =	vadd.s32 v6, v5;
	v60 =	vxor.u32 $0xFFFFFFFF, v7;
	v61 =	vsel vm0, v3, v1  }
0x11c: {  	v4 =	vld.idx.msk [tilespmem:v4+s2+$0x0], $0xffff;
	vm1 =	veq.s32 v1, v2;
	v5 =	vadd.s32 v60, v5;
	v2 =	vadd.s32 $0xFFFFFFFF, v61  }
0x11d: {  	s19 =	sadd.s32 $0x80, s19;
	v5 =	vsel vm1, $0x137B8, v5;
	v2 =	vmul.u32 v61, v2  }
0x11e: {  	s24 =	sand.u32 $0xC00, s19  }
0x11f: {  	s21 =	sand.u32 $0x70, s21;
	s24 =	sadd.s32 s24, s22;
	v62 =	vmul.u32 $0x18F, v61;
	v2 =	vshra.s32 v2, $0x1  }
0x120: {  	v8 =	vsel vm0, v1, v3;
	s21 =	sadd.s32 s21, s24;
	v2 =	vadd.s32 v61, v2  }
0x121: {  	v63 =	vadd.s32 v8, v62;
	[tilespmem:s21+$0x0] =	vst v4;
	v2 =	vxor.u32 $0xFFFFFFFF, v2  }
0x122: {  	vm15 =	veq.s32 v1, v3;
	v5 =	vld.idx.msk [tilespmem:v5+s2+$0x0], $0xffff;
	v2 =	vadd.s32 v2, v63  }
0x123: {  	s19 =	sadd.s32 $0x80, s19;
	v1 =	vsel vm15, $0x137B8, v2  }
0x124: {  	s30 =	sand.u32 $0xC00, s19  }
0x125: {  	s20 =	sand.u32 $0x70, s20;
	s21 =	sadd.s32 s30, s22  }
0x126: {  	s20 =	sadd.s32 s20, s21  }
0x127: {  	s18 =	sadd.s32 $0x1, s18;
	[tilespmem:s20+$0x0] =	vst v5  }
0x128: {  	p4 =	sne.s32 s18, $0x30;
	v1 =	vld.idx.msk [tilespmem:v1+s2+$0x0], $0xffff  }
.Ltmp16:
0x129: {  	s19 =	sadd.s32 $0x80, s19;
	(pc) =	sbr.rel @p4 .LBB2_20-.Ltmp16, $4  }
0x12a: {  	s19 =	sand.u32 $0xC00, s19  }
0x12b: {  	s31 =	sand.u32 $0x70, s23;
	s19 =	sadd.s32 s19, s22  }
0x12c: {  	s19 =	sadd.s32 s31, s19  }
0x12d: {  	[tilespmem:s19+$0x0] =	vst v1  }
0x12e: {  	s18 =	simm.s32 $0x0  }
0x12f: {  	[hbm4b:s9+s18] =	stream.linear.scatter [tilespmem:s16], [sflag:$0x1], $0x6000, $0x38;
	[tilespmem:$0x1A800] =	vst v63  }
0x130: {  	_ =	swait.ge [sflag:s15], $0x6000  }
0x131: {  	[sflag:s15] =	ssyncset.done $0x0  }
0x132: {  	s19 =	simm.s32 $0x0;
	[sflag:s15] =	ssyncadd.s32 $0xFFFFA000  }
.LBB2_24:
0x133: {  	s20 =	sor.u32 $0x100, s19  }
0x134: {  	v2 =	vor.u32 s18, v0;
	v1 =	vmov s20  }
0x135: {  	vm0 =	vgt.s32 v1, v2  }
0x136: {  	v3 =	vsel vm0, v2, v1  }
0x137: {  	v4 =	vadd.s32 $0xFFFFFFFF, v3  }
0x138: {  	v4 =	vmul.u32 v3, v4;
	_ =	sdelay $0x1  }
0x139: {  	v5 =	vmul.u32 $0x18F, v3;
	v4 =	vshra.s32 v4, $0x1  }
0x13a: {  	s21 =	simm.s32 $0x10;
	v6 =	vsel vm0, v1, v2;
	v3 =	vadd.s32 v3, v4  }
0x13b: {  	v4 =	vadd.s32 v6, v5;
	v5 =	vor.u32 s21, v0;
	v3 =	vxor.u32 $0xFFFFFFFF, v3  }
0x13c: {  	vm13 =	veq.s32 v1, v2;
	vm1 =	vgt.s32 v1, v5;
	v3 =	vadd.s32 v3, v4  }
0x13d: {  	v4 =	vsel vm1, v5, v1;
	v3 =	vsel vm13, $0x137B8, v3  }
0x13e: {  	v2 =	vadd.s32 $0xFFFFFFFF, v4  }
0x13f: {  	v6 =	vmul.u32 v4, v2;
	_ =	sdelay $0x1  }
0x140: {  	s20 =	simm.s32 $0x20;
	v7 =	vmul.u32 $0x18F, v4;
	v6 =	vshra.s32 v6, $0x1  }
0x141: {  	v2 =	vor.u32 s20, v0;
	v4 =	vadd.s32 v4, v6;
	v8 =	vld.idx.msk [tilespmem:v3+s2+$0x0], $0xffff;
	v3 =	vsel vm1, v1, v5  }
0x142: {  	s22 =	sshll.u32 s19, $0x9;
	s23 =	sshll.u32 s19, $0x7;
	vm14 =	vgt.s32 v1, v2;
	v4 =	vxor.u32 $0xFFFFFFFF, v4;
	v3 =	vadd.s32 v3, v7  }
0x143: {  	s22 =	sand.u32 $0x7000, s22;
	s23 =	sand.u32 $0x380, s23;
	vm15 =	veq.s32 v1, v5;
	v9 =	vsel vm14, v2, v1;
	v3 =	vadd.s32 v4, v3  }
0x144: {  	s22 =	sor.u32 s23, s22;
	v6 =	vadd.s32 $0xFFFFFFFF, v9;
	v4 =	vsel vm15, $0x137B8, v3  }
0x145: {  	s31 =	sand.u32 $0xC00, s18;
	s22 =	sadd.s32 $0x13800, s22;
	v6 =	vmul.u32 v9, v6  }
0x146: {  	s24 =	sand.u32 $0x70, s18;
	s25 =	sadd.s32 s31, s22  }
0x147: {  	s23 =	simm.s32 $0x30;
	s24 =	sadd.s32 s24, s25;
	v5 =	vmul.u32 $0x18F, v9;
	v7 =	vshra.s32 v6, $0x1  }
0x148: {  	s25 =	simm.s32 $0x40;
	v6 =	vsel vm14, v1, v2;
	v3 =	vor.u32 s23, v0;
	v7 =	vadd.s32 v9, v7;
	[tilespmem:s24+$0x0] =	vst v8;
	s24 =	simm.s32 $0x0  }
.LBB2_25:
0x149: {  	p4 =	sne.s32 s25, $0x180;
	vm0 =	vgt.s32 v1, v3;
	v5 =	vadd.s32 v6, v5;
	v6 =	vxor.u32 $0xFFFFFFFF, v7;
	v8 =	vld.idx.msk [tilespmem:v4+s2+$0x0], $0xffff  }
0x14a: {  	vm1 =	veq.s32 v1, v2;
	v2 =	vmovc v3;
	v7 =	vsel vm0, v3, v1;
	v4 =	vadd.s32 v6, v5  }
.Ltmp17:
0x14b: {  	s24 =	sadd.s32 $0x80, s24;
	v3 =	vadd.s32 $0xFFFFFFFF, v7;
	v4 =	vsel vm1, $0x137B8, v4;
	(pc) =	sbr.rel @p4 .LBB2_25-.Ltmp17, $4  }
0x14c: {  	s26 =	sand.u32 $0xC00, s24;
	v3 =	vmul.u32 v7, v3  }
0x14d: {  	s28 =	sand.u32 $0x70, s21;
	s21 =	smov.u32 s20;
	s26 =	sadd.s32 s26, s22  }
0x14e: {  	s20 =	smov.u32 s23;
	s23 =	smov.u32 s25;
	v5 =	vmul.u32 $0x18F, v7;
	s26 =	sadd.s32 s28, s26;
	v9 =	vshra.s32 v3, $0x1  }
0x14f: {  	s25 =	sadd.s32 $0x10, s25;
	v6 =	vsel vm0, v1, v2;
	v3 =	vor.u32 s23, v0;
	v7 =	vadd.s32 v7, v9;
	[tilespmem:s26+$0x0] =	vst v8  }
0x150: {  	_ =	sdelay $0x1  }
0x151: {  	vm0 =	vgt.s32 v1, v3  }
0x152: {  	v5 =	vadd.s32 v6, v5;
	v60 =	vxor.u32 $0xFFFFFFFF, v7;
	v61 =	vsel vm0, v3, v1  }
0x153: {  	v4 =	vld.idx.msk [tilespmem:v4+s2+$0x0], $0xffff;
	vm1 =	veq.s32 v1, v2;
	v5 =	vadd.s32 v60, v5;
	v2 =	vadd.s32 $0xFFFFFFFF, v61  }
0x154: {  	s24 =	sadd.s32 $0x80, s24;
	v5 =	vsel vm1, $0x137B8, v5;
	v2 =	vmul.u32 v61, v2  }
0x155: {  	s25 =	sand.u32 $0xC00, s24  }
0x156: {  	s21 =	sand.u32 $0x70, s21;
	s25 =	sadd.s32 s25, s22;
	v62 =	vmul.u32 $0x18F, v61;
	v2 =	vshra.s32 v2, $0x1  }
0x157: {  	v8 =	vsel vm0, v1, v3;
	s21 =	sadd.s32 s21, s25;
	v2 =	vadd.s32 v61, v2  }
0x158: {  	v63 =	vadd.s32 v8, v62;
	[tilespmem:s21+$0x0] =	vst v4;
	v2 =	vxor.u32 $0xFFFFFFFF, v2  }
0x159: {  	vm15 =	veq.s32 v1, v3;
	v5 =	vld.idx.msk [tilespmem:v5+s2+$0x0], $0xffff;
	v2 =	vadd.s32 v2, v63  }
0x15a: {  	s29 =	sadd.s32 $0x80, s24;
	v1 =	vsel vm15, $0x137B8, v2  }
0x15b: {  	s24 =	sand.u32 $0xC00, s29  }
0x15c: {  	s20 =	sand.u32 $0x70, s20;
	s24 =	sadd.s32 s24, s22  }
0x15d: {  	s20 =	sadd.s32 s20, s24  }
0x15e: {  	s19 =	sadd.s32 $0x1, s19;
	[tilespmem:s20+$0x0] =	vst v5  }
0x15f: {  	p4 =	sne.s32 s19, $0x30;
	v1 =	vld.idx.msk [tilespmem:v1+s2+$0x0], $0xffff  }
.Ltmp18:
0x160: {  	s30 =	sadd.s32 $0x80, s29;
	(pc) =	sbr.rel @p4 .LBB2_24-.Ltmp18, $4  }
0x161: {  	s20 =	sand.u32 $0xC00, s30  }
0x162: {  	s31 =	sand.u32 $0x70, s23;
	s20 =	sadd.s32 s20, s22  }
0x163: {  	s20 =	sadd.s32 s31, s20  }
0x164: {  	[tilespmem:s20+$0x0] =	vst v1  }
.Ltmp19:
0x165: {  	(pc) =	sbr.rel @p3 .LBB2_38-.Ltmp19, $4  }
0x166: {  	[hbm4b:s10+s2] =	stream.linear.scatter [tilespmem:s16], [sflag:$0x1], $0x6000, $0x38;
	[tilespmem:$0x1A800] =	vst v63  }
0x167: {  	_ =	swait.ge [sflag:s15], $0x6000  }
0x168: {  	[sflag:s15] =	ssyncset.done $0x0  }
0x169: {  	[sflag:s15] =	ssyncadd.s32 $0xFFFFA000  }
.LBB2_28:
0x16a: {  	s18 =	simm.s32 $0x0;
	s19 =	simm.s32 $0x0  }
.LBB2_29:
0x16b: {  	s20 =	sadd.s32 $0x130, s19  }
0x16c: {  	v2 =	vor.u32 s18, v0;
	v1 =	vmov s20  }
0x16d: {  	vm0 =	vgt.s32 v1, v2  }
0x16e: {  	v3 =	vsel vm0, v2, v1  }
0x16f: {  	v4 =	vadd.s32 $0xFFFFFFFF, v3  }
0x170: {  	v4 =	vmul.u32 v3, v4;
	_ =	sdelay $0x1  }
0x171: {  	v5 =	vmul.u32 $0x18F, v3;
	v4 =	vshra.s32 v4, $0x1  }
0x172: {  	s21 =	simm.s32 $0x10;
	v6 =	vsel vm0, v1, v2;
	v3 =	vadd.s32 v3, v4  }
0x173: {  	v4 =	vadd.s32 v6, v5;
	v5 =	vor.u32 s21, v0;
	v3 =	vxor.u32 $0xFFFFFFFF, v3  }
0x174: {  	vm13 =	veq.s32 v1, v2;
	vm1 =	vgt.s32 v1, v5;
	v3 =	vadd.s32 v3, v4  }
0x175: {  	v4 =	vsel vm1, v5, v1;
	v3 =	vsel vm13, $0x137B8, v3  }
0x176: {  	v2 =	vadd.s32 $0xFFFFFFFF, v4  }
0x177: {  	v6 =	vmul.u32 v4, v2;
	_ =	sdelay $0x1  }
0x178: {  	s20 =	simm.s32 $0x20;
	v7 =	vmul.u32 $0x18F, v4;
	v6 =	vshra.s32 v6, $0x1  }
0x179: {  	v2 =	vor.u32 s20, v0;
	v4 =	vadd.s32 v4, v6;
	v8 =	vld.idx.msk [tilespmem:v3+s2+$0x0], $0xffff;
	v3 =	vsel vm1, v1, v5  }
0x17a: {  	s22 =	sshll.u32 s19, $0x9;
	s23 =	sshll.u32 s19, $0x7;
	vm14 =	vgt.s32 v1, v2;
	v4 =	vxor.u32 $0xFFFFFFFF, v4;
	v3 =	vadd.s32 v3, v7  }
0x17b: {  	s22 =	sand.u32 $0x7000, s22;
	s23 =	sand.u32 $0x380, s23;
	vm15 =	veq.s32 v1, v5;
	v9 =	vsel vm14, v2, v1;
	v3 =	vadd.s32 v4, v3  }
0x17c: {  	s22 =	sor.u32 s23, s22;
	v6 =	vadd.s32 $0xFFFFFFFF, v9;
	v4 =	vsel vm15, $0x137B8, v3  }
0x17d: {  	s31 =	sand.u32 $0xC00, s18;
	s22 =	sadd.s32 $0x13800, s22;
	v6 =	vmul.u32 v9, v6  }
0x17e: {  	s24 =	sand.u32 $0x70, s18;
	s25 =	sadd.s32 s31, s22  }
0x17f: {  	s23 =	simm.s32 $0x30;
	s24 =	sadd.s32 s24, s25;
	v5 =	vmul.u32 $0x18F, v9;
	v7 =	vshra.s32 v6, $0x1  }
0x180: {  	s25 =	simm.s32 $0x40;
	v6 =	vsel vm14, v1, v2;
	v3 =	vor.u32 s23, v0;
	v7 =	vadd.s32 v9, v7;
	[tilespmem:s24+$0x0] =	vst v8;
	s24 =	simm.s32 $0x0  }
.LBB2_30:
0x181: {  	p4 =	sne.s32 s25, $0x180;
	vm0 =	vgt.s32 v1, v3;
	v5 =	vadd.s32 v6, v5;
	v6 =	vxor.u32 $0xFFFFFFFF, v7;
	v8 =	vld.idx.msk [tilespmem:v4+s2+$0x0], $0xffff  }
0x182: {  	vm1 =	veq.s32 v1, v2;
	v2 =	vmovc v3;
	v7 =	vsel vm0, v3, v1;
	v4 =	vadd.s32 v6, v5  }
.Ltmp20:
0x183: {  	s24 =	sadd.s32 $0x80, s24;
	v3 =	vadd.s32 $0xFFFFFFFF, v7;
	v4 =	vsel vm1, $0x137B8, v4;
	(pc) =	sbr.rel @p4 .LBB2_30-.Ltmp20, $4  }
0x184: {  	s26 =	sand.u32 $0xC00, s24;
	v3 =	vmul.u32 v7, v3  }
0x185: {  	s28 =	sand.u32 $0x70, s21;
	s21 =	smov.u32 s20;
	s26 =	sadd.s32 s26, s22  }
0x186: {  	s20 =	smov.u32 s23;
	s23 =	smov.u32 s25;
	v5 =	vmul.u32 $0x18F, v7;
	s26 =	sadd.s32 s28, s26;
	v9 =	vshra.s32 v3, $0x1  }
0x187: {  	s25 =	sadd.s32 $0x10, s25;
	v6 =	vsel vm0, v1, v2;
	v3 =	vor.u32 s23, v0;
	v7 =	vadd.s32 v7, v9;
	[tilespmem:s26+$0x0] =	vst v8  }
0x188: {  	_ =	sdelay $0x1  }
0x189: {  	vm0 =	vgt.s32 v1, v3  }
0x18a: {  	v5 =	vadd.s32 v6, v5;
	v60 =	vxor.u32 $0xFFFFFFFF, v7;
	v61 =	vsel vm0, v3, v1  }
0x18b: {  	v4 =	vld.idx.msk [tilespmem:v4+s2+$0x0], $0xffff;
	vm1 =	veq.s32 v1, v2;
	v5 =	vadd.s32 v60, v5;
	v2 =	vadd.s32 $0xFFFFFFFF, v61  }
0x18c: {  	s24 =	sadd.s32 $0x80, s24;
	v5 =	vsel vm1, $0x137B8, v5;
	v2 =	vmul.u32 v61, v2  }
0x18d: {  	s25 =	sand.u32 $0xC00, s24  }
0x18e: {  	s21 =	sand.u32 $0x70, s21;
	s25 =	sadd.s32 s25, s22;
	v62 =	vmul.u32 $0x18F, v61;
	v2 =	vshra.s32 v2, $0x1  }
0x18f: {  	v8 =	vsel vm0, v1, v3;
	s21 =	sadd.s32 s21, s25;
	v2 =	vadd.s32 v61, v2  }
0x190: {  	v63 =	vadd.s32 v8, v62;
	[tilespmem:s21+$0x0] =	vst v4;
	v2 =	vxor.u32 $0xFFFFFFFF, v2  }
0x191: {  	vm15 =	veq.s32 v1, v3;
	v5 =	vld.idx.msk [tilespmem:v5+s2+$0x0], $0xffff;
	v2 =	vadd.s32 v2, v63  }
0x192: {  	s29 =	sadd.s32 $0x80, s24;
	v1 =	vsel vm15, $0x137B8, v2  }
0x193: {  	s24 =	sand.u32 $0xC00, s29  }
0x194: {  	s20 =	sand.u32 $0x70, s20;
	s24 =	sadd.s32 s24, s22  }
0x195: {  	s20 =	sadd.s32 s20, s24  }
0x196: {  	s19 =	sadd.s32 $0x1, s19;
	[tilespmem:s20+$0x0] =	vst v5  }
0x197: {  	p4 =	sne.s32 s19, $0x30;
	v1 =	vld.idx.msk [tilespmem:v1+s2+$0x0], $0xffff  }
.Ltmp21:
0x198: {  	s30 =	sadd.s32 $0x80, s29;
	(pc) =	sbr.rel @p4 .LBB2_29-.Ltmp21, $4  }
0x199: {  	s20 =	sand.u32 $0xC00, s30  }
0x19a: {  	s31 =	sand.u32 $0x70, s23;
	s20 =	sadd.s32 s20, s22  }
0x19b: {  	s20 =	sadd.s32 s31, s20  }
0x19c: {  	[tilespmem:s20+$0x0] =	vst v1  }
0x19d: {  	s18 =	simm.s32 $0x0  }
0x19e: {  	[hbm4b:s11+s18] =	stream.linear.scatter [tilespmem:s16], [sflag:$0x1], $0x6000, $0x38;
	[tilespmem:$0x1A800] =	vst v63  }
0x19f: {  	_ =	swait.ge [sflag:s15], $0x6000  }
0x1a0: {  	[sflag:s15] =	ssyncset.done $0x0  }
0x1a1: {  	s19 =	simm.s32 $0x0;
	[sflag:s15] =	ssyncadd.s32 $0xFFFFA000  }
.LBB2_33:
0x1a2: {  	s20 =	sadd.s32 $0x160, s19  }
0x1a3: {  	v2 =	vor.u32 s18, v0;
	v1 =	vmov s20  }
0x1a4: {  	vm0 =	vgt.s32 v1, v2  }
0x1a5: {  	v3 =	vsel vm0, v2, v1  }
0x1a6: {  	v4 =	vadd.s32 $0xFFFFFFFF, v3  }
0x1a7: {  	v4 =	vmul.u32 v3, v4;
	_ =	sdelay $0x1  }
0x1a8: {  	v5 =	vmul.u32 $0x18F, v3;
	v4 =	vshra.s32 v4, $0x1  }
0x1a9: {  	s21 =	simm.s32 $0x10;
	v6 =	vsel vm0, v1, v2;
	v3 =	vadd.s32 v3, v4  }
0x1aa: {  	v4 =	vadd.s32 v6, v5;
	v5 =	vor.u32 s21, v0;
	v3 =	vxor.u32 $0xFFFFFFFF, v3  }
0x1ab: {  	vm13 =	veq.s32 v1, v2;
	vm1 =	vgt.s32 v1, v5;
	v3 =	vadd.s32 v3, v4  }
0x1ac: {  	v4 =	vsel vm1, v5, v1;
	v3 =	vsel vm13, $0x137B8, v3  }
0x1ad: {  	v2 =	vadd.s32 $0xFFFFFFFF, v4  }
0x1ae: {  	v6 =	vmul.u32 v4, v2;
	_ =	sdelay $0x1  }
0x1af: {  	s20 =	simm.s32 $0x20;
	v7 =	vmul.u32 $0x18F, v4;
	v6 =	vshra.s32 v6, $0x1  }
0x1b0: {  	v2 =	vor.u32 s20, v0;
	v4 =	vadd.s32 v4, v6;
	v8 =	vld.idx.msk [tilespmem:v3+s2+$0x0], $0xffff;
	v3 =	vsel vm1, v1, v5  }
0x1b1: {  	s22 =	sshll.u32 s19, $0x9;
	s23 =	sshll.u32 s19, $0x7;
	vm14 =	vgt.s32 v1, v2;
	v4 =	vxor.u32 $0xFFFFFFFF, v4;
	v3 =	vadd.s32 v3, v7  }
0x1b2: {  	s22 =	sand.u32 $0x7000, s22;
	s23 =	sand.u32 $0x380, s23;
	vm15 =	veq.s32 v1, v5;
	v9 =	vsel vm14, v2, v1;
	v3 =	vadd.s32 v4, v3  }
0x1b3: {  	s22 =	sor.u32 s23, s22;
	v6 =	vadd.s32 $0xFFFFFFFF, v9;
	v4 =	vsel vm15, $0x137B8, v3  }
0x1b4: {  	s31 =	sand.u32 $0xC00, s18;
	s22 =	sadd.s32 $0x13800, s22;
	v6 =	vmul.u32 v9, v6  }
0x1b5: {  	s24 =	sand.u32 $0x70, s18;
	s25 =	sadd.s32 s31, s22  }
0x1b6: {  	s23 =	simm.s32 $0x30;
	s24 =	sadd.s32 s24, s25;
	v5 =	vmul.u32 $0x18F, v9;
	v7 =	vshra.s32 v6, $0x1  }
0x1b7: {  	s25 =	simm.s32 $0x40;
	v6 =	vsel vm14, v1, v2;
	v3 =	vor.u32 s23, v0;
	v7 =	vadd.s32 v9, v7;
	[tilespmem:s24+$0x0] =	vst v8;
	s24 =	simm.s32 $0x0  }
.LBB2_34:
0x1b8: {  	p4 =	sne.s32 s25, $0x180;
	vm0 =	vgt.s32 v1, v3;
	v5 =	vadd.s32 v6, v5;
	v6 =	vxor.u32 $0xFFFFFFFF, v7;
	v8 =	vld.idx.msk [tilespmem:v4+s2+$0x0], $0xffff  }
0x1b9: {  	vm1 =	veq.s32 v1, v2;
	v2 =	vmovc v3;
	v7 =	vsel vm0, v3, v1;
	v4 =	vadd.s32 v6, v5  }
.Ltmp22:
0x1ba: {  	s24 =	sadd.s32 $0x80, s24;
	v3 =	vadd.s32 $0xFFFFFFFF, v7;
	v4 =	vsel vm1, $0x137B8, v4;
	(pc) =	sbr.rel @p4 .LBB2_34-.Ltmp22, $4  }
0x1bb: {  	s26 =	sand.u32 $0xC00, s24;
	v3 =	vmul.u32 v7, v3  }
0x1bc: {  	s28 =	sand.u32 $0x70, s21;
	s21 =	smov.u32 s20;
	s26 =	sadd.s32 s26, s22  }
0x1bd: {  	s20 =	smov.u32 s23;
	s23 =	smov.u32 s25;
	v5 =	vmul.u32 $0x18F, v7;
	s26 =	sadd.s32 s28, s26;
	v9 =	vshra.s32 v3, $0x1  }
0x1be: {  	s25 =	sadd.s32 $0x10, s25;
	v6 =	vsel vm0, v1, v2;
	v3 =	vor.u32 s23, v0;
	v7 =	vadd.s32 v7, v9;
	[tilespmem:s26+$0x0] =	vst v8  }
0x1bf: {  	_ =	sdelay $0x1  }
0x1c0: {  	vm0 =	vgt.s32 v1, v3  }
0x1c1: {  	v5 =	vadd.s32 v6, v5;
	v60 =	vxor.u32 $0xFFFFFFFF, v7;
	v61 =	vsel vm0, v3, v1  }
0x1c2: {  	v4 =	vld.idx.msk [tilespmem:v4+s2+$0x0], $0xffff;
	vm1 =	veq.s32 v1, v2;
	v5 =	vadd.s32 v60, v5;
	v2 =	vadd.s32 $0xFFFFFFFF, v61  }
0x1c3: {  	s24 =	sadd.s32 $0x80, s24;
	v5 =	vsel vm1, $0x137B8, v5;
	v2 =	vmul.u32 v61, v2  }
0x1c4: {  	s25 =	sand.u32 $0xC00, s24  }
0x1c5: {  	s21 =	sand.u32 $0x70, s21;
	s25 =	sadd.s32 s25, s22;
	v62 =	vmul.u32 $0x18F, v61;
	v2 =	vshra.s32 v2, $0x1  }
0x1c6: {  	v8 =	vsel vm0, v1, v3;
	s21 =	sadd.s32 s21, s25;
	v2 =	vadd.s32 v61, v2  }
0x1c7: {  	v63 =	vadd.s32 v8, v62;
	[tilespmem:s21+$0x0] =	vst v4;
	v2 =	vxor.u32 $0xFFFFFFFF, v2  }
0x1c8: {  	vm15 =	veq.s32 v1, v3;
	v5 =	vld.idx.msk [tilespmem:v5+s2+$0x0], $0xffff;
	v2 =	vadd.s32 v2, v63  }
0x1c9: {  	s29 =	sadd.s32 $0x80, s24;
	v1 =	vsel vm15, $0x137B8, v2  }
0x1ca: {  	s24 =	sand.u32 $0xC00, s29  }
0x1cb: {  	s20 =	sand.u32 $0x70, s20;
	s24 =	sadd.s32 s24, s22  }
0x1cc: {  	s20 =	sadd.s32 s20, s24  }
0x1cd: {  	s19 =	sadd.s32 $0x1, s19;
	[tilespmem:s20+$0x0] =	vst v5  }
0x1ce: {  	p4 =	seq.s32 s19, $0x30;
	v1 =	vld.idx.msk [tilespmem:v1+s2+$0x0], $0xffff  }
.Ltmp23:
0x1cf: {  	s30 =	sadd.s32 $0x80, s29;
	(pc) =	sbr.rel @!p4 .LBB2_33-.Ltmp23, $4  }
0x1d0: {  	s20 =	sand.u32 $0xC00, s30  }
0x1d1: {  	s31 =	sand.u32 $0x70, s23;
	s20 =	sadd.s32 s20, s22  }
0x1d2: {  	s20 =	sadd.s32 s31, s20  }
0x1d3: {  	[tilespmem:s20+$0x0] =	vst v1  }
.Ltmp24:
0x1d4: {  	(pc) =	sbr.rel .LBB2_37-.Ltmp24, $2  }
0x1d5: {  	_ =	sdelay $0x2  }
0x1d6: {  	s18 =	smov.u32 s12  }
.LBB2_39:
0x1d7: {  	_ =	sfence.sel $0x180000  }
0x1d8: {  	[bflag:$0x0] =	sbarrier.arrive $0xFFFF  }
0x1d9: {  	p0 =	sne.s32 s1, $0x0;
	_ =	strace $0x90000047  }
0x1da: {  	s0 =	sadd.s32 @!p0 $0x100000, s0;
	[bflag:$0x2] =	sbarrier.arrive $0xFFFF  }
0x1db: {  	[sflag:s0] =	ssyncadd.tile.s32 @!p0 $0x1;
	_ =	shalt  }
.Lfunc_end2:
_tile_overlayer_lowered:
.L_overlay_start_2:
0x1dc: {  	(tag) =	ssettag $0x2  }
0x1dd: {  	s0 =	rddreg [dreg:$0x0];
	s2 =	stileid.u32  }
0x1de: {  	s1 =	rddreg [dreg:$0x1];
	p0 =	sne.s32 s2, $0x0  }
0x1df: {  	s3 =	rddreg [dreg:$0x2];
	[bflag:$0x3] =	sbarrier.arrive $0xFFFF;
	s2 =	simm.s32 @!p0 $0x1C01  }
0x1e0: {  	[timem:s3], [sflag:s2] =	dma.local @!p0 [hbm:s0], s1  }
0x1e1: {  	s0 =	simm.s32 @!p0 $0x1  }
0x1e2: {  	_ =	swait.ge @!p0 [sflag:s0], s1  }
0x1e3: {  	s1 =	ssub.s32 @!p0 $0x0, s1;
	[sflag:s0] =	ssyncset.done @!p0 $0x0  }
0x1e4: {  	[sflag:s0] =	ssyncadd.s32 @!p0 s1  }
0x1e5: {  	[bflag:$0x3] =	sbarrier.arrive $0xFFFF  }
0x1e6: {  	_ =	shalt  }

// kernel: kernel.8.cloned.1.call-start
scs
__scs_entry_jumppad:
0x0: {  	(pc) =	sbr.rel $0x88, $3  }
0x1: {  	(tag) =	ssettag $0x0;
	lr =	simm.s32 $0x1  }
0x2: {  	[smem:$0x3F95] =	sst lr;
	_ =	strace $0xD0000000  }
0x3: {  	_ = 	snop  }
0x4: {  	_ = 	snop  }
0x5: {  	_ = 	snop  }
0x6: {  	_ = 	snop  }
0x7: {  	_ = 	snop  }
__scs_overlays_trampoline_lowered:
0x8: {  	[smem:$0x3FA4] =	sst s0  }
0x9: {  	[smem:$0x3FA5] =	sst s1  }
0xa: {  	[smem:$0x3FA6] =	sst s2  }
0xb: {  	[smem:$0x3FA7] =	sst s3  }
0xc: {  	[smem:$0x3FA8] =	sst s4  }
0xd: {  	[smem:$0x3FA9] =	sst s5  }
0xe: {  	[smem:$0x3FAA] =	sst s6  }
0xf: {  	[smem:$0x3FAB] =	sst s7  }
0x10: {  	[smem:$0x3FAC] =	sst s8  }
0x11: {  	[smem:$0x3FAD] =	sst s9;
	s0 =	simm.s32 @!p0 $0x0  }
0x12: {  	s1 =	sld [smem:$0x3F93];
	s0 =	simm.s32 @p0 $0x1  }
0x13: {  	[smem:$0x3FAE] =	sst s0;
	s0 =	simm.s32 @!p1 $0x0  }
0x14: {  	s2 =	sld [smem:$0x3F92];
	s0 =	simm.s32 @p1 $0x1  }
0x15: {  	[smem:$0x3FAF] =	sst s0;
	s0 =	simm.s32 @!p2 $0x0  }
0x16: {  	s3 =	sld [smem:$0x3FDB];
	s0 =	simm.s32 @p2 $0x1  }
0x17: {  	s4 =	simm.s32 $0x1BF5;
	[smem:$0x3FB1] =	sst s0  }
0x18: {  	s0 =	sld [smem:$0x3F94];
	_ =	swait.ge [sflag:s4], $0x0  }
0x19: {  	s7 =	sld [smem:$0x3F95]  }
0x1a: {  	s8 =	sadd.s32 $0xFFFFE003, lr  }
0x1b: {  	s9 =	sadd.s32 $0xFFFFFEF7, lr;
	s5 =	simm.s32 $0xFFFFFFFF;
	p2 =	slt.u32 s8, $0xFFFFF086  }
0x1c: {  	p1 =	slt.u32 s9, $0xF7A;
	s5 =	simm.s32 @!p2 $0x0  }
0x1d: {  	s5 =	simm.s32 @p1 $0x1;
	p0 =	seq.s32 s7, s2  }
0x1e: {  	s7 =	smul.u32 @!p0 $0xF7A, s2;
	p2 =	seq.s32 @!p0 s5, $0x0  }
0x1f: {  	s9 =	smul.u32 $0xF7A, s1;
	s8 =	simm.s32 @!p0 $0x1BF5;
	p2 =	por !p2, p0  }
0x20: {  	[sflag:s8] =	ssyncset.s32 @!p0 $0xFFFFF086;
	s6 =	sadd.s32 @!p0 s3, s7;
	s7 =	simm.s32 @!p0 $0x108  }
0x21: {  	s3 =	sadd.s32 s3, s9;
	s6 =	sadd.s32 @!p0 $0x88, s6;
	s7 =	simm.s32 @p2 $0x1082  }
0x22: {  	[simem:s7], [sflag:s8] =	dma.local @!p0 [hbm:s6], $0xF7A  }
0x23: {  	s9 =	sor.u32 $0xD0000000, s2;
	s6 =	simm.s32 $0x108;
	_ =	swait.ge @!p0 [sflag:s8], $0x0  }
0x24: {  	s3 =	sadd.s32 $0x88, s3;
	s6 =	simm.s32 @!p1 $0x1082;
	[sflag:s4] =	ssyncset.s32 $0xFFFFF086  }
0x25: {  	[simem:s6], [sflag:s4] =	dma.local [hbm:s3], $0xF7A  }
0x26: {  	[smem:$0x3F95] =	sst s1;
	(tag) =	ssettag s2;
	_ =	strace s9  }
0x27: {  	s1 =	sld [smem:$0x3FA5]  }
0x28: {  	s2 =	sld [smem:$0x3FA6]  }
0x29: {  	s4 =	sld [smem:$0x3FA8]  }
0x2a: {  	p0 =	seq.s32 s5, $0x0;
	s5 =	sld [smem:$0x3FA9]  }
0x2b: {  	s6 =	sld [smem:$0x3FAA]  }
0x2c: {  	s7 =	sld [smem:$0x3FAB]  }
0x2d: {  	s3 =	simm.s32 $0x108;
	s8 =	sld [smem:$0x3FAC]  }
0x2e: {  	s3 =	simm.s32 @!p0 $0x1082;
	s9 =	sld [smem:$0x3FAD]  }
0x2f: {  	lr =	sadd.s32 s0, s3;
	s0 =	sld [smem:$0x3FA4]  }
0x30: {  	s3 =	sld [smem:$0x3FA7]  }
0x31: {  	[smem:$0x3FB0] =	sst s10  }
0x32: {  	s10 =	sld [smem:$0x3FAE];
	_ =	sdelay $0x3  }
0x33: {  	p0 =	seq.s32 s10, $0x1;
	s10 =	sld [smem:$0x3FB0];
	_ =	sdelay $0x3  }
0x34: {  	[smem:$0x3FB0] =	sst s10  }
0x35: {  	s10 =	sld [smem:$0x3FAF];
	_ =	sdelay $0x3  }
0x36: {  	p1 =	seq.s32 s10, $0x1;
	s10 =	sld [smem:$0x3FB0];
	_ =	sdelay $0x3  }
0x37: {  	[smem:$0x3FB0] =	sst s10  }
0x38: {  	s10 =	sld [smem:$0x3FB1]  }
0x39: {  	_ = 	snop;
	(pc) =	sbr.ind lr, $3  }
0x3a: {  	_ = 	snop  }
0x3b: {  	_ = 	snop  }
0x3c: {  	p2 =	seq.s32 s10, $0x1;
	s10 =	sld [smem:$0x3FB0]  }
0x3d: {  	_ =	shalt  }
0x3e: {  	_ =	shalt  }
0x3f: {  	_ =	shalt  }
0x40: {  	_ =	shalt  }
0x41: {  	_ =	shalt  }
0x42: {  	_ =	shalt  }
0x43: {  	_ =	shalt  }
0x44: {  	_ =	shalt  }
0x45: {  	_ =	shalt  }
0x46: {  	_ =	shalt  }
0x47: {  	_ =	shalt  }
0x48: {  	_ =	shalt  }
0x49: {  	_ =	shalt  }
0x4a: {  	_ =	shalt  }
0x4b: {  	_ =	shalt  }
0x4c: {  	_ =	shalt  }
0x4d: {  	_ =	shalt  }
0x4e: {  	_ =	shalt  }
0x4f: {  	_ =	shalt  }
0x50: {  	_ =	shalt  }
0x51: {  	_ =	shalt  }
0x52: {  	_ =	shalt  }
0x53: {  	_ =	shalt  }
0x54: {  	_ =	shalt  }
0x55: {  	_ =	shalt  }
0x56: {  	_ =	shalt  }
0x57: {  	_ =	shalt  }
0x58: {  	_ =	shalt  }
0x59: {  	_ =	shalt  }
0x5a: {  	_ =	shalt  }
0x5b: {  	_ =	shalt  }
0x5c: {  	_ =	shalt  }
0x5d: {  	_ =	shalt  }
0x5e: {  	_ =	shalt  }
0x5f: {  	_ =	shalt  }
0x60: {  	_ =	shalt  }
0x61: {  	_ =	shalt  }
0x62: {  	_ =	shalt  }
0x63: {  	_ =	shalt  }
0x64: {  	_ =	shalt  }
0x65: {  	_ =	shalt  }
0x66: {  	_ =	shalt  }
0x67: {  	_ =	shalt  }
0x68: {  	_ =	shalt  }
0x69: {  	_ =	shalt  }
0x6a: {  	_ =	shalt  }
0x6b: {  	_ =	shalt  }
0x6c: {  	_ =	shalt  }
0x6d: {  	_ =	shalt  }
0x6e: {  	_ =	shalt  }
0x6f: {  	_ =	shalt  }
0x70: {  	_ =	shalt  }
0x71: {  	_ =	shalt  }
0x72: {  	_ =	shalt  }
0x73: {  	_ =	shalt  }
0x74: {  	_ =	shalt  }
0x75: {  	_ =	shalt  }
0x76: {  	_ =	shalt  }
0x77: {  	_ =	shalt  }
0x78: {  	_ =	shalt  }
0x79: {  	_ =	shalt  }
0x7a: {  	_ =	shalt  }
0x7b: {  	_ =	shalt  }
0x7c: {  	_ =	shalt  }
0x7d: {  	_ =	shalt  }
0x7e: {  	_ =	shalt  }
0x7f: {  	_ =	shalt  }
0x80: {  	_ =	shalt  }
0x81: {  	_ =	shalt  }
0x82: {  	_ =	shalt  }
0x83: {  	_ =	shalt  }
0x84: {  	_ =	shalt  }
0x85: {  	_ =	shalt  }
0x86: {  	_ =	shalt  }
0x87: {  	_ =	shalt  }
.Lfunc_end0:
.L_simem_size_0:
called_computation.1_lowered:
.L_overlay_start_0:
0x88: {  	s2 =	sld [smem:$0x3FD9]  }
0x89: {  	s3 =	sld [smem:$0x3FFE];
	_ =	sdelay $0x1  }
0x8a: {  	s1 =	srdreg.scid  }
0x8b: {  	s0 =	sand.u32 $0x1, s1  }
0x8c: {  	s16 =	sshll.u32 s0, $0xA;
	s2 =	sadd.s32 s3, s2  }
0x8d: {  	s2 =	sadd.s32 s2, s16  }
0x8e: {  	[smem:$0x3FBC] =	sst s2  }
0x8f: {  	_ = 	snop  }
0x90: {  	(tm) =	ssettm $0x1  }
0x91: {  	s17 =	sld [smem:$0x3FFB];
	_ =	sdelay $0x3  }
0x92: {  	_ =	strace s17  }
0x93: {  	s2 =	sld [smem:$0x3FFC];
	_ =	sdelay $0x3  }
0x94: {  	_ =	strace s2  }
0x95: {  	s2 =	sld [smem:$0x3FFD];
	_ =	sdelay $0x3  }
0x96: {  	_ =	strace s2  }
0x97: {  	_ =	strace $0x8FFFFFFF  }
0x98: {  	s18 =	sld [smem:$0x3FDB];
	_ =	sdelay $0x1  }
0x99: {  	s19 =	simm.s32 $_scs_section_size  }
0x9a: {  	s4 =	simm.s32 $_size__tile_overlayer_lowered;
	s5 =	simm.s32 $_tile_overlayer_lowered  }
0x9b: {  	s22 =	simm.s32 $0x1BFF;
	s21 =	sshll.u32 s5, $0x1;
	s2 =	sadd.s32 s19, s18  }
0x9c: {  	s6 =	simm.s32 $0x0;
	s20 =	sshll.u32 s4, $0x1;
	s4 =	sadd.s32 s21, s2  }
0x9d: {  	[timem:s6], [sflag:s22] =	dma.local [hbm:s4], s20  }
0x9e: {  	_ =	swait.ge [sflag:s22], s20  }
0x9f: {  	s3 =	ssub.s32 $0x0, s20;
	[sflag:s22] =	ssyncset.done $0x0  }
0xa0: {  	[sflag:s22] =	ssyncadd.s32 s3;
	_ =	sdelay $0x1  }
0xa1: {  	s23 =	simm.s32 $0x1B8B  }
0xa2: {  	_ =	swait.ge [sflag:s23], $0x1  }
0xa3: {  	[sflag:s23] =	ssyncset.done $0x0  }
0xa4: {  	s25 =	simm.s32 $0x1B8E;
	s24 =	sld [smem:$0x3FFE];
	[sflag:s23] =	ssyncadd.s32 $0xFFFFFFFF  }
0xa5: {  	s26 =	simm.s32 $execute0_lowered;
	[smem:$0x3FD2] =	sst s25  }
0xa6: {  	s4 =	sshll.u32 s26, $0x1;
	_ =	strace $0x80000049;
	[dreg:$0x1] =	wrdreg $0xFFFFFFFF  }
0xa7: {  	s28 =	simm.s32 $_size_execute0_lowered;
	s2 =	sadd.s32 s2, s4;
	[dreg:$0x0] =	wrdreg $0x0  }
0xa8: {  	s4 =	sshll.u32 s28, $0x1;
	[dreg:$0x2] =	wrdreg s2  }
0xa9: {  	[dreg:$0x3] =	wrdreg s4  }
0xaa: {  	[dreg:$0x4] =	wrdreg $0xC0  }
0xab: {  	_ =	task [dreg:s6], $0x5FFFF  }
0xac: {  	[dreg:$0x1] =	wrdreg $0xFFFFFFFF  }
0xad: {  	[dreg:$0x0] =	wrdreg $0x60  }
0xae: {  	[dreg:$0x2] =	wrdreg s24  }
0xaf: {  	[dreg:$0x3] =	wrdreg $0x9  }
0xb0: {  	_ =	task.clear_ibuf [dreg:s6], $0x4FFFF;
	_ =	strace $0x90000049  }
0xb1: {  	s29 =	simm.s32 $0x9;
	_ =	strace $0x8000004B  }
0xb2: {  	_ =	swait.ge [sflag:s29], $0x1  }
0xb3: {  	[sflag:s29] =	ssyncadd.s32 $0xFFFFFFFF  }
0xb4: {  	_ =	strace $0x9000004B  }
0xb5: {  	_ =	sfence  }
0xb6: {  	s30 =	sld [smem:$0x0];
	_ =	sdelay $0x2  }
0xb7: {  	s31 =	sshll.u32 s1, $0xD;
	s1 =	sshrl.u32 s1, $0x2  }
0xb8: {  	s3 =	sand.u32 $0x4000, s31;
	s1 =	sadd.s32 s1, s30  }
0xb9: {  	s0 =	sor.u32 s3, s0;
	s1 =	sshll.u32 s1, $0x11  }
0xba: {  	s0 =	sor.u32 s1, s0  }
0xbb: {  	s0 =	sadd.s32 $0x8F2B, s0  }
0xbc: {  	[sflag:s0] =	ssyncadd.remote.s32 $0x1  }
0xbd: {  	_ =	sfence.sel $0xFFFF  }
0xbe: {  	[dreg:$0x0] =	wrdreg $0xFFFFFFFF;
	(pc) =	sbr.abs _section_cstart, $3  }
0xbf: {  	[dreg:$0x1] =	wrdreg $0xFFFFFFFF  }
0xc0: {  	_ =	task.clear_ibuf [dreg:s6], $0x2FFFF;
	_ =	strace $0x9FFFFFFF  }
0xc1: {  	(tm) =	ssettm $0x7FFFFFFF  }
tec
execute0_lowered:
.L_overlay_start_1:
0x0: {  	(tag) =	ssettag $0x1  }
0x1: {  	s3 =	rddreg [dreg:$0x0]  }
0x2: {  	s0 =	rddreg [dreg:$0x1]  }
0x3: {  	s2 =	simm.s32 $0x0;
	s4 =	srdreg.scid;
	s1 =	stileid.u32  }
0x4: {  	s14 =	simm.s32 $0x1;
	[smem:$0x7FF] =	sst s2;
	s11 =	sshrl.u32 s1, $0x1  }
0x5: {  	s10 =	sadd.s32 $0x1C00, s3;
	s4 =	sand.u32 $0x1, s4;
	s6 =	smul.u32 $0x32000, s11  }
0x6: {  	s3 =	sadd.s32 $0x33C00, s3;
	s8 =	sshll.u32 s1, $0x1;
	s9 =	smul.u32 $0x14000, s11  }
0x7: {  	_ =	strace $0x8000004A;
	s5 =	ssub.s32 $0x2, s4;
	s13 =	smul.u32 $0x6400, s11  }
0x8: {  	s29 =	sand.u32 $0x2, s8;
	s11 =	smul.u32 $0x2800, s11;
	s7 =	sshrl.u32 s5, $0x1  }
0x9: {  	s15 =	sor.u32 s4, s29;
	s12 =	ssub.s32 s5, s7;
	s6 =	sshrl.u32 s6, $0x3  }
0xa: {  	s9 =	sshrl.u32 s9, $0x3;
	p0 =	sgt.s32 s15, $0x1;
	p1 =	seq.s32 s15, $0x0  }
.Ltmp0:
0xb: {  	p2 =	seq.s32 s15, $0x2;
	p3 =	sne.s32 s15, $0x3;
	(pc) =	sbr.rel .LBB2_1-.Ltmp0, $4  }
0xc: {  	s15 =	simm.s32 $0x0;
	s30 =	sadd.s32 s10, s6;
	s31 =	sadd.s32 s3, s9  }
0xd: {  	s5 =	sadd.s32 $0xA00, s9;
	s9 =	sadd.s32 $0x1E00, s9;
	s10 =	sadd.s32 s10, s13  }
0xe: {  	s12 =	smax.u32 s12, $0x1;
	s13 =	simm.s32 $0x19000;
	s4 =	sadd.s32 $0xC00, s30  }
0xf: {  	v0 =	vlaneseq.u32;
	s6 =	sadd.s32 $0x1E00, s30;
	s7 =	sadd.s32 $0x1400, s31;
	s8 =	sadd.s32 $0x3200, s30  }
.LBB2_34:
0x10: {  	s16 =	smov.u32 s9  }
.LBB2_35:
0x11: {  	s16 =	sadd.s32 s3, s16  }
0x12: {  	[hbm4b:s16+s2] =	stream.linear.scatter [tilespmem:s13], [sflag:$0x1], $0x5000, $0x38;
	[tilespmem:$0x1E000] =	vst v63  }
0x13: {  	_ =	swait.ge [sflag:s14], $0x5000  }
0x14: {  	[sflag:s14] =	ssyncset.done $0x0  }
0x15: {  	[sflag:s14] =	ssyncadd.s32 $0xFFFFB000  }
.LBB2_36:
0x16: {  	s15 =	sadd.s32 $0x1, s15  }
0x17: {  	p4 =	sne.s32 s15, s12  }
.Ltmp1:
0x18: {  	_ = 	snop;
	(pc) =	sbr.rel @!p4 .LBB2_37-.Ltmp1, $1  }
0x19: {  	_ =	sdelay $0x3  }
.LBB2_1:
.Ltmp2:
0x1a: {  	(pc) =	sbr.rel @p0 .LBB2_18-.Ltmp2, $1  }
0x1b: {  	_ =	sdelay $0x3  }
.Ltmp3:
0x1c: {  	(pc) =	sbr.rel @!p1 .LBB2_11-.Ltmp3, $1  }
0x1d: {  	_ =	sdelay $0x3  }
0x1e: {  	s17 =	simm.s32 $0x0;
	s16 =	simm.s32 $0x1  }
0x1f: {  	[tilespmem:s17], [sflag:$0x1] =	stream.linear.gather [hbm4b:s10+s17], $0x7000, $0x38;
	[tilespmem:$0x1E000] =	vst v63  }
0x20: {  	_ =	swait.ge [sflag:s16], $0x7000  }
0x21: {  	[sflag:s16] =	ssyncset.done $0x0  }
0x22: {  	[sflag:s16] =	ssyncadd.s32 $0xFFFF9000  }
.LBB2_4:
0x23: {  	s18 =	smov.u32 s17;
	s26 =	sadd.s32 $0xFFFFFFFF, s17  }
0x24: {  	s19 =	sshrl.u32 s16, $0x4;
	s17 =	smul.u32 s18, s26  }
0x25: {  	s20 =	sadd.s32 $0xFFFFFFFF, s19  }
0x26: {  	s21 =	sshll.u32 s19, $0x7;
	s20 =	sadd.s32 $0x1, s20;
	s17 =	sshra.s32 s17, $0x1  }
0x27: {  	s23 =	smul.u32 $0x18F, s18;
	p5 =	slt.u32 s20, $0x18;
	s22 =	sadd.s32 s18, s17  }
.Ltmp4:
0x28: {  	s19 =	sand.u32 $0xFFFFFFF0, s16;
	s22 =	sxor.u32 $0xFFFFFFFF, s22;
	(pc) =	sbr.rel @!p5 .LBB2_5-.Ltmp4, $4  }
0x29: {  	s28 =	sshll.u32 s18, $0x9;
	s24 =	sshll.u32 s18, $0x7;
	s22 =	sadd.s32 s22, s23  }
0x2a: {  	s29 =	sand.u32 $0x7000, s28;
	s30 =	sand.u32 $0x380, s24;
	v4 =	vor.u32 s19, v0;
	v1 =	vmov s22  }
0x2b: {  	v2 =	vmov s18;
	s31 =	sand.u32 $0xC00, s21;
	s17 =	sadd.s32 $0x1, s18;
	s18 =	sor.u32 s30, s29;
	v3 =	vadd.s32 v1, v4  }
0x2c: {  	p4 =	por $0x0, $0x0;
	vm1 =	vgt.u32 v4, v2;
	s23 =	sadd.s32 s31, s18;
	s22 =	sand.u32 $0x70, s19;
	vm2 =	vlt.u32 v3, $0x5000;
	vm3 =	vgt.s32 v3, $0x0  }
0x2d: {  	s20 =	sadd.s32 $0x1, s20  }
0x2e: {  	p5 =	slt.u32 s20, $0x18  }
.Ltmp5:
0x2f: {  	v3 =	vnsel vm3, $0x0, v3;
	vm0 =	vmand vm1, vm2;
	s22 =	sadd.s32 s22, s23;
	(pc) =	sbr.rel @!p5 .LBB2_10-.Ltmp5, $4  }
0x30: {  	s19 =	sadd.s32 $0x10, s19;
	v4 =	vmin.u32 v3, $0x4FFF;
	v5 =	vld [tilespmem:s22+$0x0]  }
0x31: {  	s21 =	sadd.s32 $0x80, s21;
	v6 =	vor.u32 s19, v0  }
0x32: {  	s31 =	sand.u32 $0xC00, s21;
	v3 =	vadd.s32 v1, v6  }
0x33: {  	p4 =	por $0x1, $0x1;
	s22 =	sand.u32 $0x70, s19;
	vm1 =	vgt.u32 v6, v2;
	s23 =	sadd.s32 s31, s18;
	vm2 =	vlt.u32 v3, $0x5000;
	vm3 =	vgt.s32 v3, $0x0  }
.LBB2_9:
0x34: {  	s20 =	sadd.s32 $0x1, s20  }
0x35: {  	v3 =	vnsel vm3, $0x0, v3;
	s22 =	sadd.s32 s22, s23;
	[tilespmem:v4+s13+$0x0] =	vst.idx.msk vm0, v5;
	vm0 =	vmand vm1, vm2;
	p5 =	slt.u32 s20, $0x18  }
.Ltmp6:
0x36: {  	v4 =	vmin.u32 v3, $0x4FFF;
	v5 =	vld [tilespmem:s22+$0x0];
	(pc) =	sbr.rel @p5 .LBB2_9-.Ltmp6, $4  }
0x37: {  	s19 =	sadd.s32 $0x10, s19  }
0x38: {  	s21 =	sadd.s32 $0x80, s21;
	v6 =	vor.u32 s19, v0  }
0x39: {  	s23 =	sand.u32 $0xC00, s21;
	v3 =	vadd.s32 v1, v6  }
0x3a: {  	s22 =	sand.u32 $0x70, s19;
	vm1 =	vgt.u32 v6, v2;
	s23 =	sadd.s32 s23, s18;
	vm2 =	vlt.u32 v3, $0x5000;
	vm3 =	vgt.s32 v3, $0x0  }
.LBB2_10:
0x3b: {  	_ =	sdelay $0x4  }
0x3c: {  	vm1 =	vmand vm1, vm2;
	v1 =	vnsel vm3, $0x0, v3;
	s18 =	sadd.s32 s22, s23;
	[tilespmem:v4+s13+$0x0] =	vst.idx.msk @p4 vm0, v5  }
0x3d: {  	v1 =	vmin.u32 v1, $0x4FFF;
	v2 =	vld [tilespmem:s18+$0x0];
	_ =	sdelay $0x4  }
0x3e: {  	[tilespmem:v1+s13+$0x0] =	vst.idx.msk vm1, v2  }
0x3f: {  	p4 =	seq.s32 s17, $0x38  }
.Ltmp7:
0x40: {  	_ = 	snop;
	(pc) =	sbr.rel @!p4 .LBB2_4-.Ltmp7, $4  }
.Ltmp8:
0x41: {  	_ = 	snop;
	(pc) =	sbr.rel @p4 .LBB2_7-.Ltmp8, $4  }
0x42: {  	_ = 	snop  }
0x43: {  	_ = 	snop  }
0x44: {  	s16 =	sadd.s32 $0x1, s16  }
0x45: {  	_ = 	snop  }
.LBB2_5:
.Ltmp9:
0x46: {  	(pc) =	sbr.rel .LBB2_10-.Ltmp9, $2  }
0x47: {  	_ =	sdelay $0x2  }
0x48: {  	_ = 	snop  }
.LBB2_18:
.Ltmp10:
0x49: {  	(pc) =	sbr.rel @!p2 .LBB2_26-.Ltmp10, $1  }
0x4a: {  	_ =	sdelay $0x3  }
0x4b: {  	s16 =	simm.s32 $0x0  }
0x4c: {  	[tilespmem:s16], [sflag:$0x1] =	stream.linear.gather [hbm4b:s6+s16], $0xB000, $0x38;
	[tilespmem:$0x1E000] =	vst v63  }
0x4d: {  	_ =	swait.ge [sflag:s14], $0xB000  }
0x4e: {  	[sflag:s14] =	ssyncset.done $0x0  }
0x4f: {  	s17 =	simm.s32 $0x79;
	[sflag:s14] =	ssyncadd.s32 $0xFFFF5000  }
.LBB2_20:
0x50: {  	s18 =	sadd.s32 $0x78, s16;
	s19 =	sadd.s32 $0x77, s16  }
0x51: {  	s19 =	smul.u32 s19, s18;
	_ =	sdelay $0x1  }
0x52: {  	s22 =	smul.u32 $0x18F, s18;
	s19 =	sshrl.u32 s19, $0x1  }
0x53: {  	s24 =	sadd.s32 s19, s16  }
0x54: {  	s20 =	sshrl.u32 s17, $0x4;
	s28 =	ssub.s32 s22, s24  }
0x55: {  	s23 =	sadd.s32 $0xFFFFFFFF, s20;
	s21 =	sshll.u32 s20, $0x7;
	s20 =	sadd.s32 $0xFFFF5F87, s28  }
0x56: {  	v1 =	vmov s20;
	s20 =	sadd.s32 $0x1, s23  }
0x57: {  	p5 =	slt.u32 s20, $0x18  }
.Ltmp11:
0x58: {  	_ = 	snop;
	(pc) =	sbr.rel @!p5 .LBB2_21-.Ltmp11, $4  }
0x59: {  	s29 =	sshll.u32 s16, $0x9;
	s30 =	sshll.u32 s16, $0x7;
	s19 =	sand.u32 $0xFFFFFFF0, s17  }
0x5a: {  	s22 =	sand.u32 $0xF000, s29;
	s24 =	sand.u32 $0x380, s30;
	v4 =	vor.u32 s19, v0  }
0x5b: {  	v2 =	vmov s18;
	s31 =	sand.u32 $0xC00, s21;
	s18 =	sor.u32 s24, s22;
	v3 =	vadd.s32 v1, v4  }
0x5c: {  	p4 =	por $0x0, $0x0;
	vm1 =	vgt.u32 v4, v2;
	s22 =	sand.u32 $0x70, s19;
	s23 =	sadd.s32 s31, s18;
	vm2 =	vlt.u32 v3, $0x5000;
	vm3 =	vgt.s32 v3, $0x0  }
0x5d: {  	s20 =	sadd.s32 $0x1, s20  }
0x5e: {  	p5 =	slt.u32 s20, $0x18  }
.Ltmp12:
0x5f: {  	v3 =	vnsel vm3, $0x0, v3;
	vm0 =	vmand vm1, vm2;
	s22 =	sadd.s32 s22, s23;
	(pc) =	sbr.rel @!p5 .LBB2_24-.Ltmp12, $4  }
0x60: {  	s19 =	sadd.s32 $0x10, s19;
	v4 =	vmin.u32 v3, $0x4FFF;
	v5 =	vld [tilespmem:s22+$0x0]  }
0x61: {  	s21 =	sadd.s32 $0x80, s21;
	v6 =	vor.u32 s19, v0  }
0x62: {  	s31 =	sand.u32 $0xC00, s21;
	v3 =	vadd.s32 v1, v6  }
0x63: {  	p4 =	por $0x1, $0x1;
	s22 =	sand.u32 $0x70, s19;
	vm1 =	vgt.u32 v6, v2;
	s23 =	sadd.s32 s31, s18;
	vm2 =	vlt.u32 v3, $0x5000;
	vm3 =	vgt.s32 v3, $0x0  }
.LBB2_23:
0x64: {  	s20 =	sadd.s32 $0x1, s20  }
0x65: {  	v3 =	vnsel vm3, $0x0, v3;
	s22 =	sadd.s32 s22, s23;
	[tilespmem:v4+s13+$0x0] =	vst.idx.msk vm0, v5;
	vm0 =	vmand vm1, vm2;
	p5 =	slt.u32 s20, $0x18  }
.Ltmp13:
0x66: {  	v4 =	vmin.u32 v3, $0x4FFF;
	v5 =	vld [tilespmem:s22+$0x0];
	(pc) =	sbr.rel @p5 .LBB2_23-.Ltmp13, $4  }
0x67: {  	s19 =	sadd.s32 $0x10, s19  }
0x68: {  	s21 =	sadd.s32 $0x80, s21;
	v6 =	vor.u32 s19, v0  }
0x69: {  	s23 =	sand.u32 $0xC00, s21;
	v3 =	vadd.s32 v1, v6  }
0x6a: {  	s22 =	sand.u32 $0x70, s19;
	vm1 =	vgt.u32 v6, v2;
	s23 =	sadd.s32 s23, s18;
	vm2 =	vlt.u32 v3, $0x5000;
	vm3 =	vgt.s32 v3, $0x0  }
.LBB2_24:
0x6b: {  	_ =	sdelay $0x4  }
0x6c: {  	vm1 =	vmand vm1, vm2;
	v1 =	vnsel vm3, $0x0, v3;
	s18 =	sadd.s32 s22, s23;
	s16 =	sadd.s32 $0x1, s16;
	[tilespmem:v4+s13+$0x0] =	vst.idx.msk @p4 vm0, v5  }
0x6d: {  	v1 =	vmin.u32 v1, $0x4FFF;
	p4 =	sne.s32 s16, $0x58;
	v2 =	vld [tilespmem:s18+$0x0]  }
.Ltmp14:
0x6e: {  	_ = 	snop;
	(pc) =	sbr.rel @p4 .LBB2_20-.Ltmp14, $4  }
.Ltmp15:
0x6f: {  	_ = 	snop;
	(pc) =	sbr.rel @!p4 .LBB2_25-.Ltmp15, $4  }
0x70: {  	_ = 	snop  }
0x71: {  	_ = 	snop  }
0x72: {  	s17 =	sadd.s32 $0x1, s17;
	[tilespmem:v1+s13+$0x0] =	vst.idx.msk vm1, v2  }
0x73: {  	_ = 	snop  }
.LBB2_21:
.Ltmp16:
0x74: {  	(pc) =	sbr.rel .LBB2_24-.Ltmp16, $2  }
0x75: {  	_ =	sdelay $0x2  }
0x76: {  	_ = 	snop  }
.LBB2_11:
0x77: {  	s16 =	simm.s32 $0x0  }
0x78: {  	[tilespmem:s16], [sflag:$0x1] =	stream.linear.gather [hbm4b:s4+s16], $0xA000, $0x38;
	[tilespmem:$0x1E000] =	vst v63  }
0x79: {  	_ =	swait.ge [sflag:s14], $0xA000  }
0x7a: {  	[sflag:s14] =	ssyncset.done $0x0  }
0x7b: {  	s17 =	simm.s32 $0x31;
	[sflag:s14] =	ssyncadd.s32 $0xFFFF6000  }
.LBB2_12:
0x7c: {  	s18 =	sadd.s32 $0x30, s16;
	s19 =	sadd.s32 $0x2F, s16  }
0x7d: {  	s19 =	smul.u32 s19, s18;
	_ =	sdelay $0x1  }
0x7e: {  	s22 =	smul.u32 $0x18F, s18;
	s19 =	sshrl.u32 s19, $0x1  }
0x7f: {  	s24 =	sadd.s32 s19, s16  }
0x80: {  	s20 =	sshrl.u32 s17, $0x4;
	s28 =	ssub.s32 s22, s24  }
0x81: {  	s23 =	sadd.s32 $0xFFFFFFFF, s20;
	s21 =	sshll.u32 s20, $0x7;
	s20 =	sadd.s32 $0xFFFFAFCF, s28  }
0x82: {  	v1 =	vmov s20;
	s20 =	sadd.s32 $0x1, s23  }
0x83: {  	p5 =	slt.u32 s20, $0x18  }
.Ltmp17:
0x84: {  	_ = 	snop;
	(pc) =	sbr.rel @!p5 .LBB2_13-.Ltmp17, $4  }
0x85: {  	s29 =	sshll.u32 s16, $0x9;
	s30 =	sshll.u32 s16, $0x7;
	s19 =	sand.u32 $0xFFFFFFF0, s17  }
0x86: {  	s22 =	sand.u32 $0xF000, s29;
	s24 =	sand.u32 $0x380, s30;
	v4 =	vor.u32 s19, v0  }
0x87: {  	v2 =	vmov s18;
	s31 =	sand.u32 $0xC00, s21;
	s18 =	sor.u32 s24, s22;
	v3 =	vadd.s32 v1, v4  }
0x88: {  	p4 =	por $0x0, $0x0;
	vm1 =	vgt.u32 v4, v2;
	s22 =	sand.u32 $0x70, s19;
	s23 =	sadd.s32 s31, s18;
	vm2 =	vlt.u32 v3, $0x5000;
	vm3 =	vgt.s32 v3, $0x0  }
0x89: {  	s20 =	sadd.s32 $0x1, s20  }
0x8a: {  	p5 =	slt.u32 s20, $0x18  }
.Ltmp18:
0x8b: {  	v3 =	vnsel vm3, $0x0, v3;
	vm0 =	vmand vm1, vm2;
	s22 =	sadd.s32 s22, s23;
	(pc) =	sbr.rel @!p5 .LBB2_16-.Ltmp18, $4  }
0x8c: {  	s19 =	sadd.s32 $0x10, s19;
	v4 =	vmin.u32 v3, $0x4FFF;
	v5 =	vld [tilespmem:s22+$0x0]  }
0x8d: {  	s21 =	sadd.s32 $0x80, s21;
	v6 =	vor.u32 s19, v0  }
0x8e: {  	s31 =	sand.u32 $0xC00, s21;
	v3 =	vadd.s32 v1, v6  }
0x8f: {  	p4 =	por $0x1, $0x1;
	s22 =	sand.u32 $0x70, s19;
	vm1 =	vgt.u32 v6, v2;
	s23 =	sadd.s32 s31, s18;
	vm2 =	vlt.u32 v3, $0x5000;
	vm3 =	vgt.s32 v3, $0x0  }
.LBB2_15:
0x90: {  	s20 =	sadd.s32 $0x1, s20  }
0x91: {  	v3 =	vnsel vm3, $0x0, v3;
	s22 =	sadd.s32 s22, s23;
	[tilespmem:v4+s13+$0x0] =	vst.idx.msk vm0, v5;
	vm0 =	vmand vm1, vm2;
	p5 =	slt.u32 s20, $0x18  }
.Ltmp19:
0x92: {  	v4 =	vmin.u32 v3, $0x4FFF;
	v5 =	vld [tilespmem:s22+$0x0];
	(pc) =	sbr.rel @p5 .LBB2_15-.Ltmp19, $4  }
0x93: {  	s19 =	sadd.s32 $0x10, s19  }
0x94: {  	s21 =	sadd.s32 $0x80, s21;
	v6 =	vor.u32 s19, v0  }
0x95: {  	s23 =	sand.u32 $0xC00, s21;
	v3 =	vadd.s32 v1, v6  }
0x96: {  	s22 =	sand.u32 $0x70, s19;
	vm1 =	vgt.u32 v6, v2;
	s23 =	sadd.s32 s23, s18;
	vm2 =	vlt.u32 v3, $0x5000;
	vm3 =	vgt.s32 v3, $0x0  }
.LBB2_16:
0x97: {  	_ =	sdelay $0x4  }
0x98: {  	vm1 =	vmand vm1, vm2;
	v1 =	vnsel vm3, $0x0, v3;
	s18 =	sadd.s32 s22, s23;
	s16 =	sadd.s32 $0x1, s16;
	[tilespmem:v4+s13+$0x0] =	vst.idx.msk @p4 vm0, v5  }
0x99: {  	v1 =	vmin.u32 v1, $0x4FFF;
	p4 =	seq.s32 s16, $0x50;
	v2 =	vld [tilespmem:s18+$0x0]  }
.Ltmp20:
0x9a: {  	_ = 	snop;
	(pc) =	sbr.rel @!p4 .LBB2_12-.Ltmp20, $4  }
.Ltmp21:
0x9b: {  	_ = 	snop;
	(pc) =	sbr.rel @p4 .LBB2_17-.Ltmp21, $4  }
0x9c: {  	_ = 	snop  }
0x9d: {  	_ = 	snop  }
0x9e: {  	s17 =	sadd.s32 $0x1, s17;
	[tilespmem:v1+s13+$0x0] =	vst.idx.msk vm1, v2  }
0x9f: {  	_ = 	snop  }
.LBB2_13:
.Ltmp22:
0xa0: {  	(pc) =	sbr.rel .LBB2_16-.Ltmp22, $2  }
0xa1: {  	_ =	sdelay $0x2  }
0xa2: {  	_ = 	snop  }
.LBB2_7:
.Ltmp23:
0xa3: {  	(pc) =	sbr.rel .LBB2_35-.Ltmp23, $2  }
0xa4: {  	_ =	sdelay $0x2  }
0xa5: {  	s16 =	smov.u32 s11  }
.LBB2_25:
.Ltmp24:
0xa6: {  	(pc) =	sbr.rel @p3 .LBB2_36-.Ltmp24, $4  }
0xa7: {  	[hbm4b:s7+s2] =	stream.linear.scatter [tilespmem:s13], [sflag:$0x1], $0x5000, $0x38;
	[tilespmem:$0x1E000] =	vst v63  }
0xa8: {  	_ =	swait.ge [sflag:s14], $0x5000  }
0xa9: {  	[sflag:s14] =	ssyncset.done $0x0  }
0xaa: {  	[sflag:s14] =	ssyncadd.s32 $0xFFFFB000  }
.LBB2_26:
.Ltmp25:
0xab: {  	s16 =	simm.s32 $0x0;
	(pc) =	sbr.rel .LBB2_27-.Ltmp25, $4  }
0xac: {  	[tilespmem:s16], [sflag:$0x1] =	stream.linear.gather [hbm4b:s8+s16], $0x19000, $0x38;
	[tilespmem:$0x1E000] =	vst v63  }
0xad: {  	_ =	swait.ge [sflag:s14], $0x19000  }
0xae: {  	[sflag:s14] =	ssyncset.done $0x0  }
0xaf: {  	s17 =	simm.s32 $0xC9;
	[sflag:s14] =	ssyncadd.s32 $0xFFFE7000  }
.LBB2_17:
.Ltmp26:
0xb0: {  	(pc) =	sbr.rel .LBB2_35-.Ltmp26, $2  }
0xb1: {  	_ =	sdelay $0x2  }
0xb2: {  	s16 =	smov.u32 s5  }
.LBB2_29:
0xb3: {  	_ = 	snop  }
.LBB2_32:
0xb4: {  	_ =	sdelay $0x4  }
0xb5: {  	vm1 =	vmand vm1, vm2;
	v1 =	vnsel vm3, $0x0, v3;
	s18 =	sadd.s32 s22, s23;
	[tilespmem:v4+s13+$0x0] =	vst.idx.msk @p4 vm0, v5  }
0xb6: {  	v1 =	vmin.u32 v1, $0x4FFF;
	v2 =	vld [tilespmem:s18+$0x0];
	_ =	sdelay $0x4  }
0xb7: {  	[tilespmem:v1+s13+$0x0] =	vst.idx.msk vm1, v2  }
.LBB2_33:
0xb8: {  	s16 =	sadd.s32 $0x1, s16  }
0xb9: {  	p4 =	seq.s32 s16, $0xC8  }
.Ltmp27:
0xba: {  	_ = 	snop;
	(pc) =	sbr.rel @p4 .LBB2_34-.Ltmp27, $2  }
0xbb: {  	_ =	sdelay $0x2  }
0xbc: {  	s17 =	sadd.s32 $0x1, s17  }
.LBB2_27:
0xbd: {  	p4 =	sgt.u32 s16, $0xC6  }
.Ltmp28:
0xbe: {  	_ = 	snop;
	(pc) =	sbr.rel @p4 .LBB2_33-.Ltmp28, $1  }
0xbf: {  	_ =	sdelay $0x3  }
0xc0: {  	s18 =	sadd.s32 $0xC8, s16;
	s19 =	sadd.s32 $0xC7, s16  }
0xc1: {  	s19 =	smul.u32 s19, s18;
	_ =	sdelay $0x1  }
0xc2: {  	s22 =	smul.u32 $0x18F, s18;
	s19 =	sshrl.u32 s19, $0x1  }
0xc3: {  	s24 =	sadd.s32 s19, s16  }
0xc4: {  	s20 =	sshrl.u32 s17, $0x4;
	s28 =	ssub.s32 s22, s24  }
0xc5: {  	s23 =	sadd.s32 $0xFFFFFFFF, s20;
	s21 =	sshll.u32 s20, $0x7;
	s20 =	sadd.s32 $0xFFFF0F37, s28  }
0xc6: {  	v1 =	vmov s20;
	s20 =	sadd.s32 $0x1, s23  }
0xc7: {  	p5 =	slt.u32 s20, $0x18  }
.Ltmp29:
0xc8: {  	_ = 	snop;
	(pc) =	sbr.rel @!p5 .LBB2_29-.Ltmp29, $4  }
0xc9: {  	s29 =	sshll.u32 s16, $0x9;
	s30 =	sshll.u32 s16, $0x7;
	s19 =	sand.u32 $0xFFFFFFF0, s17  }
0xca: {  	s22 =	sand.u32 $0x1F000, s29;
	s24 =	sand.u32 $0x380, s30;
	v4 =	vor.u32 s19, v0  }
0xcb: {  	v2 =	vmov s18;
	s31 =	sand.u32 $0xC00, s21;
	s18 =	sor.u32 s24, s22;
	v3 =	vadd.s32 v1, v4  }
0xcc: {  	p4 =	por $0x0, $0x0;
	vm1 =	vgt.u32 v4, v2;
	s22 =	sand.u32 $0x70, s19;
	s23 =	sadd.s32 s31, s18;
	vm2 =	vlt.u32 v3, $0x5000;
	vm3 =	vgt.s32 v3, $0x0  }
0xcd: {  	s20 =	sadd.s32 $0x1, s20  }
0xce: {  	p5 =	slt.u32 s20, $0x18  }
.Ltmp30:
0xcf: {  	v3 =	vnsel vm3, $0x0, v3;
	vm0 =	vmand vm1, vm2;
	s22 =	sadd.s32 s22, s23;
	(pc) =	sbr.rel @!p5 .LBB2_32-.Ltmp30, $4  }
0xd0: {  	s19 =	sadd.s32 $0x10, s19;
	v4 =	vmin.u32 v3, $0x4FFF;
	v5 =	vld [tilespmem:s22+$0x0]  }
0xd1: {  	s21 =	sadd.s32 $0x80, s21;
	v6 =	vor.u32 s19, v0  }
0xd2: {  	s31 =	sand.u32 $0xC00, s21;
	v3 =	vadd.s32 v1, v6  }
0xd3: {  	p4 =	por $0x1, $0x1;
	s22 =	sand.u32 $0x70, s19;
	vm1 =	vgt.u32 v6, v2;
	s23 =	sadd.s32 s31, s18;
	vm2 =	vlt.u32 v3, $0x5000;
	vm3 =	vgt.s32 v3, $0x0  }
.LBB2_31:
0xd4: {  	s20 =	sadd.s32 $0x1, s20  }
0xd5: {  	v3 =	vnsel vm3, $0x0, v3;
	s22 =	sadd.s32 s22, s23;
	[tilespmem:v4+s13+$0x0] =	vst.idx.msk vm0, v5;
	vm0 =	vmand vm1, vm2;
	p5 =	slt.u32 s20, $0x18  }
.Ltmp31:
0xd6: {  	v4 =	vmin.u32 v3, $0x4FFF;
	v5 =	vld [tilespmem:s22+$0x0];
	(pc) =	sbr.rel @p5 .LBB2_31-.Ltmp31, $4  }
0xd7: {  	s19 =	sadd.s32 $0x10, s19  }
0xd8: {  	s21 =	sadd.s32 $0x80, s21;
	v6 =	vor.u32 s19, v0  }
0xd9: {  	s23 =	sand.u32 $0xC00, s21;
	v3 =	vadd.s32 v1, v6  }
0xda: {  	s22 =	sand.u32 $0x70, s19;
	vm1 =	vgt.u32 v6, v2;
	s23 =	sadd.s32 s23, s18;
	vm2 =	vlt.u32 v3, $0x5000;
	vm3 =	vgt.s32 v3, $0x0  }
.Ltmp32:
0xdb: {  	_ = 	snop;
	(pc) =	sbr.rel .LBB2_32-.Ltmp32, $1  }
0xdc: {  	_ =	sdelay $0x3  }
.LBB2_37:
0xdd: {  	_ =	sfence.sel $0x180000  }
0xde: {  	[bflag:$0x0] =	sbarrier.arrive $0xFFFF  }
0xdf: {  	p0 =	sne.s32 s1, $0x0;
	_ =	strace $0x9000004A  }
0xe0: {  	s0 =	sadd.s32 @!p0 $0x100000, s0;
	[bflag:$0x2] =	sbarrier.arrive $0xFFFF  }
0xe1: {  	[sflag:s0] =	ssyncadd.tile.s32 @!p0 $0x1;
	_ =	shalt  }
.Lfunc_end2:
_tile_overlayer_lowered:
.L_overlay_start_2:
0xe2: {  	(tag) =	ssettag $0x2  }
0xe3: {  	s0 =	rddreg [dreg:$0x0];
	s2 =	stileid.u32  }
0xe4: {  	s1 =	rddreg [dreg:$0x1];
	p0 =	sne.s32 s2, $0x0  }
0xe5: {  	s3 =	rddreg [dreg:$0x2];
	[bflag:$0x3] =	sbarrier.arrive $0xFFFF;
	s2 =	simm.s32 @!p0 $0x1C01  }
0xe6: {  	[timem:s3], [sflag:s2] =	dma.local @!p0 [hbm:s0], s1  }
0xe7: {  	s0 =	simm.s32 @!p0 $0x1  }
0xe8: {  	_ =	swait.ge @!p0 [sflag:s0], s1  }
0xe9: {  	s1 =	ssub.s32 @!p0 $0x0, s1;
	[sflag:s0] =	ssyncset.done @!p0 $0x0  }
0xea: {  	[sflag:s0] =	ssyncadd.s32 @!p0 s1  }
0xeb: {  	[bflag:$0x3] =	sbarrier.arrive $0xFFFF  }
0xec: {  	_ =	shalt  }

</sc_bundles>
